<compile_context>
chip_gen: v7x
topology: tpu7x:2x2x1
jax: 0.10.2.dev20260603
libtpu: 0.0.44.dev20260713+nightly
codegen_flags: <defaults>
</compile_context>

<pallas_src>
import functools

import jax
import jax.numpy as jnp
from jax import lax
from jax.experimental import pallas as pl
from jax.experimental.pallas import tpu as pltpu
from jax.experimental.pallas import tpu_sc as plsc

F32 = jnp.float32
N_FLOW = 10000
N_MEMB = 2000
E_FF = 160000
E_MF = 80000
EMB = 16
ATTN = 16
TDIM = 16

NW = 32
CHUNK = 128
FF_PER_W = 5120
MF_PER_W = 2560
E_FF_P = NW * FF_PER_W
E_MF_P = NW * MF_PER_W
FF_CHUNKS = FF_PER_W // CHUNK
MF_CHUNKS = MF_PER_W // CHUNK
NT = 10112
NT_PER_S = NT // 16
DUMMY = 10008

NB = 4
BE = 2048
BF = 2048
BN = 2000

_SC_PARAMS = pltpu.CompilerParams(use_tc_tiling_on_sc=False,
                                  needs_layout_passes=True)


@functools.cache
def _sc_mesh():
    return plsc.VectorSubcoreMesh(core_axis_name="c", subcore_axis_name="s",
                                  num_cores=2, num_subcores=16)



def _enc_body(flow_x, memb_y, cf_row, cm_row, wf, w1m, w2m, b2, wq, wdm, bdm,
              x_flow, q_full, y_memb, ym_out):
    xf = jnp.dot(flow_x[...], wf[...], preferred_element_type=F32) + cf_row[...]
    x_flow[...] = xf
    q_full[...] = jnp.dot(xf, wq[...], preferred_element_type=F32)
    ym1 = jax.nn.relu(jnp.dot(memb_y[...], w1m[...], preferred_element_type=F32) + cm_row[...])
    ym2 = jax.nn.relu(jnp.dot(ym1, w2m[...], preferred_element_type=F32) + b2[...])
    y_memb[...] = ym2
    ym_out[...] = jnp.dot(ym2, wdm[...], preferred_element_type=F32) + bdm[...]


def _enc_call(flow_x, memb_y, cf_row, cm_row, w):
    wf = w["enc_flow_W"][:4]
    w1m = w["enc_memb_W1"][:3]
    w2m = w["enc_memb_W2"]
    b2 = w["enc_memb_b2"][None, :]
    wq = w["layers"][-1]["Wq"]
    wdm = w["dec_memb_W"]
    bdm = w["dec_memb_b"][None, :]
    return pl.pallas_call(
        _enc_body,
        out_shape=(
            jax.ShapeDtypeStruct((N_FLOW, EMB), F32),
            jax.ShapeDtypeStruct((N_FLOW, ATTN), F32),
            jax.ShapeDtypeStruct((N_MEMB, EMB), F32),
            jax.ShapeDtypeStruct((N_MEMB, 3), F32),
        ),
    )(flow_x, memb_y, cf_row, cm_row, wf, w1m, w2m, b2, wq, wdm, bdm)



def _gather_body(tabx_hbm, tabq_hbm, tabb_hbm, src3, dst3, srcm3,
                 xs_out, qd_out, ys_out,
                 idx_ff, idx_mf1, idx_mf2, rows4, gsem, osem):
    cid = lax.axis_index("c")
    sid = lax.axis_index("s")
    wid = cid * 16 + sid

    pltpu.sync_copy(src3.at[wid], idx_ff)
    pltpu.sync_copy(dst3.at[wid], idx_mf1)
    pltpu.sync_copy(srcm3.at[wid], idx_mf2)

    def job(tab, idxbuf, out, base, ngroups):
        def grp(g, carry):
            gh = [pltpu.async_copy(tab.at[idxbuf.at[g * NB + b]], rows4.at[b],
                                   gsem.at[b]) for b in range(NB)]
            oh = []
            for b in range(NB):
                gh[b].wait()
                oh.append(pltpu.async_copy(
                    rows4.at[b],
                    out.at[pl.ds(base + (g * NB + b) * CHUNK, CHUNK)],
                    osem.at[b]))
            for h in oh:
                h.wait()
            return carry
        lax.fori_loop(0, ngroups, grp, 0)

    job(tabx_hbm, idx_ff, xs_out, wid * FF_PER_W, FF_CHUNKS // NB)
    job(tabq_hbm, idx_mf1, qd_out, wid * MF_PER_W, MF_CHUNKS // NB)
    job(tabb_hbm, idx_mf2, ys_out, wid * MF_PER_W, MF_CHUNKS // NB)


def _gather_call(tabx, tabq, tabb, src3, dst3, srcm3):
    call = pl.kernel(
        _gather_body,
        out_type=(
            jax.ShapeDtypeStruct((E_FF_P, EMB), F32),
            jax.ShapeDtypeStruct((E_MF_P, EMB), F32),
            jax.ShapeDtypeStruct((E_MF_P, EMB), F32),
        ),
        mesh=_sc_mesh(),
        compiler_params=_SC_PARAMS,
        scratch_types=[
            pltpu.VMEM((FF_CHUNKS, CHUNK), jnp.int32),
            pltpu.VMEM((MF_CHUNKS, CHUNK), jnp.int32),
            pltpu.VMEM((MF_CHUNKS, CHUNK), jnp.int32),
            pltpu.VMEM((NB, CHUNK, EMB), F32),
            pltpu.SemaphoreType.DMA((NB,)),
            pltpu.SemaphoreType.DMA((NB,)),
        ],
    )
    return call(tabx, tabq, tabb, src3, dst3, srcm3)



def _unpack(blk, w):
    g = 128 // w
    return jnp.concatenate([blk[:, j * w:(j + 1) * w] for j in range(g)], axis=0)


def _store_payload(p_out, m, acol):
    q = m.shape[0] // 4
    for j in range(4):
        sl = slice(j * q, (j + 1) * q)
        p_out[:, j * 32:j * 32 + EMB] = m[sl]
        p_out[:, j * 32 + EMB:j * 32 + EMB + 1] = acol[sl]
        p_out[:, j * 32 + EMB + 1:(j + 1) * 32] = jnp.zeros((q, 32 - EMB - 1), F32)



def _att_e_body(qd, ys, ea, wk, wv, we, vs_out, e_out, gmax_out):
    i = pl.program_id(0)
    ysu = _unpack(ys[...], EMB)
    qdu = _unpack(qd[...], EMB)
    eau = _unpack(ea[...], 4)
    ks = jnp.dot(ysu, wk[...], preferred_element_type=F32)
    vs = jnp.dot(ysu, wv[...], preferred_element_type=F32)
    for j in range(8):
        vs_out[:, j * EMB:(j + 1) * EMB] = vs[j * (BE // 8):(j + 1) * (BE // 8)]
    ew = jnp.dot(eau, we[...], preferred_element_type=F32)
    e = jnp.sum(qdu * ks, axis=1) * (1.0 / 4.0) + ew[:, 0]
    e_out[0, 0, :] = e
    bmax = jnp.max(e)

    @pl.when(i == 0)
    def _():
        gmax_out[...] = jnp.full((1, 1), bmax, F32)

    @pl.when(i > 0)
    def _():
        gmax_out[...] = jnp.maximum(gmax_out[...], bmax)


def _att_e_call(qd_p, ys_p, ea_mf_pk, l):
    grid = E_MF_P // BE
    rb = BE // 8
    return pl.pallas_call(
        _att_e_body,
        grid=(grid,),
        in_specs=[
            pl.BlockSpec((rb, 128), lambda i: (i, 0)),
            pl.BlockSpec((rb, 128), lambda i: (i, 0)),
            pl.BlockSpec((BE // 32, 128), lambda i: (i, 0)),
            pl.BlockSpec((ATTN, ATTN), lambda i: (0, 0)),
            pl.BlockSpec((EMB, EMB), lambda i: (0, 0)),
            pl.BlockSpec((4, 1), lambda i: (0, 0)),
        ],
        out_specs=[
            pl.BlockSpec((rb, 128), lambda i: (i, 0)),
            pl.BlockSpec((1, 1, BE), lambda i: (i, 0, 0)),
            pl.BlockSpec((1, 1), lambda i: (0, 0)),
        ],
        out_shape=[
            jax.ShapeDtypeStruct((E_MF_P // 8, 128), F32),
            jax.ShapeDtypeStruct((grid, 1, BE), F32),
            jax.ShapeDtypeStruct((1, 1), F32),
        ],
    )(qd_p, ys_p, ea_mf_pk, l["Wk"], l["Wv"], l["We"])


def _att_a_body(e3, vs, gmax, p_out):
    a = jnp.exp(e3[0, 0, :] - gmax[0, 0])
    vsu = _unpack(vs[...], EMB)
    _store_payload(p_out, a[:, None] * vsu, a[:, None])


def _att_a_call(e3, vs_p, gmax):
    grid = E_MF_P // BE
    return pl.pallas_call(
        _att_a_body,
        grid=(grid,),
        in_specs=[
            pl.BlockSpec((1, 1, BE), lambda i: (i, 0, 0)),
            pl.BlockSpec((BE // 8, 128), lambda i: (i, 0)),
            pl.BlockSpec((1, 1), lambda i: (0, 0)),
        ],
        out_specs=[pl.BlockSpec((BE // 4, 128), lambda i: (i, 0))],
        out_shape=[jax.ShapeDtypeStruct((E_MF_P // 4, 128), F32)],
    )(e3, vs_p, gmax)[0]



def _gno_body(ea, xs, w1, b1, w2, b2, w3, b3, p_out):
    eau = _unpack(ea[...], 4)
    xsu = _unpack(xs[...], EMB)
    h = jax.nn.relu(jnp.dot(eau, w1[...], preferred_element_type=F32) + b1[...])
    h = jax.nn.relu(jnp.dot(h, w2[...], preferred_element_type=F32) + b2[...])
    k = jnp.dot(h, w3[...], preferred_element_type=F32) + b3[...]
    xt = jnp.concatenate([xsu] * EMB, axis=1)
    grp = lax.broadcasted_iota(jnp.int32, (EMB * EMB, EMB), 0) // EMB
    col = lax.broadcasted_iota(jnp.int32, (EMB * EMB, EMB), 1)
    s = (grp == col).astype(F32)
    m = jnp.dot(k * xt, s, preferred_element_type=F32)
    _store_payload(p_out, m, jnp.ones((BF, 1), F32))


def _gno_call(ea_ff_pk, xs_p, l):
    grid = E_FF_P // BF
    return pl.pallas_call(
        _gno_body,
        grid=(grid,),
        in_specs=[
            pl.BlockSpec((BF // 32, 128), lambda i: (i, 0)),
            pl.BlockSpec((BF // 8, 128), lambda i: (i, 0)),
            pl.BlockSpec((4, 128), lambda i: (0, 0)),
            pl.BlockSpec((1, 128), lambda i: (0, 0)),
            pl.BlockSpec((128, 128), lambda i: (0, 0)),
            pl.BlockSpec((1, 128), lambda i: (0, 0)),
            pl.BlockSpec((128, 256), lambda i: (0, 0)),
            pl.BlockSpec((1, 256), lambda i: (0, 0)),
        ],
        out_specs=[pl.BlockSpec((BF // 4, 128), lambda i: (i, 0))],
        out_shape=[jax.ShapeDtypeStruct((E_FF_P // 4, 128), F32)],
    )(ea_ff_pk, xs_p, l["kW1"], l["kb1"][None, :], l["kW2"], l["kb2"][None, :],
      l["kW3"], l["kb3"][None, :])[0]



def _scatter_body(pff_hbm, pmf_hbm, dstf3, dstm3,
                  tabff_out, tabmf_out,
                  idx_ff, idx_mf, pbuf4, zb, tabff_sh, tabmf_sh, rsem, ssem):
    cid = lax.axis_index("c")
    sid = lax.axis_index("s")
    wid = cid * 16 + sid
    zrow = pl.ds(sid * NT_PER_S, NT_PER_S)

    pltpu.sync_copy(dstf3.at[wid], idx_ff)
    pltpu.sync_copy(dstm3.at[wid], idx_mf)

    z16 = jnp.zeros((EMB,), F32)

    def zfill(r, carry):
        zb[r, :EMB] = z16
        zb[r, EMB:2 * EMB] = z16
        return carry

    lax.fori_loop(0, NT_PER_S, zfill, 0)
    pltpu.sync_copy(zb, tabff_sh.at[zrow])
    pltpu.sync_copy(zb, tabmf_sh.at[zrow])
    plsc.subcore_barrier()

    def job(phbm, idxbuf, tab_sh, base, ngroups):
        def grp(g, carry):
            rh = [pltpu.async_copy(
                phbm.at[pl.ds(base + (g * NB + b) * CHUNK, CHUNK)],
                pbuf4.at[b], rsem.at[b]) for b in range(NB)]
            sh = []
            for b in range(NB):
                rh[b].wait()
                sh.append(pltpu.async_copy(pbuf4.at[b],
                                           tab_sh.at[idxbuf.at[g * NB + b]],
                                           ssem.at[b], add=True))
            for h in sh:
                h.wait()
            return carry
        lax.fori_loop(0, ngroups, grp, 0)

    job(pff_hbm, idx_ff, tabff_sh, wid * FF_PER_W, FF_CHUNKS // NB)
    job(pmf_hbm, idx_mf, tabmf_sh, wid * MF_PER_W, MF_CHUNKS // NB)

    plsc.subcore_barrier()
    pltpu.sync_copy(tabff_sh.at[zrow], tabff_out.at[cid, zrow])
    pltpu.sync_copy(tabmf_sh.at[zrow], tabmf_out.at[cid, zrow])


def _scatter_call(pff, pmf, dstf3, dstm3):
    call = pl.kernel(
        _scatter_body,
        out_type=(
            jax.ShapeDtypeStruct((2, NT, 32), F32),
            jax.ShapeDtypeStruct((2, NT, 32), F32),
        ),
        mesh=_sc_mesh(),
        compiler_params=_SC_PARAMS,
        scratch_types=[
            pltpu.VMEM((FF_CHUNKS, CHUNK), jnp.int32),
            pltpu.VMEM((MF_CHUNKS, CHUNK), jnp.int32),
            pltpu.VMEM((NB, CHUNK, 32), F32),
            pltpu.VMEM((NT_PER_S, 32), F32),
            pltpu.VMEM_SHARED((NT, 32), F32),
            pltpu.VMEM_SHARED((NT, 32), F32),
            pltpu.SemaphoreType.DMA((NB,)),
            pltpu.SemaphoreType.DMA((NB,)),
        ],
    )
    return call(pff, pmf, dstf3, dstm3)



def _combine_body(x, tabff, tabmf, wroot, broot, wo, scale, shift, wdec, bdec, y_out):
    tf = tabff[0] + tabff[1]
    tm = tabmf[0] + tabmf[1]
    aggr = tf[:, :EMB]
    deg = jnp.maximum(tf[:, EMB:EMB + 1], 1.0)
    msg = tm[:, :EMB]
    denom = jnp.maximum(tm[:, EMB:EMB + 1], 1e-30)
    x_cross = jnp.dot(msg / denom, wo[...], preferred_element_type=F32)
    x_intra = (jnp.dot(x[...], wroot[...], preferred_element_type=F32)
               + broot[...] + aggr / deg)
    gno = jax.nn.relu(x_intra + x_cross)
    y = gno * (1.0 + scale[...]) + shift[...]
    y = y * jax.nn.sigmoid(y)
    y_out[...] = jnp.dot(y + x[...], wdec[...], preferred_element_type=F32) + bdec[...]


def _combine_call(x_flow, tabff, tabmf, scale, shift, l, w):
    grid = N_FLOW // BN
    return pl.pallas_call(
        _combine_body,
        grid=(grid,),
        in_specs=[
            pl.BlockSpec((BN, EMB), lambda i: (i, 0)),
            pl.BlockSpec((2, BN, 32), lambda i: (0, i, 0)),
            pl.BlockSpec((2, BN, 32), lambda i: (0, i, 0)),
            pl.BlockSpec((EMB, EMB), lambda i: (0, 0)),
            pl.BlockSpec((1, EMB), lambda i: (0, 0)),
            pl.BlockSpec((EMB, EMB), lambda i: (0, 0)),
            pl.BlockSpec((1, EMB), lambda i: (0, 0)),
            pl.BlockSpec((1, EMB), lambda i: (0, 0)),
            pl.BlockSpec((EMB, 4), lambda i: (0, 0)),
            pl.BlockSpec((1, 4), lambda i: (0, 0)),
        ],
        out_specs=[pl.BlockSpec((BN, 4), lambda i: (i, 0))],
        out_shape=[jax.ShapeDtypeStruct((N_FLOW, 4), F32)],
    )(x_flow, tabff, tabmf, l["Wroot"], l["broot"][None, :], l["Wo"],
      scale, shift, w["dec_flow_W"], w["dec_flow_b"][None, :])[0]



def kernel(flow_x, memb_y, tau, edge_index_f2f, edge_attr_f2f,
           edge_index_m2f, edge_attr_m2f, weights):
    w = weights
    l = w["layers"][-1]

    half = TDIM // 2
    freqs = jnp.exp(-jnp.log(10000.0) * jnp.arange(half) / half)
    args = tau[:, None] * freqs[None, :]
    temb = jnp.concatenate([jnp.sin(args), jnp.cos(args)], axis=1)
    cf_row = temb @ w["enc_flow_W"][4:] + w["enc_flow_b"][None, :]
    cm_row = temb @ w["enc_memb_W1"][3:] + w["enc_memb_b1"][None, :]
    t = jax.nn.silu(tau.reshape(1, 1) @ l["tcW1"] + l["tcb1"][None, :])
    tc_row = t @ l["tcW2"] + l["tcb2"][None, :]
    scale, shift = tc_row[:, :EMB], tc_row[:, EMB:]

    src_ff = edge_index_f2f[0].astype(jnp.int32)
    dst_ff = edge_index_f2f[1].astype(jnp.int32)
    src_mf = edge_index_m2f[0].astype(jnp.int32)
    dst_mf = edge_index_m2f[1].astype(jnp.int32)
    zeros_ff = jnp.zeros((E_FF_P - E_FF,), jnp.int32)
    zeros_mf = jnp.zeros((E_MF_P - E_MF,), jnp.int32)

    def perm_slots(idx, g):
        return idx.reshape(-1, g, 2048 // g).swapaxes(1, 2).reshape(idx.shape)

    def pack_rows(x, w):
        g = 128 // w
        return (x.reshape(-1, g, 2048 // g, w).swapaxes(1, 2)
                .reshape(x.shape[0] * w // 128, 128))

    src3 = perm_slots(jnp.concatenate([src_ff, zeros_ff]), 8).reshape(NW, FF_CHUNKS, CHUNK)
    dst3 = perm_slots(jnp.concatenate([dst_mf, zeros_mf]), 8).reshape(NW, MF_CHUNKS, CHUNK)
    srcm3 = perm_slots(jnp.concatenate([src_mf, zeros_mf]), 8).reshape(NW, MF_CHUNKS, CHUNK)
    dstf3 = perm_slots(jnp.concatenate([dst_ff, zeros_ff + DUMMY]), 4).reshape(NW, FF_CHUNKS, CHUNK)
    dstm3 = perm_slots(jnp.concatenate([dst_mf, zeros_mf + DUMMY]), 4).reshape(NW, MF_CHUNKS, CHUNK)
    ea_ff_pk = pack_rows(jnp.pad(edge_attr_f2f, ((0, E_FF_P - E_FF), (0, 0))), 4)
    ea_mf_pk = pack_rows(jnp.pad(edge_attr_m2f, ((0, E_MF_P - E_MF), (0, 0))), 4)

    x_flow, q_full, y_memb, ym_out = _enc_call(flow_x, memb_y, cf_row, cm_row, w)

    xs, qd, ys = _gather_call(x_flow, q_full, y_memb, src3, dst3, srcm3)
    xs_p = xs.reshape(E_FF_P // 8, 128)
    qd_p = qd.reshape(E_MF_P // 8, 128)
    ys_p = ys.reshape(E_MF_P // 8, 128)

    vs_p, e3, gmax = _att_e_call(qd_p, ys_p, ea_mf_pk, l)
    pmf_p = _att_a_call(e3, vs_p, gmax)
    pff_p = _gno_call(ea_ff_pk, xs_p, l)

    tabff, tabmf = _scatter_call(pff_p.reshape(E_FF_P, 32),
                                 pmf_p.reshape(E_MF_P, 32), dstf3, dstm3)

    y_flow_out = _combine_call(x_flow, tabff, tabmf, scale, shift, l, w)

    return (y_flow_out, ym_out)

# --- scband reference (transcript-rebuilt; emitter-appended) ---
"""Pipeline reference for scband-neural-fsi-59777354825820 (READ-ONLY COPY).

The authoritative reference and input builder live on the scoring server;
editing this copy changes nothing except your own understanding.
"""

import jax, jax.numpy as jnp
import numpy as np

N_FLOW = 10000
N_MEMB = 2000
E_FF = 160000
E_MF = 80000
EMB = 16
MEMB_EMB = 16
ATTN = 16
KERW = 128
NEDGE = 4
IN_FLOW = 4
OUT_FLOW = 4
IN_MEMB = 3
TDIM = 16
NLAYERS = 2


def _lin(k, fi, fo):
    return (jax.random.normal(k, (fi, fo)) * jnp.sqrt(2.0 / (fi + fo))).astype(jnp.float32)


def _make_weights(key):
    ks = iter([jax.random.fold_in(key, i) for i in range(200)])
    w = {}
    w['enc_flow_W'] = _lin(next(ks), IN_FLOW + TDIM, EMB); w['enc_flow_b'] = jnp.zeros(EMB)
    w['enc_memb_W1'] = _lin(next(ks), IN_MEMB + TDIM, MEMB_EMB); w['enc_memb_b1'] = jnp.zeros(MEMB_EMB)
    w['enc_memb_W2'] = _lin(next(ks), MEMB_EMB, MEMB_EMB); w['enc_memb_b2'] = jnp.zeros(MEMB_EMB)
    layers = []
    for _ in range(NLAYERS):
        l = {}
        l['kW1'] = _lin(next(ks), NEDGE, KERW); l['kb1'] = jnp.zeros(KERW)
        l['kW2'] = _lin(next(ks), KERW, KERW); l['kb2'] = jnp.zeros(KERW)
        l['kW3'] = _lin(next(ks), KERW, EMB * EMB); l['kb3'] = jnp.zeros(EMB * EMB)
        l['Wroot'] = _lin(next(ks), EMB, EMB); l['broot'] = jnp.zeros(EMB)
        l['Wq'] = _lin(next(ks), EMB, ATTN); l['Wk'] = _lin(next(ks), MEMB_EMB, ATTN)
        l['Wv'] = _lin(next(ks), MEMB_EMB, EMB); l['Wo'] = _lin(next(ks), EMB, EMB)
        l['We'] = _lin(next(ks), NEDGE, 1)
        l['tcW1'] = _lin(next(ks), 1, EMB); l['tcb1'] = jnp.zeros(EMB)
        l['tcW2'] = _lin(next(ks), EMB, 2 * EMB); l['tcb2'] = jnp.zeros(2 * EMB)
        layers.append(l)
    w['layers'] = layers
    w['dec_flow_W'] = _lin(next(ks), EMB, OUT_FLOW); w['dec_flow_b'] = jnp.zeros(OUT_FLOW)
    w['dec_memb_W'] = _lin(next(ks), MEMB_EMB, IN_MEMB); w['dec_memb_b'] = jnp.zeros(IN_MEMB)
    return w


def setup_inputs(seed: int = 0):
    key = jax.random.key(seed)
    k = [jax.random.fold_in(key, 1000 + i) for i in range(10)]
    inp = {}
    inp['flow_x'] = jax.random.normal(k[0], (N_FLOW, IN_FLOW), dtype=jnp.float32)
    inp['memb_y'] = jax.random.normal(k[1], (N_MEMB, IN_MEMB), dtype=jnp.float32)
    inp['tau'] = jax.random.uniform(k[2], (1,), dtype=jnp.float32)
    inp['edge_index_f2f'] = jax.random.randint(k[3], (2, E_FF), 0, N_FLOW)
    inp['edge_attr_f2f'] = jax.random.normal(k[4], (E_FF, NEDGE), dtype=jnp.float32)
    src_m = jax.random.randint(k[5], (E_MF,), 0, N_MEMB)
    dst_m = jax.random.randint(k[6], (E_MF,), 0, N_FLOW)
    inp['edge_index_m2f'] = jnp.stack([src_m, dst_m])
    inp['edge_attr_m2f'] = jax.random.normal(k[7], (E_MF, NEDGE), dtype=jnp.float32)
    inp['weights'] = _make_weights(jax.random.fold_in(key, 7))
    return inp


def _timestep_embedding(tau, dim):
    half = dim // 2
    freqs = jnp.exp(-jnp.log(10000.0) * jnp.arange(half) / half)
    args = tau[:, None] * freqs[None, :]
    return jnp.concatenate([jnp.sin(args), jnp.cos(args)], axis=1)


def _forward(flow_x, memb_y, tau, ei_ff, ea_ff, ei_mf, ea_mf, w):
    temb = _timestep_embedding(tau, TDIM)
    temb_flow = jnp.repeat(temb, N_FLOW, axis=0)
    temb_memb = jnp.repeat(temb, N_MEMB, axis=0)
    y_memb = jnp.concatenate([memb_y, temb_memb], axis=1) @ w['enc_memb_W1'] + w['enc_memb_b1']
    y_memb = jax.nn.relu(y_memb)
    y_memb = jax.nn.relu(y_memb @ w['enc_memb_W2'] + w['enc_memb_b2'])
    x_flow = jnp.concatenate([flow_x, temb_flow], axis=1) @ w['enc_flow_W'] + w['enc_flow_b']
    tau_nodes = jnp.repeat(tau.reshape(-1, 1), N_FLOW, axis=0)
    src_ff, dst_ff = ei_ff[0], ei_ff[1]
    src_mf, dst_mf = ei_mf[0], ei_mf[1]
    y_flow = x_flow
    for l in w['layers']:
        # cross-attention message passing memb -> flow
        q = x_flow @ l['Wq']
        kk = y_memb @ l['Wk']
        v = y_memb @ l['Wv']
        e = jnp.sum(q[dst_mf] * kk[src_mf], axis=1) / jnp.sqrt(float(ATTN)) + (ea_mf @ l['We'])[:, 0]
        emax = jax.ops.segment_max(e, dst_mf, num_segments=N_FLOW)
        emax = jnp.where(jnp.isfinite(emax), emax, 0.0)
        a = jnp.exp(e - emax[dst_mf])
        denom = jax.ops.segment_sum(a, dst_mf, num_segments=N_FLOW)
        msg_c = jax.ops.segment_sum(a[:, None] * v[src_mf], dst_mf, num_segments=N_FLOW)
        x_cross = (msg_c / jnp.clip(denom, 1e-9)[:, None]) @ l['Wo']
        # intra GNO (kernel network / NNConv-style) flow -> flow
        h = jax.nn.relu(ea_ff @ l['kW1'] + l['kb1'])
        h = jax.nn.relu(h @ l['kW2'] + l['kb2'])
        K = (h @ l['kW3'] + l['kb3']).reshape(-1, EMB, EMB)
        m = jnp.einsum('eij,ej->ei', K, x_flow[src_ff])
        deg = jax.ops.segment_sum(jnp.ones(E_FF, jnp.float32), dst_ff, num_segments=N_FLOW)
        aggr = jax.ops.segment_sum(m, dst_ff, num_segments=N_FLOW) / jnp.clip(deg, 1.0)[:, None]
        x_intra = x_flow @ l['Wroot'] + l['broot'] + aggr
        gno = jax.nn.relu(x_intra + x_cross)
        tc = jax.nn.silu(tau_nodes @ l['tcW1'] + l['tcb1']) @ l['tcW2'] + l['tcb2']
        scale, shift = tc[:, :EMB], tc[:, EMB:]
        y_flow = jax.nn.silu(gno * (1.0 + scale) + shift)
    y_memb_out = y_memb @ w['dec_memb_W'] + w['dec_memb_b']
    y_flow_out = (y_flow + x_flow) @ w['dec_flow_W'] + w['dec_flow_b']
    return (y_flow_out, y_memb_out)


def reference(flow_x, memb_y, tau, edge_index_f2f, edge_attr_f2f, edge_index_m2f, edge_attr_m2f, weights):
    return _forward(flow_x, memb_y, tau, edge_index_f2f, edge_attr_f2f, edge_index_m2f, edge_attr_m2f, weights)

if __name__ == "__main__":
    import jax
    _d = setup_inputs()
    print(jax.jit(kernel)(*tuple(_d.values())))

</pallas_src>

<mosaic_0001>
#map = affine_map<(d0, d1) -> (0, 0)>
#map1 = affine_map<(d0, d1) -> (0, 0, 0)>
module attributes {stable_mosaic.version = 14 : i64} {
  func.func @_gather_body(%arg0: i32, %arg1: i32, %arg2: memref<10000x16xf32, #tpu.memory_space<hbm>>, %arg3: memref<10000x16xf32, #tpu.memory_space<hbm>>, %arg4: memref<2000x16xf32, #tpu.memory_space<hbm>>, %arg5: memref<32x40x128xi32, #tpu.memory_space<hbm>>, %arg6: memref<32x20x128xi32, #tpu.memory_space<hbm>>, %arg7: memref<32x20x128xi32, #tpu.memory_space<hbm>>, %arg8: memref<163840x16xf32, #tpu.memory_space<hbm>>, %arg9: memref<81920x16xf32, #tpu.memory_space<hbm>>, %arg10: memref<81920x16xf32, #tpu.memory_space<hbm>>, %arg11: memref<40x128xi32, #tpu.memory_space<vmem>>, %arg12: memref<20x128xi32, #tpu.memory_space<vmem>>, %arg13: memref<20x128xi32, #tpu.memory_space<vmem>>, %arg14: memref<4x128x16xf32, #tpu.memory_space<vmem>>, %arg15: memref<4x!tpu.dma_semaphore, #tpu.memory_space<semaphore_mem>>, %arg16: memref<4x!tpu.dma_semaphore, #tpu.memory_space<semaphore_mem>>) attributes {dimension_semantics = [#tpu.dimension_semantics<core_parallel>, #tpu.dimension_semantics<subcore_parallel>], iteration_bounds = array<i64: 2, 16>, scalar_prefetch = 0 : i64, scratch_operands = 6 : i64, tpu.core_type = #tpu.core_type<sc_vector_subcore>, window_params = [{transform_indices = #map}, {transform_indices = #map}, {transform_indices = #map}, {transform_indices = #map1}, {transform_indices = #map1}, {transform_indices = #map1}, {transform_indices = #map}, {transform_indices = #map}, {transform_indices = #map}]} {
    %mul3A = arith.constant 16 : i32
    %mul3A_0 = arith.muli %arg0, %mul3A : i32
    %add3A = arith.addi %mul3A_0, %arg1 : i32
    "tpu.region"() ({
      %run_scoped3A = tpu.sem_alloc : memref<!tpu.dma_semaphore, #tpu.memory_space<semaphore_mem>>
      %dma_start3A = arith.constant 0 : i32
      %dma_start3A_24 = arith.constant 0 : i32
      %dma_start3A_25 = tpu.memref_slice %arg5[%add3A, %dma_start3A, %dma_start3A_24] : memref<32x40x128xi32, #tpu.memory_space<hbm>> -> memref<1x40x128xi32, #tpu.memory_space<hbm>>
      %dma_start3A_26 = tpu.memref_squeeze %dma_start3A_25 : memref<1x40x128xi32, #tpu.memory_space<hbm>> -> memref<40x128xi32, #tpu.memory_space<hbm>>
      %dma_start3A_27 = arith.constant 0 : i32
      %dma_start3A_28 = arith.constant 0 : i32
      %dma_start3A_29 = tpu.memref_slice %arg5[%add3A, %dma_start3A_27, %dma_start3A_28] : memref<32x40x128xi32, #tpu.memory_space<hbm>> -> memref<1x40x128xi32, #tpu.memory_space<hbm>>
      %dma_start3A_30 = tpu.memref_squeeze %dma_start3A_29 : memref<1x40x128xi32, #tpu.memory_space<hbm>> -> memref<40x128xi32, #tpu.memory_space<hbm>>
      tpu.enqueue_dma source(%dma_start3A_30 : memref<40x128xi32, #tpu.memory_space<hbm>>) target(%arg11 : memref<40x128xi32, #tpu.memory_space<vmem>>) target_semaphore(%run_scoped3A : memref<!tpu.dma_semaphore, #tpu.memory_space<semaphore_mem>>)
      %dma_wait3A = arith.constant 0 : i32
      %dma_wait3A_31 = arith.constant 0 : i32
      %dma_wait3A_32 = tpu.memref_slice %arg5[%add3A, %dma_wait3A, %dma_wait3A_31] : memref<32x40x128xi32, #tpu.memory_space<hbm>> -> memref<1x40x128xi32, #tpu.memory_space<hbm>>
      %dma_wait3A_33 = tpu.memref_squeeze %dma_wait3A_32 : memref<1x40x128xi32, #tpu.memory_space<hbm>> -> memref<40x128xi32, #tpu.memory_space<hbm>>
      %dma_wait3A_34 = arith.constant 0 : i32
      %dma_wait3A_35 = arith.constant 0 : i32
      %dma_wait3A_36 = tpu.memref_slice %arg5[%add3A, %dma_wait3A_34, %dma_wait3A_35] : memref<32x40x128xi32, #tpu.memory_space<hbm>> -> memref<1x40x128xi32, #tpu.memory_space<hbm>>
      %dma_wait3A_37 = tpu.memref_squeeze %dma_wait3A_36 : memref<1x40x128xi32, #tpu.memory_space<hbm>> -> memref<40x128xi32, #tpu.memory_space<hbm>>
      tpu.wait_dma2 semaphore(%run_scoped3A : memref<!tpu.dma_semaphore, #tpu.memory_space<semaphore_mem>>) src(%dma_wait3A_37 : memref<40x128xi32, #tpu.memory_space<hbm>>) dst(%arg11 : memref<40x128xi32, #tpu.memory_space<vmem>>)
      tpu.yield
    }) : () -> ()
    "tpu.region"() ({
      %run_scoped3A = tpu.sem_alloc : memref<!tpu.dma_semaphore, #tpu.memory_space<semaphore_mem>>
      %dma_start3A = arith.constant 0 : i32
      %dma_start3A_24 = arith.constant 0 : i32
      %dma_start3A_25 = tpu.memref_slice %arg6[%add3A, %dma_start3A, %dma_start3A_24] : memref<32x20x128xi32, #tpu.memory_space<hbm>> -> memref<1x20x128xi32, #tpu.memory_space<hbm>>
      %dma_start3A_26 = tpu.memref_squeeze %dma_start3A_25 : memref<1x20x128xi32, #tpu.memory_space<hbm>> -> memref<20x128xi32, #tpu.memory_space<hbm>>
      %dma_start3A_27 = arith.constant 0 : i32
      %dma_start3A_28 = arith.constant 0 : i32
      %dma_start3A_29 = tpu.memref_slice %arg6[%add3A, %dma_start3A_27, %dma_start3A_28] : memref<32x20x128xi32, #tpu.memory_space<hbm>> -> memref<1x20x128xi32, #tpu.memory_space<hbm>>
      %dma_start3A_30 = tpu.memref_squeeze %dma_start3A_29 : memref<1x20x128xi32, #tpu.memory_space<hbm>> -> memref<20x128xi32, #tpu.memory_space<hbm>>
      tpu.enqueue_dma source(%dma_start3A_30 : memref<20x128xi32, #tpu.memory_space<hbm>>) target(%arg12 : memref<20x128xi32, #tpu.memory_space<vmem>>) target_semaphore(%run_scoped3A : memref<!tpu.dma_semaphore, #tpu.memory_space<semaphore_mem>>)
      %dma_wait3A = arith.constant 0 : i32
      %dma_wait3A_31 = arith.constant 0 : i32
      %dma_wait3A_32 = tpu.memref_slice %arg6[%add3A, %dma_wait3A, %dma_wait3A_31] : memref<32x20x128xi32, #tpu.memory_space<hbm>> -> memref<1x20x128xi32, #tpu.memory_space<hbm>>
      %dma_wait3A_33 = tpu.memref_squeeze %dma_wait3A_32 : memref<1x20x128xi32, #tpu.memory_space<hbm>> -> memref<20x128xi32, #tpu.memory_space<hbm>>
      %dma_wait3A_34 = arith.constant 0 : i32
      %dma_wait3A_35 = arith.constant 0 : i32
      %dma_wait3A_36 = tpu.memref_slice %arg6[%add3A, %dma_wait3A_34, %dma_wait3A_35] : memref<32x20x128xi32, #tpu.memory_space<hbm>> -> memref<1x20x128xi32, #tpu.memory_space<hbm>>
      %dma_wait3A_37 = tpu.memref_squeeze %dma_wait3A_36 : memref<1x20x128xi32, #tpu.memory_space<hbm>> -> memref<20x128xi32, #tpu.memory_space<hbm>>
      tpu.wait_dma2 semaphore(%run_scoped3A : memref<!tpu.dma_semaphore, #tpu.memory_space<semaphore_mem>>) src(%dma_wait3A_37 : memref<20x128xi32, #tpu.memory_space<hbm>>) dst(%arg12 : memref<20x128xi32, #tpu.memory_space<vmem>>)
      tpu.yield
    }) : () -> ()
    "tpu.region"() ({
      %run_scoped3A = tpu.sem_alloc : memref<!tpu.dma_semaphore, #tpu.memory_space<semaphore_mem>>
      %dma_start3A = arith.constant 0 : i32
      %dma_start3A_24 = arith.constant 0 : i32
      %dma_start3A_25 = tpu.memref_slice %arg7[%add3A, %dma_start3A, %dma_start3A_24] : memref<32x20x128xi32, #tpu.memory_space<hbm>> -> memref<1x20x128xi32, #tpu.memory_space<hbm>>
      %dma_start3A_26 = tpu.memref_squeeze %dma_start3A_25 : memref<1x20x128xi32, #tpu.memory_space<hbm>> -> memref<20x128xi32, #tpu.memory_space<hbm>>
      %dma_start3A_27 = arith.constant 0 : i32
      %dma_start3A_28 = arith.constant 0 : i32
      %dma_start3A_29 = tpu.memref_slice %arg7[%add3A, %dma_start3A_27, %dma_start3A_28] : memref<32x20x128xi32, #tpu.memory_space<hbm>> -> memref<1x20x128xi32, #tpu.memory_space<hbm>>
      %dma_start3A_30 = tpu.memref_squeeze %dma_start3A_29 : memref<1x20x128xi32, #tpu.memory_space<hbm>> -> memref<20x128xi32, #tpu.memory_space<hbm>>
      tpu.enqueue_dma source(%dma_start3A_30 : memref<20x128xi32, #tpu.memory_space<hbm>>) target(%arg13 : memref<20x128xi32, #tpu.memory_space<vmem>>) target_semaphore(%run_scoped3A : memref<!tpu.dma_semaphore, #tpu.memory_space<semaphore_mem>>)
      %dma_wait3A = arith.constant 0 : i32
      %dma_wait3A_31 = arith.constant 0 : i32
      %dma_wait3A_32 = tpu.memref_slice %arg7[%add3A, %dma_wait3A, %dma_wait3A_31] : memref<32x20x128xi32, #tpu.memory_space<hbm>> -> memref<1x20x128xi32, #tpu.memory_space<hbm>>
      %dma_wait3A_33 = tpu.memref_squeeze %dma_wait3A_32 : memref<1x20x128xi32, #tpu.memory_space<hbm>> -> memref<20x128xi32, #tpu.memory_space<hbm>>
      %dma_wait3A_34 = arith.constant 0 : i32
      %dma_wait3A_35 = arith.constant 0 : i32
      %dma_wait3A_36 = tpu.memref_slice %arg7[%add3A, %dma_wait3A_34, %dma_wait3A_35] : memref<32x20x128xi32, #tpu.memory_space<hbm>> -> memref<1x20x128xi32, #tpu.memory_space<hbm>>
      %dma_wait3A_37 = tpu.memref_squeeze %dma_wait3A_36 : memref<1x20x128xi32, #tpu.memory_space<hbm>> -> memref<20x128xi32, #tpu.memory_space<hbm>>
      tpu.wait_dma2 semaphore(%run_scoped3A : memref<!tpu.dma_semaphore, #tpu.memory_space<semaphore_mem>>) src(%dma_wait3A_37 : memref<20x128xi32, #tpu.memory_space<hbm>>) dst(%arg13 : memref<20x128xi32, #tpu.memory_space<vmem>>)
      tpu.yield
    }) : () -> ()
    %mul3A_1 = arith.constant 5120 : i32
    %mul3A_2 = arith.muli %add3A, %mul3A_1 : i32
    %scan3A = arith.constant 0 : i32
    %scan3A_3 = arith.constant 0 : i32
    %scan3A_4 = arith.constant 10 : i32
    %scan3A_5 = arith.addi %scan3A_3, %scan3A_4 : i32
    %scan3A_6 = arith.constant 1 : i32
    scf.for %scan3A_24 = %scan3A_3 to %scan3A_5 step %scan3A_6  : i32 {
      %mul3A_25 = arith.constant 4 : i32
      %mul3A_26 = arith.muli %scan3A_24, %mul3A_25 : i32
      %add3A_27 = arith.constant 0 : i32
      %add3A_28 = arith.addi %mul3A_26, %add3A_27 : i32
      %dma_start3A = arith.constant 0 : i32
      %dma_start3A_29 = arith.constant 0 : i32
      %dma_start3A_30 = arith.constant 0 : i32
      %dma_start3A_31 = arith.constant 0 : i32
      %dma_start3A_32 = tpu.memref_slice %arg14[%dma_start3A, %dma_start3A_30, %dma_start3A_31] : memref<4x128x16xf32, #tpu.memory_space<vmem>> -> memref<1x128x16xf32, #tpu.memory_space<vmem>>
      %dma_start3A_33 = tpu.memref_squeeze %dma_start3A_32 : memref<1x128x16xf32, #tpu.memory_space<vmem>> -> memref<128x16xf32, #tpu.memory_space<vmem>>
      %dma_start3A_34 = arith.constant 0 : i32
      %dma_start3A_35 = tpu.memref_slice %arg11[%add3A_28, %dma_start3A_34] : memref<40x128xi32, #tpu.memory_space<vmem>> -> memref<1x128xi32, #tpu.memory_space<vmem>>
      %dma_start3A_36 = tpu.memref_squeeze %dma_start3A_35 : memref<1x128xi32, #tpu.memory_space<vmem>> -> memref<128xi32, #tpu.memory_space<vmem>>
      %dma_start3A_37 = arith.constant 0 : i32
      %dma_start3A_38 = arith.constant 0 : i32
      %dma_start3A_39 = tpu.memref_slice %arg2[%dma_start3A_37, %dma_start3A_38] : memref<10000x16xf32, #tpu.memory_space<hbm>> -> memref<10000x16xf32, #tpu.memory_space<hbm>>
      %dma_start3A_40 = tpu.memref_slice %arg15[%dma_start3A_29] : memref<4x!tpu.dma_semaphore, #tpu.memory_space<semaphore_mem>> -> memref<1x!tpu.dma_semaphore, #tpu.memory_space<semaphore_mem>>
      %dma_start3A_41 = tpu.memref_squeeze %dma_start3A_40 : memref<1x!tpu.dma_semaphore, #tpu.memory_space<semaphore_mem>> -> memref<!tpu.dma_semaphore, #tpu.memory_space<semaphore_mem>>
      tpu.enqueue_indirect_dma source(%dma_start3A_39 : memref<10000x16xf32, #tpu.memory_space<hbm>>) target(%dma_start3A_33 : memref<128x16xf32, #tpu.memory_space<vmem>>) offsets(%dma_start3A_36 : memref<128xi32, #tpu.memory_space<vmem>>) semaphore(%dma_start3A_41 : memref<!tpu.dma_semaphore, #tpu.memory_space<semaphore_mem>>)
      %mul3A_42 = arith.constant 4 : i32
      %mul3A_43 = arith.muli %scan3A_24, %mul3A_42 : i32
      %add3A_44 = arith.constant 1 : i32
      %add3A_45 = arith.addi %mul3A_43, %add3A_44 : i32
      %dma_start3A_46 = arith.constant 1 : i32
      %dma_start3A_47 = arith.constant 1 : i32
      %dma_start3A_48 = arith.constant 0 : i32
      %dma_start3A_49 = arith.constant 0 : i32
      %dma_start3A_50 = tpu.memref_slice %arg14[%dma_start3A_46, %dma_start3A_48, %dma_start3A_49] : memref<4x128x16xf32, #tpu.memory_space<vmem>> -> memref<1x128x16xf32, #tpu.memory_space<vmem>>
      %dma_start3A_51 = tpu.memref_squeeze %dma_start3A_50 : memref<1x128x16xf32, #tpu.memory_space<vmem>> -> memref<128x16xf32, #tpu.memory_space<vmem>>
      %dma_start3A_52 = arith.constant 0 : i32
      %dma_start3A_53 = tpu.memref_slice %arg11[%add3A_45, %dma_start3A_52] : memref<40x128xi32, #tpu.memory_space<vmem>> -> memref<1x128xi32, #tpu.memory_space<vmem>>
      %dma_start3A_54 = tpu.memref_squeeze %dma_start3A_53 : memref<1x128xi32, #tpu.memory_space<vmem>> -> memref<128xi32, #tpu.memory_space<vmem>>
      %dma_start3A_55 = arith.constant 0 : i32
      %dma_start3A_56 = arith.constant 0 : i32
      %dma_start3A_57 = tpu.memref_slice %arg2[%dma_start3A_55, %dma_start3A_56] : memref<10000x16xf32, #tpu.memory_space<hbm>> -> memref<10000x16xf32, #tpu.memory_space<hbm>>
      %dma_start3A_58 = tpu.memref_slice %arg15[%dma_start3A_47] : memref<4x!tpu.dma_semaphore, #tpu.memory_space<semaphore_mem>> -> memref<1x!tpu.dma_semaphore, #tpu.memory_space<semaphore_mem>>
      %dma_start3A_59 = tpu.memref_squeeze %dma_start3A_58 : memref<1x!tpu.dma_semaphore, #tpu.memory_space<semaphore_mem>> -> memref<!tpu.dma_semaphore, #tpu.memory_space<semaphore_mem>>
      tpu.enqueue_indirect_dma source(%dma_start3A_57 : memref<10000x16xf32, #tpu.memory_space<hbm>>) target(%dma_start3A_51 : memref<128x16xf32, #tpu.memory_space<vmem>>) offsets(%dma_start3A_54 : memref<128xi32, #tpu.memory_space<vmem>>) semaphore(%dma_start3A_59 : memref<!tpu.dma_semaphore, #tpu.memory_space<semaphore_mem>>)
      %mul3A_60 = arith.constant 4 : i32
      %mul3A_61 = arith.muli %scan3A_24, %mul3A_60 : i32
      %add3A_62 = arith.constant 2 : i32
      %add3A_63 = arith.addi %mul3A_61, %add3A_62 : i32
      %dma_start3A_64 = arith.constant 2 : i32
      %dma_start3A_65 = arith.constant 2 : i32
      %dma_start3A_66 = arith.constant 0 : i32
      %dma_start3A_67 = arith.constant 0 : i32
      %dma_start3A_68 = tpu.memref_slice %arg14[%dma_start3A_64, %dma_start3A_66, %dma_start3A_67] : memref<4x128x16xf32, #tpu.memory_space<vmem>> -> memref<1x128x16xf32, #tpu.memory_space<vmem>>
      %dma_start3A_69 = tpu.memref_squeeze %dma_start3A_68 : memref<1x128x16xf32, #tpu.memory_space<vmem>> -> memref<128x16xf32, #tpu.memory_space<vmem>>
      %dma_start3A_70 = arith.constant 0 : i32
      %dma_start3A_71 = tpu.memref_slice %arg11[%add3A_63, %dma_start3A_70] : memref<40x128xi32, #tpu.memory_space<vmem>> -> memref<1x128xi32, #tpu.memory_space<vmem>>
      %dma_start3A_72 = tpu.memref_squeeze %dma_start3A_71 : memref<1x128xi32, #tpu.memory_space<vmem>> -> memref<128xi32, #tpu.memory_space<vmem>>
      %dma_start3A_73 = arith.constant 0 : i32
      %dma_start3A_74 = arith.constant 0 : i32
      %dma_start3A_75 = tpu.memref_slice %arg2[%dma_start3A_73, %dma_start3A_74] : memref<10000x16xf32, #tpu.memory_space<hbm>> -> memref<10000x16xf32, #tpu.memory_space<hbm>>
      %dma_start3A_76 = tpu.memref_slice %arg15[%dma_start3A_65] : memref<4x!tpu.dma_semaphore, #tpu.memory_space<semaphore_mem>> -> memref<1x!tpu.dma_semaphore, #tpu.memory_space<semaphore_mem>>
      %dma_start3A_77 = tpu.memref_squeeze %dma_start3A_76 : memref<1x!tpu.dma_semaphore, #tpu.memory_space<semaphore_mem>> -> memref<!tpu.dma_semaphore, #tpu.memory_space<semaphore_mem>>
      tpu.enqueue_indirect_dma source(%dma_start3A_75 : memref<10000x16xf32, #tpu.memory_space<hbm>>) target(%dma_start3A_69 : memref<128x16xf32, #tpu.memory_space<vmem>>) offsets(%dma_start3A_72 : memref<128xi32, #tpu.memory_space<vmem>>) semaphore(%dma_start3A_77 : memref<!tpu.dma_semaphore, #tpu.memory_space<semaphore_mem>>)
      %mul3A_78 = arith.constant 4 : i32
      %mul3A_79 = arith.muli %scan3A_24, %mul3A_78 : i32
      %add3A_80 = arith.constant 3 : i32
      %add3A_81 = arith.addi %mul3A_79, %add3A_80 : i32
      %dma_start3A_82 = arith.constant 3 : i32
      %dma_start3A_83 = arith.constant 3 : i32
      %dma_start3A_84 = arith.constant 0 : i32
      %dma_start3A_85 = arith.constant 0 : i32
      %dma_start3A_86 = tpu.memref_slice %arg14[%dma_start3A_82, %dma_start3A_84, %dma_start3A_85] : memref<4x128x16xf32, #tpu.memory_space<vmem>> -> memref<1x128x16xf32, #tpu.memory_space<vmem>>
      %dma_start3A_87 = tpu.memref_squeeze %dma_start3A_86 : memref<1x128x16xf32, #tpu.memory_space<vmem>> -> memref<128x16xf32, #tpu.memory_space<vmem>>
      %dma_start3A_88 = arith.constant 0 : i32
      %dma_start3A_89 = tpu.memref_slice %arg11[%add3A_81, %dma_start3A_88] : memref<40x128xi32, #tpu.memory_space<vmem>> -> memref<1x128xi32, #tpu.memory_space<vmem>>
      %dma_start3A_90 = tpu.memref_squeeze %dma_start3A_89 : memref<1x128xi32, #tpu.memory_space<vmem>> -> memref<128xi32, #tpu.memory_space<vmem>>
      %dma_start3A_91 = arith.constant 0 : i32
      %dma_start3A_92 = arith.constant 0 : i32
      %dma_start3A_93 = tpu.memref_slice %arg2[%dma_start3A_91, %dma_start3A_92] : memref<10000x16xf32, #tpu.memory_space<hbm>> -> memref<10000x16xf32, #tpu.memory_space<hbm>>
      %dma_start3A_94 = tpu.memref_slice %arg15[%dma_start3A_83] : memref<4x!tpu.dma_semaphore, #tpu.memory_space<semaphore_mem>> -> memref<1x!tpu.dma_semaphore, #tpu.memory_space<semaphore_mem>>
      %dma_start3A_95 = tpu.memref_squeeze %dma_start3A_94 : memref<1x!tpu.dma_semaphore, #tpu.memory_space<semaphore_mem>> -> memref<!tpu.dma_semaphore, #tpu.memory_space<semaphore_mem>>
      tpu.enqueue_indirect_dma source(%dma_start3A_93 : memref<10000x16xf32, #tpu.memory_space<hbm>>) target(%dma_start3A_87 : memref<128x16xf32, #tpu.memory_space<vmem>>) offsets(%dma_start3A_90 : memref<128xi32, #tpu.memory_space<vmem>>) semaphore(%dma_start3A_95 : memref<!tpu.dma_semaphore, #tpu.memory_space<semaphore_mem>>)
      %dma_wait3A = arith.constant 0 : i32
      %dma_wait3A_96 = arith.constant 0 : i32
      %dma_wait3A_97 = arith.constant 0 : i32
      %dma_wait3A_98 = arith.constant 0 : i32
      %dma_wait3A_99 = tpu.memref_slice %arg14[%dma_wait3A, %dma_wait3A_97, %dma_wait3A_98] : memref<4x128x16xf32, #tpu.memory_space<vmem>> -> memref<1x128x16xf32, #tpu.memory_space<vmem>>
      %dma_wait3A_100 = tpu.memref_squeeze %dma_wait3A_99 : memref<1x128x16xf32, #tpu.memory_space<vmem>> -> memref<128x16xf32, #tpu.memory_space<vmem>>
      %dma_wait3A_101 = arith.constant 0 : i32
      %dma_wait3A_102 = tpu.memref_slice %arg11[%add3A_28, %dma_wait3A_101] : memref<40x128xi32, #tpu.memory_space<vmem>> -> memref<1x128xi32, #tpu.memory_space<vmem>>
      %dma_wait3A_103 = tpu.memref_squeeze %dma_wait3A_102 : memref<1x128xi32, #tpu.memory_space<vmem>> -> memref<128xi32, #tpu.memory_space<vmem>>
      %dma_wait3A_104 = arith.constant 0 : i32
      %dma_wait3A_105 = arith.constant 0 : i32
      %dma_wait3A_106 = tpu.memref_slice %arg2[%dma_wait3A_104, %dma_wait3A_105] : memref<10000x16xf32, #tpu.memory_space<hbm>> -> memref<10000x16xf32, #tpu.memory_space<hbm>>
      %dma_wait3A_107 = tpu.memref_slice %arg15[%dma_wait3A_96] : memref<4x!tpu.dma_semaphore, #tpu.memory_space<semaphore_mem>> -> memref<1x!tpu.dma_semaphore, #tpu.memory_space<semaphore_mem>>
      %dma_wait3A_108 = tpu.memref_squeeze %dma_wait3A_107 : memref<1x!tpu.dma_semaphore, #tpu.memory_space<semaphore_mem>> -> memref<!tpu.dma_semaphore, #tpu.memory_space<semaphore_mem>>
      tpu.wait_indirect_dma semaphore(%dma_wait3A_108 : memref<!tpu.dma_semaphore, #tpu.memory_space<semaphore_mem>>) src(%dma_wait3A_106 : memref<10000x16xf32, #tpu.memory_space<hbm>>) dst(%dma_wait3A_100 : memref<128x16xf32, #tpu.memory_space<vmem>>)
      %mul3A_109 = arith.constant 4 : i32
      %mul3A_110 = arith.muli %scan3A_24, %mul3A_109 : i32
      %add3A_111 = arith.constant 0 : i32
      %add3A_112 = arith.addi %mul3A_110, %add3A_111 : i32
      %mul3A_113 = arith.constant 128 : i32
      %mul3A_114 = arith.muli %add3A_112, %mul3A_113 : i32
      %add3A_115 = arith.addi %mul3A_2, %mul3A_114 : i32
      %dma_start3A_116 = arith.constant 0 : i32
      %dma_start3A_117 = arith.constant 0 : i32
      %dma_start3A_118 = arith.constant 0 : i32
      %dma_start3A_119 = arith.constant 0 : i32
      %dma_start3A_120 = tpu.memref_slice %arg14[%dma_start3A_116, %dma_start3A_118, %dma_start3A_119] : memref<4x128x16xf32, #tpu.memory_space<vmem>> -> memref<1x128x16xf32, #tpu.memory_space<vmem>>
      %dma_start3A_121 = tpu.memref_squeeze %dma_start3A_120 : memref<1x128x16xf32, #tpu.memory_space<vmem>> -> memref<128x16xf32, #tpu.memory_space<vmem>>
      %dma_start3A_122 = arith.constant 0 : i32
      %dma_start3A_123 = tpu.memref_slice %arg8[%add3A_115, %dma_start3A_122] : memref<163840x16xf32, #tpu.memory_space<hbm>> -> memref<128x16xf32, #tpu.memory_space<hbm>>
      %dma_start3A_124 = tpu.memref_slice %arg16[%dma_start3A_117] : memref<4x!tpu.dma_semaphore, #tpu.memory_space<semaphore_mem>> -> memref<1x!tpu.dma_semaphore, #tpu.memory_space<semaphore_mem>>
      %dma_start3A_125 = tpu.memref_squeeze %dma_start3A_124 : memref<1x!tpu.dma_semaphore, #tpu.memory_space<semaphore_mem>> -> memref<!tpu.dma_semaphore, #tpu.memory_space<semaphore_mem>>
      %dma_start3A_126 = arith.constant 0 : i32
      %dma_start3A_127 = tpu.memref_slice %arg8[%add3A_115, %dma_start3A_126] : memref<163840x16xf32, #tpu.memory_space<hbm>> -> memref<128x16xf32, #tpu.memory_space<hbm>>
      %dma_start3A_128 = arith.constant 0 : i32
      %dma_start3A_129 = arith.constant 0 : i32
      %dma_start3A_130 = tpu.memref_slice %arg14[%dma_start3A_116, %dma_start3A_128, %dma_start3A_129] : memref<4x128x16xf32, #tpu.memory_space<vmem>> -> memref<1x128x16xf32, #tpu.memory_space<vmem>>
      %dma_start3A_131 = tpu.memref_squeeze %dma_start3A_130 : memref<1x128x16xf32, #tpu.memory_space<vmem>> -> memref<128x16xf32, #tpu.memory_space<vmem>>
      tpu.enqueue_dma source(%dma_start3A_131 : memref<128x16xf32, #tpu.memory_space<vmem>>) target(%dma_start3A_127 : memref<128x16xf32, #tpu.memory_space<hbm>>) target_semaphore(%dma_start3A_125 : memref<!tpu.dma_semaphore, #tpu.memory_space<semaphore_mem>>)
      %dma_wait3A_132 = arith.constant 1 : i32
      %dma_wait3A_133 = arith.constant 1 : i32
      %dma_wait3A_134 = arith.constant 0 : i32
      %dma_wait3A_135 = arith.constant 0 : i32
      %dma_wait3A_136 = tpu.memref_slice %arg14[%dma_wait3A_132, %dma_wait3A_134, %dma_wait3A_135] : memref<4x128x16xf32, #tpu.memory_space<vmem>> -> memref<1x128x16xf32, #tpu.memory_space<vmem>>
      %dma_wait3A_137 = tpu.memref_squeeze %dma_wait3A_136 : memref<1x128x16xf32, #tpu.memory_space<vmem>> -> memref<128x16xf32, #tpu.memory_space<vmem>>
      %dma_wait3A_138 = arith.constant 0 : i32
      %dma_wait3A_139 = tpu.memref_slice %arg11[%add3A_45, %dma_wait3A_138] : memref<40x128xi32, #tpu.memory_space<vmem>> -> memref<1x128xi32, #tpu.memory_space<vmem>>
      %dma_wait3A_140 = tpu.memref_squeeze %dma_wait3A_139 : memref<1x128xi32, #tpu.memory_space<vmem>> -> memref<128xi32, #tpu.memory_space<vmem>>
      %dma_wait3A_141 = arith.constant 0 : i32
      %dma_wait3A_142 = arith.constant 0 : i32
      %dma_wait3A_143 = tpu.memref_slice %arg2[%dma_wait3A_141, %dma_wait3A_142] : memref<10000x16xf32, #tpu.memory_space<hbm>> -> memref<10000x16xf32, #tpu.memory_space<hbm>>
      %dma_wait3A_144 = tpu.memref_slice %arg15[%dma_wait3A_133] : memref<4x!tpu.dma_semaphore, #tpu.memory_space<semaphore_mem>> -> memref<1x!tpu.dma_semaphore, #tpu.memory_space<semaphore_mem>>
      %dma_wait3A_145 = tpu.memref_squeeze %dma_wait3A_144 : memref<1x!tpu.dma_semaphore, #tpu.memory_space<semaphore_mem>> -> memref<!tpu.dma_semaphore, #tpu.memory_space<semaphore_mem>>
      tpu.wait_indirect_dma semaphore(%dma_wait3A_145 : memref<!tpu.dma_semaphore, #tpu.memory_space<semaphore_mem>>) src(%dma_wait3A_143 : memref<10000x16xf32, #tpu.memory_space<hbm>>) dst(%dma_wait3A_137 : memref<128x16xf32, #tpu.memory_space<vmem>>)
      %mul3A_146 = arith.constant 4 : i32
      %mul3A_147 = arith.muli %scan3A_24, %mul3A_146 : i32
      %add3A_148 = arith.constant 1 : i32
      %add3A_149 = arith.addi %mul3A_147, %add3A_148 : i32
      %mul3A_150 = arith.constant 128 : i32
      %mul3A_151 = arith.muli %add3A_149, %mul3A_150 : i32
      %add3A_152 = arith.addi %mul3A_2, %mul3A_151 : i32
      %dma_start3A_153 = arith.constant 1 : i32
      %dma_start3A_154 = arith.constant 1 : i32
      %dma_start3A_155 = arith.constant 0 : i32
      %dma_start3A_156 = arith.constant 0 : i32
      %dma_start3A_157 = tpu.memref_slice %arg14[%dma_start3A_153, %dma_start3A_155, %dma_start3A_156] : memref<4x128x16xf32, #tpu.memory_space<vmem>> -> memref<1x128x16xf32, #tpu.memory_space<vmem>>
      %dma_start3A_158 = tpu.memref_squeeze %dma_start3A_157 : memref<1x128x16xf32, #tpu.memory_space<vmem>> -> memref<128x16xf32, #tpu.memory_space<vmem>>
      %dma_start3A_159 = arith.constant 0 : i32
      %dma_start3A_160 = tpu.memref_slice %arg8[%add3A_152, %dma_start3A_159] : memref<163840x16xf32, #tpu.memory_space<hbm>> -> memref<128x16xf32, #tpu.memory_space<hbm>>
      %dma_start3A_161 = tpu.memref_slice %arg16[%dma_start3A_154] : memref<4x!tpu.dma_semaphore, #tpu.memory_space<semaphore_mem>> -> memref<1x!tpu.dma_semaphore, #tpu.memory_space<semaphore_mem>>
      %dma_start3A_162 = tpu.memref_squeeze %dma_start3A_161 : memref<1x!tpu.dma_semaphore, #tpu.memory_space<semaphore_mem>> -> memref<!tpu.dma_semaphore, #tpu.memory_space<semaphore_mem>>
      %dma_start3A_163 = arith.constant 0 : i32
      %dma_start3A_164 = tpu.memref_slice %arg8[%add3A_152, %dma_start3A_163] : memref<163840x16xf32, #tpu.memory_space<hbm>> -> memref<128x16xf32, #tpu.memory_space<hbm>>
      %dma_start3A_165 = arith.constant 0 : i32
      %dma_start3A_166 = arith.constant 0 : i32
      %dma_start3A_167 = tpu.memref_slice %arg14[%dma_start3A_153, %dma_start3A_165, %dma_start3A_166] : memref<4x128x16xf32, #tpu.memory_space<vmem>> -> memref<1x128x16xf32, #tpu.memory_space<vmem>>
      %dma_start3A_168 = tpu.memref_squeeze %dma_start3A_167 : memref<1x128x16xf32, #tpu.memory_space<vmem>> -> memref<128x16xf32, #tpu.memory_space<vmem>>
      tpu.enqueue_dma source(%dma_start3A_168 : memref<128x16xf32, #tpu.memory_space<vmem>>) target(%dma_start3A_164 : memref<128x16xf32, #tpu.memory_space<hbm>>) target_semaphore(%dma_start3A_162 : memref<!tpu.dma_semaphore, #tpu.memory_space<semaphore_mem>>)
      %dma_wait3A_169 = arith.constant 2 : i32
      %dma_wait3A_170 = arith.constant 2 : i32
      %dma_wait3A_171 = arith.constant 0 : i32
      %dma_wait3A_172 = arith.constant 0 : i32
      %dma_wait3A_173 = tpu.memref_slice %arg14[%dma_wait3A_169, %dma_wait3A_171, %dma_wait3A_172] : memref<4x128x16xf32, #tpu.memory_space<vmem>> -> memref<1x128x16xf32, #tpu.memory_space<vmem>>
      %dma_wait3A_174 = tpu.memref_squeeze %dma_wait3A_173 : memref<1x128x16xf32, #tpu.memory_space<vmem>> -> memref<128x16xf32, #tpu.memory_space<vmem>>
      %dma_wait3A_175 = arith.constant 0 : i32
      %dma_wait3A_176 = tpu.memref_slice %arg11[%add3A_63, %dma_wait3A_175] : memref<40x128xi32, #tpu.memory_space<vmem>> -> memref<1x128xi32, #tpu.memory_space<vmem>>
      %dma_wait3A_177 = tpu.memref_squeeze %dma_wait3A_176 : memref<1x128xi32, #tpu.memory_space<vmem>> -> memref<128xi32, #tpu.memory_space<vmem>>
      %dma_wait3A_178 = arith.constant 0 : i32
      %dma_wait3A_179 = arith.constant 0 : i32
      %dma_wait3A_180 = tpu.memref_slice %arg2[%dma_wait3A_178, %dma_wait3A_179] : memref<10000x16xf32, #tpu.memory_space<hbm>> -> memref<10000x16xf32, #tpu.memory_space<hbm>>
      %dma_wait3A_181 = tpu.memref_slice %arg15[%dma_wait3A_170] : memref<4x!tpu.dma_semaphore, #tpu.memory_space<semaphore_mem>> -> memref<1x!tpu.dma_semaphore, #tpu.memory_space<semaphore_mem>>
      %dma_wait3A_182 = tpu.memref_squeeze %dma_wait3A_181 : memref<1x!tpu.dma_semaphore, #tpu.memory_space<semaphore_mem>> -> memref<!tpu.dma_semaphore, #tpu.memory_space<semaphore_mem>>
      tpu.wait_indirect_dma semaphore(%dma_wait3A_182 : memref<!tpu.dma_semaphore, #tpu.memory_space<semaphore_mem>>) src(%dma_wait3A_180 : memref<10000x16xf32, #tpu.memory_space<hbm>>) dst(%dma_wait3A_174 : memref<128x16xf32, #tpu.memory_space<vmem>>)
      %mul3A_183 = arith.constant 4 : i32
      %mul3A_184 = arith.muli %scan3A_24, %mul3A_183 : i32
      %add3A_185 = arith.constant 2 : i32
      %add3A_186 = arith.addi %mul3A_184, %add3A_185 : i32
      %mul3A_187 = arith.constant 128 : i32
      %mul3A_188 = arith.muli %add3A_186, %mul3A_187 : i32
      %add3A_189 = arith.addi %mul3A_2, %mul3A_188 : i32
      %dma_start3A_190 = arith.constant 2 : i32
      %dma_start3A_191 = arith.constant 2 : i32
      %dma_start3A_192 = arith.constant 0 : i32
      %dma_start3A_193 = arith.constant 0 : i32
      %dma_start3A_194 = tpu.memref_slice %arg14[%dma_start3A_190, %dma_start3A_192, %dma_start3A_193] : memref<4x128x16xf32, #tpu.memory_space<vmem>> -> memref<1x128x16xf32, #tpu.memory_space<vmem>>
      %dma_start3A_195 = tpu.memref_squeeze %dma_start3A_194 : memref<1x128x16xf32, #tpu.memory_space<vmem>> -> memref<128x16xf32, #tpu.memory_space<vmem>>
      %dma_start3A_196 = arith.constant 0 : i32
      %dma_start3A_197 = tpu.memref_slice %arg8[%add3A_189, %dma_start3A_196] : memref<163840x16xf32, #tpu.memory_space<hbm>> -> memref<128x16xf32, #tpu.memory_space<hbm>>
      %dma_start3A_198 = tpu.memref_slice %arg16[%dma_start3A_191] : memref<4x!tpu.dma_semaphore, #tpu.memory_space<semaphore_mem>> -> memref<1x!tpu.dma_semaphore, #tpu.memory_space<semaphore_mem>>
      %dma_start3A_199 = tpu.memref_squeeze %dma_start3A_198 : memref<1x!tpu.dma_semaphore, #tpu.memory_space<semaphore_mem>> -> memref<!tpu.dma_semaphore, #tpu.memory_space<semaphore_mem>>
      %dma_start3A_200 = arith.constant 0 : i32
      %dma_start3A_201 = tpu.memref_slice %arg8[%add3A_189, %dma_start3A_200] : memref<163840x16xf32, #tpu.memory_space<hbm>> -> memref<128x16xf32, #tpu.memory_space<hbm>>
      %dma_start3A_202 = arith.constant 0 : i32
      %dma_start3A_203 = arith.constant 0 : i32
      %dma_start3A_204 = tpu.memref_slice %arg14[%dma_start3A_190, %dma_start3A_202, %dma_start3A_203] : memref<4x128x16xf32, #tpu.memory_space<vmem>> -> memref<1x128x16xf32, #tpu.memory_space<vmem>>
      %dma_start3A_205 = tpu.memref_squeeze %dma_start3A_204 : memref<1x128x16xf32, #tpu.memory_space<vmem>> -> memref<128x16xf32, #tpu.memory_space<vmem>>
      tpu.enqueue_dma source(%dma_start3A_205 : memref<128x16xf32, #tpu.memory_space<vmem>>) target(%dma_start3A_201 : memref<128x16xf32, #tpu.memory_space<hbm>>) target_semaphore(%dma_start3A_199 : memref<!tpu.dma_semaphore, #tpu.memory_space<semaphore_mem>>)
      %dma_wait3A_206 = arith.constant 3 : i32
      %dma_wait3A_207 = arith.constant 3 : i32
      %dma_wait3A_208 = arith.constant 0 : i32
      %dma_wait3A_209 = arith.constant 0 : i32
      %dma_wait3A_210 = tpu.memref_slice %arg14[%dma_wait3A_206, %dma_wait3A_208, %dma_wait3A_209] : memref<4x128x16xf32, #tpu.memory_space<vmem>> -> memref<1x128x16xf32, #tpu.memory_space<vmem>>
      %dma_wait3A_211 = tpu.memref_squeeze %dma_wait3A_210 : memref<1x128x16xf32, #tpu.memory_space<vmem>> -> memref<128x16xf32, #tpu.memory_space<vmem>>
      %dma_wait3A_212 = arith.constant 0 : i32
      %dma_wait3A_213 = tpu.memref_slice %arg11[%add3A_81, %dma_wait3A_212] : memref<40x128xi32, #tpu.memory_space<vmem>> -> memref<1x128xi32, #tpu.memory_space<vmem>>
      %dma_wait3A_214 = tpu.memref_squeeze %dma_wait3A_213 : memref<1x128xi32, #tpu.memory_space<vmem>> -> memref<128xi32, #tpu.memory_space<vmem>>
      %dma_wait3A_215 = arith.constant 0 : i32
      %dma_wait3A_216 = arith.constant 0 : i32
      %dma_wait3A_217 = tpu.memref_slice %arg2[%dma_wait3A_215, %dma_wait3A_216] : memref<10000x16xf32, #tpu.memory_space<hbm>> -> memref<10000x16xf32, #tpu.memory_space<hbm>>
      %dma_wait3A_218 = tpu.memref_slice %arg15[%dma_wait3A_207] : memref<4x!tpu.dma_semaphore, #tpu.memory_space<semaphore_mem>> -> memref<1x!tpu.dma_semaphore, #tpu.memory_space<semaphore_mem>>
      %dma_wait3A_219 = tpu.memref_squeeze %dma_wait3A_218 : memref<1x!tpu.dma_semaphore, #tpu.memory_space<semaphore_mem>> -> memref<!tpu.dma_semaphore, #tpu.memory_space<semaphore_mem>>
      tpu.wait_indirect_dma semaphore(%dma_wait3A_219 : memref<!tpu.dma_semaphore, #tpu.memory_space<semaphore_mem>>) src(%dma_wait3A_217 : memref<10000x16xf32, #tpu.memory_space<hbm>>) dst(%dma_wait3A_211 : memref<128x16xf32, #tpu.memory_space<vmem>>)
      %mul3A_220 = arith.constant 4 : i32
      %mul3A_221 = arith.muli %scan3A_24, %mul3A_220 : i32
      %add3A_222 = arith.constant 3 : i32
      %add3A_223 = arith.addi %mul3A_221, %add3A_222 : i32
      %mul3A_224 = arith.constant 128 : i32
      %mul3A_225 = arith.muli %add3A_223, %mul3A_224 : i32
      %add3A_226 = arith.addi %mul3A_2, %mul3A_225 : i32
      %dma_start3A_227 = arith.constant 3 : i32
      %dma_start3A_228 = arith.constant 3 : i32
      %dma_start3A_229 = arith.constant 0 : i32
      %dma_start3A_230 = arith.constant 0 : i32
      %dma_start3A_231 = tpu.memref_slice %arg14[%dma_start3A_227, %dma_start3A_229, %dma_start3A_230] : memref<4x128x16xf32, #tpu.memory_space<vmem>> -> memref<1x128x16xf32, #tpu.memory_space<vmem>>
      %dma_start3A_232 = tpu.memref_squeeze %dma_start3A_231 : memref<1x128x16xf32, #tpu.memory_space<vmem>> -> memref<128x16xf32, #tpu.memory_space<vmem>>
      %dma_start3A_233 = arith.constant 0 : i32
      %dma_start3A_234 = tpu.memref_slice %arg8[%add3A_226, %dma_start3A_233] : memref<163840x16xf32, #tpu.memory_space<hbm>> -> memref<128x16xf32, #tpu.memory_space<hbm>>
      %dma_start3A_235 = tpu.memref_slice %arg16[%dma_start3A_228] : memref<4x!tpu.dma_semaphore, #tpu.memory_space<semaphore_mem>> -> memref<1x!tpu.dma_semaphore, #tpu.memory_space<semaphore_mem>>
      %dma_start3A_236 = tpu.memref_squeeze %dma_start3A_235 : memref<1x!tpu.dma_semaphore, #tpu.memory_space<semaphore_mem>> -> memref<!tpu.dma_semaphore, #tpu.memory_space<semaphore_mem>>
      %dma_start3A_237 = arith.constant 0 : i32
      %dma_start3A_238 = tpu.memref_slice %arg8[%add3A_226, %dma_start3A_237] : memref<163840x16xf32, #tpu.memory_space<hbm>> -> memref<128x16xf32, #tpu.memory_space<hbm>>
      %dma_start3A_239 = arith.constant 0 : i32
      %dma_start3A_240 = arith.constant 0 : i32
      %dma_start3A_241 = tpu.memref_slice %arg14[%dma_start3A_227, %dma_start3A_239, %dma_start3A_240] : memref<4x128x16xf32, #tpu.memory_space<vmem>> -> memref<1x128x16xf32, #tpu.memory_space<vmem>>
      %dma_start3A_242 = tpu.memref_squeeze %dma_start3A_241 : memref<1x128x16xf32, #tpu.memory_space<vmem>> -> memref<128x16xf32, #tpu.memory_space<vmem>>
      tpu.enqueue_dma source(%dma_start3A_242 : memref<128x16xf32, #tpu.memory_space<vmem>>) target(%dma_start3A_238 : memref<128x16xf32, #tpu.memory_space<hbm>>) target_semaphore(%dma_start3A_236 : memref<!tpu.dma_semaphore, #tpu.memory_space<semaphore_mem>>)
      %dma_wait3A_243 = arith.constant 0 : i32
      %dma_wait3A_244 = arith.constant 0 : i32
      %dma_wait3A_245 = arith.constant 0 : i32
      %dma_wait3A_246 = arith.constant 0 : i32
      %dma_wait3A_247 = tpu.memref_slice %arg14[%dma_wait3A_243, %dma_wait3A_245, %dma_wait3A_246] : memref<4x128x16xf32, #tpu.memory_space<vmem>> -> memref<1x128x16xf32, #tpu.memory_space<vmem>>
      %dma_wait3A_248 = tpu.memref_squeeze %dma_wait3A_247 : memref<1x128x16xf32, #tpu.memory_space<vmem>> -> memref<128x16xf32, #tpu.memory_space<vmem>>
      %dma_wait3A_249 = arith.constant 0 : i32
      %dma_wait3A_250 = tpu.memref_slice %arg8[%add3A_115, %dma_wait3A_249] : memref<163840x16xf32, #tpu.memory_space<hbm>> -> memref<128x16xf32, #tpu.memory_space<hbm>>
      %dma_wait3A_251 = tpu.memref_slice %arg16[%dma_wait3A_244] : memref<4x!tpu.dma_semaphore, #tpu.memory_space<semaphore_mem>> -> memref<1x!tpu.dma_semaphore, #tpu.memory_space<semaphore_mem>>
      %dma_wait3A_252 = tpu.memref_squeeze %dma_wait3A_251 : memref<1x!tpu.dma_semaphore, #tpu.memory_space<semaphore_mem>> -> memref<!tpu.dma_semaphore, #tpu.memory_space<semaphore_mem>>
      %dma_wait3A_253 = arith.constant 0 : i32
      %dma_wait3A_254 = tpu.memref_slice %arg8[%add3A_115, %dma_wait3A_253] : memref<163840x16xf32, #tpu.memory_space<hbm>> -> memref<128x16xf32, #tpu.memory_space<hbm>>
      %dma_wait3A_255 = arith.constant 0 : i32
      %dma_wait3A_256 = arith.constant 0 : i32
      %dma_wait3A_257 = tpu.memref_slice %arg14[%dma_wait3A_243, %dma_wait3A_255, %dma_wait3A_256] : memref<4x128x16xf32, #tpu.memory_space<vmem>> -> memref<1x128x16xf32, #tpu.memory_space<vmem>>
      %dma_wait3A_258 = tpu.memref_squeeze %dma_wait3A_257 : memref<1x128x16xf32, #tpu.memory_space<vmem>> -> memref<128x16xf32, #tpu.memory_space<vmem>>
      tpu.wait_dma2 semaphore(%dma_wait3A_252 : memref<!tpu.dma_semaphore, #tpu.memory_space<semaphore_mem>>) src(%dma_wait3A_258 : memref<128x16xf32, #tpu.memory_space<vmem>>) dst(%dma_wait3A_254 : memref<128x16xf32, #tpu.memory_space<hbm>>)
      %dma_wait3A_259 = arith.constant 1 : i32
      %dma_wait3A_260 = arith.constant 1 : i32
      %dma_wait3A_261 = arith.constant 0 : i32
      %dma_wait3A_262 = arith.constant 0 : i32
      %dma_wait3A_263 = tpu.memref_slice %arg14[%dma_wait3A_259, %dma_wait3A_261, %dma_wait3A_262] : memref<4x128x16xf32, #tpu.memory_space<vmem>> -> memref<1x128x16xf32, #tpu.memory_space<vmem>>
      %dma_wait3A_264 = tpu.memref_squeeze %dma_wait3A_263 : memref<1x128x16xf32, #tpu.memory_space<vmem>> -> memref<128x16xf32, #tpu.memory_space<vmem>>
      %dma_wait3A_265 = arith.constant 0 : i32
      %dma_wait3A_266 = tpu.memref_slice %arg8[%add3A_152, %dma_wait3A_265] : memref<163840x16xf32, #tpu.memory_space<hbm>> -> memref<128x16xf32, #tpu.memory_space<hbm>>
      %dma_wait3A_267 = tpu.memref_slice %arg16[%dma_wait3A_260] : memref<4x!tpu.dma_semaphore, #tpu.memory_space<semaphore_mem>> -> memref<1x!tpu.dma_semaphore, #tpu.memory_space<semaphore_mem>>
      %dma_wait3A_268 = tpu.memref_squeeze %dma_wait3A_267 : memref<1x!tpu.dma_semaphore, #tpu.memory_space<semaphore_mem>> -> memref<!tpu.dma_semaphore, #tpu.memory_space<semaphore_mem>>
      %dma_wait3A_269 = arith.constant 0 : i32
      %dma_wait3A_270 = tpu.memref_slice %arg8[%add3A_152, %dma_wait3A_269] : memref<163840x16xf32, #tpu.memory_space<hbm>> -> memref<128x16xf32, #tpu.memory_space<hbm>>
      %dma_wait3A_271 = arith.constant 0 : i32
      %dma_wait3A_272 = arith.constant 0 : i32
      %dma_wait3A_273 = tpu.memref_slice %arg14[%dma_wait3A_259, %dma_wait3A_271, %dma_wait3A_272] : memref<4x128x16xf32, #tpu.memory_space<vmem>> -> memref<1x128x16xf32, #tpu.memory_space<vmem>>
      %dma_wait3A_274 = tpu.memref_squeeze %dma_wait3A_273 : memref<1x128x16xf32, #tpu.memory_space<vmem>> -> memref<128x16xf32, #tpu.memory_space<vmem>>
      tpu.wait_dma2 semaphore(%dma_wait3A_268 : memref<!tpu.dma_semaphore, #tpu.memory_space<semaphore_mem>>) src(%dma_wait3A_274 : memref<128x16xf32, #tpu.memory_space<vmem>>) dst(%dma_wait3A_270 : memref<128x16xf32, #tpu.memory_space<hbm>>)
      %dma_wait3A_275 = arith.constant 2 : i32
      %dma_wait3A_276 = arith.constant 2 : i32
      %dma_wait3A_277 = arith.constant 0 : i32
      %dma_wait3A_278 = arith.constant 0 : i32
      %dma_wait3A_279 = tpu.memref_slice %arg14[%dma_wait3A_275, %dma_wait3A_277, %dma_wait3A_278] : memref<4x128x16xf32, #tpu.memory_space<vmem>> -> memref<1x128x16xf32, #tpu.memory_space<vmem>>
      %dma_wait3A_280 = tpu.memref_squeeze %dma_wait3A_279 : memref<1x128x16xf32, #tpu.memory_space<vmem>> -> memref<128x16xf32, #tpu.memory_space<vmem>>
      %dma_wait3A_281 = arith.constant 0 : i32
      %dma_wait3A_282 = tpu.memref_slice %arg8[%add3A_189, %dma_wait3A_281] : memref<163840x16xf32, #tpu.memory_space<hbm>> -> memref<128x16xf32, #tpu.memory_space<hbm>>
      %dma_wait3A_283 = tpu.memref_slice %arg16[%dma_wait3A_276] : memref<4x!tpu.dma_semaphore, #tpu.memory_space<semaphore_mem>> -> memref<1x!tpu.dma_semaphore, #tpu.memory_space<semaphore_mem>>
      %dma_wait3A_284 = tpu.memref_squeeze %dma_wait3A_283 : memref<1x!tpu.dma_semaphore, #tpu.memory_space<semaphore_mem>> -> memref<!tpu.dma_semaphore, #tpu.memory_space<semaphore_mem>>
      %dma_wait3A_285 = arith.constant 0 : i32
      %dma_wait3A_286 = tpu.memref_slice %arg8[%add3A_189, %dma_wait3A_285] : memref<163840x16xf32, #tpu.memory_space<hbm>> -> memref<128x16xf32, #tpu.memory_space<hbm>>
      %dma_wait3A_287 = arith.constant 0 : i32
      %dma_wait3A_288 = arith.constant 0 : i32
      %dma_wait3A_289 = tpu.memref_slice %arg14[%dma_wait3A_275, %dma_wait3A_287, %dma_wait3A_288] : memref<4x128x16xf32, #tpu.memory_space<vmem>> -> memref<1x128x16xf32, #tpu.memory_space<vmem>>
      %dma_wait3A_290 = tpu.memref_squeeze %dma_wait3A_289 : memref<1x128x16xf32, #tpu.memory_space<vmem>> -> memref<128x16xf32, #tpu.memory_space<vmem>>
      tpu.wait_dma2 semaphore(%dma_wait3A_284 : memref<!tpu.dma_semaphore, #tpu.memory_space<semaphore_mem>>) src(%dma_wait3A_290 : memref<128x16xf32, #tpu.memory_space<vmem>>) dst(%dma_wait3A_286 : memref<128x16xf32, #tpu.memory_space<hbm>>)
      %dma_wait3A_291 = arith.constant 3 : i32
      %dma_wait3A_292 = arith.constant 3 : i32
      %dma_wait3A_293 = arith.constant 0 : i32
      %dma_wait3A_294 = arith.constant 0 : i32
      %dma_wait3A_295 = tpu.memref_slice %arg14[%dma_wait3A_291, %dma_wait3A_293, %dma_wait3A_294] : memref<4x128x16xf32, #tpu.memory_space<vmem>> -> memref<1x128x16xf32, #tpu.memory_space<vmem>>
      %dma_wait3A_296 = tpu.memref_squeeze %dma_wait3A_295 : memref<1x128x16xf32, #tpu.memory_space<vmem>> -> memref<128x16xf32, #tpu.memory_space<vmem>>
      %dma_wait3A_297 = arith.constant 0 : i32
      %dma_wait3A_298 = tpu.memref_slice %arg8[%add3A_226, %dma_wait3A_297] : memref<163840x16xf32, #tpu.memory_space<hbm>> -> memref<128x16xf32, #tpu.memory_space<hbm>>
      %dma_wait3A_299 = tpu.memref_slice %arg16[%dma_wait3A_292] : memref<4x!tpu.dma_semaphore, #tpu.memory_space<semaphore_mem>> -> memref<1x!tpu.dma_semaphore, #tpu.memory_space<semaphore_mem>>
      %dma_wait3A_300 = tpu.memref_squeeze %dma_wait3A_299 : memref<1x!tpu.dma_semaphore, #tpu.memory_space<semaphore_mem>> -> memref<!tpu.dma_semaphore, #tpu.memory_space<semaphore_mem>>
      %dma_wait3A_301 = arith.constant 0 : i32
      %dma_wait3A_302 = tpu.memref_slice %arg8[%add3A_226, %dma_wait3A_301] : memref<163840x16xf32, #tpu.memory_space<hbm>> -> memref<128x16xf32, #tpu.memory_space<hbm>>
      %dma_wait3A_303 = arith.constant 0 : i32
      %dma_wait3A_304 = arith.constant 0 : i32
      %dma_wait3A_305 = tpu.memref_slice %arg14[%dma_wait3A_291, %dma_wait3A_303, %dma_wait3A_304] : memref<4x128x16xf32, #tpu.memory_space<vmem>> -> memref<1x128x16xf32, #tpu.memory_space<vmem>>
      %dma_wait3A_306 = tpu.memref_squeeze %dma_wait3A_305 : memref<1x128x16xf32, #tpu.memory_space<vmem>> -> memref<128x16xf32, #tpu.memory_space<vmem>>
      tpu.wait_dma2 semaphore(%dma_wait3A_300 : memref<!tpu.dma_semaphore, #tpu.memory_space<semaphore_mem>>) src(%dma_wait3A_306 : memref<128x16xf32, #tpu.memory_space<vmem>>) dst(%dma_wait3A_302 : memref<128x16xf32, #tpu.memory_space<hbm>>)
    }
    %scan3A_7 = arith.constant 10 : i32
    %mul3A_8 = arith.constant 2560 : i32
    %mul3A_9 = arith.muli %add3A, %mul3A_8 : i32
    %scan3A_10 = arith.constant 0 : i32
    %scan3A_11 = arith.constant 0 : i32
    %scan3A_12 = arith.constant 5 : i32
    %scan3A_13 = arith.addi %scan3A_11, %scan3A_12 : i32
    %scan3A_14 = arith.constant 1 : i32
    scf.for %scan3A_24 = %scan3A_11 to %scan3A_13 step %scan3A_14  : i32 {
      %mul3A_25 = arith.constant 4 : i32
      %mul3A_26 = arith.muli %scan3A_24, %mul3A_25 : i32
      %add3A_27 = arith.constant 0 : i32
      %add3A_28 = arith.addi %mul3A_26, %add3A_27 : i32
      %dma_start3A = arith.constant 0 : i32
      %dma_start3A_29 = arith.constant 0 : i32
      %dma_start3A_30 = arith.constant 0 : i32
      %dma_start3A_31 = arith.constant 0 : i32
      %dma_start3A_32 = tpu.memref_slice %arg14[%dma_start3A, %dma_start3A_30, %dma_start3A_31] : memref<4x128x16xf32, #tpu.memory_space<vmem>> -> memref<1x128x16xf32, #tpu.memory_space<vmem>>
      %dma_start3A_33 = tpu.memref_squeeze %dma_start3A_32 : memref<1x128x16xf32, #tpu.memory_space<vmem>> -> memref<128x16xf32, #tpu.memory_space<vmem>>
      %dma_start3A_34 = arith.constant 0 : i32
      %dma_start3A_35 = tpu.memref_slice %arg12[%add3A_28, %dma_start3A_34] : memref<20x128xi32, #tpu.memory_space<vmem>> -> memref<1x128xi32, #tpu.memory_space<vmem>>
      %dma_start3A_36 = tpu.memref_squeeze %dma_start3A_35 : memref<1x128xi32, #tpu.memory_space<vmem>> -> memref<128xi32, #tpu.memory_space<vmem>>
      %dma_start3A_37 = arith.constant 0 : i32
      %dma_start3A_38 = arith.constant 0 : i32
      %dma_start3A_39 = tpu.memref_slice %arg3[%dma_start3A_37, %dma_start3A_38] : memref<10000x16xf32, #tpu.memory_space<hbm>> -> memref<10000x16xf32, #tpu.memory_space<hbm>>
      %dma_start3A_40 = tpu.memref_slice %arg15[%dma_start3A_29] : memref<4x!tpu.dma_semaphore, #tpu.memory_space<semaphore_mem>> -> memref<1x!tpu.dma_semaphore, #tpu.memory_space<semaphore_mem>>
      %dma_start3A_41 = tpu.memref_squeeze %dma_start3A_40 : memref<1x!tpu.dma_semaphore, #tpu.memory_space<semaphore_mem>> -> memref<!tpu.dma_semaphore, #tpu.memory_space<semaphore_mem>>
      tpu.enqueue_indirect_dma source(%dma_start3A_39 : memref<10000x16xf32, #tpu.memory_space<hbm>>) target(%dma_start3A_33 : memref<128x16xf32, #tpu.memory_space<vmem>>) offsets(%dma_start3A_36 : memref<128xi32, #tpu.memory_space<vmem>>) semaphore(%dma_start3A_41 : memref<!tpu.dma_semaphore, #tpu.memory_space<semaphore_mem>>)
      %mul3A_42 = arith.constant 4 : i32
      %mul3A_43 = arith.muli %scan3A_24, %mul3A_42 : i32
      %add3A_44 = arith.constant 1 : i32
      %add3A_45 = arith.addi %mul3A_43, %add3A_44 : i32
      %dma_start3A_46 = arith.constant 1 : i32
      %dma_start3A_47 = arith.constant 1 : i32
      %dma_start3A_48 = arith.constant 0 : i32
      %dma_start3A_49 = arith.constant 0 : i32
      %dma_start3A_50 = tpu.memref_slice %arg14[%dma_start3A_46, %dma_start3A_48, %dma_start3A_49] : memref<4x128x16xf32, #tpu.memory_space<vmem>> -> memref<1x128x16xf32, #tpu.memory_space<vmem>>
      %dma_start3A_51 = tpu.memref_squeeze %dma_start3A_50 : memref<1x128x16xf32, #tpu.memory_space<vmem>> -> memref<128x16xf32, #tpu.memory_space<vmem>>
      %dma_start3A_52 = arith.constant 0 : i32
      %dma_start3A_53 = tpu.memref_slice %arg12[%add3A_45, %dma_start3A_52] : memref<20x128xi32, #tpu.memory_space<vmem>> -> memref<1x128xi32, #tpu.memory_space<vmem>>
      %dma_start3A_54 = tpu.memref_squeeze %dma_start3A_53 : memref<1x128xi32, #tpu.memory_space<vmem>> -> memref<128xi32, #tpu.memory_space<vmem>>
      %dma_start3A_55 = arith.constant 0 : i32
      %dma_start3A_56 = arith.constant 0 : i32
      %dma_start3A_57 = tpu.memref_slice %arg3[%dma_start3A_55, %dma_start3A_56] : memref<10000x16xf32, #tpu.memory_space<hbm>> -> memref<10000x16xf32, #tpu.memory_space<hbm>>
      %dma_start3A_58 = tpu.memref_slice %arg15[%dma_start3A_47] : memref<4x!tpu.dma_semaphore, #tpu.memory_space<semaphore_mem>> -> memref<1x!tpu.dma_semaphore, #tpu.memory_space<semaphore_mem>>
      %dma_start3A_59 = tpu.memref_squeeze %dma_start3A_58 : memref<1x!tpu.dma_semaphore, #tpu.memory_space<semaphore_mem>> -> memref<!tpu.dma_semaphore, #tpu.memory_space<semaphore_mem>>
      tpu.enqueue_indirect_dma source(%dma_start3A_57 : memref<10000x16xf32, #tpu.memory_space<hbm>>) target(%dma_start3A_51 : memref<128x16xf32, #tpu.memory_space<vmem>>) offsets(%dma_start3A_54 : memref<128xi32, #tpu.memory_space<vmem>>) semaphore(%dma_start3A_59 : memref<!tpu.dma_semaphore, #tpu.memory_space<semaphore_mem>>)
      %mul3A_60 = arith.constant 4 : i32
      %mul3A_61 = arith.muli %scan3A_24, %mul3A_60 : i32
      %add3A_62 = arith.constant 2 : i32
      %add3A_63 = arith.addi %mul3A_61, %add3A_62 : i32
      %dma_start3A_64 = arith.constant 2 : i32
      %dma_start3A_65 = arith.constant 2 : i32
      %dma_start3A_66 = arith.constant 0 : i32
      %dma_start3A_67 = arith.constant 0 : i32
      %dma_start3A_68 = tpu.memref_slice %arg14[%dma_start3A_64, %dma_start3A_66, %dma_start3A_67] : memref<4x128x16xf32, #tpu.memory_space<vmem>> -> memref<1x128x16xf32, #tpu.memory_space<vmem>>
      %dma_start3A_69 = tpu.memref_squeeze %dma_start3A_68 : memref<1x128x16xf32, #tpu.memory_space<vmem>> -> memref<128x16xf32, #tpu.memory_space<vmem>>
      %dma_start3A_70 = arith.constant 0 : i32
      %dma_start3A_71 = tpu.memref_slice %arg12[%add3A_63, %dma_start3A_70] : memref<20x128xi32, #tpu.memory_space<vmem>> -> memref<1x128xi32, #tpu.memory_space<vmem>>
      %dma_start3A_72 = tpu.memref_squeeze %dma_start3A_71 : memref<1x128xi32, #tpu.memory_space<vmem>> -> memref<128xi32, #tpu.memory_space<vmem>>
      %dma_start3A_73 = arith.constant 0 : i32
      %dma_start3A_74 = arith.constant 0 : i32
      %dma_start3A_75 = tpu.memref_slice %arg3[%dma_start3A_73, %dma_start3A_74] : memref<10000x16xf32, #tpu.memory_space<hbm>> -> memref<10000x16xf32, #tpu.memory_space<hbm>>
      %dma_start3A_76 = tpu.memref_slice %arg15[%dma_start3A_65] : memref<4x!tpu.dma_semaphore, #tpu.memory_space<semaphore_mem>> -> memref<1x!tpu.dma_semaphore, #tpu.memory_space<semaphore_mem>>
      %dma_start3A_77 = tpu.memref_squeeze %dma_start3A_76 : memref<1x!tpu.dma_semaphore, #tpu.memory_space<semaphore_mem>> -> memref<!tpu.dma_semaphore, #tpu.memory_space<semaphore_mem>>
      tpu.enqueue_indirect_dma source(%dma_start3A_75 : memref<10000x16xf32, #tpu.memory_space<hbm>>) target(%dma_start3A_69 : memref<128x16xf32, #tpu.memory_space<vmem>>) offsets(%dma_start3A_72 : memref<128xi32, #tpu.memory_space<vmem>>) semaphore(%dma_start3A_77 : memref<!tpu.dma_semaphore, #tpu.memory_space<semaphore_mem>>)
      %mul3A_78 = arith.constant 4 : i32
      %mul3A_79 = arith.muli %scan3A_24, %mul3A_78 : i32
      %add3A_80 = arith.constant 3 : i32
      %add3A_81 = arith.addi %mul3A_79, %add3A_80 : i32
      %dma_start3A_82 = arith.constant 3 : i32
      %dma_start3A_83 = arith.constant 3 : i32
      %dma_start3A_84 = arith.constant 0 : i32
      %dma_start3A_85 = arith.constant 0 : i32
      %dma_start3A_86 = tpu.memref_slice %arg14[%dma_start3A_82, %dma_start3A_84, %dma_start3A_85] : memref<4x128x16xf32, #tpu.memory_space<vmem>> -> memref<1x128x16xf32, #tpu.memory_space<vmem>>
      %dma_start3A_87 = tpu.memref_squeeze %dma_start3A_86 : memref<1x128x16xf32, #tpu.memory_space<vmem>> -> memref<128x16xf32, #tpu.memory_space<vmem>>
      %dma_start3A_88 = arith.constant 0 : i32
      %dma_start3A_89 = tpu.memref_slice %arg12[%add3A_81, %dma_start3A_88] : memref<20x128xi32, #tpu.memory_space<vmem>> -> memref<1x128xi32, #tpu.memory_space<vmem>>
      %dma_start3A_90 = tpu.memref_squeeze %dma_start3A_89 : memref<1x128xi32, #tpu.memory_space<vmem>> -> memref<128xi32, #tpu.memory_space<vmem>>
      %dma_start3A_91 = arith.constant 0 : i32
      %dma_start3A_92 = arith.constant 0 : i32
      %dma_start3A_93 = tpu.memref_slice %arg3[%dma_start3A_91, %dma_start3A_92] : memref<10000x16xf32, #tpu.memory_space<hbm>> -> memref<10000x16xf32, #tpu.memory_space<hbm>>
      %dma_start3A_94 = tpu.memref_slice %arg15[%dma_start3A_83] : memref<4x!tpu.dma_semaphore, #tpu.memory_space<semaphore_mem>> -> memref<1x!tpu.dma_semaphore, #tpu.memory_space<semaphore_mem>>
      %dma_start3A_95 = tpu.memref_squeeze %dma_start3A_94 : memref<1x!tpu.dma_semaphore, #tpu.memory_space<semaphore_mem>> -> memref<!tpu.dma_semaphore, #tpu.memory_space<semaphore_mem>>
      tpu.enqueue_indirect_dma source(%dma_start3A_93 : memref<10000x16xf32, #tpu.memory_space<hbm>>) target(%dma_start3A_87 : memref<128x16xf32, #tpu.memory_space<vmem>>) offsets(%dma_start3A_90 : memref<128xi32, #tpu.memory_space<vmem>>) semaphore(%dma_start3A_95 : memref<!tpu.dma_semaphore, #tpu.memory_space<semaphore_mem>>)
      %dma_wait3A = arith.constant 0 : i32
      %dma_wait3A_96 = arith.constant 0 : i32
      %dma_wait3A_97 = arith.constant 0 : i32
      %dma_wait3A_98 = arith.constant 0 : i32
      %dma_wait3A_99 = tpu.memref_slice %arg14[%dma_wait3A, %dma_wait3A_97, %dma_wait3A_98] : memref<4x128x16xf32, #tpu.memory_space<vmem>> -> memref<1x128x16xf32, #tpu.memory_space<vmem>>
      %dma_wait3A_100 = tpu.memref_squeeze %dma_wait3A_99 : memref<1x128x16xf32, #tpu.memory_space<vmem>> -> memref<128x16xf32, #tpu.memory_space<vmem>>
      %dma_wait3A_101 = arith.constant 0 : i32
      %dma_wait3A_102 = tpu.memref_slice %arg12[%add3A_28, %dma_wait3A_101] : memref<20x128xi32, #tpu.memory_space<vmem>> -> memref<1x128xi32, #tpu.memory_space<vmem>>
      %dma_wait3A_103 = tpu.memref_squeeze %dma_wait3A_102 : memref<1x128xi32, #tpu.memory_space<vmem>> -> memref<128xi32, #tpu.memory_space<vmem>>
      %dma_wait3A_104 = arith.constant 0 : i32
      %dma_wait3A_105 = arith.constant 0 : i32
      %dma_wait3A_106 = tpu.memref_slice %arg3[%dma_wait3A_104, %dma_wait3A_105] : memref<10000x16xf32, #tpu.memory_space<hbm>> -> memref<10000x16xf32, #tpu.memory_space<hbm>>
      %dma_wait3A_107 = tpu.memref_slice %arg15[%dma_wait3A_96] : memref<4x!tpu.dma_semaphore, #tpu.memory_space<semaphore_mem>> -> memref<1x!tpu.dma_semaphore, #tpu.memory_space<semaphore_mem>>
      %dma_wait3A_108 = tpu.memref_squeeze %dma_wait3A_107 : memref<1x!tpu.dma_semaphore, #tpu.memory_space<semaphore_mem>> -> memref<!tpu.dma_semaphore, #tpu.memory_space<semaphore_mem>>
      tpu.wait_indirect_dma semaphore(%dma_wait3A_108 : memref<!tpu.dma_semaphore, #tpu.memory_space<semaphore_mem>>) src(%dma_wait3A_106 : memref<10000x16xf32, #tpu.memory_space<hbm>>) dst(%dma_wait3A_100 : memref<128x16xf32, #tpu.memory_space<vmem>>)
      %mul3A_109 = arith.constant 4 : i32
      %mul3A_110 = arith.muli %scan3A_24, %mul3A_109 : i32
      %add3A_111 = arith.constant 0 : i32
      %add3A_112 = arith.addi %mul3A_110, %add3A_111 : i32
      %mul3A_113 = arith.constant 128 : i32
      %mul3A_114 = arith.muli %add3A_112, %mul3A_113 : i32
      %add3A_115 = arith.addi %mul3A_9, %mul3A_114 : i32
      %dma_start3A_116 = arith.constant 0 : i32
      %dma_start3A_117 = arith.constant 0 : i32
      %dma_start3A_118 = arith.constant 0 : i32
      %dma_start3A_119 = arith.constant 0 : i32
      %dma_start3A_120 = tpu.memref_slice %arg14[%dma_start3A_116, %dma_start3A_118, %dma_start3A_119] : memref<4x128x16xf32, #tpu.memory_space<vmem>> -> memref<1x128x16xf32, #tpu.memory_space<vmem>>
      %dma_start3A_121 = tpu.memref_squeeze %dma_start3A_120 : memref<1x128x16xf32, #tpu.memory_space<vmem>> -> memref<128x16xf32, #tpu.memory_space<vmem>>
      %dma_start3A_122 = arith.constant 0 : i32
      %dma_start3A_123 = tpu.memref_slice %arg9[%add3A_115, %dma_start3A_122] : memref<81920x16xf32, #tpu.memory_space<hbm>> -> memref<128x16xf32, #tpu.memory_space<hbm>>
      %dma_start3A_124 = tpu.memref_slice %arg16[%dma_start3A_117] : memref<4x!tpu.dma_semaphore, #tpu.memory_space<semaphore_mem>> -> memref<1x!tpu.dma_semaphore, #tpu.memory_space<semaphore_mem>>
      %dma_start3A_125 = tpu.memref_squeeze %dma_start3A_124 : memref<1x!tpu.dma_semaphore, #tpu.memory_space<semaphore_mem>> -> memref<!tpu.dma_semaphore, #tpu.memory_space<semaphore_mem>>
      %dma_start3A_126 = arith.constant 0 : i32
      %dma_start3A_127 = tpu.memref_slice %arg9[%add3A_115, %dma_start3A_126] : memref<81920x16xf32, #tpu.memory_space<hbm>> -> memref<128x16xf32, #tpu.memory_space<hbm>>
      %dma_start3A_128 = arith.constant 0 : i32
      %dma_start3A_129 = arith.constant 0 : i32
      %dma_start3A_130 = tpu.memref_slice %arg14[%dma_start3A_116, %dma_start3A_128, %dma_start3A_129] : memref<4x128x16xf32, #tpu.memory_space<vmem>> -> memref<1x128x16xf32, #tpu.memory_space<vmem>>
      %dma_start3A_131 = tpu.memref_squeeze %dma_start3A_130 : memref<1x128x16xf32, #tpu.memory_space<vmem>> -> memref<128x16xf32, #tpu.memory_space<vmem>>
      tpu.enqueue_dma source(%dma_start3A_131 : memref<128x16xf32, #tpu.memory_space<vmem>>) target(%dma_start3A_127 : memref<128x16xf32, #tpu.memory_space<hbm>>) target_semaphore(%dma_start3A_125 : memref<!tpu.dma_semaphore, #tpu.memory_space<semaphore_mem>>)
      %dma_wait3A_132 = arith.constant 1 : i32
      %dma_wait3A_133 = arith.constant 1 : i32
      %dma_wait3A_134 = arith.constant 0 : i32
      %dma_wait3A_135 = arith.constant 0 : i32
      %dma_wait3A_136 = tpu.memref_slice %arg14[%dma_wait3A_132, %dma_wait3A_134, %dma_wait3A_135] : memref<4x128x16xf32, #tpu.memory_space<vmem>> -> memref<1x128x16xf32, #tpu.memory_space<vmem>>
      %dma_wait3A_137 = tpu.memref_squeeze %dma_wait3A_136 : memref<1x128x16xf32, #tpu.memory_space<vmem>> -> memref<128x16xf32, #tpu.memory_space<vmem>>
      %dma_wait3A_138 = arith.constant 0 : i32
      %dma_wait3A_139 = tpu.memref_slice %arg12[%add3A_45, %dma_wait3A_138] : memref<20x128xi32, #tpu.memory_space<vmem>> -> memref<1x128xi32, #tpu.memory_space<vmem>>
      %dma_wait3A_140 = tpu.memref_squeeze %dma_wait3A_139 : memref<1x128xi32, #tpu.memory_space<vmem>> -> memref<128xi32, #tpu.memory_space<vmem>>
      %dma_wait3A_141 = arith.constant 0 : i32
      %dma_wait3A_142 = arith.constant 0 : i32
      %dma_wait3A_143 = tpu.memref_slice %arg3[%dma_wait3A_141, %dma_wait3A_142] : memref<10000x16xf32, #tpu.memory_space<hbm>> -> memref<10000x16xf32, #tpu.memory_space<hbm>>
      %dma_wait3A_144 = tpu.memref_slice %arg15[%dma_wait3A_133] : memref<4x!tpu.dma_semaphore, #tpu.memory_space<semaphore_mem>> -> memref<1x!tpu.dma_semaphore, #tpu.memory_space<semaphore_mem>>
      %dma_wait3A_145 = tpu.memref_squeeze %dma_wait3A_144 : memref<1x!tpu.dma_semaphore, #tpu.memory_space<semaphore_mem>> -> memref<!tpu.dma_semaphore, #tpu.memory_space<semaphore_mem>>
      tpu.wait_indirect_dma semaphore(%dma_wait3A_145 : memref<!tpu.dma_semaphore, #tpu.memory_space<semaphore_mem>>) src(%dma_wait3A_143 : memref<10000x16xf32, #tpu.memory_space<hbm>>) dst(%dma_wait3A_137 : memref<128x16xf32, #tpu.memory_space<vmem>>)
      %mul3A_146 = arith.constant 4 : i32
      %mul3A_147 = arith.muli %scan3A_24, %mul3A_146 : i32
      %add3A_148 = arith.constant 1 : i32
      %add3A_149 = arith.addi %mul3A_147, %add3A_148 : i32
      %mul3A_150 = arith.constant 128 : i32
      %mul3A_151 = arith.muli %add3A_149, %mul3A_150 : i32
      %add3A_152 = arith.addi %mul3A_9, %mul3A_151 : i32
      %dma_start3A_153 = arith.constant 1 : i32
      %dma_start3A_154 = arith.constant 1 : i32
      %dma_start3A_155 = arith.constant 0 : i32
      %dma_start3A_156 = arith.constant 0 : i32
      %dma_start3A_157 = tpu.memref_slice %arg14[%dma_start3A_153, %dma_start3A_155, %dma_start3A_156] : memref<4x128x16xf32, #tpu.memory_space<vmem>> -> memref<1x128x16xf32, #tpu.memory_space<vmem>>
      %dma_start3A_158 = tpu.memref_squeeze %dma_start3A_157 : memref<1x128x16xf32, #tpu.memory_space<vmem>> -> memref<128x16xf32, #tpu.memory_space<vmem>>
      %dma_start3A_159 = arith.constant 0 : i32
      %dma_start3A_160 = tpu.memref_slice %arg9[%add3A_152, %dma_start3A_159] : memref<81920x16xf32, #tpu.memory_space<hbm>> -> memref<128x16xf32, #tpu.memory_space<hbm>>
      %dma_start3A_161 = tpu.memref_slice %arg16[%dma_start3A_154] : memref<4x!tpu.dma_semaphore, #tpu.memory_space<semaphore_mem>> -> memref<1x!tpu.dma_semaphore, #tpu.memory_space<semaphore_mem>>
      %dma_start3A_162 = tpu.memref_squeeze %dma_start3A_161 : memref<1x!tpu.dma_semaphore, #tpu.memory_space<semaphore_mem>> -> memref<!tpu.dma_semaphore, #tpu.memory_space<semaphore_mem>>
      %dma_start3A_163 = arith.constant 0 : i32
      %dma_start3A_164 = tpu.memref_slice %arg9[%add3A_152, %dma_start3A_163] : memref<81920x16xf32, #tpu.memory_space<hbm>> -> memref<128x16xf32, #tpu.memory_space<hbm>>
      %dma_start3A_165 = arith.constant 0 : i32
      %dma_start3A_166 = arith.constant 0 : i32
      %dma_start3A_167 = tpu.memref_slice %arg14[%dma_start3A_153, %dma_start3A_165, %dma_start3A_166] : memref<4x128x16xf32, #tpu.memory_space<vmem>> -> memref<1x128x16xf32, #tpu.memory_space<vmem>>
      %dma_start3A_168 = tpu.memref_squeeze %dma_start3A_167 : memref<1x128x16xf32, #tpu.memory_space<vmem>> -> memref<128x16xf32, #tpu.memory_space<vmem>>
      tpu.enqueue_dma source(%dma_start3A_168 : memref<128x16xf32, #tpu.memory_space<vmem>>) target(%dma_start3A_164 : memref<128x16xf32, #tpu.memory_space<hbm>>) target_semaphore(%dma_start3A_162 : memref<!tpu.dma_semaphore, #tpu.memory_space<semaphore_mem>>)
      %dma_wait3A_169 = arith.constant 2 : i32
      %dma_wait3A_170 = arith.constant 2 : i32
      %dma_wait3A_171 = arith.constant 0 : i32
      %dma_wait3A_172 = arith.constant 0 : i32
      %dma_wait3A_173 = tpu.memref_slice %arg14[%dma_wait3A_169, %dma_wait3A_171, %dma_wait3A_172] : memref<4x128x16xf32, #tpu.memory_space<vmem>> -> memref<1x128x16xf32, #tpu.memory_space<vmem>>
      %dma_wait3A_174 = tpu.memref_squeeze %dma_wait3A_173 : memref<1x128x16xf32, #tpu.memory_space<vmem>> -> memref<128x16xf32, #tpu.memory_space<vmem>>
      %dma_wait3A_175 = arith.constant 0 : i32
      %dma_wait3A_176 = tpu.memref_slice %arg12[%add3A_63, %dma_wait3A_175] : memref<20x128xi32, #tpu.memory_space<vmem>> -> memref<1x128xi32, #tpu.memory_space<vmem>>
      %dma_wait3A_177 = tpu.memref_squeeze %dma_wait3A_176 : memref<1x128xi32, #tpu.memory_space<vmem>> -> memref<128xi32, #tpu.memory_space<vmem>>
      %dma_wait3A_178 = arith.constant 0 : i32
      %dma_wait3A_179 = arith.constant 0 : i32
      %dma_wait3A_180 = tpu.memref_slice %arg3[%dma_wait3A_178, %dma_wait3A_179] : memref<10000x16xf32, #tpu.memory_space<hbm>> -> memref<10000x16xf32, #tpu.memory_space<hbm>>
      %dma_wait3A_181 = tpu.memref_slice %arg15[%dma_wait3A_170] : memref<4x!tpu.dma_semaphore, #tpu.memory_space<semaphore_mem>> -> memref<1x!tpu.dma_semaphore, #tpu.memory_space<semaphore_mem>>
      %dma_wait3A_182 = tpu.memref_squeeze %dma_wait3A_181 : memref<1x!tpu.dma_semaphore, #tpu.memory_space<semaphore_mem>> -> memref<!tpu.dma_semaphore, #tpu.memory_space<semaphore_mem>>
      tpu.wait_indirect_dma semaphore(%dma_wait3A_182 : memref<!tpu.dma_semaphore, #tpu.memory_space<semaphore_mem>>) src(%dma_wait3A_180 : memref<10000x16xf32, #tpu.memory_space<hbm>>) dst(%dma_wait3A_174 : memref<128x16xf32, #tpu.memory_space<vmem>>)
      %mul3A_183 = arith.constant 4 : i32
      %mul3A_184 = arith.muli %scan3A_24, %mul3A_183 : i32
      %add3A_185 = arith.constant 2 : i32
      %add3A_186 = arith.addi %mul3A_184, %add3A_185 : i32
      %mul3A_187 = arith.constant 128 : i32
      %mul3A_188 = arith.muli %add3A_186, %mul3A_187 : i32
      %add3A_189 = arith.addi %mul3A_9, %mul3A_188 : i32
      %dma_start3A_190 = arith.constant 2 : i32
      %dma_start3A_191 = arith.constant 2 : i32
      %dma_start3A_192 = arith.constant 0 : i32
      %dma_start3A_193 = arith.constant 0 : i32
      %dma_start3A_194 = tpu.memref_slice %arg14[%dma_start3A_190, %dma_start3A_192, %dma_start3A_193] : memref<4x128x16xf32, #tpu.memory_space<vmem>> -> memref<1x128x16xf32, #tpu.memory_space<vmem>>
      %dma_start3A_195 = tpu.memref_squeeze %dma_start3A_194 : memref<1x128x16xf32, #tpu.memory_space<vmem>> -> memref<128x16xf32, #tpu.memory_space<vmem>>
      %dma_start3A_196 = arith.constant 0 : i32
      %dma_start3A_197 = tpu.memref_slice %arg9[%add3A_189, %dma_start3A_196] : memref<81920x16xf32, #tpu.memory_space<hbm>> -> memref<128x16xf32, #tpu.memory_space<hbm>>
      %dma_start3A_198 = tpu.memref_slice %arg16[%dma_start3A_191] : memref<4x!tpu.dma_semaphore, #tpu.memory_space<semaphore_mem>> -> memref<1x!tpu.dma_semaphore, #tpu.memory_space<semaphore_mem>>
      %dma_start3A_199 = tpu.memref_squeeze %dma_start3A_198 : memref<1x!tpu.dma_semaphore, #tpu.memory_space<semaphore_mem>> -> memref<!tpu.dma_semaphore, #tpu.memory_space<semaphore_mem>>
      %dma_start3A_200 = arith.constant 0 : i32
      %dma_start3A_201 = tpu.memref_slice %arg9[%add3A_189, %dma_start3A_200] : memref<81920x16xf32, #tpu.memory_space<hbm>> -> memref<128x16xf32, #tpu.memory_space<hbm>>
      %dma_start3A_202 = arith.constant 0 : i32
      %dma_start3A_203 = arith.constant 0 : i32
      %dma_start3A_204 = tpu.memref_slice %arg14[%dma_start3A_190, %dma_start3A_202, %dma_start3A_203] : memref<4x128x16xf32, #tpu.memory_space<vmem>> -> memref<1x128x16xf32, #tpu.memory_space<vmem>>
      %dma_start3A_205 = tpu.memref_squeeze %dma_start3A_204 : memref<1x128x16xf32, #tpu.memory_space<vmem>> -> memref<128x16xf32, #tpu.memory_space<vmem>>
      tpu.enqueue_dma source(%dma_start3A_205 : memref<128x16xf32, #tpu.memory_space<vmem>>) target(%dma_start3A_201 : memref<128x16xf32, #tpu.memory_space<hbm>>) target_semaphore(%dma_start3A_199 : memref<!tpu.dma_semaphore, #tpu.memory_space<semaphore_mem>>)
      %dma_wait3A_206 = arith.constant 3 : i32
      %dma_wait3A_207 = arith.constant 3 : i32
      %dma_wait3A_208 = arith.constant 0 : i32
      %dma_wait3A_209 = arith.constant 0 : i32
      %dma_wait3A_210 = tpu.memref_slice %arg14[%dma_wait3A_206, %dma_wait3A_208, %dma_wait3A_209] : memref<4x128x16xf32, #tpu.memory_space<vmem>> -> memref<1x128x16xf32, #tpu.memory_space<vmem>>
      %dma_wait3A_211 = tpu.memref_squeeze %dma_wait3A_210 : memref<1x128x16xf32, #tpu.memory_space<vmem>> -> memref<128x16xf32, #tpu.memory_space<vmem>>
      %dma_wait3A_212 = arith.constant 0 : i32
      %dma_wait3A_213 = tpu.memref_slice %arg12[%add3A_81, %dma_wait3A_212] : memref<20x128xi32, #tpu.memory_space<vmem>> -> memref<1x128xi32, #tpu.memory_space<vmem>>
      %dma_wait3A_214 = tpu.memref_squeeze %dma_wait3A_213 : memref<1x128xi32, #tpu.memory_space<vmem>> -> memref<128xi32, #tpu.memory_space<vmem>>
      %dma_wait3A_215 = arith.constant 0 : i32
      %dma_wait3A_216 = arith.constant 0 : i32
      %dma_wait3A_217 = tpu.memref_slice %arg3[%dma_wait3A_215, %dma_wait3A_216] : memref<10000x16xf32, #tpu.memory_space<hbm>> -> memref<10000x16xf32, #tpu.memory_space<hbm>>
      %dma_wait3A_218 = tpu.memref_slice %arg15[%dma_wait3A_207] : memref<4x!tpu.dma_semaphore, #tpu.memory_space<semaphore_mem>> -> memref<1x!tpu.dma_semaphore, #tpu.memory_space<semaphore_mem>>
      %dma_wait3A_219 = tpu.memref_squeeze %dma_wait3A_218 : memref<1x!tpu.dma_semaphore, #tpu.memory_space<semaphore_mem>> -> memref<!tpu.dma_semaphore, #tpu.memory_space<semaphore_mem>>
      tpu.wait_indirect_dma semaphore(%dma_wait3A_219 : memref<!tpu.dma_semaphore, #tpu.memory_space<semaphore_mem>>) src(%dma_wait3A_217 : memref<10000x16xf32, #tpu.memory_space<hbm>>) dst(%dma_wait3A_211 : memref<128x16xf32, #tpu.memory_space<vmem>>)
      %mul3A_220 = arith.constant 4 : i32
      %mul3A_221 = arith.muli %scan3A_24, %mul3A_220 : i32
      %add3A_222 = arith.constant 3 : i32
      %add3A_223 = arith.addi %mul3A_221, %add3A_222 : i32
      %mul3A_224 = arith.constant 128 : i32
      %mul3A_225 = arith.muli %add3A_223, %mul3A_224 : i32
      %add3A_226 = arith.addi %mul3A_9, %mul3A_225 : i32
      %dma_start3A_227 = arith.constant 3 : i32
      %dma_start3A_228 = arith.constant 3 : i32
      %dma_start3A_229 = arith.constant 0 : i32
      %dma_start3A_230 = arith.constant 0 : i32
      %dma_start3A_231 = tpu.memref_slice %arg14[%dma_start3A_227, %dma_start3A_229, %dma_start3A_230] : memref<4x128x16xf32, #tpu.memory_space<vmem>> -> memref<1x128x16xf32, #tpu.memory_space<vmem>>
      %dma_start3A_232 = tpu.memref_squeeze %dma_start3A_231 : memref<1x128x16xf32, #tpu.memory_space<vmem>> -> memref<128x16xf32, #tpu.memory_space<vmem>>
      %dma_start3A_233 = arith.constant 0 : i32
      %dma_start3A_234 = tpu.memref_slice %arg9[%add3A_226, %dma_start3A_233] : memref<81920x16xf32, #tpu.memory_space<hbm>> -> memref<128x16xf32, #tpu.memory_space<hbm>>
      %dma_start3A_235 = tpu.memref_slice %arg16[%dma_start3A_228] : memref<4x!tpu.dma_semaphore, #tpu.memory_space<semaphore_mem>> -> memref<1x!tpu.dma_semaphore, #tpu.memory_space<semaphore_mem>>
      %dma_start3A_236 = tpu.memref_squeeze %dma_start3A_235 : memref<1x!tpu.dma_semaphore, #tpu.memory_space<semaphore_mem>> -> memref<!tpu.dma_semaphore, #tpu.memory_space<semaphore_mem>>
      %dma_start3A_237 = arith.constant 0 : i32
      %dma_start3A_238 = tpu.memref_slice %arg9[%add3A_226, %dma_start3A_237] : memref<81920x16xf32, #tpu.memory_space<hbm>> -> memref<128x16xf32, #tpu.memory_space<hbm>>
      %dma_start3A_239 = arith.constant 0 : i32
      %dma_start3A_240 = arith.constant 0 : i32
      %dma_start3A_241 = tpu.memref_slice %arg14[%dma_start3A_227, %dma_start3A_239, %dma_start3A_240] : memref<4x128x16xf32, #tpu.memory_space<vmem>> -> memref<1x128x16xf32, #tpu.memory_space<vmem>>
      %dma_start3A_242 = tpu.memref_squeeze %dma_start3A_241 : memref<1x128x16xf32, #tpu.memory_space<vmem>> -> memref<128x16xf32, #tpu.memory_space<vmem>>
      tpu.enqueue_dma source(%dma_start3A_242 : memref<128x16xf32, #tpu.memory_space<vmem>>) target(%dma_start3A_238 : memref<128x16xf32, #tpu.memory_space<hbm>>) target_semaphore(%dma_start3A_236 : memref<!tpu.dma_semaphore, #tpu.memory_space<semaphore_mem>>)
      %dma_wait3A_243 = arith.constant 0 : i32
      %dma_wait3A_244 = arith.constant 0 : i32
      %dma_wait3A_245 = arith.constant 0 : i32
      %dma_wait3A_246 = arith.constant 0 : i32
      %dma_wait3A_247 = tpu.memref_slice %arg14[%dma_wait3A_243, %dma_wait3A_245, %dma_wait3A_246] : memref<4x128x16xf32, #tpu.memory_space<vmem>> -> memref<1x128x16xf32, #tpu.memory_space<vmem>>
      %dma_wait3A_248 = tpu.memref_squeeze %dma_wait3A_247 : memref<1x128x16xf32, #tpu.memory_space<vmem>> -> memref<128x16xf32, #tpu.memory_space<vmem>>
      %dma_wait3A_249 = arith.constant 0 : i32
      %dma_wait3A_250 = tpu.memref_slice %arg9[%add3A_115, %dma_wait3A_249] : memref<81920x16xf32, #tpu.memory_space<hbm>> -> memref<128x16xf32, #tpu.memory_space<hbm>>
      %dma_wait3A_251 = tpu.memref_slice %arg16[%dma_wait3A_244] : memref<4x!tpu.dma_semaphore, #tpu.memory_space<semaphore_mem>> -> memref<1x!tpu.dma_semaphore, #tpu.memory_space<semaphore_mem>>
      %dma_wait3A_252 = tpu.memref_squeeze %dma_wait3A_251 : memref<1x!tpu.dma_semaphore, #tpu.memory_space<semaphore_mem>> -> memref<!tpu.dma_semaphore, #tpu.memory_space<semaphore_mem>>
      %dma_wait3A_253 = arith.constant 0 : i32
      %dma_wait3A_254 = tpu.memref_slice %arg9[%add3A_115, %dma_wait3A_253] : memref<81920x16xf32, #tpu.memory_space<hbm>> -> memref<128x16xf32, #tpu.memory_space<hbm>>
      %dma_wait3A_255 = arith.constant 0 : i32
      %dma_wait3A_256 = arith.constant 0 : i32
      %dma_wait3A_257 = tpu.memref_slice %arg14[%dma_wait3A_243, %dma_wait3A_255, %dma_wait3A_256] : memref<4x128x16xf32, #tpu.memory_space<vmem>> -> memref<1x128x16xf32, #tpu.memory_space<vmem>>
      %dma_wait3A_258 = tpu.memref_squeeze %dma_wait3A_257 : memref<1x128x16xf32, #tpu.memory_space<vmem>> -> memref<128x16xf32, #tpu.memory_space<vmem>>
      tpu.wait_dma2 semaphore(%dma_wait3A_252 : memref<!tpu.dma_semaphore, #tpu.memory_space<semaphore_mem>>) src(%dma_wait3A_258 : memref<128x16xf32, #tpu.memory_space<vmem>>) dst(%dma_wait3A_254 : memref<128x16xf32, #tpu.memory_space<hbm>>)
      %dma_wait3A_259 = arith.constant 1 : i32
      %dma_wait3A_260 = arith.constant 1 : i32
      %dma_wait3A_261 = arith.constant 0 : i32
      %dma_wait3A_262 = arith.constant 0 : i32
      %dma_wait3A_263 = tpu.memref_slice %arg14[%dma_wait3A_259, %dma_wait3A_261, %dma_wait3A_262] : memref<4x128x16xf32, #tpu.memory_space<vmem>> -> memref<1x128x16xf32, #tpu.memory_space<vmem>>
      %dma_wait3A_264 = tpu.memref_squeeze %dma_wait3A_263 : memref<1x128x16xf32, #tpu.memory_space<vmem>> -> memref<128x16xf32, #tpu.memory_space<vmem>>
      %dma_wait3A_265 = arith.constant 0 : i32
      %dma_wait3A_266 = tpu.memref_slice %arg9[%add3A_152, %dma_wait3A_265] : memref<81920x16xf32, #tpu.memory_space<hbm>> -> memref<128x16xf32, #tpu.memory_space<hbm>>
      %dma_wait3A_267 = tpu.memref_slice %arg16[%dma_wait3A_260] : memref<4x!tpu.dma_semaphore, #tpu.memory_space<semaphore_mem>> -> memref<1x!tpu.dma_semaphore, #tpu.memory_space<semaphore_mem>>
      %dma_wait3A_268 = tpu.memref_squeeze %dma_wait3A_267 : memref<1x!tpu.dma_semaphore, #tpu.memory_space<semaphore_mem>> -> memref<!tpu.dma_semaphore, #tpu.memory_space<semaphore_mem>>
      %dma_wait3A_269 = arith.constant 0 : i32
      %dma_wait3A_270 = tpu.memref_slice %arg9[%add3A_152, %dma_wait3A_269] : memref<81920x16xf32, #tpu.memory_space<hbm>> -> memref<128x16xf32, #tpu.memory_space<hbm>>
      %dma_wait3A_271 = arith.constant 0 : i32
      %dma_wait3A_272 = arith.constant 0 : i32
      %dma_wait3A_273 = tpu.memref_slice %arg14[%dma_wait3A_259, %dma_wait3A_271, %dma_wait3A_272] : memref<4x128x16xf32, #tpu.memory_space<vmem>> -> memref<1x128x16xf32, #tpu.memory_space<vmem>>
      %dma_wait3A_274 = tpu.memref_squeeze %dma_wait3A_273 : memref<1x128x16xf32, #tpu.memory_space<vmem>> -> memref<128x16xf32, #tpu.memory_space<vmem>>
      tpu.wait_dma2 semaphore(%dma_wait3A_268 : memref<!tpu.dma_semaphore, #tpu.memory_space<semaphore_mem>>) src(%dma_wait3A_274 : memref<128x16xf32, #tpu.memory_space<vmem>>) dst(%dma_wait3A_270 : memref<128x16xf32, #tpu.memory_space<hbm>>)
      %dma_wait3A_275 = arith.constant 2 : i32
      %dma_wait3A_276 = arith.constant 2 : i32
      %dma_wait3A_277 = arith.constant 0 : i32
      %dma_wait3A_278 = arith.constant 0 : i32
      %dma_wait3A_279 = tpu.memref_slice %arg14[%dma_wait3A_275, %dma_wait3A_277, %dma_wait3A_278] : memref<4x128x16xf32, #tpu.memory_space<vmem>> -> memref<1x128x16xf32, #tpu.memory_space<vmem>>
      %dma_wait3A_280 = tpu.memref_squeeze %dma_wait3A_279 : memref<1x128x16xf32, #tpu.memory_space<vmem>> -> memref<128x16xf32, #tpu.memory_space<vmem>>
      %dma_wait3A_281 = arith.constant 0 : i32
      %dma_wait3A_282 = tpu.memref_slice %arg9[%add3A_189, %dma_wait3A_281] : memref<81920x16xf32, #tpu.memory_space<hbm>> -> memref<128x16xf32, #tpu.memory_space<hbm>>
      %dma_wait3A_283 = tpu.memref_slice %arg16[%dma_wait3A_276] : memref<4x!tpu.dma_semaphore, #tpu.memory_space<semaphore_mem>> -> memref<1x!tpu.dma_semaphore, #tpu.memory_space<semaphore_mem>>
      %dma_wait3A_284 = tpu.memref_squeeze %dma_wait3A_283 : memref<1x!tpu.dma_semaphore, #tpu.memory_space<semaphore_mem>> -> memref<!tpu.dma_semaphore, #tpu.memory_space<semaphore_mem>>
      %dma_wait3A_285 = arith.constant 0 : i32
      %dma_wait3A_286 = tpu.memref_slice %arg9[%add3A_189, %dma_wait3A_285] : memref<81920x16xf32, #tpu.memory_space<hbm>> -> memref<128x16xf32, #tpu.memory_space<hbm>>
      %dma_wait3A_287 = arith.constant 0 : i32
      %dma_wait3A_288 = arith.constant 0 : i32
      %dma_wait3A_289 = tpu.memref_slice %arg14[%dma_wait3A_275, %dma_wait3A_287, %dma_wait3A_288] : memref<4x128x16xf32, #tpu.memory_space<vmem>> -> memref<1x128x16xf32, #tpu.memory_space<vmem>>
      %dma_wait3A_290 = tpu.memref_squeeze %dma_wait3A_289 : memref<1x128x16xf32, #tpu.memory_space<vmem>> -> memref<128x16xf32, #tpu.memory_space<vmem>>
      tpu.wait_dma2 semaphore(%dma_wait3A_284 : memref<!tpu.dma_semaphore, #tpu.memory_space<semaphore_mem>>) src(%dma_wait3A_290 : memref<128x16xf32, #tpu.memory_space<vmem>>) dst(%dma_wait3A_286 : memref<128x16xf32, #tpu.memory_space<hbm>>)
      %dma_wait3A_291 = arith.constant 3 : i32
      %dma_wait3A_292 = arith.constant 3 : i32
      %dma_wait3A_293 = arith.constant 0 : i32
      %dma_wait3A_294 = arith.constant 0 : i32
      %dma_wait3A_295 = tpu.memref_slice %arg14[%dma_wait3A_291, %dma_wait3A_293, %dma_wait3A_294] : memref<4x128x16xf32, #tpu.memory_space<vmem>> -> memref<1x128x16xf32, #tpu.memory_space<vmem>>
      %dma_wait3A_296 = tpu.memref_squeeze %dma_wait3A_295 : memref<1x128x16xf32, #tpu.memory_space<vmem>> -> memref<128x16xf32, #tpu.memory_space<vmem>>
      %dma_wait3A_297 = arith.constant 0 : i32
      %dma_wait3A_298 = tpu.memref_slice %arg9[%add3A_226, %dma_wait3A_297] : memref<81920x16xf32, #tpu.memory_space<hbm>> -> memref<128x16xf32, #tpu.memory_space<hbm>>
      %dma_wait3A_299 = tpu.memref_slice %arg16[%dma_wait3A_292] : memref<4x!tpu.dma_semaphore, #tpu.memory_space<semaphore_mem>> -> memref<1x!tpu.dma_semaphore, #tpu.memory_space<semaphore_mem>>
      %dma_wait3A_300 = tpu.memref_squeeze %dma_wait3A_299 : memref<1x!tpu.dma_semaphore, #tpu.memory_space<semaphore_mem>> -> memref<!tpu.dma_semaphore, #tpu.memory_space<semaphore_mem>>
      %dma_wait3A_301 = arith.constant 0 : i32
      %dma_wait3A_302 = tpu.memref_slice %arg9[%add3A_226, %dma_wait3A_301] : memref<81920x16xf32, #tpu.memory_space<hbm>> -> memref<128x16xf32, #tpu.memory_space<hbm>>
      %dma_wait3A_303 = arith.constant 0 : i32
      %dma_wait3A_304 = arith.constant 0 : i32
      %dma_wait3A_305 = tpu.memref_slice %arg14[%dma_wait3A_291, %dma_wait3A_303, %dma_wait3A_304] : memref<4x128x16xf32, #tpu.memory_space<vmem>> -> memref<1x128x16xf32, #tpu.memory_space<vmem>>
      %dma_wait3A_306 = tpu.memref_squeeze %dma_wait3A_305 : memref<1x128x16xf32, #tpu.memory_space<vmem>> -> memref<128x16xf32, #tpu.memory_space<vmem>>
      tpu.wait_dma2 semaphore(%dma_wait3A_300 : memref<!tpu.dma_semaphore, #tpu.memory_space<semaphore_mem>>) src(%dma_wait3A_306 : memref<128x16xf32, #tpu.memory_space<vmem>>) dst(%dma_wait3A_302 : memref<128x16xf32, #tpu.memory_space<hbm>>)
    }
    %scan3A_15 = arith.constant 5 : i32
    %mul3A_16 = arith.constant 2560 : i32
    %mul3A_17 = arith.muli %add3A, %mul3A_16 : i32
    %scan3A_18 = arith.constant 0 : i32
    %scan3A_19 = arith.constant 0 : i32
    %scan3A_20 = arith.constant 5 : i32
    %scan3A_21 = arith.addi %scan3A_19, %scan3A_20 : i32
    %scan3A_22 = arith.constant 1 : i32
    scf.for %scan3A_24 = %scan3A_19 to %scan3A_21 step %scan3A_22  : i32 {
      %mul3A_25 = arith.constant 4 : i32
      %mul3A_26 = arith.muli %scan3A_24, %mul3A_25 : i32
      %add3A_27 = arith.constant 0 : i32
      %add3A_28 = arith.addi %mul3A_26, %add3A_27 : i32
      %dma_start3A = arith.constant 0 : i32
      %dma_start3A_29 = arith.constant 0 : i32
      %dma_start3A_30 = arith.constant 0 : i32
      %dma_start3A_31 = arith.constant 0 : i32
      %dma_start3A_32 = tpu.memref_slice %arg14[%dma_start3A, %dma_start3A_30, %dma_start3A_31] : memref<4x128x16xf32, #tpu.memory_space<vmem>> -> memref<1x128x16xf32, #tpu.memory_space<vmem>>
      %dma_start3A_33 = tpu.memref_squeeze %dma_start3A_32 : memref<1x128x16xf32, #tpu.memory_space<vmem>> -> memref<128x16xf32, #tpu.memory_space<vmem>>
      %dma_start3A_34 = arith.constant 0 : i32
      %dma_start3A_35 = tpu.memref_slice %arg13[%add3A_28, %dma_start3A_34] : memref<20x128xi32, #tpu.memory_space<vmem>> -> memref<1x128xi32, #tpu.memory_space<vmem>>
      %dma_start3A_36 = tpu.memref_squeeze %dma_start3A_35 : memref<1x128xi32, #tpu.memory_space<vmem>> -> memref<128xi32, #tpu.memory_space<vmem>>
      %dma_start3A_37 = arith.constant 0 : i32
      %dma_start3A_38 = arith.constant 0 : i32
      %dma_start3A_39 = tpu.memref_slice %arg4[%dma_start3A_37, %dma_start3A_38] : memref<2000x16xf32, #tpu.memory_space<hbm>> -> memref<2000x16xf32, #tpu.memory_space<hbm>>
      %dma_start3A_40 = tpu.memref_slice %arg15[%dma_start3A_29] : memref<4x!tpu.dma_semaphore, #tpu.memory_space<semaphore_mem>> -> memref<1x!tpu.dma_semaphore, #tpu.memory_space<semaphore_mem>>
      %dma_start3A_41 = tpu.memref_squeeze %dma_start3A_40 : memref<1x!tpu.dma_semaphore, #tpu.memory_space<semaphore_mem>> -> memref<!tpu.dma_semaphore, #tpu.memory_space<semaphore_mem>>
      tpu.enqueue_indirect_dma source(%dma_start3A_39 : memref<2000x16xf32, #tpu.memory_space<hbm>>) target(%dma_start3A_33 : memref<128x16xf32, #tpu.memory_space<vmem>>) offsets(%dma_start3A_36 : memref<128xi32, #tpu.memory_space<vmem>>) semaphore(%dma_start3A_41 : memref<!tpu.dma_semaphore, #tpu.memory_space<semaphore_mem>>)
      %mul3A_42 = arith.constant 4 : i32
      %mul3A_43 = arith.muli %scan3A_24, %mul3A_42 : i32
      %add3A_44 = arith.constant 1 : i32
      %add3A_45 = arith.addi %mul3A_43, %add3A_44 : i32
      %dma_start3A_46 = arith.constant 1 : i32
      %dma_start3A_47 = arith.constant 1 : i32
      %dma_start3A_48 = arith.constant 0 : i32
      %dma_start3A_49 = arith.constant 0 : i32
      %dma_start3A_50 = tpu.memref_slice %arg14[%dma_start3A_46, %dma_start3A_48, %dma_start3A_49] : memref<4x128x16xf32, #tpu.memory_space<vmem>> -> memref<1x128x16xf32, #tpu.memory_space<vmem>>
      %dma_start3A_51 = tpu.memref_squeeze %dma_start3A_50 : memref<1x128x16xf32, #tpu.memory_space<vmem>> -> memref<128x16xf32, #tpu.memory_space<vmem>>
      %dma_start3A_52 = arith.constant 0 : i32
      %dma_start3A_53 = tpu.memref_slice %arg13[%add3A_45, %dma_start3A_52] : memref<20x128xi32, #tpu.memory_space<vmem>> -> memref<1x128xi32, #tpu.memory_space<vmem>>
      %dma_start3A_54 = tpu.memref_squeeze %dma_start3A_53 : memref<1x128xi32, #tpu.memory_space<vmem>> -> memref<128xi32, #tpu.memory_space<vmem>>
      %dma_start3A_55 = arith.constant 0 : i32
      %dma_start3A_56 = arith.constant 0 : i32
      %dma_start3A_57 = tpu.memref_slice %arg4[%dma_start3A_55, %dma_start3A_56] : memref<2000x16xf32, #tpu.memory_space<hbm>> -> memref<2000x16xf32, #tpu.memory_space<hbm>>
      %dma_start3A_58 = tpu.memref_slice %arg15[%dma_start3A_47] : memref<4x!tpu.dma_semaphore, #tpu.memory_space<semaphore_mem>> -> memref<1x!tpu.dma_semaphore, #tpu.memory_space<semaphore_mem>>
      %dma_start3A_59 = tpu.memref_squeeze %dma_start3A_58 : memref<1x!tpu.dma_semaphore, #tpu.memory_space<semaphore_mem>> -> memref<!tpu.dma_semaphore, #tpu.memory_space<semaphore_mem>>
      tpu.enqueue_indirect_dma source(%dma_start3A_57 : memref<2000x16xf32, #tpu.memory_space<hbm>>) target(%dma_start3A_51 : memref<128x16xf32, #tpu.memory_space<vmem>>) offsets(%dma_start3A_54 : memref<128xi32, #tpu.memory_space<vmem>>) semaphore(%dma_start3A_59 : memref<!tpu.dma_semaphore, #tpu.memory_space<semaphore_mem>>)
      %mul3A_60 = arith.constant 4 : i32
      %mul3A_61 = arith.muli %scan3A_24, %mul3A_60 : i32
      %add3A_62 = arith.constant 2 : i32
      %add3A_63 = arith.addi %mul3A_61, %add3A_62 : i32
      %dma_start3A_64 = arith.constant 2 : i32
      %dma_start3A_65 = arith.constant 2 : i32
      %dma_start3A_66 = arith.constant 0 : i32
      %dma_start3A_67 = arith.constant 0 : i32
      %dma_start3A_68 = tpu.memref_slice %arg14[%dma_start3A_64, %dma_start3A_66, %dma_start3A_67] : memref<4x128x16xf32, #tpu.memory_space<vmem>> -> memref<1x128x16xf32, #tpu.memory_space<vmem>>
      %dma_start3A_69 = tpu.memref_squeeze %dma_start3A_68 : memref<1x128x16xf32, #tpu.memory_space<vmem>> -> memref<128x16xf32, #tpu.memory_space<vmem>>
      %dma_start3A_70 = arith.constant 0 : i32
      %dma_start3A_71 = tpu.memref_slice %arg13[%add3A_63, %dma_start3A_70] : memref<20x128xi32, #tpu.memory_space<vmem>> -> memref<1x128xi32, #tpu.memory_space<vmem>>
      %dma_start3A_72 = tpu.memref_squeeze %dma_start3A_71 : memref<1x128xi32, #tpu.memory_space<vmem>> -> memref<128xi32, #tpu.memory_space<vmem>>
      %dma_start3A_73 = arith.constant 0 : i32
      %dma_start3A_74 = arith.constant 0 : i32
      %dma_start3A_75 = tpu.memref_slice %arg4[%dma_start3A_73, %dma_start3A_74] : memref<2000x16xf32, #tpu.memory_space<hbm>> -> memref<2000x16xf32, #tpu.memory_space<hbm>>
      %dma_start3A_76 = tpu.memref_slice %arg15[%dma_start3A_65] : memref<4x!tpu.dma_semaphore, #tpu.memory_space<semaphore_mem>> -> memref<1x!tpu.dma_semaphore, #tpu.memory_space<semaphore_mem>>
      %dma_start3A_77 = tpu.memref_squeeze %dma_start3A_76 : memref<1x!tpu.dma_semaphore, #tpu.memory_space<semaphore_mem>> -> memref<!tpu.dma_semaphore, #tpu.memory_space<semaphore_mem>>
      tpu.enqueue_indirect_dma source(%dma_start3A_75 : memref<2000x16xf32, #tpu.memory_space<hbm>>) target(%dma_start3A_69 : memref<128x16xf32, #tpu.memory_space<vmem>>) offsets(%dma_start3A_72 : memref<128xi32, #tpu.memory_space<vmem>>) semaphore(%dma_start3A_77 : memref<!tpu.dma_semaphore, #tpu.memory_space<semaphore_mem>>)
      %mul3A_78 = arith.constant 4 : i32
      %mul3A_79 = arith.muli %scan3A_24, %mul3A_78 : i32
      %add3A_80 = arith.constant 3 : i32
      %add3A_81 = arith.addi %mul3A_79, %add3A_80 : i32
      %dma_start3A_82 = arith.constant 3 : i32
      %dma_start3A_83 = arith.constant 3 : i32
      %dma_start3A_84 = arith.constant 0 : i32
      %dma_start3A_85 = arith.constant 0 : i32
      %dma_start3A_86 = tpu.memref_slice %arg14[%dma_start3A_82, %dma_start3A_84, %dma_start3A_85] : memref<4x128x16xf32, #tpu.memory_space<vmem>> -> memref<1x128x16xf32, #tpu.memory_space<vmem>>
      %dma_start3A_87 = tpu.memref_squeeze %dma_start3A_86 : memref<1x128x16xf32, #tpu.memory_space<vmem>> -> memref<128x16xf32, #tpu.memory_space<vmem>>
      %dma_start3A_88 = arith.constant 0 : i32
      %dma_start3A_89 = tpu.memref_slice %arg13[%add3A_81, %dma_start3A_88] : memref<20x128xi32, #tpu.memory_space<vmem>> -> memref<1x128xi32, #tpu.memory_space<vmem>>
      %dma_start3A_90 = tpu.memref_squeeze %dma_start3A_89 : memref<1x128xi32, #tpu.memory_space<vmem>> -> memref<128xi32, #tpu.memory_space<vmem>>
      %dma_start3A_91 = arith.constant 0 : i32
      %dma_start3A_92 = arith.constant 0 : i32
      %dma_start3A_93 = tpu.memref_slice %arg4[%dma_start3A_91, %dma_start3A_92] : memref<2000x16xf32, #tpu.memory_space<hbm>> -> memref<2000x16xf32, #tpu.memory_space<hbm>>
      %dma_start3A_94 = tpu.memref_slice %arg15[%dma_start3A_83] : memref<4x!tpu.dma_semaphore, #tpu.memory_space<semaphore_mem>> -> memref<1x!tpu.dma_semaphore, #tpu.memory_space<semaphore_mem>>
      %dma_start3A_95 = tpu.memref_squeeze %dma_start3A_94 : memref<1x!tpu.dma_semaphore, #tpu.memory_space<semaphore_mem>> -> memref<!tpu.dma_semaphore, #tpu.memory_space<semaphore_mem>>
      tpu.enqueue_indirect_dma source(%dma_start3A_93 : memref<2000x16xf32, #tpu.memory_space<hbm>>) target(%dma_start3A_87 : memref<128x16xf32, #tpu.memory_space<vmem>>) offsets(%dma_start3A_90 : memref<128xi32, #tpu.memory_space<vmem>>) semaphore(%dma_start3A_95 : memref<!tpu.dma_semaphore, #tpu.memory_space<semaphore_mem>>)
      %dma_wait3A = arith.constant 0 : i32
      %dma_wait3A_96 = arith.constant 0 : i32
      %dma_wait3A_97 = arith.constant 0 : i32
      %dma_wait3A_98 = arith.constant 0 : i32
      %dma_wait3A_99 = tpu.memref_slice %arg14[%dma_wait3A, %dma_wait3A_97, %dma_wait3A_98] : memref<4x128x16xf32, #tpu.memory_space<vmem>> -> memref<1x128x16xf32, #tpu.memory_space<vmem>>
      %dma_wait3A_100 = tpu.memref_squeeze %dma_wait3A_99 : memref<1x128x16xf32, #tpu.memory_space<vmem>> -> memref<128x16xf32, #tpu.memory_space<vmem>>
      %dma_wait3A_101 = arith.constant 0 : i32
      %dma_wait3A_102 = tpu.memref_slice %arg13[%add3A_28, %dma_wait3A_101] : memref<20x128xi32, #tpu.memory_space<vmem>> -> memref<1x128xi32, #tpu.memory_space<vmem>>
      %dma_wait3A_103 = tpu.memref_squeeze %dma_wait3A_102 : memref<1x128xi32, #tpu.memory_space<vmem>> -> memref<128xi32, #tpu.memory_space<vmem>>
      %dma_wait3A_104 = arith.constant 0 : i32
      %dma_wait3A_105 = arith.constant 0 : i32
      %dma_wait3A_106 = tpu.memref_slice %arg4[%dma_wait3A_104, %dma_wait3A_105] : memref<2000x16xf32, #tpu.memory_space<hbm>> -> memref<2000x16xf32, #tpu.memory_space<hbm>>
      %dma_wait3A_107 = tpu.memref_slice %arg15[%dma_wait3A_96] : memref<4x!tpu.dma_semaphore, #tpu.memory_space<semaphore_mem>> -> memref<1x!tpu.dma_semaphore, #tpu.memory_space<semaphore_mem>>
      %dma_wait3A_108 = tpu.memref_squeeze %dma_wait3A_107 : memref<1x!tpu.dma_semaphore, #tpu.memory_space<semaphore_mem>> -> memref<!tpu.dma_semaphore, #tpu.memory_space<semaphore_mem>>
      tpu.wait_indirect_dma semaphore(%dma_wait3A_108 : memref<!tpu.dma_semaphore, #tpu.memory_space<semaphore_mem>>) src(%dma_wait3A_106 : memref<2000x16xf32, #tpu.memory_space<hbm>>) dst(%dma_wait3A_100 : memref<128x16xf32, #tpu.memory_space<vmem>>)
      %mul3A_109 = arith.constant 4 : i32
      %mul3A_110 = arith.muli %scan3A_24, %mul3A_109 : i32
      %add3A_111 = arith.constant 0 : i32
      %add3A_112 = arith.addi %mul3A_110, %add3A_111 : i32
      %mul3A_113 = arith.constant 128 : i32
      %mul3A_114 = arith.muli %add3A_112, %mul3A_113 : i32
      %add3A_115 = arith.addi %mul3A_17, %mul3A_114 : i32
      %dma_start3A_116 = arith.constant 0 : i32
      %dma_start3A_117 = arith.constant 0 : i32
      %dma_start3A_118 = arith.constant 0 : i32
      %dma_start3A_119 = arith.constant 0 : i32
      %dma_start3A_120 = tpu.memref_slice %arg14[%dma_start3A_116, %dma_start3A_118, %dma_start3A_119] : memref<4x128x16xf32, #tpu.memory_space<vmem>> -> memref<1x128x16xf32, #tpu.memory_space<vmem>>
      %dma_start3A_121 = tpu.memref_squeeze %dma_start3A_120 : memref<1x128x16xf32, #tpu.memory_space<vmem>> -> memref<128x16xf32, #tpu.memory_space<vmem>>
      %dma_start3A_122 = arith.constant 0 : i32
      %dma_start3A_123 = tpu.memref_slice %arg10[%add3A_115, %dma_start3A_122] : memref<81920x16xf32, #tpu.memory_space<hbm>> -> memref<128x16xf32, #tpu.memory_space<hbm>>
      %dma_start3A_124 = tpu.memref_slice %arg16[%dma_start3A_117] : memref<4x!tpu.dma_semaphore, #tpu.memory_space<semaphore_mem>> -> memref<1x!tpu.dma_semaphore, #tpu.memory_space<semaphore_mem>>
      %dma_start3A_125 = tpu.memref_squeeze %dma_start3A_124 : memref<1x!tpu.dma_semaphore, #tpu.memory_space<semaphore_mem>> -> memref<!tpu.dma_semaphore, #tpu.memory_space<semaphore_mem>>
      %dma_start3A_126 = arith.constant 0 : i32
      %dma_start3A_127 = tpu.memref_slice %arg10[%add3A_115, %dma_start3A_126] : memref<81920x16xf32, #tpu.memory_space<hbm>> -> memref<128x16xf32, #tpu.memory_space<hbm>>
      %dma_start3A_128 = arith.constant 0 : i32
      %dma_start3A_129 = arith.constant 0 : i32
      %dma_start3A_130 = tpu.memref_slice %arg14[%dma_start3A_116, %dma_start3A_128, %dma_start3A_129] : memref<4x128x16xf32, #tpu.memory_space<vmem>> -> memref<1x128x16xf32, #tpu.memory_space<vmem>>
      %dma_start3A_131 = tpu.memref_squeeze %dma_start3A_130 : memref<1x128x16xf32, #tpu.memory_space<vmem>> -> memref<128x16xf32, #tpu.memory_space<vmem>>
      tpu.enqueue_dma source(%dma_start3A_131 : memref<128x16xf32, #tpu.memory_space<vmem>>) target(%dma_start3A_127 : memref<128x16xf32, #tpu.memory_space<hbm>>) target_semaphore(%dma_start3A_125 : memref<!tpu.dma_semaphore, #tpu.memory_space<semaphore_mem>>)
      %dma_wait3A_132 = arith.constant 1 : i32
      %dma_wait3A_133 = arith.constant 1 : i32
      %dma_wait3A_134 = arith.constant 0 : i32
      %dma_wait3A_135 = arith.constant 0 : i32
      %dma_wait3A_136 = tpu.memref_slice %arg14[%dma_wait3A_132, %dma_wait3A_134, %dma_wait3A_135] : memref<4x128x16xf32, #tpu.memory_space<vmem>> -> memref<1x128x16xf32, #tpu.memory_space<vmem>>
      %dma_wait3A_137 = tpu.memref_squeeze %dma_wait3A_136 : memref<1x128x16xf32, #tpu.memory_space<vmem>> -> memref<128x16xf32, #tpu.memory_space<vmem>>
      %dma_wait3A_138 = arith.constant 0 : i32
      %dma_wait3A_139 = tpu.memref_slice %arg13[%add3A_45, %dma_wait3A_138] : memref<20x128xi32, #tpu.memory_space<vmem>> -> memref<1x128xi32, #tpu.memory_space<vmem>>
      %dma_wait3A_140 = tpu.memref_squeeze %dma_wait3A_139 : memref<1x128xi32, #tpu.memory_space<vmem>> -> memref<128xi32, #tpu.memory_space<vmem>>
      %dma_wait3A_141 = arith.constant 0 : i32
      %dma_wait3A_142 = arith.constant 0 : i32
      %dma_wait3A_143 = tpu.memref_slice %arg4[%dma_wait3A_141, %dma_wait3A_142] : memref<2000x16xf32, #tpu.memory_space<hbm>> -> memref<2000x16xf32, #tpu.memory_space<hbm>>
      %dma_wait3A_144 = tpu.memref_slice %arg15[%dma_wait3A_133] : memref<4x!tpu.dma_semaphore, #tpu.memory_space<semaphore_mem>> -> memref<1x!tpu.dma_semaphore, #tpu.memory_space<semaphore_mem>>
      %dma_wait3A_145 = tpu.memref_squeeze %dma_wait3A_144 : memref<1x!tpu.dma_semaphore, #tpu.memory_space<semaphore_mem>> -> memref<!tpu.dma_semaphore, #tpu.memory_space<semaphore_mem>>
      tpu.wait_indirect_dma semaphore(%dma_wait3A_145 : memref<!tpu.dma_semaphore, #tpu.memory_space<semaphore_mem>>) src(%dma_wait3A_143 : memref<2000x16xf32, #tpu.memory_space<hbm>>) dst(%dma_wait3A_137 : memref<128x16xf32, #tpu.memory_space<vmem>>)
      %mul3A_146 = arith.constant 4 : i32
      %mul3A_147 = arith.muli %scan3A_24, %mul3A_146 : i32
      %add3A_148 = arith.constant 1 : i32
      %add3A_149 = arith.addi %mul3A_147, %add3A_148 : i32
      %mul3A_150 = arith.constant 128 : i32
      %mul3A_151 = arith.muli %add3A_149, %mul3A_150 : i32
      %add3A_152 = arith.addi %mul3A_17, %mul3A_151 : i32
      %dma_start3A_153 = arith.constant 1 : i32
      %dma_start3A_154 = arith.constant 1 : i32
      %dma_start3A_155 = arith.constant 0 : i32
      %dma_start3A_156 = arith.constant 0 : i32
      %dma_start3A_157 = tpu.memref_slice %arg14[%dma_start3A_153, %dma_start3A_155, %dma_start3A_156] : memref<4x128x16xf32, #tpu.memory_space<vmem>> -> memref<1x128x16xf32, #tpu.memory_space<vmem>>
      %dma_start3A_158 = tpu.memref_squeeze %dma_start3A_157 : memref<1x128x16xf32, #tpu.memory_space<vmem>> -> memref<128x16xf32, #tpu.memory_space<vmem>>
      %dma_start3A_159 = arith.constant 0 : i32
      %dma_start3A_160 = tpu.memref_slice %arg10[%add3A_152, %dma_start3A_159] : memref<81920x16xf32, #tpu.memory_space<hbm>> -> memref<128x16xf32, #tpu.memory_space<hbm>>
      %dma_start3A_161 = tpu.memref_slice %arg16[%dma_start3A_154] : memref<4x!tpu.dma_semaphore, #tpu.memory_space<semaphore_mem>> -> memref<1x!tpu.dma_semaphore, #tpu.memory_space<semaphore_mem>>
      %dma_start3A_162 = tpu.memref_squeeze %dma_start3A_161 : memref<1x!tpu.dma_semaphore, #tpu.memory_space<semaphore_mem>> -> memref<!tpu.dma_semaphore, #tpu.memory_space<semaphore_mem>>
      %dma_start3A_163 = arith.constant 0 : i32
      %dma_start3A_164 = tpu.memref_slice %arg10[%add3A_152, %dma_start3A_163] : memref<81920x16xf32, #tpu.memory_space<hbm>> -> memref<128x16xf32, #tpu.memory_space<hbm>>
      %dma_start3A_165 = arith.constant 0 : i32
      %dma_start3A_166 = arith.constant 0 : i32
      %dma_start3A_167 = tpu.memref_slice %arg14[%dma_start3A_153, %dma_start3A_165, %dma_start3A_166] : memref<4x128x16xf32, #tpu.memory_space<vmem>> -> memref<1x128x16xf32, #tpu.memory_space<vmem>>
      %dma_start3A_168 = tpu.memref_squeeze %dma_start3A_167 : memref<1x128x16xf32, #tpu.memory_space<vmem>> -> memref<128x16xf32, #tpu.memory_space<vmem>>
      tpu.enqueue_dma source(%dma_start3A_168 : memref<128x16xf32, #tpu.memory_space<vmem>>) target(%dma_start3A_164 : memref<128x16xf32, #tpu.memory_space<hbm>>) target_semaphore(%dma_start3A_162 : memref<!tpu.dma_semaphore, #tpu.memory_space<semaphore_mem>>)
      %dma_wait3A_169 = arith.constant 2 : i32
      %dma_wait3A_170 = arith.constant 2 : i32
      %dma_wait3A_171 = arith.constant 0 : i32
      %dma_wait3A_172 = arith.constant 0 : i32
      %dma_wait3A_173 = tpu.memref_slice %arg14[%dma_wait3A_169, %dma_wait3A_171, %dma_wait3A_172] : memref<4x128x16xf32, #tpu.memory_space<vmem>> -> memref<1x128x16xf32, #tpu.memory_space<vmem>>
      %dma_wait3A_174 = tpu.memref_squeeze %dma_wait3A_173 : memref<1x128x16xf32, #tpu.memory_space<vmem>> -> memref<128x16xf32, #tpu.memory_space<vmem>>
      %dma_wait3A_175 = arith.constant 0 : i32
      %dma_wait3A_176 = tpu.memref_slice %arg13[%add3A_63, %dma_wait3A_175] : memref<20x128xi32, #tpu.memory_space<vmem>> -> memref<1x128xi32, #tpu.memory_space<vmem>>
      %dma_wait3A_177 = tpu.memref_squeeze %dma_wait3A_176 : memref<1x128xi32, #tpu.memory_space<vmem>> -> memref<128xi32, #tpu.memory_space<vmem>>
      %dma_wait3A_178 = arith.constant 0 : i32
      %dma_wait3A_179 = arith.constant 0 : i32
      %dma_wait3A_180 = tpu.memref_slice %arg4[%dma_wait3A_178, %dma_wait3A_179] : memref<2000x16xf32, #tpu.memory_space<hbm>> -> memref<2000x16xf32, #tpu.memory_space<hbm>>
      %dma_wait3A_181 = tpu.memref_slice %arg15[%dma_wait3A_170] : memref<4x!tpu.dma_semaphore, #tpu.memory_space<semaphore_mem>> -> memref<1x!tpu.dma_semaphore, #tpu.memory_space<semaphore_mem>>
      %dma_wait3A_182 = tpu.memref_squeeze %dma_wait3A_181 : memref<1x!tpu.dma_semaphore, #tpu.memory_space<semaphore_mem>> -> memref<!tpu.dma_semaphore, #tpu.memory_space<semaphore_mem>>
      tpu.wait_indirect_dma semaphore(%dma_wait3A_182 : memref<!tpu.dma_semaphore, #tpu.memory_space<semaphore_mem>>) src(%dma_wait3A_180 : memref<2000x16xf32, #tpu.memory_space<hbm>>) dst(%dma_wait3A_174 : memref<128x16xf32, #tpu.memory_space<vmem>>)
      %mul3A_183 = arith.constant 4 : i32
      %mul3A_184 = arith.muli %scan3A_24, %mul3A_183 : i32
      %add3A_185 = arith.constant 2 : i32
      %add3A_186 = arith.addi %mul3A_184, %add3A_185 : i32
      %mul3A_187 = arith.constant 128 : i32
      %mul3A_188 = arith.muli %add3A_186, %mul3A_187 : i32
      %add3A_189 = arith.addi %mul3A_17, %mul3A_188 : i32
      %dma_start3A_190 = arith.constant 2 : i32
      %dma_start3A_191 = arith.constant 2 : i32
      %dma_start3A_192 = arith.constant 0 : i32
      %dma_start3A_193 = arith.constant 0 : i32
      %dma_start3A_194 = tpu.memref_slice %arg14[%dma_start3A_190, %dma_start3A_192, %dma_start3A_193] : memref<4x128x16xf32, #tpu.memory_space<vmem>> -> memref<1x128x16xf32, #tpu.memory_space<vmem>>
      %dma_start3A_195 = tpu.memref_squeeze %dma_start3A_194 : memref<1x128x16xf32, #tpu.memory_space<vmem>> -> memref<128x16xf32, #tpu.memory_space<vmem>>
      %dma_start3A_196 = arith.constant 0 : i32
      %dma_start3A_197 = tpu.memref_slice %arg10[%add3A_189, %dma_start3A_196] : memref<81920x16xf32, #tpu.memory_space<hbm>> -> memref<128x16xf32, #tpu.memory_space<hbm>>
      %dma_start3A_198 = tpu.memref_slice %arg16[%dma_start3A_191] : memref<4x!tpu.dma_semaphore, #tpu.memory_space<semaphore_mem>> -> memref<1x!tpu.dma_semaphore, #tpu.memory_space<semaphore_mem>>
      %dma_start3A_199 = tpu.memref_squeeze %dma_start3A_198 : memref<1x!tpu.dma_semaphore, #tpu.memory_space<semaphore_mem>> -> memref<!tpu.dma_semaphore, #tpu.memory_space<semaphore_mem>>
      %dma_start3A_200 = arith.constant 0 : i32
      %dma_start3A_201 = tpu.memref_slice %arg10[%add3A_189, %dma_start3A_200] : memref<81920x16xf32, #tpu.memory_space<hbm>> -> memref<128x16xf32, #tpu.memory_space<hbm>>
      %dma_start3A_202 = arith.constant 0 : i32
      %dma_start3A_203 = arith.constant 0 : i32
      %dma_start3A_204 = tpu.memref_slice %arg14[%dma_start3A_190, %dma_start3A_202, %dma_start3A_203] : memref<4x128x16xf32, #tpu.memory_space<vmem>> -> memref<1x128x16xf32, #tpu.memory_space<vmem>>
      %dma_start3A_205 = tpu.memref_squeeze %dma_start3A_204 : memref<1x128x16xf32, #tpu.memory_space<vmem>> -> memref<128x16xf32, #tpu.memory_space<vmem>>
      tpu.enqueue_dma source(%dma_start3A_205 : memref<128x16xf32, #tpu.memory_space<vmem>>) target(%dma_start3A_201 : memref<128x16xf32, #tpu.memory_space<hbm>>) target_semaphore(%dma_start3A_199 : memref<!tpu.dma_semaphore, #tpu.memory_space<semaphore_mem>>)
      %dma_wait3A_206 = arith.constant 3 : i32
      %dma_wait3A_207 = arith.constant 3 : i32
      %dma_wait3A_208 = arith.constant 0 : i32
      %dma_wait3A_209 = arith.constant 0 : i32
      %dma_wait3A_210 = tpu.memref_slice %arg14[%dma_wait3A_206, %dma_wait3A_208, %dma_wait3A_209] : memref<4x128x16xf32, #tpu.memory_space<vmem>> -> memref<1x128x16xf32, #tpu.memory_space<vmem>>
      %dma_wait3A_211 = tpu.memref_squeeze %dma_wait3A_210 : memref<1x128x16xf32, #tpu.memory_space<vmem>> -> memref<128x16xf32, #tpu.memory_space<vmem>>
      %dma_wait3A_212 = arith.constant 0 : i32
      %dma_wait3A_213 = tpu.memref_slice %arg13[%add3A_81, %dma_wait3A_212] : memref<20x128xi32, #tpu.memory_space<vmem>> -> memref<1x128xi32, #tpu.memory_space<vmem>>
      %dma_wait3A_214 = tpu.memref_squeeze %dma_wait3A_213 : memref<1x128xi32, #tpu.memory_space<vmem>> -> memref<128xi32, #tpu.memory_space<vmem>>
      %dma_wait3A_215 = arith.constant 0 : i32
      %dma_wait3A_216 = arith.constant 0 : i32
      %dma_wait3A_217 = tpu.memref_slice %arg4[%dma_wait3A_215, %dma_wait3A_216] : memref<2000x16xf32, #tpu.memory_space<hbm>> -> memref<2000x16xf32, #tpu.memory_space<hbm>>
      %dma_wait3A_218 = tpu.memref_slice %arg15[%dma_wait3A_207] : memref<4x!tpu.dma_semaphore, #tpu.memory_space<semaphore_mem>> -> memref<1x!tpu.dma_semaphore, #tpu.memory_space<semaphore_mem>>
      %dma_wait3A_219 = tpu.memref_squeeze %dma_wait3A_218 : memref<1x!tpu.dma_semaphore, #tpu.memory_space<semaphore_mem>> -> memref<!tpu.dma_semaphore, #tpu.memory_space<semaphore_mem>>
      tpu.wait_indirect_dma semaphore(%dma_wait3A_219 : memref<!tpu.dma_semaphore, #tpu.memory_space<semaphore_mem>>) src(%dma_wait3A_217 : memref<2000x16xf32, #tpu.memory_space<hbm>>) dst(%dma_wait3A_211 : memref<128x16xf32, #tpu.memory_space<vmem>>)
      %mul3A_220 = arith.constant 4 : i32
      %mul3A_221 = arith.muli %scan3A_24, %mul3A_220 : i32
      %add3A_222 = arith.constant 3 : i32
      %add3A_223 = arith.addi %mul3A_221, %add3A_222 : i32
      %mul3A_224 = arith.constant 128 : i32
      %mul3A_225 = arith.muli %add3A_223, %mul3A_224 : i32
      %add3A_226 = arith.addi %mul3A_17, %mul3A_225 : i32
      %dma_start3A_227 = arith.constant 3 : i32
      %dma_start3A_228 = arith.constant 3 : i32
      %dma_start3A_229 = arith.constant 0 : i32
      %dma_start3A_230 = arith.constant 0 : i32
      %dma_start3A_231 = tpu.memref_slice %arg14[%dma_start3A_227, %dma_start3A_229, %dma_start3A_230] : memref<4x128x16xf32, #tpu.memory_space<vmem>> -> memref<1x128x16xf32, #tpu.memory_space<vmem>>
      %dma_start3A_232 = tpu.memref_squeeze %dma_start3A_231 : memref<1x128x16xf32, #tpu.memory_space<vmem>> -> memref<128x16xf32, #tpu.memory_space<vmem>>
      %dma_start3A_233 = arith.constant 0 : i32
      %dma_start3A_234 = tpu.memref_slice %arg10[%add3A_226, %dma_start3A_233] : memref<81920x16xf32, #tpu.memory_space<hbm>> -> memref<128x16xf32, #tpu.memory_space<hbm>>
      %dma_start3A_235 = tpu.memref_slice %arg16[%dma_start3A_228] : memref<4x!tpu.dma_semaphore, #tpu.memory_space<semaphore_mem>> -> memref<1x!tpu.dma_semaphore, #tpu.memory_space<semaphore_mem>>
      %dma_start3A_236 = tpu.memref_squeeze %dma_start3A_235 : memref<1x!tpu.dma_semaphore, #tpu.memory_space<semaphore_mem>> -> memref<!tpu.dma_semaphore, #tpu.memory_space<semaphore_mem>>
      %dma_start3A_237 = arith.constant 0 : i32
      %dma_start3A_238 = tpu.memref_slice %arg10[%add3A_226, %dma_start3A_237] : memref<81920x16xf32, #tpu.memory_space<hbm>> -> memref<128x16xf32, #tpu.memory_space<hbm>>
      %dma_start3A_239 = arith.constant 0 : i32
      %dma_start3A_240 = arith.constant 0 : i32
      %dma_start3A_241 = tpu.memref_slice %arg14[%dma_start3A_227, %dma_start3A_239, %dma_start3A_240] : memref<4x128x16xf32, #tpu.memory_space<vmem>> -> memref<1x128x16xf32, #tpu.memory_space<vmem>>
      %dma_start3A_242 = tpu.memref_squeeze %dma_start3A_241 : memref<1x128x16xf32, #tpu.memory_space<vmem>> -> memref<128x16xf32, #tpu.memory_space<vmem>>
      tpu.enqueue_dma source(%dma_start3A_242 : memref<128x16xf32, #tpu.memory_space<vmem>>) target(%dma_start3A_238 : memref<128x16xf32, #tpu.memory_space<hbm>>) target_semaphore(%dma_start3A_236 : memref<!tpu.dma_semaphore, #tpu.memory_space<semaphore_mem>>)
      %dma_wait3A_243 = arith.constant 0 : i32
      %dma_wait3A_244 = arith.constant 0 : i32
      %dma_wait3A_245 = arith.constant 0 : i32
      %dma_wait3A_246 = arith.constant 0 : i32
      %dma_wait3A_247 = tpu.memref_slice %arg14[%dma_wait3A_243, %dma_wait3A_245, %dma_wait3A_246] : memref<4x128x16xf32, #tpu.memory_space<vmem>> -> memref<1x128x16xf32, #tpu.memory_space<vmem>>
      %dma_wait3A_248 = tpu.memref_squeeze %dma_wait3A_247 : memref<1x128x16xf32, #tpu.memory_space<vmem>> -> memref<128x16xf32, #tpu.memory_space<vmem>>
      %dma_wait3A_249 = arith.constant 0 : i32
      %dma_wait3A_250 = tpu.memref_slice %arg10[%add3A_115, %dma_wait3A_249] : memref<81920x16xf32, #tpu.memory_space<hbm>> -> memref<128x16xf32, #tpu.memory_space<hbm>>
      %dma_wait3A_251 = tpu.memref_slice %arg16[%dma_wait3A_244] : memref<4x!tpu.dma_semaphore, #tpu.memory_space<semaphore_mem>> -> memref<1x!tpu.dma_semaphore, #tpu.memory_space<semaphore_mem>>
      %dma_wait3A_252 = tpu.memref_squeeze %dma_wait3A_251 : memref<1x!tpu.dma_semaphore, #tpu.memory_space<semaphore_mem>> -> memref<!tpu.dma_semaphore, #tpu.memory_space<semaphore_mem>>
      %dma_wait3A_253 = arith.constant 0 : i32
      %dma_wait3A_254 = tpu.memref_slice %arg10[%add3A_115, %dma_wait3A_253] : memref<81920x16xf32, #tpu.memory_space<hbm>> -> memref<128x16xf32, #tpu.memory_space<hbm>>
      %dma_wait3A_255 = arith.constant 0 : i32
      %dma_wait3A_256 = arith.constant 0 : i32
      %dma_wait3A_257 = tpu.memref_slice %arg14[%dma_wait3A_243, %dma_wait3A_255, %dma_wait3A_256] : memref<4x128x16xf32, #tpu.memory_space<vmem>> -> memref<1x128x16xf32, #tpu.memory_space<vmem>>
      %dma_wait3A_258 = tpu.memref_squeeze %dma_wait3A_257 : memref<1x128x16xf32, #tpu.memory_space<vmem>> -> memref<128x16xf32, #tpu.memory_space<vmem>>
      tpu.wait_dma2 semaphore(%dma_wait3A_252 : memref<!tpu.dma_semaphore, #tpu.memory_space<semaphore_mem>>) src(%dma_wait3A_258 : memref<128x16xf32, #tpu.memory_space<vmem>>) dst(%dma_wait3A_254 : memref<128x16xf32, #tpu.memory_space<hbm>>)
      %dma_wait3A_259 = arith.constant 1 : i32
      %dma_wait3A_260 = arith.constant 1 : i32
      %dma_wait3A_261 = arith.constant 0 : i32
      %dma_wait3A_262 = arith.constant 0 : i32
      %dma_wait3A_263 = tpu.memref_slice %arg14[%dma_wait3A_259, %dma_wait3A_261, %dma_wait3A_262] : memref<4x128x16xf32, #tpu.memory_space<vmem>> -> memref<1x128x16xf32, #tpu.memory_space<vmem>>
      %dma_wait3A_264 = tpu.memref_squeeze %dma_wait3A_263 : memref<1x128x16xf32, #tpu.memory_space<vmem>> -> memref<128x16xf32, #tpu.memory_space<vmem>>
      %dma_wait3A_265 = arith.constant 0 : i32
      %dma_wait3A_266 = tpu.memref_slice %arg10[%add3A_152, %dma_wait3A_265] : memref<81920x16xf32, #tpu.memory_space<hbm>> -> memref<128x16xf32, #tpu.memory_space<hbm>>
      %dma_wait3A_267 = tpu.memref_slice %arg16[%dma_wait3A_260] : memref<4x!tpu.dma_semaphore, #tpu.memory_space<semaphore_mem>> -> memref<1x!tpu.dma_semaphore, #tpu.memory_space<semaphore_mem>>
      %dma_wait3A_268 = tpu.memref_squeeze %dma_wait3A_267 : memref<1x!tpu.dma_semaphore, #tpu.memory_space<semaphore_mem>> -> memref<!tpu.dma_semaphore, #tpu.memory_space<semaphore_mem>>
      %dma_wait3A_269 = arith.constant 0 : i32
      %dma_wait3A_270 = tpu.memref_slice %arg10[%add3A_152, %dma_wait3A_269] : memref<81920x16xf32, #tpu.memory_space<hbm>> -> memref<128x16xf32, #tpu.memory_space<hbm>>
      %dma_wait3A_271 = arith.constant 0 : i32
      %dma_wait3A_272 = arith.constant 0 : i32
      %dma_wait3A_273 = tpu.memref_slice %arg14[%dma_wait3A_259, %dma_wait3A_271, %dma_wait3A_272] : memref<4x128x16xf32, #tpu.memory_space<vmem>> -> memref<1x128x16xf32, #tpu.memory_space<vmem>>
      %dma_wait3A_274 = tpu.memref_squeeze %dma_wait3A_273 : memref<1x128x16xf32, #tpu.memory_space<vmem>> -> memref<128x16xf32, #tpu.memory_space<vmem>>
      tpu.wait_dma2 semaphore(%dma_wait3A_268 : memref<!tpu.dma_semaphore, #tpu.memory_space<semaphore_mem>>) src(%dma_wait3A_274 : memref<128x16xf32, #tpu.memory_space<vmem>>) dst(%dma_wait3A_270 : memref<128x16xf32, #tpu.memory_space<hbm>>)
      %dma_wait3A_275 = arith.constant 2 : i32
      %dma_wait3A_276 = arith.constant 2 : i32
      %dma_wait3A_277 = arith.constant 0 : i32
      %dma_wait3A_278 = arith.constant 0 : i32
      %dma_wait3A_279 = tpu.memref_slice %arg14[%dma_wait3A_275, %dma_wait3A_277, %dma_wait3A_278] : memref<4x128x16xf32, #tpu.memory_space<vmem>> -> memref<1x128x16xf32, #tpu.memory_space<vmem>>
      %dma_wait3A_280 = tpu.memref_squeeze %dma_wait3A_279 : memref<1x128x16xf32, #tpu.memory_space<vmem>> -> memref<128x16xf32, #tpu.memory_space<vmem>>
      %dma_wait3A_281 = arith.constant 0 : i32
      %dma_wait3A_282 = tpu.memref_slice %arg10[%add3A_189, %dma_wait3A_281] : memref<81920x16xf32, #tpu.memory_space<hbm>> -> memref<128x16xf32, #tpu.memory_space<hbm>>
      %dma_wait3A_283 = tpu.memref_slice %arg16[%dma_wait3A_276] : memref<4x!tpu.dma_semaphore, #tpu.memory_space<semaphore_mem>> -> memref<1x!tpu.dma_semaphore, #tpu.memory_space<semaphore_mem>>
      %dma_wait3A_284 = tpu.memref_squeeze %dma_wait3A_283 : memref<1x!tpu.dma_semaphore, #tpu.memory_space<semaphore_mem>> -> memref<!tpu.dma_semaphore, #tpu.memory_space<semaphore_mem>>
      %dma_wait3A_285 = arith.constant 0 : i32
      %dma_wait3A_286 = tpu.memref_slice %arg10[%add3A_189, %dma_wait3A_285] : memref<81920x16xf32, #tpu.memory_space<hbm>> -> memref<128x16xf32, #tpu.memory_space<hbm>>
      %dma_wait3A_287 = arith.constant 0 : i32
      %dma_wait3A_288 = arith.constant 0 : i32
      %dma_wait3A_289 = tpu.memref_slice %arg14[%dma_wait3A_275, %dma_wait3A_287, %dma_wait3A_288] : memref<4x128x16xf32, #tpu.memory_space<vmem>> -> memref<1x128x16xf32, #tpu.memory_space<vmem>>
      %dma_wait3A_290 = tpu.memref_squeeze %dma_wait3A_289 : memref<1x128x16xf32, #tpu.memory_space<vmem>> -> memref<128x16xf32, #tpu.memory_space<vmem>>
      tpu.wait_dma2 semaphore(%dma_wait3A_284 : memref<!tpu.dma_semaphore, #tpu.memory_space<semaphore_mem>>) src(%dma_wait3A_290 : memref<128x16xf32, #tpu.memory_space<vmem>>) dst(%dma_wait3A_286 : memref<128x16xf32, #tpu.memory_space<hbm>>)
      %dma_wait3A_291 = arith.constant 3 : i32
      %dma_wait3A_292 = arith.constant 3 : i32
      %dma_wait3A_293 = arith.constant 0 : i32
      %dma_wait3A_294 = arith.constant 0 : i32
      %dma_wait3A_295 = tpu.memref_slice %arg14[%dma_wait3A_291, %dma_wait3A_293, %dma_wait3A_294] : memref<4x128x16xf32, #tpu.memory_space<vmem>> -> memref<1x128x16xf32, #tpu.memory_space<vmem>>
      %dma_wait3A_296 = tpu.memref_squeeze %dma_wait3A_295 : memref<1x128x16xf32, #tpu.memory_space<vmem>> -> memref<128x16xf32, #tpu.memory_space<vmem>>
      %dma_wait3A_297 = arith.constant 0 : i32
      %dma_wait3A_298 = tpu.memref_slice %arg10[%add3A_226, %dma_wait3A_297] : memref<81920x16xf32, #tpu.memory_space<hbm>> -> memref<128x16xf32, #tpu.memory_space<hbm>>
      %dma_wait3A_299 = tpu.memref_slice %arg16[%dma_wait3A_292] : memref<4x!tpu.dma_semaphore, #tpu.memory_space<semaphore_mem>> -> memref<1x!tpu.dma_semaphore, #tpu.memory_space<semaphore_mem>>
      %dma_wait3A_300 = tpu.memref_squeeze %dma_wait3A_299 : memref<1x!tpu.dma_semaphore, #tpu.memory_space<semaphore_mem>> -> memref<!tpu.dma_semaphore, #tpu.memory_space<semaphore_mem>>
      %dma_wait3A_301 = arith.constant 0 : i32
      %dma_wait3A_302 = tpu.memref_slice %arg10[%add3A_226, %dma_wait3A_301] : memref<81920x16xf32, #tpu.memory_space<hbm>> -> memref<128x16xf32, #tpu.memory_space<hbm>>
      %dma_wait3A_303 = arith.constant 0 : i32
      %dma_wait3A_304 = arith.constant 0 : i32
      %dma_wait3A_305 = tpu.memref_slice %arg14[%dma_wait3A_291, %dma_wait3A_303, %dma_wait3A_304] : memref<4x128x16xf32, #tpu.memory_space<vmem>> -> memref<1x128x16xf32, #tpu.memory_space<vmem>>
      %dma_wait3A_306 = tpu.memref_squeeze %dma_wait3A_305 : memref<1x128x16xf32, #tpu.memory_space<vmem>> -> memref<128x16xf32, #tpu.memory_space<vmem>>
      tpu.wait_dma2 semaphore(%dma_wait3A_300 : memref<!tpu.dma_semaphore, #tpu.memory_space<semaphore_mem>>) src(%dma_wait3A_306 : memref<128x16xf32, #tpu.memory_space<vmem>>) dst(%dma_wait3A_302 : memref<128x16xf32, #tpu.memory_space<hbm>>)
    }
    %scan3A_23 = arith.constant 5 : i32
    return
  }
}

#map = affine_map<(d0, d1) -> (0, 0)>
#map1 = affine_map<(d0, d1) -> (0, 0, 0)>
module attributes {stable_mosaic.version = 14 : i64} {
  func.func @_scatter_body(%arg0: i32, %arg1: i32, %arg2: memref<163840x32xf32, #tpu.memory_space<hbm>>, %arg3: memref<81920x32xf32, #tpu.memory_space<hbm>>, %arg4: memref<32x40x128xi32, #tpu.memory_space<hbm>>, %arg5: memref<32x20x128xi32, #tpu.memory_space<hbm>>, %arg6: memref<2x10112x32xf32, #tpu.memory_space<hbm>>, %arg7: memref<2x10112x32xf32, #tpu.memory_space<hbm>>, %arg8: memref<40x128xi32, #tpu.memory_space<vmem>>, %arg9: memref<20x128xi32, #tpu.memory_space<vmem>>, %arg10: memref<4x128x32xf32, #tpu.memory_space<vmem>>, %arg11: memref<632x32xf32, #tpu.memory_space<vmem>>, %arg12: memref<10112x32xf32, #tpu.memory_space<vmem_shared>>, %arg13: memref<10112x32xf32, #tpu.memory_space<vmem_shared>>, %arg14: memref<4x!tpu.dma_semaphore, #tpu.memory_space<semaphore_mem>>, %arg15: memref<4x!tpu.dma_semaphore, #tpu.memory_space<semaphore_mem>>) attributes {dimension_semantics = [#tpu.dimension_semantics<core_parallel>, #tpu.dimension_semantics<subcore_parallel>], iteration_bounds = array<i64: 2, 16>, scalar_prefetch = 0 : i64, scratch_operands = 8 : i64, tpu.core_type = #tpu.core_type<sc_vector_subcore>, window_params = [{transform_indices = #map}, {transform_indices = #map}, {transform_indices = #map1}, {transform_indices = #map1}, {transform_indices = #map1}, {transform_indices = #map1}]} {
    %mul3A = arith.constant 16 : i32
    %mul3A_0 = arith.muli %arg0, %mul3A : i32
    %add3A = arith.addi %mul3A_0, %arg1 : i32
    %mul3A_1 = arith.constant 632 : i32
    %mul3A_2 = arith.muli %arg1, %mul3A_1 : i32
    "tpu.region"() ({
      %run_scoped3A = tpu.sem_alloc : memref<!tpu.dma_semaphore, #tpu.memory_space<semaphore_mem>>
      %dma_start3A = arith.constant 0 : i32
      %dma_start3A_26 = arith.constant 0 : i32
      %dma_start3A_27 = tpu.memref_slice %arg4[%add3A, %dma_start3A, %dma_start3A_26] : memref<32x40x128xi32, #tpu.memory_space<hbm>> -> memref<1x40x128xi32, #tpu.memory_space<hbm>>
      %dma_start3A_28 = tpu.memref_squeeze %dma_start3A_27 : memref<1x40x128xi32, #tpu.memory_space<hbm>> -> memref<40x128xi32, #tpu.memory_space<hbm>>
      %dma_start3A_29 = arith.constant 0 : i32
      %dma_start3A_30 = arith.constant 0 : i32
      %dma_start3A_31 = tpu.memref_slice %arg4[%add3A, %dma_start3A_29, %dma_start3A_30] : memref<32x40x128xi32, #tpu.memory_space<hbm>> -> memref<1x40x128xi32, #tpu.memory_space<hbm>>
      %dma_start3A_32 = tpu.memref_squeeze %dma_start3A_31 : memref<1x40x128xi32, #tpu.memory_space<hbm>> -> memref<40x128xi32, #tpu.memory_space<hbm>>
      tpu.enqueue_dma source(%dma_start3A_32 : memref<40x128xi32, #tpu.memory_space<hbm>>) target(%arg8 : memref<40x128xi32, #tpu.memory_space<vmem>>) target_semaphore(%run_scoped3A : memref<!tpu.dma_semaphore, #tpu.memory_space<semaphore_mem>>)
      %dma_wait3A = arith.constant 0 : i32
      %dma_wait3A_33 = arith.constant 0 : i32
      %dma_wait3A_34 = tpu.memref_slice %arg4[%add3A, %dma_wait3A, %dma_wait3A_33] : memref<32x40x128xi32, #tpu.memory_space<hbm>> -> memref<1x40x128xi32, #tpu.memory_space<hbm>>
      %dma_wait3A_35 = tpu.memref_squeeze %dma_wait3A_34 : memref<1x40x128xi32, #tpu.memory_space<hbm>> -> memref<40x128xi32, #tpu.memory_space<hbm>>
      %dma_wait3A_36 = arith.constant 0 : i32
      %dma_wait3A_37 = arith.constant 0 : i32
      %dma_wait3A_38 = tpu.memref_slice %arg4[%add3A, %dma_wait3A_36, %dma_wait3A_37] : memref<32x40x128xi32, #tpu.memory_space<hbm>> -> memref<1x40x128xi32, #tpu.memory_space<hbm>>
      %dma_wait3A_39 = tpu.memref_squeeze %dma_wait3A_38 : memref<1x40x128xi32, #tpu.memory_space<hbm>> -> memref<40x128xi32, #tpu.memory_space<hbm>>
      tpu.wait_dma2 semaphore(%run_scoped3A : memref<!tpu.dma_semaphore, #tpu.memory_space<semaphore_mem>>) src(%dma_wait3A_39 : memref<40x128xi32, #tpu.memory_space<hbm>>) dst(%arg8 : memref<40x128xi32, #tpu.memory_space<vmem>>)
      tpu.yield
    }) : () -> ()
    "tpu.region"() ({
      %run_scoped3A = tpu.sem_alloc : memref<!tpu.dma_semaphore, #tpu.memory_space<semaphore_mem>>
      %dma_start3A = arith.constant 0 : i32
      %dma_start3A_26 = arith.constant 0 : i32
      %dma_start3A_27 = tpu.memref_slice %arg5[%add3A, %dma_start3A, %dma_start3A_26] : memref<32x20x128xi32, #tpu.memory_space<hbm>> -> memref<1x20x128xi32, #tpu.memory_space<hbm>>
      %dma_start3A_28 = tpu.memref_squeeze %dma_start3A_27 : memref<1x20x128xi32, #tpu.memory_space<hbm>> -> memref<20x128xi32, #tpu.memory_space<hbm>>
      %dma_start3A_29 = arith.constant 0 : i32
      %dma_start3A_30 = arith.constant 0 : i32
      %dma_start3A_31 = tpu.memref_slice %arg5[%add3A, %dma_start3A_29, %dma_start3A_30] : memref<32x20x128xi32, #tpu.memory_space<hbm>> -> memref<1x20x128xi32, #tpu.memory_space<hbm>>
      %dma_start3A_32 = tpu.memref_squeeze %dma_start3A_31 : memref<1x20x128xi32, #tpu.memory_space<hbm>> -> memref<20x128xi32, #tpu.memory_space<hbm>>
      tpu.enqueue_dma source(%dma_start3A_32 : memref<20x128xi32, #tpu.memory_space<hbm>>) target(%arg9 : memref<20x128xi32, #tpu.memory_space<vmem>>) target_semaphore(%run_scoped3A : memref<!tpu.dma_semaphore, #tpu.memory_space<semaphore_mem>>)
      %dma_wait3A = arith.constant 0 : i32
      %dma_wait3A_33 = arith.constant 0 : i32
      %dma_wait3A_34 = tpu.memref_slice %arg5[%add3A, %dma_wait3A, %dma_wait3A_33] : memref<32x20x128xi32, #tpu.memory_space<hbm>> -> memref<1x20x128xi32, #tpu.memory_space<hbm>>
      %dma_wait3A_35 = tpu.memref_squeeze %dma_wait3A_34 : memref<1x20x128xi32, #tpu.memory_space<hbm>> -> memref<20x128xi32, #tpu.memory_space<hbm>>
      %dma_wait3A_36 = arith.constant 0 : i32
      %dma_wait3A_37 = arith.constant 0 : i32
      %dma_wait3A_38 = tpu.memref_slice %arg5[%add3A, %dma_wait3A_36, %dma_wait3A_37] : memref<32x20x128xi32, #tpu.memory_space<hbm>> -> memref<1x20x128xi32, #tpu.memory_space<hbm>>
      %dma_wait3A_39 = tpu.memref_squeeze %dma_wait3A_38 : memref<1x20x128xi32, #tpu.memory_space<hbm>> -> memref<20x128xi32, #tpu.memory_space<hbm>>
      tpu.wait_dma2 semaphore(%run_scoped3A : memref<!tpu.dma_semaphore, #tpu.memory_space<semaphore_mem>>) src(%dma_wait3A_39 : memref<20x128xi32, #tpu.memory_space<hbm>>) dst(%arg9 : memref<20x128xi32, #tpu.memory_space<vmem>>)
      tpu.yield
    }) : () -> ()
    %broadcast_in_dim3A = arith.constant 0.000000e+00 : f32
    %broadcast_in_dim3A_3 = vector.broadcast %broadcast_in_dim3A : f32 to vector<16xf32>
    %scan3A = arith.constant 0 : i32
    %scan3A_4 = arith.constant 0 : i32
    %scan3A_5 = arith.constant 632 : i32
    %scan3A_6 = arith.addi %scan3A_4, %scan3A_5 : i32
    %scan3A_7 = arith.constant 1 : i32
    scf.for %scan3A_26 = %scan3A_4 to %scan3A_6 step %scan3A_7  : i32 {
      %swap3A = arith.index_cast %scan3A_26 : i32 to index
      %swap3A_27 = arith.constant 0 : index
      %swap3A_28 = tpu.vector_load %arg11[%swap3A, %swap3A_27] {strides = array<i32>} : memref<632x32xf32, #tpu.memory_space<vmem>>, vector<1x16xf32>,
      %swap3A_29 = vector.shape_cast %swap3A_28 : vector<1x16xf32> to vector<16xf32>
      %swap3A_30 = vector.shape_cast %broadcast_in_dim3A_3 : vector<16xf32> to vector<1x16xf32>
      tpu.vector_store %arg11[%swap3A, %swap3A_27], %swap3A_30 {strides = array<i32>} : memref<632x32xf32, #tpu.memory_space<vmem>>, vector<1x16xf32>,
      %swap3A_31 = arith.index_cast %scan3A_26 : i32 to index
      %swap3A_32 = arith.constant 16 : index
      %swap3A_33 = tpu.vector_load %arg11[%swap3A_31, %swap3A_32] {strides = array<i32>} : memref<632x32xf32, #tpu.memory_space<vmem>>, vector<1x16xf32>,
      %swap3A_34 = vector.shape_cast %swap3A_33 : vector<1x16xf32> to vector<16xf32>
      %swap3A_35 = vector.shape_cast %broadcast_in_dim3A_3 : vector<16xf32> to vector<1x16xf32>
      tpu.vector_store %arg11[%swap3A_31, %swap3A_32], %swap3A_35 {strides = array<i32>} : memref<632x32xf32, #tpu.memory_space<vmem>>, vector<1x16xf32>,
    }
    %scan3A_8 = arith.constant 632 : i32
    "tpu.region"() ({
      %run_scoped3A = tpu.sem_alloc : memref<!tpu.dma_semaphore, #tpu.memory_space<semaphore_mem>>
      %dma_start3A = arith.constant 0 : i32
      %dma_start3A_26 = tpu.memref_slice %arg12[%mul3A_2, %dma_start3A] : memref<10112x32xf32, #tpu.memory_space<vmem_shared>> -> memref<632x32xf32, #tpu.memory_space<vmem_shared>>
      %dma_start3A_27 = arith.constant 0 : i32
      %dma_start3A_28 = tpu.memref_slice %arg12[%mul3A_2, %dma_start3A_27] : memref<10112x32xf32, #tpu.memory_space<vmem_shared>> -> memref<632x32xf32, #tpu.memory_space<vmem_shared>>
      tpu.enqueue_dma source(%arg11 : memref<632x32xf32, #tpu.memory_space<vmem>>) target(%dma_start3A_28 : memref<632x32xf32, #tpu.memory_space<vmem_shared>>) target_semaphore(%run_scoped3A : memref<!tpu.dma_semaphore, #tpu.memory_space<semaphore_mem>>)
      %dma_wait3A = arith.constant 0 : i32
      %dma_wait3A_29 = tpu.memref_slice %arg12[%mul3A_2, %dma_wait3A] : memref<10112x32xf32, #tpu.memory_space<vmem_shared>> -> memref<632x32xf32, #tpu.memory_space<vmem_shared>>
      %dma_wait3A_30 = arith.constant 0 : i32
      %dma_wait3A_31 = tpu.memref_slice %arg12[%mul3A_2, %dma_wait3A_30] : memref<10112x32xf32, #tpu.memory_space<vmem_shared>> -> memref<632x32xf32, #tpu.memory_space<vmem_shared>>
      tpu.wait_dma2 semaphore(%run_scoped3A : memref<!tpu.dma_semaphore, #tpu.memory_space<semaphore_mem>>) src(%arg11 : memref<632x32xf32, #tpu.memory_space<vmem>>) dst(%dma_wait3A_31 : memref<632x32xf32, #tpu.memory_space<vmem_shared>>)
      tpu.yield
    }) : () -> ()
    "tpu.region"() ({
      %run_scoped3A = tpu.sem_alloc : memref<!tpu.dma_semaphore, #tpu.memory_space<semaphore_mem>>
      %dma_start3A = arith.constant 0 : i32
      %dma_start3A_26 = tpu.memref_slice %arg13[%mul3A_2, %dma_start3A] : memref<10112x32xf32, #tpu.memory_space<vmem_shared>> -> memref<632x32xf32, #tpu.memory_space<vmem_shared>>
      %dma_start3A_27 = arith.constant 0 : i32
      %dma_start3A_28 = tpu.memref_slice %arg13[%mul3A_2, %dma_start3A_27] : memref<10112x32xf32, #tpu.memory_space<vmem_shared>> -> memref<632x32xf32, #tpu.memory_space<vmem_shared>>
      tpu.enqueue_dma source(%arg11 : memref<632x32xf32, #tpu.memory_space<vmem>>) target(%dma_start3A_28 : memref<632x32xf32, #tpu.memory_space<vmem_shared>>) target_semaphore(%run_scoped3A : memref<!tpu.dma_semaphore, #tpu.memory_space<semaphore_mem>>)
      %dma_wait3A = arith.constant 0 : i32
      %dma_wait3A_29 = tpu.memref_slice %arg13[%mul3A_2, %dma_wait3A] : memref<10112x32xf32, #tpu.memory_space<vmem_shared>> -> memref<632x32xf32, #tpu.memory_space<vmem_shared>>
      %dma_wait3A_30 = arith.constant 0 : i32
      %dma_wait3A_31 = tpu.memref_slice %arg13[%mul3A_2, %dma_wait3A_30] : memref<10112x32xf32, #tpu.memory_space<vmem_shared>> -> memref<632x32xf32, #tpu.memory_space<vmem_shared>>
      tpu.wait_dma2 semaphore(%run_scoped3A : memref<!tpu.dma_semaphore, #tpu.memory_space<semaphore_mem>>) src(%arg11 : memref<632x32xf32, #tpu.memory_space<vmem>>) dst(%dma_wait3A_31 : memref<632x32xf32, #tpu.memory_space<vmem_shared>>)
      tpu.yield
    }) : () -> ()
    %barrier3A = arith.constant 0 : index
    tpu.barrier barrier_id(%barrier3A)
    %mul3A_9 = arith.constant 5120 : i32
    %mul3A_10 = arith.muli %add3A, %mul3A_9 : i32
    %scan3A_11 = arith.constant 0 : i32
    %scan3A_12 = arith.constant 0 : i32
    %scan3A_13 = arith.constant 10 : i32
    %scan3A_14 = arith.addi %scan3A_12, %scan3A_13 : i32
    %scan3A_15 = arith.constant 1 : i32
    scf.for %scan3A_26 = %scan3A_12 to %scan3A_14 step %scan3A_15  : i32 {
      %mul3A_27 = arith.constant 4 : i32
      %mul3A_28 = arith.muli %scan3A_26, %mul3A_27 : i32
      %add3A_29 = arith.constant 0 : i32
      %add3A_30 = arith.addi %mul3A_28, %add3A_29 : i32
      %mul3A_31 = arith.constant 128 : i32
      %mul3A_32 = arith.muli %add3A_30, %mul3A_31 : i32
      %add3A_33 = arith.addi %mul3A_10, %mul3A_32 : i32
      %dma_start3A = arith.constant 0 : i32
      %dma_start3A_34 = arith.constant 0 : i32
      %dma_start3A_35 = arith.constant 0 : i32
      %dma_start3A_36 = arith.constant 0 : i32
      %dma_start3A_37 = tpu.memref_slice %arg10[%dma_start3A, %dma_start3A_35, %dma_start3A_36] : memref<4x128x32xf32, #tpu.memory_space<vmem>> -> memref<1x128x32xf32, #tpu.memory_space<vmem>>
      %dma_start3A_38 = tpu.memref_squeeze %dma_start3A_37 : memref<1x128x32xf32, #tpu.memory_space<vmem>> -> memref<128x32xf32, #tpu.memory_space<vmem>>
      %dma_start3A_39 = arith.constant 0 : i32
      %dma_start3A_40 = tpu.memref_slice %arg2[%add3A_33, %dma_start3A_39] : memref<163840x32xf32, #tpu.memory_space<hbm>> -> memref<128x32xf32, #tpu.memory_space<hbm>>
      %dma_start3A_41 = tpu.memref_slice %arg14[%dma_start3A_34] : memref<4x!tpu.dma_semaphore, #tpu.memory_space<semaphore_mem>> -> memref<1x!tpu.dma_semaphore, #tpu.memory_space<semaphore_mem>>
      %dma_start3A_42 = tpu.memref_squeeze %dma_start3A_41 : memref<1x!tpu.dma_semaphore, #tpu.memory_space<semaphore_mem>> -> memref<!tpu.dma_semaphore, #tpu.memory_space<semaphore_mem>>
      %dma_start3A_43 = arith.constant 0 : i32
      %dma_start3A_44 = arith.constant 0 : i32
      %dma_start3A_45 = tpu.memref_slice %arg10[%dma_start3A, %dma_start3A_43, %dma_start3A_44] : memref<4x128x32xf32, #tpu.memory_space<vmem>> -> memref<1x128x32xf32, #tpu.memory_space<vmem>>
      %dma_start3A_46 = tpu.memref_squeeze %dma_start3A_45 : memref<1x128x32xf32, #tpu.memory_space<vmem>> -> memref<128x32xf32, #tpu.memory_space<vmem>>
      %dma_start3A_47 = arith.constant 0 : i32
      %dma_start3A_48 = tpu.memref_slice %arg2[%add3A_33, %dma_start3A_47] : memref<163840x32xf32, #tpu.memory_space<hbm>> -> memref<128x32xf32, #tpu.memory_space<hbm>>
      tpu.enqueue_dma source(%dma_start3A_48 : memref<128x32xf32, #tpu.memory_space<hbm>>) target(%dma_start3A_46 : memref<128x32xf32, #tpu.memory_space<vmem>>) target_semaphore(%dma_start3A_42 : memref<!tpu.dma_semaphore, #tpu.memory_space<semaphore_mem>>)
      %mul3A_49 = arith.constant 4 : i32
      %mul3A_50 = arith.muli %scan3A_26, %mul3A_49 : i32
      %add3A_51 = arith.constant 1 : i32
      %add3A_52 = arith.addi %mul3A_50, %add3A_51 : i32
      %mul3A_53 = arith.constant 128 : i32
      %mul3A_54 = arith.muli %add3A_52, %mul3A_53 : i32
      %add3A_55 = arith.addi %mul3A_10, %mul3A_54 : i32
      %dma_start3A_56 = arith.constant 1 : i32
      %dma_start3A_57 = arith.constant 1 : i32
      %dma_start3A_58 = arith.constant 0 : i32
      %dma_start3A_59 = arith.constant 0 : i32
      %dma_start3A_60 = tpu.memref_slice %arg10[%dma_start3A_56, %dma_start3A_58, %dma_start3A_59] : memref<4x128x32xf32, #tpu.memory_space<vmem>> -> memref<1x128x32xf32, #tpu.memory_space<vmem>>
      %dma_start3A_61 = tpu.memref_squeeze %dma_start3A_60 : memref<1x128x32xf32, #tpu.memory_space<vmem>> -> memref<128x32xf32, #tpu.memory_space<vmem>>
      %dma_start3A_62 = arith.constant 0 : i32
      %dma_start3A_63 = tpu.memref_slice %arg2[%add3A_55, %dma_start3A_62] : memref<163840x32xf32, #tpu.memory_space<hbm>> -> memref<128x32xf32, #tpu.memory_space<hbm>>
      %dma_start3A_64 = tpu.memref_slice %arg14[%dma_start3A_57] : memref<4x!tpu.dma_semaphore, #tpu.memory_space<semaphore_mem>> -> memref<1x!tpu.dma_semaphore, #tpu.memory_space<semaphore_mem>>
      %dma_start3A_65 = tpu.memref_squeeze %dma_start3A_64 : memref<1x!tpu.dma_semaphore, #tpu.memory_space<semaphore_mem>> -> memref<!tpu.dma_semaphore, #tpu.memory_space<semaphore_mem>>
      %dma_start3A_66 = arith.constant 0 : i32
      %dma_start3A_67 = arith.constant 0 : i32
      %dma_start3A_68 = tpu.memref_slice %arg10[%dma_start3A_56, %dma_start3A_66, %dma_start3A_67] : memref<4x128x32xf32, #tpu.memory_space<vmem>> -> memref<1x128x32xf32, #tpu.memory_space<vmem>>
      %dma_start3A_69 = tpu.memref_squeeze %dma_start3A_68 : memref<1x128x32xf32, #tpu.memory_space<vmem>> -> memref<128x32xf32, #tpu.memory_space<vmem>>
      %dma_start3A_70 = arith.constant 0 : i32
      %dma_start3A_71 = tpu.memref_slice %arg2[%add3A_55, %dma_start3A_70] : memref<163840x32xf32, #tpu.memory_space<hbm>> -> memref<128x32xf32, #tpu.memory_space<hbm>>
      tpu.enqueue_dma source(%dma_start3A_71 : memref<128x32xf32, #tpu.memory_space<hbm>>) target(%dma_start3A_69 : memref<128x32xf32, #tpu.memory_space<vmem>>) target_semaphore(%dma_start3A_65 : memref<!tpu.dma_semaphore, #tpu.memory_space<semaphore_mem>>)
      %mul3A_72 = arith.constant 4 : i32
      %mul3A_73 = arith.muli %scan3A_26, %mul3A_72 : i32
      %add3A_74 = arith.constant 2 : i32
      %add3A_75 = arith.addi %mul3A_73, %add3A_74 : i32
      %mul3A_76 = arith.constant 128 : i32
      %mul3A_77 = arith.muli %add3A_75, %mul3A_76 : i32
      %add3A_78 = arith.addi %mul3A_10, %mul3A_77 : i32
      %dma_start3A_79 = arith.constant 2 : i32
      %dma_start3A_80 = arith.constant 2 : i32
      %dma_start3A_81 = arith.constant 0 : i32
      %dma_start3A_82 = arith.constant 0 : i32
      %dma_start3A_83 = tpu.memref_slice %arg10[%dma_start3A_79, %dma_start3A_81, %dma_start3A_82] : memref<4x128x32xf32, #tpu.memory_space<vmem>> -> memref<1x128x32xf32, #tpu.memory_space<vmem>>
      %dma_start3A_84 = tpu.memref_squeeze %dma_start3A_83 : memref<1x128x32xf32, #tpu.memory_space<vmem>> -> memref<128x32xf32, #tpu.memory_space<vmem>>
      %dma_start3A_85 = arith.constant 0 : i32
      %dma_start3A_86 = tpu.memref_slice %arg2[%add3A_78, %dma_start3A_85] : memref<163840x32xf32, #tpu.memory_space<hbm>> -> memref<128x32xf32, #tpu.memory_space<hbm>>
      %dma_start3A_87 = tpu.memref_slice %arg14[%dma_start3A_80] : memref<4x!tpu.dma_semaphore, #tpu.memory_space<semaphore_mem>> -> memref<1x!tpu.dma_semaphore, #tpu.memory_space<semaphore_mem>>
      %dma_start3A_88 = tpu.memref_squeeze %dma_start3A_87 : memref<1x!tpu.dma_semaphore, #tpu.memory_space<semaphore_mem>> -> memref<!tpu.dma_semaphore, #tpu.memory_space<semaphore_mem>>
      %dma_start3A_89 = arith.constant 0 : i32
      %dma_start3A_90 = arith.constant 0 : i32
      %dma_start3A_91 = tpu.memref_slice %arg10[%dma_start3A_79, %dma_start3A_89, %dma_start3A_90] : memref<4x128x32xf32, #tpu.memory_space<vmem>> -> memref<1x128x32xf32, #tpu.memory_space<vmem>>
      %dma_start3A_92 = tpu.memref_squeeze %dma_start3A_91 : memref<1x128x32xf32, #tpu.memory_space<vmem>> -> memref<128x32xf32, #tpu.memory_space<vmem>>
      %dma_start3A_93 = arith.constant 0 : i32
      %dma_start3A_94 = tpu.memref_slice %arg2[%add3A_78, %dma_start3A_93] : memref<163840x32xf32, #tpu.memory_space<hbm>> -> memref<128x32xf32, #tpu.memory_space<hbm>>
      tpu.enqueue_dma source(%dma_start3A_94 : memref<128x32xf32, #tpu.memory_space<hbm>>) target(%dma_start3A_92 : memref<128x32xf32, #tpu.memory_space<vmem>>) target_semaphore(%dma_start3A_88 : memref<!tpu.dma_semaphore, #tpu.memory_space<semaphore_mem>>)
      %mul3A_95 = arith.constant 4 : i32
      %mul3A_96 = arith.muli %scan3A_26, %mul3A_95 : i32
      %add3A_97 = arith.constant 3 : i32
      %add3A_98 = arith.addi %mul3A_96, %add3A_97 : i32
      %mul3A_99 = arith.constant 128 : i32
      %mul3A_100 = arith.muli %add3A_98, %mul3A_99 : i32
      %add3A_101 = arith.addi %mul3A_10, %mul3A_100 : i32
      %dma_start3A_102 = arith.constant 3 : i32
      %dma_start3A_103 = arith.constant 3 : i32
      %dma_start3A_104 = arith.constant 0 : i32
      %dma_start3A_105 = arith.constant 0 : i32
      %dma_start3A_106 = tpu.memref_slice %arg10[%dma_start3A_102, %dma_start3A_104, %dma_start3A_105] : memref<4x128x32xf32, #tpu.memory_space<vmem>> -> memref<1x128x32xf32, #tpu.memory_space<vmem>>
      %dma_start3A_107 = tpu.memref_squeeze %dma_start3A_106 : memref<1x128x32xf32, #tpu.memory_space<vmem>> -> memref<128x32xf32, #tpu.memory_space<vmem>>
      %dma_start3A_108 = arith.constant 0 : i32
      %dma_start3A_109 = tpu.memref_slice %arg2[%add3A_101, %dma_start3A_108] : memref<163840x32xf32, #tpu.memory_space<hbm>> -> memref<128x32xf32, #tpu.memory_space<hbm>>
      %dma_start3A_110 = tpu.memref_slice %arg14[%dma_start3A_103] : memref<4x!tpu.dma_semaphore, #tpu.memory_space<semaphore_mem>> -> memref<1x!tpu.dma_semaphore, #tpu.memory_space<semaphore_mem>>
      %dma_start3A_111 = tpu.memref_squeeze %dma_start3A_110 : memref<1x!tpu.dma_semaphore, #tpu.memory_space<semaphore_mem>> -> memref<!tpu.dma_semaphore, #tpu.memory_space<semaphore_mem>>
      %dma_start3A_112 = arith.constant 0 : i32
      %dma_start3A_113 = arith.constant 0 : i32
      %dma_start3A_114 = tpu.memref_slice %arg10[%dma_start3A_102, %dma_start3A_112, %dma_start3A_113] : memref<4x128x32xf32, #tpu.memory_space<vmem>> -> memref<1x128x32xf32, #tpu.memory_space<vmem>>
      %dma_start3A_115 = tpu.memref_squeeze %dma_start3A_114 : memref<1x128x32xf32, #tpu.memory_space<vmem>> -> memref<128x32xf32, #tpu.memory_space<vmem>>
      %dma_start3A_116 = arith.constant 0 : i32
      %dma_start3A_117 = tpu.memref_slice %arg2[%add3A_101, %dma_start3A_116] : memref<163840x32xf32, #tpu.memory_space<hbm>> -> memref<128x32xf32, #tpu.memory_space<hbm>>
      tpu.enqueue_dma source(%dma_start3A_117 : memref<128x32xf32, #tpu.memory_space<hbm>>) target(%dma_start3A_115 : memref<128x32xf32, #tpu.memory_space<vmem>>) target_semaphore(%dma_start3A_111 : memref<!tpu.dma_semaphore, #tpu.memory_space<semaphore_mem>>)
      %dma_wait3A = arith.constant 0 : i32
      %dma_wait3A_118 = arith.constant 0 : i32
      %dma_wait3A_119 = arith.constant 0 : i32
      %dma_wait3A_120 = arith.constant 0 : i32
      %dma_wait3A_121 = tpu.memref_slice %arg10[%dma_wait3A, %dma_wait3A_119, %dma_wait3A_120] : memref<4x128x32xf32, #tpu.memory_space<vmem>> -> memref<1x128x32xf32, #tpu.memory_space<vmem>>
      %dma_wait3A_122 = tpu.memref_squeeze %dma_wait3A_121 : memref<1x128x32xf32, #tpu.memory_space<vmem>> -> memref<128x32xf32, #tpu.memory_space<vmem>>
      %dma_wait3A_123 = arith.constant 0 : i32
      %dma_wait3A_124 = tpu.memref_slice %arg2[%add3A_33, %dma_wait3A_123] : memref<163840x32xf32, #tpu.memory_space<hbm>> -> memref<128x32xf32, #tpu.memory_space<hbm>>
      %dma_wait3A_125 = tpu.memref_slice %arg14[%dma_wait3A_118] : memref<4x!tpu.dma_semaphore, #tpu.memory_space<semaphore_mem>> -> memref<1x!tpu.dma_semaphore, #tpu.memory_space<semaphore_mem>>
      %dma_wait3A_126 = tpu.memref_squeeze %dma_wait3A_125 : memref<1x!tpu.dma_semaphore, #tpu.memory_space<semaphore_mem>> -> memref<!tpu.dma_semaphore, #tpu.memory_space<semaphore_mem>>
      %dma_wait3A_127 = arith.constant 0 : i32
      %dma_wait3A_128 = arith.constant 0 : i32
      %dma_wait3A_129 = tpu.memref_slice %arg10[%dma_wait3A, %dma_wait3A_127, %dma_wait3A_128] : memref<4x128x32xf32, #tpu.memory_space<vmem>> -> memref<1x128x32xf32, #tpu.memory_space<vmem>>
      %dma_wait3A_130 = tpu.memref_squeeze %dma_wait3A_129 : memref<1x128x32xf32, #tpu.memory_space<vmem>> -> memref<128x32xf32, #tpu.memory_space<vmem>>
      %dma_wait3A_131 = arith.constant 0 : i32
      %dma_wait3A_132 = tpu.memref_slice %arg2[%add3A_33, %dma_wait3A_131] : memref<163840x32xf32, #tpu.memory_space<hbm>> -> memref<128x32xf32, #tpu.memory_space<hbm>>
      tpu.wait_dma2 semaphore(%dma_wait3A_126 : memref<!tpu.dma_semaphore, #tpu.memory_space<semaphore_mem>>) src(%dma_wait3A_132 : memref<128x32xf32, #tpu.memory_space<hbm>>) dst(%dma_wait3A_130 : memref<128x32xf32, #tpu.memory_space<vmem>>)
      %mul3A_133 = arith.constant 4 : i32
      %mul3A_134 = arith.muli %scan3A_26, %mul3A_133 : i32
      %add3A_135 = arith.constant 0 : i32
      %add3A_136 = arith.addi %mul3A_134, %add3A_135 : i32
      %dma_start3A_137 = arith.constant 0 : i32
      %dma_start3A_138 = arith.constant 0 : i32
      %dma_start3A_139 = arith.constant 0 : i32
      %dma_start3A_140 = arith.constant 0 : i32
      %dma_start3A_141 = tpu.memref_slice %arg10[%dma_start3A_137, %dma_start3A_139, %dma_start3A_140] : memref<4x128x32xf32, #tpu.memory_space<vmem>> -> memref<1x128x32xf32, #tpu.memory_space<vmem>>
      %dma_start3A_142 = tpu.memref_squeeze %dma_start3A_141 : memref<1x128x32xf32, #tpu.memory_space<vmem>> -> memref<128x32xf32, #tpu.memory_space<vmem>>
      %dma_start3A_143 = arith.constant 0 : i32
      %dma_start3A_144 = tpu.memref_slice %arg8[%add3A_136, %dma_start3A_143] : memref<40x128xi32, #tpu.memory_space<vmem>> -> memref<1x128xi32, #tpu.memory_space<vmem>>
      %dma_start3A_145 = tpu.memref_squeeze %dma_start3A_144 : memref<1x128xi32, #tpu.memory_space<vmem>> -> memref<128xi32, #tpu.memory_space<vmem>>
      %dma_start3A_146 = arith.constant 0 : i32
      %dma_start3A_147 = arith.constant 0 : i32
      %dma_start3A_148 = tpu.memref_slice %arg12[%dma_start3A_146, %dma_start3A_147] : memref<10112x32xf32, #tpu.memory_space<vmem_shared>> -> memref<10112x32xf32, #tpu.memory_space<vmem_shared>>
      %dma_start3A_149 = tpu.memref_slice %arg15[%dma_start3A_138] : memref<4x!tpu.dma_semaphore, #tpu.memory_space<semaphore_mem>> -> memref<1x!tpu.dma_semaphore, #tpu.memory_space<semaphore_mem>>
      %dma_start3A_150 = tpu.memref_squeeze %dma_start3A_149 : memref<1x!tpu.dma_semaphore, #tpu.memory_space<semaphore_mem>> -> memref<!tpu.dma_semaphore, #tpu.memory_space<semaphore_mem>>
      tpu.enqueue_indirect_dma source(%dma_start3A_142 : memref<128x32xf32, #tpu.memory_space<vmem>>) target(%dma_start3A_148 : memref<10112x32xf32, #tpu.memory_space<vmem_shared>>) offsets(%dma_start3A_145 : memref<128xi32, #tpu.memory_space<vmem>>) semaphore(%dma_start3A_150 : memref<!tpu.dma_semaphore, #tpu.memory_space<semaphore_mem>>) {add = true}
      %dma_wait3A_151 = arith.constant 1 : i32
      %dma_wait3A_152 = arith.constant 1 : i32
      %dma_wait3A_153 = arith.constant 0 : i32
      %dma_wait3A_154 = arith.constant 0 : i32
      %dma_wait3A_155 = tpu.memref_slice %arg10[%dma_wait3A_151, %dma_wait3A_153, %dma_wait3A_154] : memref<4x128x32xf32, #tpu.memory_space<vmem>> -> memref<1x128x32xf32, #tpu.memory_space<vmem>>
      %dma_wait3A_156 = tpu.memref_squeeze %dma_wait3A_155 : memref<1x128x32xf32, #tpu.memory_space<vmem>> -> memref<128x32xf32, #tpu.memory_space<vmem>>
      %dma_wait3A_157 = arith.constant 0 : i32
      %dma_wait3A_158 = tpu.memref_slice %arg2[%add3A_55, %dma_wait3A_157] : memref<163840x32xf32, #tpu.memory_space<hbm>> -> memref<128x32xf32, #tpu.memory_space<hbm>>
      %dma_wait3A_159 = tpu.memref_slice %arg14[%dma_wait3A_152] : memref<4x!tpu.dma_semaphore, #tpu.memory_space<semaphore_mem>> -> memref<1x!tpu.dma_semaphore, #tpu.memory_space<semaphore_mem>>
      %dma_wait3A_160 = tpu.memref_squeeze %dma_wait3A_159 : memref<1x!tpu.dma_semaphore, #tpu.memory_space<semaphore_mem>> -> memref<!tpu.dma_semaphore, #tpu.memory_space<semaphore_mem>>
      %dma_wait3A_161 = arith.constant 0 : i32
      %dma_wait3A_162 = arith.constant 0 : i32
      %dma_wait3A_163 = tpu.memref_slice %arg10[%dma_wait3A_151, %dma_wait3A_161, %dma_wait3A_162] : memref<4x128x32xf32, #tpu.memory_space<vmem>> -> memref<1x128x32xf32, #tpu.memory_space<vmem>>
      %dma_wait3A_164 = tpu.memref_squeeze %dma_wait3A_163 : memref<1x128x32xf32, #tpu.memory_space<vmem>> -> memref<128x32xf32, #tpu.memory_space<vmem>>
      %dma_wait3A_165 = arith.constant 0 : i32
      %dma_wait3A_166 = tpu.memref_slice %arg2[%add3A_55, %dma_wait3A_165] : memref<163840x32xf32, #tpu.memory_space<hbm>> -> memref<128x32xf32, #tpu.memory_space<hbm>>
      tpu.wait_dma2 semaphore(%dma_wait3A_160 : memref<!tpu.dma_semaphore, #tpu.memory_space<semaphore_mem>>) src(%dma_wait3A_166 : memref<128x32xf32, #tpu.memory_space<hbm>>) dst(%dma_wait3A_164 : memref<128x32xf32, #tpu.memory_space<vmem>>)
      %mul3A_167 = arith.constant 4 : i32
      %mul3A_168 = arith.muli %scan3A_26, %mul3A_167 : i32
      %add3A_169 = arith.constant 1 : i32
      %add3A_170 = arith.addi %mul3A_168, %add3A_169 : i32
      %dma_start3A_171 = arith.constant 1 : i32
      %dma_start3A_172 = arith.constant 1 : i32
      %dma_start3A_173 = arith.constant 0 : i32
      %dma_start3A_174 = arith.constant 0 : i32
      %dma_start3A_175 = tpu.memref_slice %arg10[%dma_start3A_171, %dma_start3A_173, %dma_start3A_174] : memref<4x128x32xf32, #tpu.memory_space<vmem>> -> memref<1x128x32xf32, #tpu.memory_space<vmem>>
      %dma_start3A_176 = tpu.memref_squeeze %dma_start3A_175 : memref<1x128x32xf32, #tpu.memory_space<vmem>> -> memref<128x32xf32, #tpu.memory_space<vmem>>
      %dma_start3A_177 = arith.constant 0 : i32
      %dma_start3A_178 = tpu.memref_slice %arg8[%add3A_170, %dma_start3A_177] : memref<40x128xi32, #tpu.memory_space<vmem>> -> memref<1x128xi32, #tpu.memory_space<vmem>>
      %dma_start3A_179 = tpu.memref_squeeze %dma_start3A_178 : memref<1x128xi32, #tpu.memory_space<vmem>> -> memref<128xi32, #tpu.memory_space<vmem>>
      %dma_start3A_180 = arith.constant 0 : i32
      %dma_start3A_181 = arith.constant 0 : i32
      %dma_start3A_182 = tpu.memref_slice %arg12[%dma_start3A_180, %dma_start3A_181] : memref<10112x32xf32, #tpu.memory_space<vmem_shared>> -> memref<10112x32xf32, #tpu.memory_space<vmem_shared>>
      %dma_start3A_183 = tpu.memref_slice %arg15[%dma_start3A_172] : memref<4x!tpu.dma_semaphore, #tpu.memory_space<semaphore_mem>> -> memref<1x!tpu.dma_semaphore, #tpu.memory_space<semaphore_mem>>
      %dma_start3A_184 = tpu.memref_squeeze %dma_start3A_183 : memref<1x!tpu.dma_semaphore, #tpu.memory_space<semaphore_mem>> -> memref<!tpu.dma_semaphore, #tpu.memory_space<semaphore_mem>>
      tpu.enqueue_indirect_dma source(%dma_start3A_176 : memref<128x32xf32, #tpu.memory_space<vmem>>) target(%dma_start3A_182 : memref<10112x32xf32, #tpu.memory_space<vmem_shared>>) offsets(%dma_start3A_179 : memref<128xi32, #tpu.memory_space<vmem>>) semaphore(%dma_start3A_184 : memref<!tpu.dma_semaphore, #tpu.memory_space<semaphore_mem>>) {add = true}
      %dma_wait3A_185 = arith.constant 2 : i32
      %dma_wait3A_186 = arith.constant 2 : i32
      %dma_wait3A_187 = arith.constant 0 : i32
      %dma_wait3A_188 = arith.constant 0 : i32
      %dma_wait3A_189 = tpu.memref_slice %arg10[%dma_wait3A_185, %dma_wait3A_187, %dma_wait3A_188] : memref<4x128x32xf32, #tpu.memory_space<vmem>> -> memref<1x128x32xf32, #tpu.memory_space<vmem>>
      %dma_wait3A_190 = tpu.memref_squeeze %dma_wait3A_189 : memref<1x128x32xf32, #tpu.memory_space<vmem>> -> memref<128x32xf32, #tpu.memory_space<vmem>>
      %dma_wait3A_191 = arith.constant 0 : i32
      %dma_wait3A_192 = tpu.memref_slice %arg2[%add3A_78, %dma_wait3A_191] : memref<163840x32xf32, #tpu.memory_space<hbm>> -> memref<128x32xf32, #tpu.memory_space<hbm>>
      %dma_wait3A_193 = tpu.memref_slice %arg14[%dma_wait3A_186] : memref<4x!tpu.dma_semaphore, #tpu.memory_space<semaphore_mem>> -> memref<1x!tpu.dma_semaphore, #tpu.memory_space<semaphore_mem>>
      %dma_wait3A_194 = tpu.memref_squeeze %dma_wait3A_193 : memref<1x!tpu.dma_semaphore, #tpu.memory_space<semaphore_mem>> -> memref<!tpu.dma_semaphore, #tpu.memory_space<semaphore_mem>>
      %dma_wait3A_195 = arith.constant 0 : i32
      %dma_wait3A_196 = arith.constant 0 : i32
      %dma_wait3A_197 = tpu.memref_slice %arg10[%dma_wait3A_185, %dma_wait3A_195, %dma_wait3A_196] : memref<4x128x32xf32, #tpu.memory_space<vmem>> -> memref<1x128x32xf32, #tpu.memory_space<vmem>>
      %dma_wait3A_198 = tpu.memref_squeeze %dma_wait3A_197 : memref<1x128x32xf32, #tpu.memory_space<vmem>> -> memref<128x32xf32, #tpu.memory_space<vmem>>
      %dma_wait3A_199 = arith.constant 0 : i32
      %dma_wait3A_200 = tpu.memref_slice %arg2[%add3A_78, %dma_wait3A_199] : memref<163840x32xf32, #tpu.memory_space<hbm>> -> memref<128x32xf32, #tpu.memory_space<hbm>>
      tpu.wait_dma2 semaphore(%dma_wait3A_194 : memref<!tpu.dma_semaphore, #tpu.memory_space<semaphore_mem>>) src(%dma_wait3A_200 : memref<128x32xf32, #tpu.memory_space<hbm>>) dst(%dma_wait3A_198 : memref<128x32xf32, #tpu.memory_space<vmem>>)
      %mul3A_201 = arith.constant 4 : i32
      %mul3A_202 = arith.muli %scan3A_26, %mul3A_201 : i32
      %add3A_203 = arith.constant 2 : i32
      %add3A_204 = arith.addi %mul3A_202, %add3A_203 : i32
      %dma_start3A_205 = arith.constant 2 : i32
      %dma_start3A_206 = arith.constant 2 : i32
      %dma_start3A_207 = arith.constant 0 : i32
      %dma_start3A_208 = arith.constant 0 : i32
      %dma_start3A_209 = tpu.memref_slice %arg10[%dma_start3A_205, %dma_start3A_207, %dma_start3A_208] : memref<4x128x32xf32, #tpu.memory_space<vmem>> -> memref<1x128x32xf32, #tpu.memory_space<vmem>>
      %dma_start3A_210 = tpu.memref_squeeze %dma_start3A_209 : memref<1x128x32xf32, #tpu.memory_space<vmem>> -> memref<128x32xf32, #tpu.memory_space<vmem>>
      %dma_start3A_211 = arith.constant 0 : i32
      %dma_start3A_212 = tpu.memref_slice %arg8[%add3A_204, %dma_start3A_211] : memref<40x128xi32, #tpu.memory_space<vmem>> -> memref<1x128xi32, #tpu.memory_space<vmem>>
      %dma_start3A_213 = tpu.memref_squeeze %dma_start3A_212 : memref<1x128xi32, #tpu.memory_space<vmem>> -> memref<128xi32, #tpu.memory_space<vmem>>
      %dma_start3A_214 = arith.constant 0 : i32
      %dma_start3A_215 = arith.constant 0 : i32
      %dma_start3A_216 = tpu.memref_slice %arg12[%dma_start3A_214, %dma_start3A_215] : memref<10112x32xf32, #tpu.memory_space<vmem_shared>> -> memref<10112x32xf32, #tpu.memory_space<vmem_shared>>
      %dma_start3A_217 = tpu.memref_slice %arg15[%dma_start3A_206] : memref<4x!tpu.dma_semaphore, #tpu.memory_space<semaphore_mem>> -> memref<1x!tpu.dma_semaphore, #tpu.memory_space<semaphore_mem>>
      %dma_start3A_218 = tpu.memref_squeeze %dma_start3A_217 : memref<1x!tpu.dma_semaphore, #tpu.memory_space<semaphore_mem>> -> memref<!tpu.dma_semaphore, #tpu.memory_space<semaphore_mem>>
      tpu.enqueue_indirect_dma source(%dma_start3A_210 : memref<128x32xf32, #tpu.memory_space<vmem>>) target(%dma_start3A_216 : memref<10112x32xf32, #tpu.memory_space<vmem_shared>>) offsets(%dma_start3A_213 : memref<128xi32, #tpu.memory_space<vmem>>) semaphore(%dma_start3A_218 : memref<!tpu.dma_semaphore, #tpu.memory_space<semaphore_mem>>) {add = true}
      %dma_wait3A_219 = arith.constant 3 : i32
      %dma_wait3A_220 = arith.constant 3 : i32
      %dma_wait3A_221 = arith.constant 0 : i32
      %dma_wait3A_222 = arith.constant 0 : i32
      %dma_wait3A_223 = tpu.memref_slice %arg10[%dma_wait3A_219, %dma_wait3A_221, %dma_wait3A_222] : memref<4x128x32xf32, #tpu.memory_space<vmem>> -> memref<1x128x32xf32, #tpu.memory_space<vmem>>
      %dma_wait3A_224 = tpu.memref_squeeze %dma_wait3A_223 : memref<1x128x32xf32, #tpu.memory_space<vmem>> -> memref<128x32xf32, #tpu.memory_space<vmem>>
      %dma_wait3A_225 = arith.constant 0 : i32
      %dma_wait3A_226 = tpu.memref_slice %arg2[%add3A_101, %dma_wait3A_225] : memref<163840x32xf32, #tpu.memory_space<hbm>> -> memref<128x32xf32, #tpu.memory_space<hbm>>
      %dma_wait3A_227 = tpu.memref_slice %arg14[%dma_wait3A_220] : memref<4x!tpu.dma_semaphore, #tpu.memory_space<semaphore_mem>> -> memref<1x!tpu.dma_semaphore, #tpu.memory_space<semaphore_mem>>
      %dma_wait3A_228 = tpu.memref_squeeze %dma_wait3A_227 : memref<1x!tpu.dma_semaphore, #tpu.memory_space<semaphore_mem>> -> memref<!tpu.dma_semaphore, #tpu.memory_space<semaphore_mem>>
      %dma_wait3A_229 = arith.constant 0 : i32
      %dma_wait3A_230 = arith.constant 0 : i32
      %dma_wait3A_231 = tpu.memref_slice %arg10[%dma_wait3A_219, %dma_wait3A_229, %dma_wait3A_230] : memref<4x128x32xf32, #tpu.memory_space<vmem>> -> memref<1x128x32xf32, #tpu.memory_space<vmem>>
      %dma_wait3A_232 = tpu.memref_squeeze %dma_wait3A_231 : memref<1x128x32xf32, #tpu.memory_space<vmem>> -> memref<128x32xf32, #tpu.memory_space<vmem>>
      %dma_wait3A_233 = arith.constant 0 : i32
      %dma_wait3A_234 = tpu.memref_slice %arg2[%add3A_101, %dma_wait3A_233] : memref<163840x32xf32, #tpu.memory_space<hbm>> -> memref<128x32xf32, #tpu.memory_space<hbm>>
      tpu.wait_dma2 semaphore(%dma_wait3A_228 : memref<!tpu.dma_semaphore, #tpu.memory_space<semaphore_mem>>) src(%dma_wait3A_234 : memref<128x32xf32, #tpu.memory_space<hbm>>) dst(%dma_wait3A_232 : memref<128x32xf32, #tpu.memory_space<vmem>>)
      %mul3A_235 = arith.constant 4 : i32
      %mul3A_236 = arith.muli %scan3A_26, %mul3A_235 : i32
      %add3A_237 = arith.constant 3 : i32
      %add3A_238 = arith.addi %mul3A_236, %add3A_237 : i32
      %dma_start3A_239 = arith.constant 3 : i32
      %dma_start3A_240 = arith.constant 3 : i32
      %dma_start3A_241 = arith.constant 0 : i32
      %dma_start3A_242 = arith.constant 0 : i32
      %dma_start3A_243 = tpu.memref_slice %arg10[%dma_start3A_239, %dma_start3A_241, %dma_start3A_242] : memref<4x128x32xf32, #tpu.memory_space<vmem>> -> memref<1x128x32xf32, #tpu.memory_space<vmem>>
      %dma_start3A_244 = tpu.memref_squeeze %dma_start3A_243 : memref<1x128x32xf32, #tpu.memory_space<vmem>> -> memref<128x32xf32, #tpu.memory_space<vmem>>
      %dma_start3A_245 = arith.constant 0 : i32
      %dma_start3A_246 = tpu.memref_slice %arg8[%add3A_238, %dma_start3A_245] : memref<40x128xi32, #tpu.memory_space<vmem>> -> memref<1x128xi32, #tpu.memory_space<vmem>>
      %dma_start3A_247 = tpu.memref_squeeze %dma_start3A_246 : memref<1x128xi32, #tpu.memory_space<vmem>> -> memref<128xi32, #tpu.memory_space<vmem>>
      %dma_start3A_248 = arith.constant 0 : i32
      %dma_start3A_249 = arith.constant 0 : i32
      %dma_start3A_250 = tpu.memref_slice %arg12[%dma_start3A_248, %dma_start3A_249] : memref<10112x32xf32, #tpu.memory_space<vmem_shared>> -> memref<10112x32xf32, #tpu.memory_space<vmem_shared>>
      %dma_start3A_251 = tpu.memref_slice %arg15[%dma_start3A_240] : memref<4x!tpu.dma_semaphore, #tpu.memory_space<semaphore_mem>> -> memref<1x!tpu.dma_semaphore, #tpu.memory_space<semaphore_mem>>
      %dma_start3A_252 = tpu.memref_squeeze %dma_start3A_251 : memref<1x!tpu.dma_semaphore, #tpu.memory_space<semaphore_mem>> -> memref<!tpu.dma_semaphore, #tpu.memory_space<semaphore_mem>>
      tpu.enqueue_indirect_dma source(%dma_start3A_244 : memref<128x32xf32, #tpu.memory_space<vmem>>) target(%dma_start3A_250 : memref<10112x32xf32, #tpu.memory_space<vmem_shared>>) offsets(%dma_start3A_247 : memref<128xi32, #tpu.memory_space<vmem>>) semaphore(%dma_start3A_252 : memref<!tpu.dma_semaphore, #tpu.memory_space<semaphore_mem>>) {add = true}
      %dma_wait3A_253 = arith.constant 0 : i32
      %dma_wait3A_254 = arith.constant 0 : i32
      %dma_wait3A_255 = arith.constant 0 : i32
      %dma_wait3A_256 = arith.constant 0 : i32
      %dma_wait3A_257 = tpu.memref_slice %arg10[%dma_wait3A_253, %dma_wait3A_255, %dma_wait3A_256] : memref<4x128x32xf32, #tpu.memory_space<vmem>> -> memref<1x128x32xf32, #tpu.memory_space<vmem>>
      %dma_wait3A_258 = tpu.memref_squeeze %dma_wait3A_257 : memref<1x128x32xf32, #tpu.memory_space<vmem>> -> memref<128x32xf32, #tpu.memory_space<vmem>>
      %dma_wait3A_259 = arith.constant 0 : i32
      %dma_wait3A_260 = tpu.memref_slice %arg8[%add3A_136, %dma_wait3A_259] : memref<40x128xi32, #tpu.memory_space<vmem>> -> memref<1x128xi32, #tpu.memory_space<vmem>>
      %dma_wait3A_261 = tpu.memref_squeeze %dma_wait3A_260 : memref<1x128xi32, #tpu.memory_space<vmem>> -> memref<128xi32, #tpu.memory_space<vmem>>
      %dma_wait3A_262 = arith.constant 0 : i32
      %dma_wait3A_263 = arith.constant 0 : i32
      %dma_wait3A_264 = tpu.memref_slice %arg12[%dma_wait3A_262, %dma_wait3A_263] : memref<10112x32xf32, #tpu.memory_space<vmem_shared>> -> memref<10112x32xf32, #tpu.memory_space<vmem_shared>>
      %dma_wait3A_265 = tpu.memref_slice %arg15[%dma_wait3A_254] : memref<4x!tpu.dma_semaphore, #tpu.memory_space<semaphore_mem>> -> memref<1x!tpu.dma_semaphore, #tpu.memory_space<semaphore_mem>>
      %dma_wait3A_266 = tpu.memref_squeeze %dma_wait3A_265 : memref<1x!tpu.dma_semaphore, #tpu.memory_space<semaphore_mem>> -> memref<!tpu.dma_semaphore, #tpu.memory_space<semaphore_mem>>
      tpu.wait_indirect_dma semaphore(%dma_wait3A_266 : memref<!tpu.dma_semaphore, #tpu.memory_space<semaphore_mem>>) src(%dma_wait3A_258 : memref<128x32xf32, #tpu.memory_space<vmem>>) dst(%dma_wait3A_264 : memref<10112x32xf32, #tpu.memory_space<vmem_shared>>)
      %dma_wait3A_267 = arith.constant 1 : i32
      %dma_wait3A_268 = arith.constant 1 : i32
      %dma_wait3A_269 = arith.constant 0 : i32
      %dma_wait3A_270 = arith.constant 0 : i32
      %dma_wait3A_271 = tpu.memref_slice %arg10[%dma_wait3A_267, %dma_wait3A_269, %dma_wait3A_270] : memref<4x128x32xf32, #tpu.memory_space<vmem>> -> memref<1x128x32xf32, #tpu.memory_space<vmem>>
      %dma_wait3A_272 = tpu.memref_squeeze %dma_wait3A_271 : memref<1x128x32xf32, #tpu.memory_space<vmem>> -> memref<128x32xf32, #tpu.memory_space<vmem>>
      %dma_wait3A_273 = arith.constant 0 : i32
      %dma_wait3A_274 = tpu.memref_slice %arg8[%add3A_170, %dma_wait3A_273] : memref<40x128xi32, #tpu.memory_space<vmem>> -> memref<1x128xi32, #tpu.memory_space<vmem>>
      %dma_wait3A_275 = tpu.memref_squeeze %dma_wait3A_274 : memref<1x128xi32, #tpu.memory_space<vmem>> -> memref<128xi32, #tpu.memory_space<vmem>>
      %dma_wait3A_276 = arith.constant 0 : i32
      %dma_wait3A_277 = arith.constant 0 : i32
      %dma_wait3A_278 = tpu.memref_slice %arg12[%dma_wait3A_276, %dma_wait3A_277] : memref<10112x32xf32, #tpu.memory_space<vmem_shared>> -> memref<10112x32xf32, #tpu.memory_space<vmem_shared>>
      %dma_wait3A_279 = tpu.memref_slice %arg15[%dma_wait3A_268] : memref<4x!tpu.dma_semaphore, #tpu.memory_space<semaphore_mem>> -> memref<1x!tpu.dma_semaphore, #tpu.memory_space<semaphore_mem>>
      %dma_wait3A_280 = tpu.memref_squeeze %dma_wait3A_279 : memref<1x!tpu.dma_semaphore, #tpu.memory_space<semaphore_mem>> -> memref<!tpu.dma_semaphore, #tpu.memory_space<semaphore_mem>>
      tpu.wait_indirect_dma semaphore(%dma_wait3A_280 : memref<!tpu.dma_semaphore, #tpu.memory_space<semaphore_mem>>) src(%dma_wait3A_272 : memref<128x32xf32, #tpu.memory_space<vmem>>) dst(%dma_wait3A_278 : memref<10112x32xf32, #tpu.memory_space<vmem_shared>>)
      %dma_wait3A_281 = arith.constant 2 : i32
      %dma_wait3A_282 = arith.constant 2 : i32
      %dma_wait3A_283 = arith.constant 0 : i32
      %dma_wait3A_284 = arith.constant 0 : i32
      %dma_wait3A_285 = tpu.memref_slice %arg10[%dma_wait3A_281, %dma_wait3A_283, %dma_wait3A_284] : memref<4x128x32xf32, #tpu.memory_space<vmem>> -> memref<1x128x32xf32, #tpu.memory_space<vmem>>
      %dma_wait3A_286 = tpu.memref_squeeze %dma_wait3A_285 : memref<1x128x32xf32, #tpu.memory_space<vmem>> -> memref<128x32xf32, #tpu.memory_space<vmem>>
      %dma_wait3A_287 = arith.constant 0 : i32
      %dma_wait3A_288 = tpu.memref_slice %arg8[%add3A_204, %dma_wait3A_287] : memref<40x128xi32, #tpu.memory_space<vmem>> -> memref<1x128xi32, #tpu.memory_space<vmem>>
      %dma_wait3A_289 = tpu.memref_squeeze %dma_wait3A_288 : memref<1x128xi32, #tpu.memory_space<vmem>> -> memref<128xi32, #tpu.memory_space<vmem>>
      %dma_wait3A_290 = arith.constant 0 : i32
      %dma_wait3A_291 = arith.constant 0 : i32
      %dma_wait3A_292 = tpu.memref_slice %arg12[%dma_wait3A_290, %dma_wait3A_291] : memref<10112x32xf32, #tpu.memory_space<vmem_shared>> -> memref<10112x32xf32, #tpu.memory_space<vmem_shared>>
      %dma_wait3A_293 = tpu.memref_slice %arg15[%dma_wait3A_282] : memref<4x!tpu.dma_semaphore, #tpu.memory_space<semaphore_mem>> -> memref<1x!tpu.dma_semaphore, #tpu.memory_space<semaphore_mem>>
      %dma_wait3A_294 = tpu.memref_squeeze %dma_wait3A_293 : memref<1x!tpu.dma_semaphore, #tpu.memory_space<semaphore_mem>> -> memref<!tpu.dma_semaphore, #tpu.memory_space<semaphore_mem>>
      tpu.wait_indirect_dma semaphore(%dma_wait3A_294 : memref<!tpu.dma_semaphore, #tpu.memory_space<semaphore_mem>>) src(%dma_wait3A_286 : memref<128x32xf32, #tpu.memory_space<vmem>>) dst(%dma_wait3A_292 : memref<10112x32xf32, #tpu.memory_space<vmem_shared>>)
      %dma_wait3A_295 = arith.constant 3 : i32
      %dma_wait3A_296 = arith.constant 3 : i32
      %dma_wait3A_297 = arith.constant 0 : i32
      %dma_wait3A_298 = arith.constant 0 : i32
      %dma_wait3A_299 = tpu.memref_slice %arg10[%dma_wait3A_295, %dma_wait3A_297, %dma_wait3A_298] : memref<4x128x32xf32, #tpu.memory_space<vmem>> -> memref<1x128x32xf32, #tpu.memory_space<vmem>>
      %dma_wait3A_300 = tpu.memref_squeeze %dma_wait3A_299 : memref<1x128x32xf32, #tpu.memory_space<vmem>> -> memref<128x32xf32, #tpu.memory_space<vmem>>
      %dma_wait3A_301 = arith.constant 0 : i32
      %dma_wait3A_302 = tpu.memref_slice %arg8[%add3A_238, %dma_wait3A_301] : memref<40x128xi32, #tpu.memory_space<vmem>> -> memref<1x128xi32, #tpu.memory_space<vmem>>
      %dma_wait3A_303 = tpu.memref_squeeze %dma_wait3A_302 : memref<1x128xi32, #tpu.memory_space<vmem>> -> memref<128xi32, #tpu.memory_space<vmem>>
      %dma_wait3A_304 = arith.constant 0 : i32
      %dma_wait3A_305 = arith.constant 0 : i32
      %dma_wait3A_306 = tpu.memref_slice %arg12[%dma_wait3A_304, %dma_wait3A_305] : memref<10112x32xf32, #tpu.memory_space<vmem_shared>> -> memref<10112x32xf32, #tpu.memory_space<vmem_shared>>
      %dma_wait3A_307 = tpu.memref_slice %arg15[%dma_wait3A_296] : memref<4x!tpu.dma_semaphore, #tpu.memory_space<semaphore_mem>> -> memref<1x!tpu.dma_semaphore, #tpu.memory_space<semaphore_mem>>
      %dma_wait3A_308 = tpu.memref_squeeze %dma_wait3A_307 : memref<1x!tpu.dma_semaphore, #tpu.memory_space<semaphore_mem>> -> memref<!tpu.dma_semaphore, #tpu.memory_space<semaphore_mem>>
      tpu.wait_indirect_dma semaphore(%dma_wait3A_308 : memref<!tpu.dma_semaphore, #tpu.memory_space<semaphore_mem>>) src(%dma_wait3A_300 : memref<128x32xf32, #tpu.memory_space<vmem>>) dst(%dma_wait3A_306 : memref<10112x32xf32, #tpu.memory_space<vmem_shared>>)
    }
    %scan3A_16 = arith.constant 10 : i32
    %mul3A_17 = arith.constant 2560 : i32
    %mul3A_18 = arith.muli %add3A, %mul3A_17 : i32
    %scan3A_19 = arith.constant 0 : i32
    %scan3A_20 = arith.constant 0 : i32
    %scan3A_21 = arith.constant 5 : i32
    %scan3A_22 = arith.addi %scan3A_20, %scan3A_21 : i32
    %scan3A_23 = arith.constant 1 : i32
    scf.for %scan3A_26 = %scan3A_20 to %scan3A_22 step %scan3A_23  : i32 {
      %mul3A_27 = arith.constant 4 : i32
      %mul3A_28 = arith.muli %scan3A_26, %mul3A_27 : i32
      %add3A_29 = arith.constant 0 : i32
      %add3A_30 = arith.addi %mul3A_28, %add3A_29 : i32
      %mul3A_31 = arith.constant 128 : i32
      %mul3A_32 = arith.muli %add3A_30, %mul3A_31 : i32
      %add3A_33 = arith.addi %mul3A_18, %mul3A_32 : i32
      %dma_start3A = arith.constant 0 : i32
      %dma_start3A_34 = arith.constant 0 : i32
      %dma_start3A_35 = arith.constant 0 : i32
      %dma_start3A_36 = arith.constant 0 : i32
      %dma_start3A_37 = tpu.memref_slice %arg10[%dma_start3A, %dma_start3A_35, %dma_start3A_36] : memref<4x128x32xf32, #tpu.memory_space<vmem>> -> memref<1x128x32xf32, #tpu.memory_space<vmem>>
      %dma_start3A_38 = tpu.memref_squeeze %dma_start3A_37 : memref<1x128x32xf32, #tpu.memory_space<vmem>> -> memref<128x32xf32, #tpu.memory_space<vmem>>
      %dma_start3A_39 = arith.constant 0 : i32
      %dma_start3A_40 = tpu.memref_slice %arg3[%add3A_33, %dma_start3A_39] : memref<81920x32xf32, #tpu.memory_space<hbm>> -> memref<128x32xf32, #tpu.memory_space<hbm>>
      %dma_start3A_41 = tpu.memref_slice %arg14[%dma_start3A_34] : memref<4x!tpu.dma_semaphore, #tpu.memory_space<semaphore_mem>> -> memref<1x!tpu.dma_semaphore, #tpu.memory_space<semaphore_mem>>
      %dma_start3A_42 = tpu.memref_squeeze %dma_start3A_41 : memref<1x!tpu.dma_semaphore, #tpu.memory_space<semaphore_mem>> -> memref<!tpu.dma_semaphore, #tpu.memory_space<semaphore_mem>>
      %dma_start3A_43 = arith.constant 0 : i32
      %dma_start3A_44 = arith.constant 0 : i32
      %dma_start3A_45 = tpu.memref_slice %arg10[%dma_start3A, %dma_start3A_43, %dma_start3A_44] : memref<4x128x32xf32, #tpu.memory_space<vmem>> -> memref<1x128x32xf32, #tpu.memory_space<vmem>>
      %dma_start3A_46 = tpu.memref_squeeze %dma_start3A_45 : memref<1x128x32xf32, #tpu.memory_space<vmem>> -> memref<128x32xf32, #tpu.memory_space<vmem>>
      %dma_start3A_47 = arith.constant 0 : i32
      %dma_start3A_48 = tpu.memref_slice %arg3[%add3A_33, %dma_start3A_47] : memref<81920x32xf32, #tpu.memory_space<hbm>> -> memref<128x32xf32, #tpu.memory_space<hbm>>
      tpu.enqueue_dma source(%dma_start3A_48 : memref<128x32xf32, #tpu.memory_space<hbm>>) target(%dma_start3A_46 : memref<128x32xf32, #tpu.memory_space<vmem>>) target_semaphore(%dma_start3A_42 : memref<!tpu.dma_semaphore, #tpu.memory_space<semaphore_mem>>)
      %mul3A_49 = arith.constant 4 : i32
      %mul3A_50 = arith.muli %scan3A_26, %mul3A_49 : i32
      %add3A_51 = arith.constant 1 : i32
      %add3A_52 = arith.addi %mul3A_50, %add3A_51 : i32
      %mul3A_53 = arith.constant 128 : i32
      %mul3A_54 = arith.muli %add3A_52, %mul3A_53 : i32
      %add3A_55 = arith.addi %mul3A_18, %mul3A_54 : i32
      %dma_start3A_56 = arith.constant 1 : i32
      %dma_start3A_57 = arith.constant 1 : i32
      %dma_start3A_58 = arith.constant 0 : i32
      %dma_start3A_59 = arith.constant 0 : i32
      %dma_start3A_60 = tpu.memref_slice %arg10[%dma_start3A_56, %dma_start3A_58, %dma_start3A_59] : memref<4x128x32xf32, #tpu.memory_space<vmem>> -> memref<1x128x32xf32, #tpu.memory_space<vmem>>
      %dma_start3A_61 = tpu.memref_squeeze %dma_start3A_60 : memref<1x128x32xf32, #tpu.memory_space<vmem>> -> memref<128x32xf32, #tpu.memory_space<vmem>>
      %dma_start3A_62 = arith.constant 0 : i32
      %dma_start3A_63 = tpu.memref_slice %arg3[%add3A_55, %dma_start3A_62] : memref<81920x32xf32, #tpu.memory_space<hbm>> -> memref<128x32xf32, #tpu.memory_space<hbm>>
      %dma_start3A_64 = tpu.memref_slice %arg14[%dma_start3A_57] : memref<4x!tpu.dma_semaphore, #tpu.memory_space<semaphore_mem>> -> memref<1x!tpu.dma_semaphore, #tpu.memory_space<semaphore_mem>>
      %dma_start3A_65 = tpu.memref_squeeze %dma_start3A_64 : memref<1x!tpu.dma_semaphore, #tpu.memory_space<semaphore_mem>> -> memref<!tpu.dma_semaphore, #tpu.memory_space<semaphore_mem>>
      %dma_start3A_66 = arith.constant 0 : i32
      %dma_start3A_67 = arith.constant 0 : i32
      %dma_start3A_68 = tpu.memref_slice %arg10[%dma_start3A_56, %dma_start3A_66, %dma_start3A_67] : memref<4x128x32xf32, #tpu.memory_space<vmem>> -> memref<1x128x32xf32, #tpu.memory_space<vmem>>
      %dma_start3A_69 = tpu.memref_squeeze %dma_start3A_68 : memref<1x128x32xf32, #tpu.memory_space<vmem>> -> memref<128x32xf32, #tpu.memory_space<vmem>>
      %dma_start3A_70 = arith.constant 0 : i32
      %dma_start3A_71 = tpu.memref_slice %arg3[%add3A_55, %dma_start3A_70] : memref<81920x32xf32, #tpu.memory_space<hbm>> -> memref<128x32xf32, #tpu.memory_space<hbm>>
      tpu.enqueue_dma source(%dma_start3A_71 : memref<128x32xf32, #tpu.memory_space<hbm>>) target(%dma_start3A_69 : memref<128x32xf32, #tpu.memory_space<vmem>>) target_semaphore(%dma_start3A_65 : memref<!tpu.dma_semaphore, #tpu.memory_space<semaphore_mem>>)
      %mul3A_72 = arith.constant 4 : i32
      %mul3A_73 = arith.muli %scan3A_26, %mul3A_72 : i32
      %add3A_74 = arith.constant 2 : i32
      %add3A_75 = arith.addi %mul3A_73, %add3A_74 : i32
      %mul3A_76 = arith.constant 128 : i32
      %mul3A_77 = arith.muli %add3A_75, %mul3A_76 : i32
      %add3A_78 = arith.addi %mul3A_18, %mul3A_77 : i32
      %dma_start3A_79 = arith.constant 2 : i32
      %dma_start3A_80 = arith.constant 2 : i32
      %dma_start3A_81 = arith.constant 0 : i32
      %dma_start3A_82 = arith.constant 0 : i32
      %dma_start3A_83 = tpu.memref_slice %arg10[%dma_start3A_79, %dma_start3A_81, %dma_start3A_82] : memref<4x128x32xf32, #tpu.memory_space<vmem>> -> memref<1x128x32xf32, #tpu.memory_space<vmem>>
      %dma_start3A_84 = tpu.memref_squeeze %dma_start3A_83 : memref<1x128x32xf32, #tpu.memory_space<vmem>> -> memref<128x32xf32, #tpu.memory_space<vmem>>
      %dma_start3A_85 = arith.constant 0 : i32
      %dma_start3A_86 = tpu.memref_slice %arg3[%add3A_78, %dma_start3A_85] : memref<81920x32xf32, #tpu.memory_space<hbm>> -> memref<128x32xf32, #tpu.memory_space<hbm>>
      %dma_start3A_87 = tpu.memref_slice %arg14[%dma_start3A_80] : memref<4x!tpu.dma_semaphore, #tpu.memory_space<semaphore_mem>> -> memref<1x!tpu.dma_semaphore, #tpu.memory_space<semaphore_mem>>
      %dma_start3A_88 = tpu.memref_squeeze %dma_start3A_87 : memref<1x!tpu.dma_semaphore, #tpu.memory_space<semaphore_mem>> -> memref<!tpu.dma_semaphore, #tpu.memory_space<semaphore_mem>>
      %dma_start3A_89 = arith.constant 0 : i32
      %dma_start3A_90 = arith.constant 0 : i32
      %dma_start3A_91 = tpu.memref_slice %arg10[%dma_start3A_79, %dma_start3A_89, %dma_start3A_90] : memref<4x128x32xf32, #tpu.memory_space<vmem>> -> memref<1x128x32xf32, #tpu.memory_space<vmem>>
      %dma_start3A_92 = tpu.memref_squeeze %dma_start3A_91 : memref<1x128x32xf32, #tpu.memory_space<vmem>> -> memref<128x32xf32, #tpu.memory_space<vmem>>
      %dma_start3A_93 = arith.constant 0 : i32
      %dma_start3A_94 = tpu.memref_slice %arg3[%add3A_78, %dma_start3A_93] : memref<81920x32xf32, #tpu.memory_space<hbm>> -> memref<128x32xf32, #tpu.memory_space<hbm>>
      tpu.enqueue_dma source(%dma_start3A_94 : memref<128x32xf32, #tpu.memory_space<hbm>>) target(%dma_start3A_92 : memref<128x32xf32, #tpu.memory_space<vmem>>) target_semaphore(%dma_start3A_88 : memref<!tpu.dma_semaphore, #tpu.memory_space<semaphore_mem>>)
      %mul3A_95 = arith.constant 4 : i32
      %mul3A_96 = arith.muli %scan3A_26, %mul3A_95 : i32
      %add3A_97 = arith.constant 3 : i32
      %add3A_98 = arith.addi %mul3A_96, %add3A_97 : i32
      %mul3A_99 = arith.constant 128 : i32
      %mul3A_100 = arith.muli %add3A_98, %mul3A_99 : i32
      %add3A_101 = arith.addi %mul3A_18, %mul3A_100 : i32
      %dma_start3A_102 = arith.constant 3 : i32
      %dma_start3A_103 = arith.constant 3 : i32
      %dma_start3A_104 = arith.constant 0 : i32
      %dma_start3A_105 = arith.constant 0 : i32
      %dma_start3A_106 = tpu.memref_slice %arg10[%dma_start3A_102, %dma_start3A_104, %dma_start3A_105] : memref<4x128x32xf32, #tpu.memory_space<vmem>> -> memref<1x128x32xf32, #tpu.memory_space<vmem>>
      %dma_start3A_107 = tpu.memref_squeeze %dma_start3A_106 : memref<1x128x32xf32, #tpu.memory_space<vmem>> -> memref<128x32xf32, #tpu.memory_space<vmem>>
      %dma_start3A_108 = arith.constant 0 : i32
      %dma_start3A_109 = tpu.memref_slice %arg3[%add3A_101, %dma_start3A_108] : memref<81920x32xf32, #tpu.memory_space<hbm>> -> memref<128x32xf32, #tpu.memory_space<hbm>>
      %dma_start3A_110 = tpu.memref_slice %arg14[%dma_start3A_103] : memref<4x!tpu.dma_semaphore, #tpu.memory_space<semaphore_mem>> -> memref<1x!tpu.dma_semaphore, #tpu.memory_space<semaphore_mem>>
      %dma_start3A_111 = tpu.memref_squeeze %dma_start3A_110 : memref<1x!tpu.dma_semaphore, #tpu.memory_space<semaphore_mem>> -> memref<!tpu.dma_semaphore, #tpu.memory_space<semaphore_mem>>
      %dma_start3A_112 = arith.constant 0 : i32
      %dma_start3A_113 = arith.constant 0 : i32
      %dma_start3A_114 = tpu.memref_slice %arg10[%dma_start3A_102, %dma_start3A_112, %dma_start3A_113] : memref<4x128x32xf32, #tpu.memory_space<vmem>> -> memref<1x128x32xf32, #tpu.memory_space<vmem>>
      %dma_start3A_115 = tpu.memref_squeeze %dma_start3A_114 : memref<1x128x32xf32, #tpu.memory_space<vmem>> -> memref<128x32xf32, #tpu.memory_space<vmem>>
      %dma_start3A_116 = arith.constant 0 : i32
      %dma_start3A_117 = tpu.memref_slice %arg3[%add3A_101, %dma_start3A_116] : memref<81920x32xf32, #tpu.memory_space<hbm>> -> memref<128x32xf32, #tpu.memory_space<hbm>>
      tpu.enqueue_dma source(%dma_start3A_117 : memref<128x32xf32, #tpu.memory_space<hbm>>) target(%dma_start3A_115 : memref<128x32xf32, #tpu.memory_space<vmem>>) target_semaphore(%dma_start3A_111 : memref<!tpu.dma_semaphore, #tpu.memory_space<semaphore_mem>>)
      %dma_wait3A = arith.constant 0 : i32
      %dma_wait3A_118 = arith.constant 0 : i32
      %dma_wait3A_119 = arith.constant 0 : i32
      %dma_wait3A_120 = arith.constant 0 : i32
      %dma_wait3A_121 = tpu.memref_slice %arg10[%dma_wait3A, %dma_wait3A_119, %dma_wait3A_120] : memref<4x128x32xf32, #tpu.memory_space<vmem>> -> memref<1x128x32xf32, #tpu.memory_space<vmem>>
      %dma_wait3A_122 = tpu.memref_squeeze %dma_wait3A_121 : memref<1x128x32xf32, #tpu.memory_space<vmem>> -> memref<128x32xf32, #tpu.memory_space<vmem>>
      %dma_wait3A_123 = arith.constant 0 : i32
      %dma_wait3A_124 = tpu.memref_slice %arg3[%add3A_33, %dma_wait3A_123] : memref<81920x32xf32, #tpu.memory_space<hbm>> -> memref<128x32xf32, #tpu.memory_space<hbm>>
      %dma_wait3A_125 = tpu.memref_slice %arg14[%dma_wait3A_118] : memref<4x!tpu.dma_semaphore, #tpu.memory_space<semaphore_mem>> -> memref<1x!tpu.dma_semaphore, #tpu.memory_space<semaphore_mem>>
      %dma_wait3A_126 = tpu.memref_squeeze %dma_wait3A_125 : memref<1x!tpu.dma_semaphore, #tpu.memory_space<semaphore_mem>> -> memref<!tpu.dma_semaphore, #tpu.memory_space<semaphore_mem>>
      %dma_wait3A_127 = arith.constant 0 : i32
      %dma_wait3A_128 = arith.constant 0 : i32
      %dma_wait3A_129 = tpu.memref_slice %arg10[%dma_wait3A, %dma_wait3A_127, %dma_wait3A_128] : memref<4x128x32xf32, #tpu.memory_space<vmem>> -> memref<1x128x32xf32, #tpu.memory_space<vmem>>
      %dma_wait3A_130 = tpu.memref_squeeze %dma_wait3A_129 : memref<1x128x32xf32, #tpu.memory_space<vmem>> -> memref<128x32xf32, #tpu.memory_space<vmem>>
      %dma_wait3A_131 = arith.constant 0 : i32
      %dma_wait3A_132 = tpu.memref_slice %arg3[%add3A_33, %dma_wait3A_131] : memref<81920x32xf32, #tpu.memory_space<hbm>> -> memref<128x32xf32, #tpu.memory_space<hbm>>
      tpu.wait_dma2 semaphore(%dma_wait3A_126 : memref<!tpu.dma_semaphore, #tpu.memory_space<semaphore_mem>>) src(%dma_wait3A_132 : memref<128x32xf32, #tpu.memory_space<hbm>>) dst(%dma_wait3A_130 : memref<128x32xf32, #tpu.memory_space<vmem>>)
      %mul3A_133 = arith.constant 4 : i32
      %mul3A_134 = arith.muli %scan3A_26, %mul3A_133 : i32
      %add3A_135 = arith.constant 0 : i32
      %add3A_136 = arith.addi %mul3A_134, %add3A_135 : i32
      %dma_start3A_137 = arith.constant 0 : i32
      %dma_start3A_138 = arith.constant 0 : i32
      %dma_start3A_139 = arith.constant 0 : i32
      %dma_start3A_140 = arith.constant 0 : i32
      %dma_start3A_141 = tpu.memref_slice %arg10[%dma_start3A_137, %dma_start3A_139, %dma_start3A_140] : memref<4x128x32xf32, #tpu.memory_space<vmem>> -> memref<1x128x32xf32, #tpu.memory_space<vmem>>
      %dma_start3A_142 = tpu.memref_squeeze %dma_start3A_141 : memref<1x128x32xf32, #tpu.memory_space<vmem>> -> memref<128x32xf32, #tpu.memory_space<vmem>>
      %dma_start3A_143 = arith.constant 0 : i32
      %dma_start3A_144 = tpu.memref_slice %arg9[%add3A_136, %dma_start3A_143] : memref<20x128xi32, #tpu.memory_space<vmem>> -> memref<1x128xi32, #tpu.memory_space<vmem>>
      %dma_start3A_145 = tpu.memref_squeeze %dma_start3A_144 : memref<1x128xi32, #tpu.memory_space<vmem>> -> memref<128xi32, #tpu.memory_space<vmem>>
      %dma_start3A_146 = arith.constant 0 : i32
      %dma_start3A_147 = arith.constant 0 : i32
      %dma_start3A_148 = tpu.memref_slice %arg13[%dma_start3A_146, %dma_start3A_147] : memref<10112x32xf32, #tpu.memory_space<vmem_shared>> -> memref<10112x32xf32, #tpu.memory_space<vmem_shared>>
      %dma_start3A_149 = tpu.memref_slice %arg15[%dma_start3A_138] : memref<4x!tpu.dma_semaphore, #tpu.memory_space<semaphore_mem>> -> memref<1x!tpu.dma_semaphore, #tpu.memory_space<semaphore_mem>>
      %dma_start3A_150 = tpu.memref_squeeze %dma_start3A_149 : memref<1x!tpu.dma_semaphore, #tpu.memory_space<semaphore_mem>> -> memref<!tpu.dma_semaphore, #tpu.memory_space<semaphore_mem>>
      tpu.enqueue_indirect_dma source(%dma_start3A_142 : memref<128x32xf32, #tpu.memory_space<vmem>>) target(%dma_start3A_148 : memref<10112x32xf32, #tpu.memory_space<vmem_shared>>) offsets(%dma_start3A_145 : memref<128xi32, #tpu.memory_space<vmem>>) semaphore(%dma_start3A_150 : memref<!tpu.dma_semaphore, #tpu.memory_space<semaphore_mem>>) {add = true}
      %dma_wait3A_151 = arith.constant 1 : i32
      %dma_wait3A_152 = arith.constant 1 : i32
      %dma_wait3A_153 = arith.constant 0 : i32
      %dma_wait3A_154 = arith.constant 0 : i32
      %dma_wait3A_155 = tpu.memref_slice %arg10[%dma_wait3A_151, %dma_wait3A_153, %dma_wait3A_154] : memref<4x128x32xf32, #tpu.memory_space<vmem>> -> memref<1x128x32xf32, #tpu.memory_space<vmem>>
      %dma_wait3A_156 = tpu.memref_squeeze %dma_wait3A_155 : memref<1x128x32xf32, #tpu.memory_space<vmem>> -> memref<128x32xf32, #tpu.memory_space<vmem>>
      %dma_wait3A_157 = arith.constant 0 : i32
      %dma_wait3A_158 = tpu.memref_slice %arg3[%add3A_55, %dma_wait3A_157] : memref<81920x32xf32, #tpu.memory_space<hbm>> -> memref<128x32xf32, #tpu.memory_space<hbm>>
      %dma_wait3A_159 = tpu.memref_slice %arg14[%dma_wait3A_152] : memref<4x!tpu.dma_semaphore, #tpu.memory_space<semaphore_mem>> -> memref<1x!tpu.dma_semaphore, #tpu.memory_space<semaphore_mem>>
      %dma_wait3A_160 = tpu.memref_squeeze %dma_wait3A_159 : memref<1x!tpu.dma_semaphore, #tpu.memory_space<semaphore_mem>> -> memref<!tpu.dma_semaphore, #tpu.memory_space<semaphore_mem>>
      %dma_wait3A_161 = arith.constant 0 : i32
      %dma_wait3A_162 = arith.constant 0 : i32
      %dma_wait3A_163 = tpu.memref_slice %arg10[%dma_wait3A_151, %dma_wait3A_161, %dma_wait3A_162] : memref<4x128x32xf32, #tpu.memory_space<vmem>> -> memref<1x128x32xf32, #tpu.memory_space<vmem>>
      %dma_wait3A_164 = tpu.memref_squeeze %dma_wait3A_163 : memref<1x128x32xf32, #tpu.memory_space<vmem>> -> memref<128x32xf32, #tpu.memory_space<vmem>>
      %dma_wait3A_165 = arith.constant 0 : i32
      %dma_wait3A_166 = tpu.memref_slice %arg3[%add3A_55, %dma_wait3A_165] : memref<81920x32xf32, #tpu.memory_space<hbm>> -> memref<128x32xf32, #tpu.memory_space<hbm>>
      tpu.wait_dma2 semaphore(%dma_wait3A_160 : memref<!tpu.dma_semaphore, #tpu.memory_space<semaphore_mem>>) src(%dma_wait3A_166 : memref<128x32xf32, #tpu.memory_space<hbm>>) dst(%dma_wait3A_164 : memref<128x32xf32, #tpu.memory_space<vmem>>)
      %mul3A_167 = arith.constant 4 : i32
      %mul3A_168 = arith.muli %scan3A_26, %mul3A_167 : i32
      %add3A_169 = arith.constant 1 : i32
      %add3A_170 = arith.addi %mul3A_168, %add3A_169 : i32
      %dma_start3A_171 = arith.constant 1 : i32
      %dma_start3A_172 = arith.constant 1 : i32
      %dma_start3A_173 = arith.constant 0 : i32
      %dma_start3A_174 = arith.constant 0 : i32
      %dma_start3A_175 = tpu.memref_slice %arg10[%dma_start3A_171, %dma_start3A_173, %dma_start3A_174] : memref<4x128x32xf32, #tpu.memory_space<vmem>> -> memref<1x128x32xf32, #tpu.memory_space<vmem>>
      %dma_start3A_176 = tpu.memref_squeeze %dma_start3A_175 : memref<1x128x32xf32, #tpu.memory_space<vmem>> -> memref<128x32xf32, #tpu.memory_space<vmem>>
      %dma_start3A_177 = arith.constant 0 : i32
      %dma_start3A_178 = tpu.memref_slice %arg9[%add3A_170, %dma_start3A_177] : memref<20x128xi32, #tpu.memory_space<vmem>> -> memref<1x128xi32, #tpu.memory_space<vmem>>
      %dma_start3A_179 = tpu.memref_squeeze %dma_start3A_178 : memref<1x128xi32, #tpu.memory_space<vmem>> -> memref<128xi32, #tpu.memory_space<vmem>>
      %dma_start3A_180 = arith.constant 0 : i32
      %dma_start3A_181 = arith.constant 0 : i32
      %dma_start3A_182 = tpu.memref_slice %arg13[%dma_start3A_180, %dma_start3A_181] : memref<10112x32xf32, #tpu.memory_space<vmem_shared>> -> memref<10112x32xf32, #tpu.memory_space<vmem_shared>>
      %dma_start3A_183 = tpu.memref_slice %arg15[%dma_start3A_172] : memref<4x!tpu.dma_semaphore, #tpu.memory_space<semaphore_mem>> -> memref<1x!tpu.dma_semaphore, #tpu.memory_space<semaphore_mem>>
      %dma_start3A_184 = tpu.memref_squeeze %dma_start3A_183 : memref<1x!tpu.dma_semaphore, #tpu.memory_space<semaphore_mem>> -> memref<!tpu.dma_semaphore, #tpu.memory_space<semaphore_mem>>
      tpu.enqueue_indirect_dma source(%dma_start3A_176 : memref<128x32xf32, #tpu.memory_space<vmem>>) target(%dma_start3A_182 : memref<10112x32xf32, #tpu.memory_space<vmem_shared>>) offsets(%dma_start3A_179 : memref<128xi32, #tpu.memory_space<vmem>>) semaphore(%dma_start3A_184 : memref<!tpu.dma_semaphore, #tpu.memory_space<semaphore_mem>>) {add = true}
      %dma_wait3A_185 = arith.constant 2 : i32
      %dma_wait3A_186 = arith.constant 2 : i32
      %dma_wait3A_187 = arith.constant 0 : i32
      %dma_wait3A_188 = arith.constant 0 : i32
      %dma_wait3A_189 = tpu.memref_slice %arg10[%dma_wait3A_185, %dma_wait3A_187, %dma_wait3A_188] : memref<4x128x32xf32, #tpu.memory_space<vmem>> -> memref<1x128x32xf32, #tpu.memory_space<vmem>>
      %dma_wait3A_190 = tpu.memref_squeeze %dma_wait3A_189 : memref<1x128x32xf32, #tpu.memory_space<vmem>> -> memref<128x32xf32, #tpu.memory_space<vmem>>
      %dma_wait3A_191 = arith.constant 0 : i32
      %dma_wait3A_192 = tpu.memref_slice %arg3[%add3A_78, %dma_wait3A_191] : memref<81920x32xf32, #tpu.memory_space<hbm>> -> memref<128x32xf32, #tpu.memory_space<hbm>>
      %dma_wait3A_193 = tpu.memref_slice %arg14[%dma_wait3A_186] : memref<4x!tpu.dma_semaphore, #tpu.memory_space<semaphore_mem>> -> memref<1x!tpu.dma_semaphore, #tpu.memory_space<semaphore_mem>>
      %dma_wait3A_194 = tpu.memref_squeeze %dma_wait3A_193 : memref<1x!tpu.dma_semaphore, #tpu.memory_space<semaphore_mem>> -> memref<!tpu.dma_semaphore, #tpu.memory_space<semaphore_mem>>
      %dma_wait3A_195 = arith.constant 0 : i32
      %dma_wait3A_196 = arith.constant 0 : i32
      %dma_wait3A_197 = tpu.memref_slice %arg10[%dma_wait3A_185, %dma_wait3A_195, %dma_wait3A_196] : memref<4x128x32xf32, #tpu.memory_space<vmem>> -> memref<1x128x32xf32, #tpu.memory_space<vmem>>
      %dma_wait3A_198 = tpu.memref_squeeze %dma_wait3A_197 : memref<1x128x32xf32, #tpu.memory_space<vmem>> -> memref<128x32xf32, #tpu.memory_space<vmem>>
      %dma_wait3A_199 = arith.constant 0 : i32
      %dma_wait3A_200 = tpu.memref_slice %arg3[%add3A_78, %dma_wait3A_199] : memref<81920x32xf32, #tpu.memory_space<hbm>> -> memref<128x32xf32, #tpu.memory_space<hbm>>
      tpu.wait_dma2 semaphore(%dma_wait3A_194 : memref<!tpu.dma_semaphore, #tpu.memory_space<semaphore_mem>>) src(%dma_wait3A_200 : memref<128x32xf32, #tpu.memory_space<hbm>>) dst(%dma_wait3A_198 : memref<128x32xf32, #tpu.memory_space<vmem>>)
      %mul3A_201 = arith.constant 4 : i32
      %mul3A_202 = arith.muli %scan3A_26, %mul3A_201 : i32
      %add3A_203 = arith.constant 2 : i32
      %add3A_204 = arith.addi %mul3A_202, %add3A_203 : i32
      %dma_start3A_205 = arith.constant 2 : i32
      %dma_start3A_206 = arith.constant 2 : i32
      %dma_start3A_207 = arith.constant 0 : i32
      %dma_start3A_208 = arith.constant 0 : i32
      %dma_start3A_209 = tpu.memref_slice %arg10[%dma_start3A_205, %dma_start3A_207, %dma_start3A_208] : memref<4x128x32xf32, #tpu.memory_space<vmem>> -> memref<1x128x32xf32, #tpu.memory_space<vmem>>
      %dma_start3A_210 = tpu.memref_squeeze %dma_start3A_209 : memref<1x128x32xf32, #tpu.memory_space<vmem>> -> memref<128x32xf32, #tpu.memory_space<vmem>>
      %dma_start3A_211 = arith.constant 0 : i32
      %dma_start3A_212 = tpu.memref_slice %arg9[%add3A_204, %dma_start3A_211] : memref<20x128xi32, #tpu.memory_space<vmem>> -> memref<1x128xi32, #tpu.memory_space<vmem>>
      %dma_start3A_213 = tpu.memref_squeeze %dma_start3A_212 : memref<1x128xi32, #tpu.memory_space<vmem>> -> memref<128xi32, #tpu.memory_space<vmem>>
      %dma_start3A_214 = arith.constant 0 : i32
      %dma_start3A_215 = arith.constant 0 : i32
      %dma_start3A_216 = tpu.memref_slice %arg13[%dma_start3A_214, %dma_start3A_215] : memref<10112x32xf32, #tpu.memory_space<vmem_shared>> -> memref<10112x32xf32, #tpu.memory_space<vmem_shared>>
      %dma_start3A_217 = tpu.memref_slice %arg15[%dma_start3A_206] : memref<4x!tpu.dma_semaphore, #tpu.memory_space<semaphore_mem>> -> memref<1x!tpu.dma_semaphore, #tpu.memory_space<semaphore_mem>>
      %dma_start3A_218 = tpu.memref_squeeze %dma_start3A_217 : memref<1x!tpu.dma_semaphore, #tpu.memory_space<semaphore_mem>> -> memref<!tpu.dma_semaphore, #tpu.memory_space<semaphore_mem>>
      tpu.enqueue_indirect_dma source(%dma_start3A_210 : memref<128x32xf32, #tpu.memory_space<vmem>>) target(%dma_start3A_216 : memref<10112x32xf32, #tpu.memory_space<vmem_shared>>) offsets(%dma_start3A_213 : memref<128xi32, #tpu.memory_space<vmem>>) semaphore(%dma_start3A_218 : memref<!tpu.dma_semaphore, #tpu.memory_space<semaphore_mem>>) {add = true}
      %dma_wait3A_219 = arith.constant 3 : i32
      %dma_wait3A_220 = arith.constant 3 : i32
      %dma_wait3A_221 = arith.constant 0 : i32
      %dma_wait3A_222 = arith.constant 0 : i32
      %dma_wait3A_223 = tpu.memref_slice %arg10[%dma_wait3A_219, %dma_wait3A_221, %dma_wait3A_222] : memref<4x128x32xf32, #tpu.memory_space<vmem>> -> memref<1x128x32xf32, #tpu.memory_space<vmem>>
      %dma_wait3A_224 = tpu.memref_squeeze %dma_wait3A_223 : memref<1x128x32xf32, #tpu.memory_space<vmem>> -> memref<128x32xf32, #tpu.memory_space<vmem>>
      %dma_wait3A_225 = arith.constant 0 : i32
      %dma_wait3A_226 = tpu.memref_slice %arg3[%add3A_101, %dma_wait3A_225] : memref<81920x32xf32, #tpu.memory_space<hbm>> -> memref<128x32xf32, #tpu.memory_space<hbm>>
      %dma_wait3A_227 = tpu.memref_slice %arg14[%dma_wait3A_220] : memref<4x!tpu.dma_semaphore, #tpu.memory_space<semaphore_mem>> -> memref<1x!tpu.dma_semaphore, #tpu.memory_space<semaphore_mem>>
      %dma_wait3A_228 = tpu.memref_squeeze %dma_wait3A_227 : memref<1x!tpu.dma_semaphore, #tpu.memory_space<semaphore_mem>> -> memref<!tpu.dma_semaphore, #tpu.memory_space<semaphore_mem>>
      %dma_wait3A_229 = arith.constant 0 : i32
      %dma_wait3A_230 = arith.constant 0 : i32
      %dma_wait3A_231 = tpu.memref_slice %arg10[%dma_wait3A_219, %dma_wait3A_229, %dma_wait3A_230] : memref<4x128x32xf32, #tpu.memory_space<vmem>> -> memref<1x128x32xf32, #tpu.memory_space<vmem>>
      %dma_wait3A_232 = tpu.memref_squeeze %dma_wait3A_231 : memref<1x128x32xf32, #tpu.memory_space<vmem>> -> memref<128x32xf32, #tpu.memory_space<vmem>>
      %dma_wait3A_233 = arith.constant 0 : i32
      %dma_wait3A_234 = tpu.memref_slice %arg3[%add3A_101, %dma_wait3A_233] : memref<81920x32xf32, #tpu.memory_space<hbm>> -> memref<128x32xf32, #tpu.memory_space<hbm>>
      tpu.wait_dma2 semaphore(%dma_wait3A_228 : memref<!tpu.dma_semaphore, #tpu.memory_space<semaphore_mem>>) src(%dma_wait3A_234 : memref<128x32xf32, #tpu.memory_space<hbm>>) dst(%dma_wait3A_232 : memref<128x32xf32, #tpu.memory_space<vmem>>)
      %mul3A_235 = arith.constant 4 : i32
      %mul3A_236 = arith.muli %scan3A_26, %mul3A_235 : i32
      %add3A_237 = arith.constant 3 : i32
      %add3A_238 = arith.addi %mul3A_236, %add3A_237 : i32
      %dma_start3A_239 = arith.constant 3 : i32
      %dma_start3A_240 = arith.constant 3 : i32
      %dma_start3A_241 = arith.constant 0 : i32
      %dma_start3A_242 = arith.constant 0 : i32
      %dma_start3A_243 = tpu.memref_slice %arg10[%dma_start3A_239, %dma_start3A_241, %dma_start3A_242] : memref<4x128x32xf32, #tpu.memory_space<vmem>> -> memref<1x128x32xf32, #tpu.memory_space<vmem>>
      %dma_start3A_244 = tpu.memref_squeeze %dma_start3A_243 : memref<1x128x32xf32, #tpu.memory_space<vmem>> -> memref<128x32xf32, #tpu.memory_space<vmem>>
      %dma_start3A_245 = arith.constant 0 : i32
      %dma_start3A_246 = tpu.memref_slice %arg9[%add3A_238, %dma_start3A_245] : memref<20x128xi32, #tpu.memory_space<vmem>> -> memref<1x128xi32, #tpu.memory_space<vmem>>
      %dma_start3A_247 = tpu.memref_squeeze %dma_start3A_246 : memref<1x128xi32, #tpu.memory_space<vmem>> -> memref<128xi32, #tpu.memory_space<vmem>>
      %dma_start3A_248 = arith.constant 0 : i32
      %dma_start3A_249 = arith.constant 0 : i32
      %dma_start3A_250 = tpu.memref_slice %arg13[%dma_start3A_248, %dma_start3A_249] : memref<10112x32xf32, #tpu.memory_space<vmem_shared>> -> memref<10112x32xf32, #tpu.memory_space<vmem_shared>>
      %dma_start3A_251 = tpu.memref_slice %arg15[%dma_start3A_240] : memref<4x!tpu.dma_semaphore, #tpu.memory_space<semaphore_mem>> -> memref<1x!tpu.dma_semaphore, #tpu.memory_space<semaphore_mem>>
      %dma_start3A_252 = tpu.memref_squeeze %dma_start3A_251 : memref<1x!tpu.dma_semaphore, #tpu.memory_space<semaphore_mem>> -> memref<!tpu.dma_semaphore, #tpu.memory_space<semaphore_mem>>
      tpu.enqueue_indirect_dma source(%dma_start3A_244 : memref<128x32xf32, #tpu.memory_space<vmem>>) target(%dma_start3A_250 : memref<10112x32xf32, #tpu.memory_space<vmem_shared>>) offsets(%dma_start3A_247 : memref<128xi32, #tpu.memory_space<vmem>>) semaphore(%dma_start3A_252 : memref<!tpu.dma_semaphore, #tpu.memory_space<semaphore_mem>>) {add = true}
      %dma_wait3A_253 = arith.constant 0 : i32
      %dma_wait3A_254 = arith.constant 0 : i32
      %dma_wait3A_255 = arith.constant 0 : i32
      %dma_wait3A_256 = arith.constant 0 : i32
      %dma_wait3A_257 = tpu.memref_slice %arg10[%dma_wait3A_253, %dma_wait3A_255, %dma_wait3A_256] : memref<4x128x32xf32, #tpu.memory_space<vmem>> -> memref<1x128x32xf32, #tpu.memory_space<vmem>>
      %dma_wait3A_258 = tpu.memref_squeeze %dma_wait3A_257 : memref<1x128x32xf32, #tpu.memory_space<vmem>> -> memref<128x32xf32, #tpu.memory_space<vmem>>
      %dma_wait3A_259 = arith.constant 0 : i32
      %dma_wait3A_260 = tpu.memref_slice %arg9[%add3A_136, %dma_wait3A_259] : memref<20x128xi32, #tpu.memory_space<vmem>> -> memref<1x128xi32, #tpu.memory_space<vmem>>
      %dma_wait3A_261 = tpu.memref_squeeze %dma_wait3A_260 : memref<1x128xi32, #tpu.memory_space<vmem>> -> memref<128xi32, #tpu.memory_space<vmem>>
      %dma_wait3A_262 = arith.constant 0 : i32
      %dma_wait3A_263 = arith.constant 0 : i32
      %dma_wait3A_264 = tpu.memref_slice %arg13[%dma_wait3A_262, %dma_wait3A_263] : memref<10112x32xf32, #tpu.memory_space<vmem_shared>> -> memref<10112x32xf32, #tpu.memory_space<vmem_shared>>
      %dma_wait3A_265 = tpu.memref_slice %arg15[%dma_wait3A_254] : memref<4x!tpu.dma_semaphore, #tpu.memory_space<semaphore_mem>> -> memref<1x!tpu.dma_semaphore, #tpu.memory_space<semaphore_mem>>
      %dma_wait3A_266 = tpu.memref_squeeze %dma_wait3A_265 : memref<1x!tpu.dma_semaphore, #tpu.memory_space<semaphore_mem>> -> memref<!tpu.dma_semaphore, #tpu.memory_space<semaphore_mem>>
      tpu.wait_indirect_dma semaphore(%dma_wait3A_266 : memref<!tpu.dma_semaphore, #tpu.memory_space<semaphore_mem>>) src(%dma_wait3A_258 : memref<128x32xf32, #tpu.memory_space<vmem>>) dst(%dma_wait3A_264 : memref<10112x32xf32, #tpu.memory_space<vmem_shared>>)
      %dma_wait3A_267 = arith.constant 1 : i32
      %dma_wait3A_268 = arith.constant 1 : i32
      %dma_wait3A_269 = arith.constant 0 : i32
      %dma_wait3A_270 = arith.constant 0 : i32
      %dma_wait3A_271 = tpu.memref_slice %arg10[%dma_wait3A_267, %dma_wait3A_269, %dma_wait3A_270] : memref<4x128x32xf32, #tpu.memory_space<vmem>> -> memref<1x128x32xf32, #tpu.memory_space<vmem>>
      %dma_wait3A_272 = tpu.memref_squeeze %dma_wait3A_271 : memref<1x128x32xf32, #tpu.memory_space<vmem>> -> memref<128x32xf32, #tpu.memory_space<vmem>>
      %dma_wait3A_273 = arith.constant 0 : i32
      %dma_wait3A_274 = tpu.memref_slice %arg9[%add3A_170, %dma_wait3A_273] : memref<20x128xi32, #tpu.memory_space<vmem>> -> memref<1x128xi32, #tpu.memory_space<vmem>>
      %dma_wait3A_275 = tpu.memref_squeeze %dma_wait3A_274 : memref<1x128xi32, #tpu.memory_space<vmem>> -> memref<128xi32, #tpu.memory_space<vmem>>
      %dma_wait3A_276 = arith.constant 0 : i32
      %dma_wait3A_277 = arith.constant 0 : i32
      %dma_wait3A_278 = tpu.memref_slice %arg13[%dma_wait3A_276, %dma_wait3A_277] : memref<10112x32xf32, #tpu.memory_space<vmem_shared>> -> memref<10112x32xf32, #tpu.memory_space<vmem_shared>>
      %dma_wait3A_279 = tpu.memref_slice %arg15[%dma_wait3A_268] : memref<4x!tpu.dma_semaphore, #tpu.memory_space<semaphore_mem>> -> memref<1x!tpu.dma_semaphore, #tpu.memory_space<semaphore_mem>>
      %dma_wait3A_280 = tpu.memref_squeeze %dma_wait3A_279 : memref<1x!tpu.dma_semaphore, #tpu.memory_space<semaphore_mem>> -> memref<!tpu.dma_semaphore, #tpu.memory_space<semaphore_mem>>
      tpu.wait_indirect_dma semaphore(%dma_wait3A_280 : memref<!tpu.dma_semaphore, #tpu.memory_space<semaphore_mem>>) src(%dma_wait3A_272 : memref<128x32xf32, #tpu.memory_space<vmem>>) dst(%dma_wait3A_278 : memref<10112x32xf32, #tpu.memory_space<vmem_shared>>)
      %dma_wait3A_281 = arith.constant 2 : i32
      %dma_wait3A_282 = arith.constant 2 : i32
      %dma_wait3A_283 = arith.constant 0 : i32
      %dma_wait3A_284 = arith.constant 0 : i32
      %dma_wait3A_285 = tpu.memref_slice %arg10[%dma_wait3A_281, %dma_wait3A_283, %dma_wait3A_284] : memref<4x128x32xf32, #tpu.memory_space<vmem>> -> memref<1x128x32xf32, #tpu.memory_space<vmem>>
      %dma_wait3A_286 = tpu.memref_squeeze %dma_wait3A_285 : memref<1x128x32xf32, #tpu.memory_space<vmem>> -> memref<128x32xf32, #tpu.memory_space<vmem>>
      %dma_wait3A_287 = arith.constant 0 : i32
      %dma_wait3A_288 = tpu.memref_slice %arg9[%add3A_204, %dma_wait3A_287] : memref<20x128xi32, #tpu.memory_space<vmem>> -> memref<1x128xi32, #tpu.memory_space<vmem>>
      %dma_wait3A_289 = tpu.memref_squeeze %dma_wait3A_288 : memref<1x128xi32, #tpu.memory_space<vmem>> -> memref<128xi32, #tpu.memory_space<vmem>>
      %dma_wait3A_290 = arith.constant 0 : i32
      %dma_wait3A_291 = arith.constant 0 : i32
      %dma_wait3A_292 = tpu.memref_slice %arg13[%dma_wait3A_290, %dma_wait3A_291] : memref<10112x32xf32, #tpu.memory_space<vmem_shared>> -> memref<10112x32xf32, #tpu.memory_space<vmem_shared>>
      %dma_wait3A_293 = tpu.memref_slice %arg15[%dma_wait3A_282] : memref<4x!tpu.dma_semaphore, #tpu.memory_space<semaphore_mem>> -> memref<1x!tpu.dma_semaphore, #tpu.memory_space<semaphore_mem>>
      %dma_wait3A_294 = tpu.memref_squeeze %dma_wait3A_293 : memref<1x!tpu.dma_semaphore, #tpu.memory_space<semaphore_mem>> -> memref<!tpu.dma_semaphore, #tpu.memory_space<semaphore_mem>>
      tpu.wait_indirect_dma semaphore(%dma_wait3A_294 : memref<!tpu.dma_semaphore, #tpu.memory_space<semaphore_mem>>) src(%dma_wait3A_286 : memref<128x32xf32, #tpu.memory_space<vmem>>) dst(%dma_wait3A_292 : memref<10112x32xf32, #tpu.memory_space<vmem_shared>>)
      %dma_wait3A_295 = arith.constant 3 : i32
      %dma_wait3A_296 = arith.constant 3 : i32
      %dma_wait3A_297 = arith.constant 0 : i32
      %dma_wait3A_298 = arith.constant 0 : i32
      %dma_wait3A_299 = tpu.memref_slice %arg10[%dma_wait3A_295, %dma_wait3A_297, %dma_wait3A_298] : memref<4x128x32xf32, #tpu.memory_space<vmem>> -> memref<1x128x32xf32, #tpu.memory_space<vmem>>
      %dma_wait3A_300 = tpu.memref_squeeze %dma_wait3A_299 : memref<1x128x32xf32, #tpu.memory_space<vmem>> -> memref<128x32xf32, #tpu.memory_space<vmem>>
      %dma_wait3A_301 = arith.constant 0 : i32
      %dma_wait3A_302 = tpu.memref_slice %arg9[%add3A_238, %dma_wait3A_301] : memref<20x128xi32, #tpu.memory_space<vmem>> -> memref<1x128xi32, #tpu.memory_space<vmem>>
      %dma_wait3A_303 = tpu.memref_squeeze %dma_wait3A_302 : memref<1x128xi32, #tpu.memory_space<vmem>> -> memref<128xi32, #tpu.memory_space<vmem>>
      %dma_wait3A_304 = arith.constant 0 : i32
      %dma_wait3A_305 = arith.constant 0 : i32
      %dma_wait3A_306 = tpu.memref_slice %arg13[%dma_wait3A_304, %dma_wait3A_305] : memref<10112x32xf32, #tpu.memory_space<vmem_shared>> -> memref<10112x32xf32, #tpu.memory_space<vmem_shared>>
      %dma_wait3A_307 = tpu.memref_slice %arg15[%dma_wait3A_296] : memref<4x!tpu.dma_semaphore, #tpu.memory_space<semaphore_mem>> -> memref<1x!tpu.dma_semaphore, #tpu.memory_space<semaphore_mem>>
      %dma_wait3A_308 = tpu.memref_squeeze %dma_wait3A_307 : memref<1x!tpu.dma_semaphore, #tpu.memory_space<semaphore_mem>> -> memref<!tpu.dma_semaphore, #tpu.memory_space<semaphore_mem>>
      tpu.wait_indirect_dma semaphore(%dma_wait3A_308 : memref<!tpu.dma_semaphore, #tpu.memory_space<semaphore_mem>>) src(%dma_wait3A_300 : memref<128x32xf32, #tpu.memory_space<vmem>>) dst(%dma_wait3A_306 : memref<10112x32xf32, #tpu.memory_space<vmem_shared>>)
    }
    %scan3A_24 = arith.constant 5 : i32
    %barrier3A_25 = arith.constant 0 : index
    tpu.barrier barrier_id(%barrier3A_25)
    "tpu.region"() ({
      %run_scoped3A = tpu.sem_alloc : memref<!tpu.dma_semaphore, #tpu.memory_space<semaphore_mem>>
      %dma_start3A = arith.constant 0 : i32
      %dma_start3A_26 = tpu.memref_slice %arg6[%arg0, %mul3A_2, %dma_start3A] : memref<2x10112x32xf32, #tpu.memory_space<hbm>> -> memref<1x632x32xf32, #tpu.memory_space<hbm>>
      %dma_start3A_27 = tpu.memref_squeeze %dma_start3A_26 : memref<1x632x32xf32, #tpu.memory_space<hbm>> -> memref<632x32xf32, #tpu.memory_space<hbm>>
      %dma_start3A_28 = arith.constant 0 : i32
      %dma_start3A_29 = tpu.memref_slice %arg12[%mul3A_2, %dma_start3A_28] : memref<10112x32xf32, #tpu.memory_space<vmem_shared>> -> memref<632x32xf32, #tpu.memory_space<vmem_shared>>
      tpu.enqueue_dma source(%dma_start3A_29 : memref<632x32xf32, #tpu.memory_space<vmem_shared>>) target(%dma_start3A_27 : memref<632x32xf32, #tpu.memory_space<hbm>>) target_semaphore(%run_scoped3A : memref<!tpu.dma_semaphore, #tpu.memory_space<semaphore_mem>>)
      %dma_wait3A = arith.constant 0 : i32
      %dma_wait3A_30 = tpu.memref_slice %arg6[%arg0, %mul3A_2, %dma_wait3A] : memref<2x10112x32xf32, #tpu.memory_space<hbm>> -> memref<1x632x32xf32, #tpu.memory_space<hbm>>
      %dma_wait3A_31 = tpu.memref_squeeze %dma_wait3A_30 : memref<1x632x32xf32, #tpu.memory_space<hbm>> -> memref<632x32xf32, #tpu.memory_space<hbm>>
      %dma_wait3A_32 = arith.constant 0 : i32
      %dma_wait3A_33 = tpu.memref_slice %arg12[%mul3A_2, %dma_wait3A_32] : memref<10112x32xf32, #tpu.memory_space<vmem_shared>> -> memref<632x32xf32, #tpu.memory_space<vmem_shared>>
      tpu.wait_dma2 semaphore(%run_scoped3A : memref<!tpu.dma_semaphore, #tpu.memory_space<semaphore_mem>>) src(%dma_wait3A_33 : memref<632x32xf32, #tpu.memory_space<vmem_shared>>) dst(%dma_wait3A_31 : memref<632x32xf32, #tpu.memory_space<hbm>>)
      tpu.yield
    }) : () -> ()
    "tpu.region"() ({
      %run_scoped3A = tpu.sem_alloc : memref<!tpu.dma_semaphore, #tpu.memory_space<semaphore_mem>>
      %dma_start3A = arith.constant 0 : i32
      %dma_start3A_26 = tpu.memref_slice %arg7[%arg0, %mul3A_2, %dma_start3A] : memref<2x10112x32xf32, #tpu.memory_space<hbm>> -> memref<1x632x32xf32, #tpu.memory_space<hbm>>
      %dma_start3A_27 = tpu.memref_squeeze %dma_start3A_26 : memref<1x632x32xf32, #tpu.memory_space<hbm>> -> memref<632x32xf32, #tpu.memory_space<hbm>>
      %dma_start3A_28 = arith.constant 0 : i32
      %dma_start3A_29 = tpu.memref_slice %arg13[%mul3A_2, %dma_start3A_28] : memref<10112x32xf32, #tpu.memory_space<vmem_shared>> -> memref<632x32xf32, #tpu.memory_space<vmem_shared>>
      tpu.enqueue_dma source(%dma_start3A_29 : memref<632x32xf32, #tpu.memory_space<vmem_shared>>) target(%dma_start3A_27 : memref<632x32xf32, #tpu.memory_space<hbm>>) target_semaphore(%run_scoped3A : memref<!tpu.dma_semaphore, #tpu.memory_space<semaphore_mem>>)
      %dma_wait3A = arith.constant 0 : i32
      %dma_wait3A_30 = tpu.memref_slice %arg7[%arg0, %mul3A_2, %dma_wait3A] : memref<2x10112x32xf32, #tpu.memory_space<hbm>> -> memref<1x632x32xf32, #tpu.memory_space<hbm>>
      %dma_wait3A_31 = tpu.memref_squeeze %dma_wait3A_30 : memref<1x632x32xf32, #tpu.memory_space<hbm>> -> memref<632x32xf32, #tpu.memory_space<hbm>>
      %dma_wait3A_32 = arith.constant 0 : i32
      %dma_wait3A_33 = tpu.memref_slice %arg13[%mul3A_2, %dma_wait3A_32] : memref<10112x32xf32, #tpu.memory_space<vmem_shared>> -> memref<632x32xf32, #tpu.memory_space<vmem_shared>>
      tpu.wait_dma2 semaphore(%run_scoped3A : memref<!tpu.dma_semaphore, #tpu.memory_space<semaphore_mem>>) src(%dma_wait3A_33 : memref<632x32xf32, #tpu.memory_space<vmem_shared>>) dst(%dma_wait3A_31 : memref<632x32xf32, #tpu.memory_space<hbm>>)
      tpu.yield
    }) : () -> ()
    return
  }
}

module attributes {stable_mosaic.version = 14 : i64} {
  func.func @_enc_body(%arg0: memref<10000x4xf32, #tpu.memory_space<vmem>>, %arg1: memref<2000x3xf32, #tpu.memory_space<vmem>>, %arg2: memref<1x16xf32, #tpu.memory_space<vmem>>, %arg3: memref<1x16xf32, #tpu.memory_space<vmem>>, %arg4: memref<4x16xf32, #tpu.memory_space<vmem>>, %arg5: memref<3x16xf32, #tpu.memory_space<vmem>>, %arg6: memref<16x16xf32, #tpu.memory_space<vmem>>, %arg7: memref<1x16xf32, #tpu.memory_space<vmem>>, %arg8: memref<16x16xf32, #tpu.memory_space<vmem>>, %arg9: memref<16x3xf32, #tpu.memory_space<vmem>>, %arg10: memref<1x3xf32, #tpu.memory_space<vmem>>, %arg11: memref<10000x16xf32, #tpu.memory_space<vmem>>, %arg12: memref<10000x16xf32, #tpu.memory_space<vmem>>, %arg13: memref<2000x16xf32, #tpu.memory_space<vmem>>, %arg14: memref<2000x3xf32, #tpu.memory_space<vmem>>) attributes {dimension_semantics = [], scalar_prefetch = 0 : i64, scratch_operands = 0 : i64, tpu.core_type = #tpu.core_type<tc>} {
    %get3A = arith.constant 0 : index
    %get3A_0 = arith.constant 0 : index
    %get3A_1 = vector.load %arg0[%get3A, %get3A_0] : memref<10000x4xf32, #tpu.memory_space<vmem>>, vector<10000x4xf32>
    %get3A_2 = arith.constant 0 : index
    %get3A_3 = arith.constant 0 : index
    %get3A_4 = vector.load %arg4[%get3A_2, %get3A_3] : memref<4x16xf32, #tpu.memory_space<vmem>>, vector<4x16xf32>
    %dot_general3A = arith.constant dense<0.000000e+00> : vector<10000x16xf32>
    %dot_general3A_5 = tpu.matmul %get3A_1, %get3A_4, %dot_general3A {dimension_numbers = #tpu.dot_dimension_numbers<[1], [0], [0], [1], [0, 0, 1, 1], [], []>, transpose_lhs_hint = false} : vector<10000x4xf32>, vector<4x16xf32>, vector<10000x16xf32> -> vector<10000x16xf32>
    %get3A_6 = arith.constant 0 : index
    %get3A_7 = arith.constant 0 : index
    %get3A_8 = vector.load %arg2[%get3A_6, %get3A_7] : memref<1x16xf32, #tpu.memory_space<vmem>>, vector<1x16xf32>
    %add3A = vector.broadcast %get3A_8 : vector<1x16xf32> to vector<10000x16xf32>
    %add3A_9 = arith.addf %dot_general3A_5, %add3A : vector<10000x16xf32>
    %swap3A = arith.constant 0 : index
    %swap3A_10 = arith.constant 0 : index
    %swap3A_11 = vector.load %arg11[%swap3A, %swap3A_10] : memref<10000x16xf32, #tpu.memory_space<vmem>>, vector<10000x16xf32>
    tpu.vector_store %arg11[%swap3A, %swap3A_10], %add3A_9 {strides = array<i32>} : memref<10000x16xf32, #tpu.memory_space<vmem>>, vector<10000x16xf32>,
    %get3A_12 = arith.constant 0 : index
    %get3A_13 = arith.constant 0 : index
    %get3A_14 = vector.load %arg8[%get3A_12, %get3A_13] : memref<16x16xf32, #tpu.memory_space<vmem>>, vector<16x16xf32>
    %dot_general3A_15 = arith.constant dense<0.000000e+00> : vector<10000x16xf32>
    %dot_general3A_16 = tpu.matmul %add3A_9, %get3A_14, %dot_general3A_15 {dimension_numbers = #tpu.dot_dimension_numbers<[1], [0], [0], [1], [0, 0, 1, 1], [], []>, transpose_lhs_hint = false} : vector<10000x16xf32>, vector<16x16xf32>, vector<10000x16xf32> -> vector<10000x16xf32>
    %swap3A_17 = arith.constant 0 : index
    %swap3A_18 = arith.constant 0 : index
    %swap3A_19 = vector.load %arg12[%swap3A_17, %swap3A_18] : memref<10000x16xf32, #tpu.memory_space<vmem>>, vector<10000x16xf32>
    tpu.vector_store %arg12[%swap3A_17, %swap3A_18], %dot_general3A_16 {strides = array<i32>} : memref<10000x16xf32, #tpu.memory_space<vmem>>, vector<10000x16xf32>,
    %get3A_20 = arith.constant 0 : index
    %get3A_21 = arith.constant 0 : index
    %get3A_22 = vector.load %arg1[%get3A_20, %get3A_21] : memref<2000x3xf32, #tpu.memory_space<vmem>>, vector<2000x3xf32>
    %get3A_23 = arith.constant 0 : index
    %get3A_24 = arith.constant 0 : index
    %get3A_25 = vector.load %arg5[%get3A_23, %get3A_24] : memref<3x16xf32, #tpu.memory_space<vmem>>, vector<3x16xf32>
    %dot_general3A_26 = arith.constant dense<0.000000e+00> : vector<2000x16xf32>
    %dot_general3A_27 = tpu.matmul %get3A_22, %get3A_25, %dot_general3A_26 {dimension_numbers = #tpu.dot_dimension_numbers<[1], [0], [0], [1], [0, 0, 1, 1], [], []>, transpose_lhs_hint = false} : vector<2000x3xf32>, vector<3x16xf32>, vector<2000x16xf32> -> vector<2000x16xf32>
    %get3A_28 = arith.constant 0 : index
    %get3A_29 = arith.constant 0 : index
    %get3A_30 = vector.load %arg3[%get3A_28, %get3A_29] : memref<1x16xf32, #tpu.memory_space<vmem>>, vector<1x16xf32>
    %add3A_31 = vector.broadcast %get3A_30 : vector<1x16xf32> to vector<2000x16xf32>
    %add3A_32 = arith.addf %dot_general3A_27, %add3A_31 : vector<2000x16xf32>
    %max3A = arith.constant 0.000000e+00 : f32
    %max3A_33 = vector.broadcast %max3A : f32 to vector<2000x16xf32>
    %max3A_34 = arith.maximumf %add3A_32, %max3A_33 : vector<2000x16xf32>
    %get3A_35 = arith.constant 0 : index
    %get3A_36 = arith.constant 0 : index
    %get3A_37 = vector.load %arg6[%get3A_35, %get3A_36] : memref<16x16xf32, #tpu.memory_space<vmem>>, vector<16x16xf32>
    %dot_general3A_38 = arith.constant dense<0.000000e+00> : vector<2000x16xf32>
    %dot_general3A_39 = tpu.matmul %max3A_34, %get3A_37, %dot_general3A_38 {dimension_numbers = #tpu.dot_dimension_numbers<[1], [0], [0], [1], [0, 0, 1, 1], [], []>, transpose_lhs_hint = false} : vector<2000x16xf32>, vector<16x16xf32>, vector<2000x16xf32> -> vector<2000x16xf32>
    %get3A_40 = arith.constant 0 : index
    %get3A_41 = arith.constant 0 : index
    %get3A_42 = vector.load %arg7[%get3A_40, %get3A_41] : memref<1x16xf32, #tpu.memory_space<vmem>>, vector<1x16xf32>
    %add3A_43 = vector.broadcast %get3A_42 : vector<1x16xf32> to vector<2000x16xf32>
    %add3A_44 = arith.addf %dot_general3A_39, %add3A_43 : vector<2000x16xf32>
    %max3A_45 = arith.constant 0.000000e+00 : f32
    %max3A_46 = vector.broadcast %max3A_45 : f32 to vector<2000x16xf32>
    %max3A_47 = arith.maximumf %add3A_44, %max3A_46 : vector<2000x16xf32>
    %swap3A_48 = arith.constant 0 : index
    %swap3A_49 = arith.constant 0 : index
    %swap3A_50 = vector.load %arg13[%swap3A_48, %swap3A_49] : memref<2000x16xf32, #tpu.memory_space<vmem>>, vector<2000x16xf32>
    tpu.vector_store %arg13[%swap3A_48, %swap3A_49], %max3A_47 {strides = array<i32>} : memref<2000x16xf32, #tpu.memory_space<vmem>>, vector<2000x16xf32>,
    %get3A_51 = arith.constant 0 : index
    %get3A_52 = arith.constant 0 : index
    %get3A_53 = vector.load %arg9[%get3A_51, %get3A_52] : memref<16x3xf32, #tpu.memory_space<vmem>>, vector<16x3xf32>
    %dot_general3A_54 = arith.constant dense<0.000000e+00> : vector<2000x3xf32>
    %dot_general3A_55 = tpu.matmul %max3A_47, %get3A_53, %dot_general3A_54 {dimension_numbers = #tpu.dot_dimension_numbers<[1], [0], [0], [1], [0, 0, 1, 1], [], []>, transpose_lhs_hint = false} : vector<2000x16xf32>, vector<16x3xf32>, vector<2000x3xf32> -> vector<2000x3xf32>
    %get3A_56 = arith.constant 0 : index
    %get3A_57 = arith.constant 0 : index
    %get3A_58 = vector.load %arg10[%get3A_56, %get3A_57] : memref<1x3xf32, #tpu.memory_space<vmem>>, vector<1x3xf32>
    %add3A_59 = vector.broadcast %get3A_58 : vector<1x3xf32> to vector<2000x3xf32>
    %add3A_60 = arith.addf %dot_general3A_55, %add3A_59 : vector<2000x3xf32>
    %swap3A_61 = arith.constant 0 : index
    %swap3A_62 = arith.constant 0 : index
    %swap3A_63 = vector.load %arg14[%swap3A_61, %swap3A_62] : memref<2000x3xf32, #tpu.memory_space<vmem>>, vector<2000x3xf32>
    tpu.vector_store %arg14[%swap3A_61, %swap3A_62], %add3A_60 {strides = array<i32>} : memref<2000x3xf32, #tpu.memory_space<vmem>>, vector<2000x3xf32>,
    return
  }
}

module attributes {stable_mosaic.version = 14 : i64} {
  func.func @_att_e_body(%arg0: i32, %arg1: memref<256x128xf32, #tpu.memory_space<vmem>>, %arg2: memref<256x128xf32, #tpu.memory_space<vmem>>, %arg3: memref<64x128xf32, #tpu.memory_space<vmem>>, %arg4: memref<16x16xf32, #tpu.memory_space<vmem>>, %arg5: memref<16x16xf32, #tpu.memory_space<vmem>>, %arg6: memref<4x1xf32, #tpu.memory_space<vmem>>, %arg7: memref<256x128xf32, #tpu.memory_space<vmem>>, %arg8: memref<1x1x2048xf32, #tpu.memory_space<vmem>>, %arg9: memref<1x1xf32, #tpu.memory_space<vmem>>) attributes {dimension_semantics = [#tpu.dimension_semantics<arbitrary>], iteration_bounds = array<i64: 40>, scalar_prefetch = 0 : i64, scratch_operands = 0 : i64, tpu.core_type = #tpu.core_type<tc>, window_params = [{transform_indices = @transform_0, window_bounds = array<i64: 256, 128>}, {transform_indices = @transform_1, window_bounds = array<i64: 256, 128>}, {transform_indices = @transform_2, window_bounds = array<i64: 64, 128>}, {pipeline_mode = #tpu.pipeline_mode<synchronous>, transform_indices = @transform_3, window_bounds = array<i64: 16, 16>}, {pipeline_mode = #tpu.pipeline_mode<synchronous>, transform_indices = @transform_4, window_bounds = array<i64: 16, 16>}, {pipeline_mode = #tpu.pipeline_mode<synchronous>, transform_indices = @transform_5, window_bounds = array<i64: 4, 1>}, {transform_indices = @transform_6, window_bounds = array<i64: 256, 128>}, {transform_indices = @transform_7, window_bounds = array<i64: 1, 1, 2048>}, {pipeline_mode = #tpu.pipeline_mode<synchronous>, transform_indices = @transform_8, window_bounds = array<i64: 1, 1>}]} {
    %get3A = arith.constant 0 : index
    %get3A_0 = arith.constant 0 : index
    %get3A_1 = vector.load %arg2[%get3A, %get3A_0] : memref<256x128xf32, #tpu.memory_space<vmem>>, vector<256x128xf32>
    %slice3A = vector.extract_strided_slice %get3A_1 {offsets = [0, 0], sizes = [256, 16], strides = [1, 1]} : vector<256x128xf32> to vector<256x16xf32>
    %slice3A_2 = vector.extract_strided_slice %get3A_1 {offsets = [0, 16], sizes = [256, 16], strides = [1, 1]} : vector<256x128xf32> to vector<256x16xf32>
    %slice3A_3 = vector.extract_strided_slice %get3A_1 {offsets = [0, 32], sizes = [256, 16], strides = [1, 1]} : vector<256x128xf32> to vector<256x16xf32>
    %slice3A_4 = vector.extract_strided_slice %get3A_1 {offsets = [0, 48], sizes = [256, 16], strides = [1, 1]} : vector<256x128xf32> to vector<256x16xf32>
    %slice3A_5 = vector.extract_strided_slice %get3A_1 {offsets = [0, 64], sizes = [256, 16], strides = [1, 1]} : vector<256x128xf32> to vector<256x16xf32>
    %slice3A_6 = vector.extract_strided_slice %get3A_1 {offsets = [0, 80], sizes = [256, 16], strides = [1, 1]} : vector<256x128xf32> to vector<256x16xf32>
    %slice3A_7 = vector.extract_strided_slice %get3A_1 {offsets = [0, 96], sizes = [256, 16], strides = [1, 1]} : vector<256x128xf32> to vector<256x16xf32>
    %slice3A_8 = vector.extract_strided_slice %get3A_1 {offsets = [0, 112], sizes = [256, 16], strides = [1, 1]} : vector<256x128xf32> to vector<256x16xf32>
    %concatenate3A = tpu.concatenate %slice3A, %slice3A_2, %slice3A_3, %slice3A_4, %slice3A_5, %slice3A_6, %slice3A_7, %slice3A_8 in 0 : vector<256x16xf32>, vector<256x16xf32>, vector<256x16xf32>, vector<256x16xf32>, vector<256x16xf32>, vector<256x16xf32>, vector<256x16xf32>, vector<256x16xf32> -> vector<2048x16xf32>
    %get3A_9 = arith.constant 0 : index
    %get3A_10 = arith.constant 0 : index
    %get3A_11 = vector.load %arg1[%get3A_9, %get3A_10] : memref<256x128xf32, #tpu.memory_space<vmem>>, vector<256x128xf32>
    %slice3A_12 = vector.extract_strided_slice %get3A_11 {offsets = [0, 0], sizes = [256, 16], strides = [1, 1]} : vector<256x128xf32> to vector<256x16xf32>
    %slice3A_13 = vector.extract_strided_slice %get3A_11 {offsets = [0, 16], sizes = [256, 16], strides = [1, 1]} : vector<256x128xf32> to vector<256x16xf32>
    %slice3A_14 = vector.extract_strided_slice %get3A_11 {offsets = [0, 32], sizes = [256, 16], strides = [1, 1]} : vector<256x128xf32> to vector<256x16xf32>
    %slice3A_15 = vector.extract_strided_slice %get3A_11 {offsets = [0, 48], sizes = [256, 16], strides = [1, 1]} : vector<256x128xf32> to vector<256x16xf32>
    %slice3A_16 = vector.extract_strided_slice %get3A_11 {offsets = [0, 64], sizes = [256, 16], strides = [1, 1]} : vector<256x128xf32> to vector<256x16xf32>
    %slice3A_17 = vector.extract_strided_slice %get3A_11 {offsets = [0, 80], sizes = [256, 16], strides = [1, 1]} : vector<256x128xf32> to vector<256x16xf32>
    %slice3A_18 = vector.extract_strided_slice %get3A_11 {offsets = [0, 96], sizes = [256, 16], strides = [1, 1]} : vector<256x128xf32> to vector<256x16xf32>
    %slice3A_19 = vector.extract_strided_slice %get3A_11 {offsets = [0, 112], sizes = [256, 16], strides = [1, 1]} : vector<256x128xf32> to vector<256x16xf32>
    %concatenate3A_20 = tpu.concatenate %slice3A_12, %slice3A_13, %slice3A_14, %slice3A_15, %slice3A_16, %slice3A_17, %slice3A_18, %slice3A_19 in 0 : vector<256x16xf32>, vector<256x16xf32>, vector<256x16xf32>, vector<256x16xf32>, vector<256x16xf32>, vector<256x16xf32>, vector<256x16xf32>, vector<256x16xf32> -> vector<2048x16xf32>
    %get3A_21 = arith.constant 0 : index
    %get3A_22 = arith.constant 0 : index
    %get3A_23 = vector.load %arg3[%get3A_21, %get3A_22] : memref<64x128xf32, #tpu.memory_space<vmem>>, vector<64x128xf32>
    %slice3A_24 = vector.extract_strided_slice %get3A_23 {offsets = [0, 0], sizes = [64, 4], strides = [1, 1]} : vector<64x128xf32> to vector<64x4xf32>
    %slice3A_25 = vector.extract_strided_slice %get3A_23 {offsets = [0, 4], sizes = [64, 4], strides = [1, 1]} : vector<64x128xf32> to vector<64x4xf32>
    %slice3A_26 = vector.extract_strided_slice %get3A_23 {offsets = [0, 8], sizes = [64, 4], strides = [1, 1]} : vector<64x128xf32> to vector<64x4xf32>
    %slice3A_27 = vector.extract_strided_slice %get3A_23 {offsets = [0, 12], sizes = [64, 4], strides = [1, 1]} : vector<64x128xf32> to vector<64x4xf32>
    %slice3A_28 = vector.extract_strided_slice %get3A_23 {offsets = [0, 16], sizes = [64, 4], strides = [1, 1]} : vector<64x128xf32> to vector<64x4xf32>
    %slice3A_29 = vector.extract_strided_slice %get3A_23 {offsets = [0, 20], sizes = [64, 4], strides = [1, 1]} : vector<64x128xf32> to vector<64x4xf32>
    %slice3A_30 = vector.extract_strided_slice %get3A_23 {offsets = [0, 24], sizes = [64, 4], strides = [1, 1]} : vector<64x128xf32> to vector<64x4xf32>
    %slice3A_31 = vector.extract_strided_slice %get3A_23 {offsets = [0, 28], sizes = [64, 4], strides = [1, 1]} : vector<64x128xf32> to vector<64x4xf32>
    %slice3A_32 = vector.extract_strided_slice %get3A_23 {offsets = [0, 32], sizes = [64, 4], strides = [1, 1]} : vector<64x128xf32> to vector<64x4xf32>
    %slice3A_33 = vector.extract_strided_slice %get3A_23 {offsets = [0, 36], sizes = [64, 4], strides = [1, 1]} : vector<64x128xf32> to vector<64x4xf32>
    %slice3A_34 = vector.extract_strided_slice %get3A_23 {offsets = [0, 40], sizes = [64, 4], strides = [1, 1]} : vector<64x128xf32> to vector<64x4xf32>
    %slice3A_35 = vector.extract_strided_slice %get3A_23 {offsets = [0, 44], sizes = [64, 4], strides = [1, 1]} : vector<64x128xf32> to vector<64x4xf32>
    %slice3A_36 = vector.extract_strided_slice %get3A_23 {offsets = [0, 48], sizes = [64, 4], strides = [1, 1]} : vector<64x128xf32> to vector<64x4xf32>
    %slice3A_37 = vector.extract_strided_slice %get3A_23 {offsets = [0, 52], sizes = [64, 4], strides = [1, 1]} : vector<64x128xf32> to vector<64x4xf32>
    %slice3A_38 = vector.extract_strided_slice %get3A_23 {offsets = [0, 56], sizes = [64, 4], strides = [1, 1]} : vector<64x128xf32> to vector<64x4xf32>
    %slice3A_39 = vector.extract_strided_slice %get3A_23 {offsets = [0, 60], sizes = [64, 4], strides = [1, 1]} : vector<64x128xf32> to vector<64x4xf32>
    %slice3A_40 = vector.extract_strided_slice %get3A_23 {offsets = [0, 64], sizes = [64, 4], strides = [1, 1]} : vector<64x128xf32> to vector<64x4xf32>
    %slice3A_41 = vector.extract_strided_slice %get3A_23 {offsets = [0, 68], sizes = [64, 4], strides = [1, 1]} : vector<64x128xf32> to vector<64x4xf32>
    %slice3A_42 = vector.extract_strided_slice %get3A_23 {offsets = [0, 72], sizes = [64, 4], strides = [1, 1]} : vector<64x128xf32> to vector<64x4xf32>
    %slice3A_43 = vector.extract_strided_slice %get3A_23 {offsets = [0, 76], sizes = [64, 4], strides = [1, 1]} : vector<64x128xf32> to vector<64x4xf32>
    %slice3A_44 = vector.extract_strided_slice %get3A_23 {offsets = [0, 80], sizes = [64, 4], strides = [1, 1]} : vector<64x128xf32> to vector<64x4xf32>
    %slice3A_45 = vector.extract_strided_slice %get3A_23 {offsets = [0, 84], sizes = [64, 4], strides = [1, 1]} : vector<64x128xf32> to vector<64x4xf32>
    %slice3A_46 = vector.extract_strided_slice %get3A_23 {offsets = [0, 88], sizes = [64, 4], strides = [1, 1]} : vector<64x128xf32> to vector<64x4xf32>
    %slice3A_47 = vector.extract_strided_slice %get3A_23 {offsets = [0, 92], sizes = [64, 4], strides = [1, 1]} : vector<64x128xf32> to vector<64x4xf32>
    %slice3A_48 = vector.extract_strided_slice %get3A_23 {offsets = [0, 96], sizes = [64, 4], strides = [1, 1]} : vector<64x128xf32> to vector<64x4xf32>
    %slice3A_49 = vector.extract_strided_slice %get3A_23 {offsets = [0, 100], sizes = [64, 4], strides = [1, 1]} : vector<64x128xf32> to vector<64x4xf32>
    %slice3A_50 = vector.extract_strided_slice %get3A_23 {offsets = [0, 104], sizes = [64, 4], strides = [1, 1]} : vector<64x128xf32> to vector<64x4xf32>
    %slice3A_51 = vector.extract_strided_slice %get3A_23 {offsets = [0, 108], sizes = [64, 4], strides = [1, 1]} : vector<64x128xf32> to vector<64x4xf32>
    %slice3A_52 = vector.extract_strided_slice %get3A_23 {offsets = [0, 112], sizes = [64, 4], strides = [1, 1]} : vector<64x128xf32> to vector<64x4xf32>
    %slice3A_53 = vector.extract_strided_slice %get3A_23 {offsets = [0, 116], sizes = [64, 4], strides = [1, 1]} : vector<64x128xf32> to vector<64x4xf32>
    %slice3A_54 = vector.extract_strided_slice %get3A_23 {offsets = [0, 120], sizes = [64, 4], strides = [1, 1]} : vector<64x128xf32> to vector<64x4xf32>
    %slice3A_55 = vector.extract_strided_slice %get3A_23 {offsets = [0, 124], sizes = [64, 4], strides = [1, 1]} : vector<64x128xf32> to vector<64x4xf32>
    %concatenate3A_56 = tpu.concatenate %slice3A_24, %slice3A_25, %slice3A_26, %slice3A_27, %slice3A_28, %slice3A_29, %slice3A_30, %slice3A_31, %slice3A_32, %slice3A_33, %slice3A_34, %slice3A_35, %slice3A_36, %slice3A_37, %slice3A_38, %slice3A_39, %slice3A_40, %slice3A_41, %slice3A_42, %slice3A_43, %slice3A_44, %slice3A_45, %slice3A_46, %slice3A_47, %slice3A_48, %slice3A_49, %slice3A_50, %slice3A_51, %slice3A_52, %slice3A_53, %slice3A_54, %slice3A_55 in 0 : vector<64x4xf32>, vector<64x4xf32>, vector<64x4xf32>, vector<64x4xf32>, vector<64x4xf32>, vector<64x4xf32>, vector<64x4xf32>, vector<64x4xf32>, vector<64x4xf32>, vector<64x4xf32>, vector<64x4xf32>, vector<64x4xf32>, vector<64x4xf32>, vector<64x4xf32>, vector<64x4xf32>, vector<64x4xf32>, vector<64x4xf32>, vector<64x4xf32>, vector<64x4xf32>, vector<64x4xf32>, vector<64x4xf32>, vector<64x4xf32>, vector<64x4xf32>, vector<64x4xf32>, vector<64x4xf32>, vector<64x4xf32>, vector<64x4xf32>, vector<64x4xf32>, vector<64x4xf32>, vector<64x4xf32>, vector<64x4xf32>, vector<64x4xf32> -> vector<2048x4xf32>
    %get3A_57 = arith.constant 0 : index
    %get3A_58 = arith.constant 0 : index
    %get3A_59 = vector.load %arg4[%get3A_57, %get3A_58] : memref<16x16xf32, #tpu.memory_space<vmem>>, vector<16x16xf32>
    %dot_general3A = arith.constant dense<0.000000e+00> : vector<2048x16xf32>
    %dot_general3A_60 = tpu.matmul %concatenate3A, %get3A_59, %dot_general3A {dimension_numbers = #tpu.dot_dimension_numbers<[1], [0], [0], [1], [0, 0, 1, 1], [], []>, transpose_lhs_hint = false} : vector<2048x16xf32>, vector<16x16xf32>, vector<2048x16xf32> -> vector<2048x16xf32>
    %get3A_61 = arith.constant 0 : index
    %get3A_62 = arith.constant 0 : index
    %get3A_63 = vector.load %arg5[%get3A_61, %get3A_62] : memref<16x16xf32, #tpu.memory_space<vmem>>, vector<16x16xf32>
    %dot_general3A_64 = arith.constant dense<0.000000e+00> : vector<2048x16xf32>
    %dot_general3A_65 = tpu.matmul %concatenate3A, %get3A_63, %dot_general3A_64 {dimension_numbers = #tpu.dot_dimension_numbers<[1], [0], [0], [1], [0, 0, 1, 1], [], []>, transpose_lhs_hint = false} : vector<2048x16xf32>, vector<16x16xf32>, vector<2048x16xf32> -> vector<2048x16xf32>
    %slice3A_66 = vector.extract_strided_slice %dot_general3A_65 {offsets = [0, 0], sizes = [256, 16], strides = [1, 1]} : vector<2048x16xf32> to vector<256x16xf32>
    %swap3A = arith.constant 0 : index
    %swap3A_67 = arith.constant 0 : index
    %swap3A_68 = vector.load %arg7[%swap3A, %swap3A_67] : memref<256x128xf32, #tpu.memory_space<vmem>>, vector<256x16xf32>
    tpu.vector_store %arg7[%swap3A, %swap3A_67], %slice3A_66 {strides = array<i32>} : memref<256x128xf32, #tpu.memory_space<vmem>>, vector<256x16xf32>,
    %slice3A_69 = vector.extract_strided_slice %dot_general3A_65 {offsets = [256, 0], sizes = [256, 16], strides = [1, 1]} : vector<2048x16xf32> to vector<256x16xf32>
    %swap3A_70 = arith.constant 0 : index
    %swap3A_71 = arith.constant 16 : index
    %swap3A_72 = vector.load %arg7[%swap3A_70, %swap3A_71] : memref<256x128xf32, #tpu.memory_space<vmem>>, vector<256x16xf32>
    tpu.vector_store %arg7[%swap3A_70, %swap3A_71], %slice3A_69 {strides = array<i32>} : memref<256x128xf32, #tpu.memory_space<vmem>>, vector<256x16xf32>,
    %slice3A_73 = vector.extract_strided_slice %dot_general3A_65 {offsets = [512, 0], sizes = [256, 16], strides = [1, 1]} : vector<2048x16xf32> to vector<256x16xf32>
    %swap3A_74 = arith.constant 0 : index
    %swap3A_75 = arith.constant 32 : index
    %swap3A_76 = vector.load %arg7[%swap3A_74, %swap3A_75] : memref<256x128xf32, #tpu.memory_space<vmem>>, vector<256x16xf32>
    tpu.vector_store %arg7[%swap3A_74, %swap3A_75], %slice3A_73 {strides = array<i32>} : memref<256x128xf32, #tpu.memory_space<vmem>>, vector<256x16xf32>,
    %slice3A_77 = vector.extract_strided_slice %dot_general3A_65 {offsets = [768, 0], sizes = [256, 16], strides = [1, 1]} : vector<2048x16xf32> to vector<256x16xf32>
    %swap3A_78 = arith.constant 0 : index
    %swap3A_79 = arith.constant 48 : index
    %swap3A_80 = vector.load %arg7[%swap3A_78, %swap3A_79] : memref<256x128xf32, #tpu.memory_space<vmem>>, vector<256x16xf32>
    tpu.vector_store %arg7[%swap3A_78, %swap3A_79], %slice3A_77 {strides = array<i32>} : memref<256x128xf32, #tpu.memory_space<vmem>>, vector<256x16xf32>,
    %slice3A_81 = vector.extract_strided_slice %dot_general3A_65 {offsets = [1024, 0], sizes = [256, 16], strides = [1, 1]} : vector<2048x16xf32> to vector<256x16xf32>
    %swap3A_82 = arith.constant 0 : index
    %swap3A_83 = arith.constant 64 : index
    %swap3A_84 = vector.load %arg7[%swap3A_82, %swap3A_83] : memref<256x128xf32, #tpu.memory_space<vmem>>, vector<256x16xf32>
    tpu.vector_store %arg7[%swap3A_82, %swap3A_83], %slice3A_81 {strides = array<i32>} : memref<256x128xf32, #tpu.memory_space<vmem>>, vector<256x16xf32>,
    %slice3A_85 = vector.extract_strided_slice %dot_general3A_65 {offsets = [1280, 0], sizes = [256, 16], strides = [1, 1]} : vector<2048x16xf32> to vector<256x16xf32>
    %swap3A_86 = arith.constant 0 : index
    %swap3A_87 = arith.constant 80 : index
    %swap3A_88 = vector.load %arg7[%swap3A_86, %swap3A_87] : memref<256x128xf32, #tpu.memory_space<vmem>>, vector<256x16xf32>
    tpu.vector_store %arg7[%swap3A_86, %swap3A_87], %slice3A_85 {strides = array<i32>} : memref<256x128xf32, #tpu.memory_space<vmem>>, vector<256x16xf32>,
    %slice3A_89 = vector.extract_strided_slice %dot_general3A_65 {offsets = [1536, 0], sizes = [256, 16], strides = [1, 1]} : vector<2048x16xf32> to vector<256x16xf32>
    %swap3A_90 = arith.constant 0 : index
    %swap3A_91 = arith.constant 96 : index
    %swap3A_92 = vector.load %arg7[%swap3A_90, %swap3A_91] : memref<256x128xf32, #tpu.memory_space<vmem>>, vector<256x16xf32>
    tpu.vector_store %arg7[%swap3A_90, %swap3A_91], %slice3A_89 {strides = array<i32>} : memref<256x128xf32, #tpu.memory_space<vmem>>, vector<256x16xf32>,
    %slice3A_93 = vector.extract_strided_slice %dot_general3A_65 {offsets = [1792, 0], sizes = [256, 16], strides = [1, 1]} : vector<2048x16xf32> to vector<256x16xf32>
    %swap3A_94 = arith.constant 0 : index
    %swap3A_95 = arith.constant 112 : index
    %swap3A_96 = vector.load %arg7[%swap3A_94, %swap3A_95] : memref<256x128xf32, #tpu.memory_space<vmem>>, vector<256x16xf32>
    tpu.vector_store %arg7[%swap3A_94, %swap3A_95], %slice3A_93 {strides = array<i32>} : memref<256x128xf32, #tpu.memory_space<vmem>>, vector<256x16xf32>,
    %get3A_97 = arith.constant 0 : index
    %get3A_98 = arith.constant 0 : index
    %get3A_99 = vector.load %arg6[%get3A_97, %get3A_98] : memref<4x1xf32, #tpu.memory_space<vmem>>, vector<4x1xf32>
    %dot_general3A_100 = arith.constant dense<0.000000e+00> : vector<2048x1xf32>
    %dot_general3A_101 = tpu.matmul %concatenate3A_56, %get3A_99, %dot_general3A_100 {dimension_numbers = #tpu.dot_dimension_numbers<[1], [0], [0], [1], [0, 0, 1, 1], [], []>, transpose_lhs_hint = false} : vector<2048x4xf32>, vector<4x1xf32>, vector<2048x1xf32> -> vector<2048x1xf32>
    %mul3A = arith.mulf %concatenate3A_20, %dot_general3A_60 : vector<2048x16xf32>
    %reduce_sum3A = arith.constant dense<0.000000e+00> : vector<2048xf32>
    %reduce_sum3A_102 = vector.multi_reduction <add>, %mul3A, %reduce_sum3A [1] : vector<2048x16xf32> to vector<2048xf32>
    %mul3A_103 = arith.constant 2.500000e-01 : f32
    %mul3A_104 = vector.broadcast %mul3A_103 : f32 to vector<2048xf32>
    %mul3A_105 = arith.mulf %reduce_sum3A_102, %mul3A_104 : vector<2048xf32>
    %squeeze3A = vector.shape_cast %dot_general3A_101 : vector<2048x1xf32> to vector<2048xf32>
    %add3A = arith.addf %mul3A_105, %squeeze3A : vector<2048xf32>
    %swap3A_106 = arith.constant 0 : index
    %swap3A_107 = arith.constant 0 : index
    %swap3A_108 = arith.constant 0 : index
    %swap3A_109 = vector.load %arg8[%swap3A_106, %swap3A_107, %swap3A_108] : memref<1x1x2048xf32, #tpu.memory_space<vmem>>, vector<1x1x2048xf32>
    %swap3A_110 = vector.shape_cast %swap3A_109 : vector<1x1x2048xf32> to vector<2048xf32>
    %swap3A_111 = vector.shape_cast %add3A : vector<2048xf32> to vector<1x1x2048xf32>
    tpu.vector_store %arg8[%swap3A_106, %swap3A_107, %swap3A_108], %swap3A_111 {strides = array<i32>} : memref<1x1x2048xf32, #tpu.memory_space<vmem>>, vector<1x1x2048xf32>,
    %reduce_max3A = vector.shape_cast %add3A : vector<2048xf32> to vector<1x2048xf32>
    %reduce_max3A_112 = arith.constant dense<0xFF800000> : vector<1xf32>
    %reduce_max3A_113 = vector.multi_reduction <maximumf>, %reduce_max3A, %reduce_max3A_112 [1] : vector<1x2048xf32> to vector<1xf32>
    %reduce_max3A_114 = vector.shape_cast %reduce_max3A_113 : vector<1xf32> to vector<1x1xf32>
    %reduce_max3A_115 = vector.extract %reduce_max3A_114[0, 0] : f32 from vector<1x1xf32>
    %eq3A = arith.constant 0 : i32
    %eq3A_116 = arith.cmpi eq, %arg0, %eq3A : i32
    %convert_element_type3A = arith.extui %eq3A_116 : i1 to i32
    %cond3A = arith.constant 0 : i32
    %cond3A_117 = arith.cmpi ne, %convert_element_type3A, %cond3A : i32
    scf.if %cond3A_117 {
      %broadcast_in_dim3A = vector.broadcast %reduce_max3A_115 : f32 to vector<1x1xf32>
      %swap3A_122 = arith.constant 0 : index
      %swap3A_123 = arith.constant 0 : index
      %swap3A_124 = vector.load %arg9[%swap3A_122, %swap3A_123] : memref<1x1xf32, #tpu.memory_space<vmem>>, vector<1x1xf32>
      tpu.vector_store %arg9[%swap3A_122, %swap3A_123], %broadcast_in_dim3A {strides = array<i32>} : memref<1x1xf32, #tpu.memory_space<vmem>>, vector<1x1xf32>,
    } else {
    }
    %gt3A = arith.constant 0 : i32
    %gt3A_118 = arith.cmpi sgt, %arg0, %gt3A : i32
    %convert_element_type3A_119 = arith.extui %gt3A_118 : i1 to i32
    %cond3A_120 = arith.constant 0 : i32
    %cond3A_121 = arith.cmpi ne, %convert_element_type3A_119, %cond3A_120 : i32
    scf.if %cond3A_121 {
      %get3A_122 = arith.constant 0 : index
      %get3A_123 = arith.constant 0 : index
      %get3A_124 = vector.load %arg9[%get3A_122, %get3A_123] : memref<1x1xf32, #tpu.memory_space<vmem>>, vector<1x1xf32>
      %max3A = vector.broadcast %reduce_max3A_115 : f32 to vector<1x1xf32>
      %max3A_125 = arith.maximumf %get3A_124, %max3A : vector<1x1xf32>
      %swap3A_126 = arith.constant 0 : index
      %swap3A_127 = arith.constant 0 : index
      %swap3A_128 = vector.load %arg9[%swap3A_126, %swap3A_127] : memref<1x1xf32, #tpu.memory_space<vmem>>, vector<1x1xf32>
      tpu.vector_store %arg9[%swap3A_126, %swap3A_127], %max3A_125 {strides = array<i32>} : memref<1x1xf32, #tpu.memory_space<vmem>>, vector<1x1xf32>,
    } else {
    }
    return
  }
  func.func @transform_0(%arg0: i32) -> (i32, i32) {
    %c0_i32 = arith.constant 0 : i32
    %c0_i32_0 = arith.constant 0 : i32
    return %arg0, %c0_i32 : i32, i32
  }
  func.func @transform_1(%arg0: i32) -> (i32, i32) {
    %c0_i32 = arith.constant 0 : i32
    %c0_i32_0 = arith.constant 0 : i32
    return %arg0, %c0_i32 : i32, i32
  }
  func.func @transform_2(%arg0: i32) -> (i32, i32) {
    %c0_i32 = arith.constant 0 : i32
    %c0_i32_0 = arith.constant 0 : i32
    return %arg0, %c0_i32 : i32, i32
  }
  func.func @transform_3(%arg0: i32) -> (i32, i32) {
    %c0_i32 = arith.constant 0 : i32
    %c0_i32_0 = arith.constant 0 : i32
    %c0_i32_1 = arith.constant 0 : i32
    return %c0_i32, %c0_i32_0 : i32, i32
  }
  func.func @transform_4(%arg0: i32) -> (i32, i32) {
    %c0_i32 = arith.constant 0 : i32
    %c0_i32_0 = arith.constant 0 : i32
    %c0_i32_1 = arith.constant 0 : i32
    return %c0_i32, %c0_i32_0 : i32, i32
  }
  func.func @transform_5(%arg0: i32) -> (i32, i32) {
    %c0_i32 = arith.constant 0 : i32
    %c0_i32_0 = arith.constant 0 : i32
    %c0_i32_1 = arith.constant 0 : i32
    return %c0_i32, %c0_i32_0 : i32, i32
  }
  func.func @transform_6(%arg0: i32) -> (i32, i32) {
    %c0_i32 = arith.constant 0 : i32
    %c0_i32_0 = arith.constant 0 : i32
    return %arg0, %c0_i32 : i32, i32
  }
  func.func @transform_7(%arg0: i32) -> (i32, i32, i32) {
    %c0_i32 = arith.constant 0 : i32
    %c0_i32_0 = arith.constant 0 : i32
    %c0_i32_1 = arith.constant 0 : i32
    return %arg0, %c0_i32, %c0_i32_0 : i32, i32, i32
  }
  func.func @transform_8(%arg0: i32) -> (i32, i32) {
    %c0_i32 = arith.constant 0 : i32
    %c0_i32_0 = arith.constant 0 : i32
    %c0_i32_1 = arith.constant 0 : i32
    return %c0_i32, %c0_i32_0 : i32, i32
  }
}

module attributes {stable_mosaic.version = 14 : i64} {
  func.func @_att_a_body(%arg0: i32, %arg1: memref<1x1x2048xf32, #tpu.memory_space<vmem>>, %arg2: memref<256x128xf32, #tpu.memory_space<vmem>>, %arg3: memref<1x1xf32, #tpu.memory_space<vmem>>, %arg4: memref<512x128xf32, #tpu.memory_space<vmem>>) attributes {dimension_semantics = [#tpu.dimension_semantics<arbitrary>], iteration_bounds = array<i64: 40>, scalar_prefetch = 0 : i64, scratch_operands = 0 : i64, tpu.core_type = #tpu.core_type<tc>, window_params = [{transform_indices = @transform_0, window_bounds = array<i64: 1, 1, 2048>}, {transform_indices = @transform_1, window_bounds = array<i64: 256, 128>}, {pipeline_mode = #tpu.pipeline_mode<synchronous>, transform_indices = @transform_2, window_bounds = array<i64: 1, 1>}, {transform_indices = @transform_3, window_bounds = array<i64: 512, 128>}]} {
    %get3A = arith.constant 0 : index
    %get3A_0 = arith.constant 0 : index
    %get3A_1 = arith.constant 0 : index
    %get3A_2 = vector.load %arg1[%get3A, %get3A_0, %get3A_1] : memref<1x1x2048xf32, #tpu.memory_space<vmem>>, vector<1x1x2048xf32>
    %get3A_3 = vector.shape_cast %get3A_2 : vector<1x1x2048xf32> to vector<2048xf32>
    %get3A_4 = arith.constant 0 : index
    %get3A_5 = arith.constant 0 : index
    %get3A_6 = vector.load %arg3[%get3A_4, %get3A_5] : memref<1x1xf32, #tpu.memory_space<vmem>>, vector<1x1xf32>
    %get3A_7 = vector.extract %get3A_6[0, 0] : f32 from vector<1x1xf32>
    %sub3A = vector.broadcast %get3A_7 : f32 to vector<2048xf32>
    %sub3A_8 = arith.subf %get3A_3, %sub3A : vector<2048xf32>
    %exp3A = math.exp %sub3A_8 : vector<2048xf32>
    %get3A_9 = arith.constant 0 : index
    %get3A_10 = arith.constant 0 : index
    %get3A_11 = vector.load %arg2[%get3A_9, %get3A_10] : memref<256x128xf32, #tpu.memory_space<vmem>>, vector<256x128xf32>
    %slice3A = vector.extract_strided_slice %get3A_11 {offsets = [0, 0], sizes = [256, 16], strides = [1, 1]} : vector<256x128xf32> to vector<256x16xf32>
    %slice3A_12 = vector.extract_strided_slice %get3A_11 {offsets = [0, 16], sizes = [256, 16], strides = [1, 1]} : vector<256x128xf32> to vector<256x16xf32>
    %slice3A_13 = vector.extract_strided_slice %get3A_11 {offsets = [0, 32], sizes = [256, 16], strides = [1, 1]} : vector<256x128xf32> to vector<256x16xf32>
    %slice3A_14 = vector.extract_strided_slice %get3A_11 {offsets = [0, 48], sizes = [256, 16], strides = [1, 1]} : vector<256x128xf32> to vector<256x16xf32>
    %slice3A_15 = vector.extract_strided_slice %get3A_11 {offsets = [0, 64], sizes = [256, 16], strides = [1, 1]} : vector<256x128xf32> to vector<256x16xf32>
    %slice3A_16 = vector.extract_strided_slice %get3A_11 {offsets = [0, 80], sizes = [256, 16], strides = [1, 1]} : vector<256x128xf32> to vector<256x16xf32>
    %slice3A_17 = vector.extract_strided_slice %get3A_11 {offsets = [0, 96], sizes = [256, 16], strides = [1, 1]} : vector<256x128xf32> to vector<256x16xf32>
    %slice3A_18 = vector.extract_strided_slice %get3A_11 {offsets = [0, 112], sizes = [256, 16], strides = [1, 1]} : vector<256x128xf32> to vector<256x16xf32>
    %concatenate3A = tpu.concatenate %slice3A, %slice3A_12, %slice3A_13, %slice3A_14, %slice3A_15, %slice3A_16, %slice3A_17, %slice3A_18 in 0 : vector<256x16xf32>, vector<256x16xf32>, vector<256x16xf32>, vector<256x16xf32>, vector<256x16xf32>, vector<256x16xf32>, vector<256x16xf32>, vector<256x16xf32> -> vector<2048x16xf32>
    %broadcast_in_dim3A = vector.shape_cast %exp3A : vector<2048xf32> to vector<2048x1xf32>
    %mul3A = vector.broadcast %broadcast_in_dim3A : vector<2048x1xf32> to vector<2048x16xf32>
    %mul3A_19 = arith.mulf %mul3A, %concatenate3A : vector<2048x16xf32>
    %broadcast_in_dim3A_20 = vector.shape_cast %exp3A : vector<2048xf32> to vector<2048x1xf32>
    %slice3A_21 = vector.extract_strided_slice %mul3A_19 {offsets = [0, 0], sizes = [512, 16], strides = [1, 1]} : vector<2048x16xf32> to vector<512x16xf32>
    %swap3A = arith.constant 0 : index
    %swap3A_22 = arith.constant 0 : index
    %swap3A_23 = vector.load %arg4[%swap3A, %swap3A_22] : memref<512x128xf32, #tpu.memory_space<vmem>>, vector<512x16xf32>
    tpu.vector_store %arg4[%swap3A, %swap3A_22], %slice3A_21 {strides = array<i32>} : memref<512x128xf32, #tpu.memory_space<vmem>>, vector<512x16xf32>,
    %slice3A_24 = vector.extract_strided_slice %broadcast_in_dim3A_20 {offsets = [0, 0], sizes = [512, 1], strides = [1, 1]} : vector<2048x1xf32> to vector<512x1xf32>
    %swap3A_25 = arith.constant 0 : index
    %swap3A_26 = arith.constant 16 : index
    %swap3A_27 = vector.load %arg4[%swap3A_25, %swap3A_26] : memref<512x128xf32, #tpu.memory_space<vmem>>, vector<512x1xf32>
    tpu.vector_store %arg4[%swap3A_25, %swap3A_26], %slice3A_24 {strides = array<i32>} : memref<512x128xf32, #tpu.memory_space<vmem>>, vector<512x1xf32>,
    %broadcast_in_dim3A_28 = arith.constant 0.000000e+00 : f32
    %broadcast_in_dim3A_29 = vector.broadcast %broadcast_in_dim3A_28 : f32 to vector<512x15xf32>
    %swap3A_30 = arith.constant 0 : index
    %swap3A_31 = arith.constant 17 : index
    %swap3A_32 = vector.load %arg4[%swap3A_30, %swap3A_31] : memref<512x128xf32, #tpu.memory_space<vmem>>, vector<512x15xf32>
    tpu.vector_store %arg4[%swap3A_30, %swap3A_31], %broadcast_in_dim3A_29 {strides = array<i32>} : memref<512x128xf32, #tpu.memory_space<vmem>>, vector<512x15xf32>,
    %slice3A_33 = vector.extract_strided_slice %mul3A_19 {offsets = [512, 0], sizes = [512, 16], strides = [1, 1]} : vector<2048x16xf32> to vector<512x16xf32>
    %swap3A_34 = arith.constant 0 : index
    %swap3A_35 = arith.constant 32 : index
    %swap3A_36 = vector.load %arg4[%swap3A_34, %swap3A_35] : memref<512x128xf32, #tpu.memory_space<vmem>>, vector<512x16xf32>
    tpu.vector_store %arg4[%swap3A_34, %swap3A_35], %slice3A_33 {strides = array<i32>} : memref<512x128xf32, #tpu.memory_space<vmem>>, vector<512x16xf32>,
    %slice3A_37 = vector.extract_strided_slice %broadcast_in_dim3A_20 {offsets = [512, 0], sizes = [512, 1], strides = [1, 1]} : vector<2048x1xf32> to vector<512x1xf32>
    %swap3A_38 = arith.constant 0 : index
    %swap3A_39 = arith.constant 48 : index
    %swap3A_40 = vector.load %arg4[%swap3A_38, %swap3A_39] : memref<512x128xf32, #tpu.memory_space<vmem>>, vector<512x1xf32>
    tpu.vector_store %arg4[%swap3A_38, %swap3A_39], %slice3A_37 {strides = array<i32>} : memref<512x128xf32, #tpu.memory_space<vmem>>, vector<512x1xf32>,
    %broadcast_in_dim3A_41 = arith.constant 0.000000e+00 : f32
    %broadcast_in_dim3A_42 = vector.broadcast %broadcast_in_dim3A_41 : f32 to vector<512x15xf32>
    %swap3A_43 = arith.constant 0 : index
    %swap3A_44 = arith.constant 49 : index
    %swap3A_45 = vector.load %arg4[%swap3A_43, %swap3A_44] : memref<512x128xf32, #tpu.memory_space<vmem>>, vector<512x15xf32>
    tpu.vector_store %arg4[%swap3A_43, %swap3A_44], %broadcast_in_dim3A_42 {strides = array<i32>} : memref<512x128xf32, #tpu.memory_space<vmem>>, vector<512x15xf32>,
    %slice3A_46 = vector.extract_strided_slice %mul3A_19 {offsets = [1024, 0], sizes = [512, 16], strides = [1, 1]} : vector<2048x16xf32> to vector<512x16xf32>
    %swap3A_47 = arith.constant 0 : index
    %swap3A_48 = arith.constant 64 : index
    %swap3A_49 = vector.load %arg4[%swap3A_47, %swap3A_48] : memref<512x128xf32, #tpu.memory_space<vmem>>, vector<512x16xf32>
    tpu.vector_store %arg4[%swap3A_47, %swap3A_48], %slice3A_46 {strides = array<i32>} : memref<512x128xf32, #tpu.memory_space<vmem>>, vector<512x16xf32>,
    %slice3A_50 = vector.extract_strided_slice %broadcast_in_dim3A_20 {offsets = [1024, 0], sizes = [512, 1], strides = [1, 1]} : vector<2048x1xf32> to vector<512x1xf32>
    %swap3A_51 = arith.constant 0 : index
    %swap3A_52 = arith.constant 80 : index
    %swap3A_53 = vector.load %arg4[%swap3A_51, %swap3A_52] : memref<512x128xf32, #tpu.memory_space<vmem>>, vector<512x1xf32>
    tpu.vector_store %arg4[%swap3A_51, %swap3A_52], %slice3A_50 {strides = array<i32>} : memref<512x128xf32, #tpu.memory_space<vmem>>, vector<512x1xf32>,
    %broadcast_in_dim3A_54 = arith.constant 0.000000e+00 : f32
    %broadcast_in_dim3A_55 = vector.broadcast %broadcast_in_dim3A_54 : f32 to vector<512x15xf32>
    %swap3A_56 = arith.constant 0 : index
    %swap3A_57 = arith.constant 81 : index
    %swap3A_58 = vector.load %arg4[%swap3A_56, %swap3A_57] : memref<512x128xf32, #tpu.memory_space<vmem>>, vector<512x15xf32>
    tpu.vector_store %arg4[%swap3A_56, %swap3A_57], %broadcast_in_dim3A_55 {strides = array<i32>} : memref<512x128xf32, #tpu.memory_space<vmem>>, vector<512x15xf32>,
    %slice3A_59 = vector.extract_strided_slice %mul3A_19 {offsets = [1536, 0], sizes = [512, 16], strides = [1, 1]} : vector<2048x16xf32> to vector<512x16xf32>
    %swap3A_60 = arith.constant 0 : index
    %swap3A_61 = arith.constant 96 : index
    %swap3A_62 = vector.load %arg4[%swap3A_60, %swap3A_61] : memref<512x128xf32, #tpu.memory_space<vmem>>, vector<512x16xf32>
    tpu.vector_store %arg4[%swap3A_60, %swap3A_61], %slice3A_59 {strides = array<i32>} : memref<512x128xf32, #tpu.memory_space<vmem>>, vector<512x16xf32>,
    %slice3A_63 = vector.extract_strided_slice %broadcast_in_dim3A_20 {offsets = [1536, 0], sizes = [512, 1], strides = [1, 1]} : vector<2048x1xf32> to vector<512x1xf32>
    %swap3A_64 = arith.constant 0 : index
    %swap3A_65 = arith.constant 112 : index
    %swap3A_66 = vector.load %arg4[%swap3A_64, %swap3A_65] : memref<512x128xf32, #tpu.memory_space<vmem>>, vector<512x1xf32>
    tpu.vector_store %arg4[%swap3A_64, %swap3A_65], %slice3A_63 {strides = array<i32>} : memref<512x128xf32, #tpu.memory_space<vmem>>, vector<512x1xf32>,
    %broadcast_in_dim3A_67 = arith.constant 0.000000e+00 : f32
    %broadcast_in_dim3A_68 = vector.broadcast %broadcast_in_dim3A_67 : f32 to vector<512x15xf32>
    %swap3A_69 = arith.constant 0 : index
    %swap3A_70 = arith.constant 113 : index
    %swap3A_71 = vector.load %arg4[%swap3A_69, %swap3A_70] : memref<512x128xf32, #tpu.memory_space<vmem>>, vector<512x15xf32>
    tpu.vector_store %arg4[%swap3A_69, %swap3A_70], %broadcast_in_dim3A_68 {strides = array<i32>} : memref<512x128xf32, #tpu.memory_space<vmem>>, vector<512x15xf32>,
    return
  }
  func.func @transform_0(%arg0: i32) -> (i32, i32, i32) {
    %c0_i32 = arith.constant 0 : i32
    %c0_i32_0 = arith.constant 0 : i32
    %c0_i32_1 = arith.constant 0 : i32
    return %arg0, %c0_i32, %c0_i32_0 : i32, i32, i32
  }
  func.func @transform_1(%arg0: i32) -> (i32, i32) {
    %c0_i32 = arith.constant 0 : i32
    %c0_i32_0 = arith.constant 0 : i32
    return %arg0, %c0_i32 : i32, i32
  }
  func.func @transform_2(%arg0: i32) -> (i32, i32) {
    %c0_i32 = arith.constant 0 : i32
    %c0_i32_0 = arith.constant 0 : i32
    %c0_i32_1 = arith.constant 0 : i32
    return %c0_i32, %c0_i32_0 : i32, i32
  }
  func.func @transform_3(%arg0: i32) -> (i32, i32) {
    %c0_i32 = arith.constant 0 : i32
    %c0_i32_0 = arith.constant 0 : i32
    return %arg0, %c0_i32 : i32, i32
  }
}

module attributes {stable_mosaic.version = 14 : i64} {
  func.func @_gno_body(%arg0: i32, %arg1: memref<64x128xf32, #tpu.memory_space<vmem>>, %arg2: memref<256x128xf32, #tpu.memory_space<vmem>>, %arg3: memref<4x128xf32, #tpu.memory_space<vmem>>, %arg4: memref<1x128xf32, #tpu.memory_space<vmem>>, %arg5: memref<128x128xf32, #tpu.memory_space<vmem>>, %arg6: memref<1x128xf32, #tpu.memory_space<vmem>>, %arg7: memref<128x256xf32, #tpu.memory_space<vmem>>, %arg8: memref<1x256xf32, #tpu.memory_space<vmem>>, %arg9: memref<512x128xf32, #tpu.memory_space<vmem>>) attributes {dimension_semantics = [#tpu.dimension_semantics<arbitrary>], iteration_bounds = array<i64: 80>, scalar_prefetch = 0 : i64, scratch_operands = 0 : i64, tpu.core_type = #tpu.core_type<tc>, window_params = [{transform_indices = @transform_0, window_bounds = array<i64: 64, 128>}, {transform_indices = @transform_1, window_bounds = array<i64: 256, 128>}, {pipeline_mode = #tpu.pipeline_mode<synchronous>, transform_indices = @transform_2, window_bounds = array<i64: 4, 128>}, {pipeline_mode = #tpu.pipeline_mode<synchronous>, transform_indices = @transform_3, window_bounds = array<i64: 1, 128>}, {pipeline_mode = #tpu.pipeline_mode<synchronous>, transform_indices = @transform_4, window_bounds = array<i64: 128, 128>}, {pipeline_mode = #tpu.pipeline_mode<synchronous>, transform_indices = @transform_5, window_bounds = array<i64: 1, 128>}, {pipeline_mode = #tpu.pipeline_mode<synchronous>, transform_indices = @transform_6, window_bounds = array<i64: 128, 256>}, {pipeline_mode = #tpu.pipeline_mode<synchronous>, transform_indices = @transform_7, window_bounds = array<i64: 1, 256>}, {transform_indices = @transform_8, window_bounds = array<i64: 512, 128>}]} {
    %get3A = arith.constant 0 : index
    %get3A_0 = arith.constant 0 : index
    %get3A_1 = vector.load %arg1[%get3A, %get3A_0] : memref<64x128xf32, #tpu.memory_space<vmem>>, vector<64x128xf32>
    %slice3A = vector.extract_strided_slice %get3A_1 {offsets = [0, 0], sizes = [64, 4], strides = [1, 1]} : vector<64x128xf32> to vector<64x4xf32>
    %slice3A_2 = vector.extract_strided_slice %get3A_1 {offsets = [0, 4], sizes = [64, 4], strides = [1, 1]} : vector<64x128xf32> to vector<64x4xf32>
    %slice3A_3 = vector.extract_strided_slice %get3A_1 {offsets = [0, 8], sizes = [64, 4], strides = [1, 1]} : vector<64x128xf32> to vector<64x4xf32>
    %slice3A_4 = vector.extract_strided_slice %get3A_1 {offsets = [0, 12], sizes = [64, 4], strides = [1, 1]} : vector<64x128xf32> to vector<64x4xf32>
    %slice3A_5 = vector.extract_strided_slice %get3A_1 {offsets = [0, 16], sizes = [64, 4], strides = [1, 1]} : vector<64x128xf32> to vector<64x4xf32>
    %slice3A_6 = vector.extract_strided_slice %get3A_1 {offsets = [0, 20], sizes = [64, 4], strides = [1, 1]} : vector<64x128xf32> to vector<64x4xf32>
    %slice3A_7 = vector.extract_strided_slice %get3A_1 {offsets = [0, 24], sizes = [64, 4], strides = [1, 1]} : vector<64x128xf32> to vector<64x4xf32>
    %slice3A_8 = vector.extract_strided_slice %get3A_1 {offsets = [0, 28], sizes = [64, 4], strides = [1, 1]} : vector<64x128xf32> to vector<64x4xf32>
    %slice3A_9 = vector.extract_strided_slice %get3A_1 {offsets = [0, 32], sizes = [64, 4], strides = [1, 1]} : vector<64x128xf32> to vector<64x4xf32>
    %slice3A_10 = vector.extract_strided_slice %get3A_1 {offsets = [0, 36], sizes = [64, 4], strides = [1, 1]} : vector<64x128xf32> to vector<64x4xf32>
    %slice3A_11 = vector.extract_strided_slice %get3A_1 {offsets = [0, 40], sizes = [64, 4], strides = [1, 1]} : vector<64x128xf32> to vector<64x4xf32>
    %slice3A_12 = vector.extract_strided_slice %get3A_1 {offsets = [0, 44], sizes = [64, 4], strides = [1, 1]} : vector<64x128xf32> to vector<64x4xf32>
    %slice3A_13 = vector.extract_strided_slice %get3A_1 {offsets = [0, 48], sizes = [64, 4], strides = [1, 1]} : vector<64x128xf32> to vector<64x4xf32>
    %slice3A_14 = vector.extract_strided_slice %get3A_1 {offsets = [0, 52], sizes = [64, 4], strides = [1, 1]} : vector<64x128xf32> to vector<64x4xf32>
    %slice3A_15 = vector.extract_strided_slice %get3A_1 {offsets = [0, 56], sizes = [64, 4], strides = [1, 1]} : vector<64x128xf32> to vector<64x4xf32>
    %slice3A_16 = vector.extract_strided_slice %get3A_1 {offsets = [0, 60], sizes = [64, 4], strides = [1, 1]} : vector<64x128xf32> to vector<64x4xf32>
    %slice3A_17 = vector.extract_strided_slice %get3A_1 {offsets = [0, 64], sizes = [64, 4], strides = [1, 1]} : vector<64x128xf32> to vector<64x4xf32>
    %slice3A_18 = vector.extract_strided_slice %get3A_1 {offsets = [0, 68], sizes = [64, 4], strides = [1, 1]} : vector<64x128xf32> to vector<64x4xf32>
    %slice3A_19 = vector.extract_strided_slice %get3A_1 {offsets = [0, 72], sizes = [64, 4], strides = [1, 1]} : vector<64x128xf32> to vector<64x4xf32>
    %slice3A_20 = vector.extract_strided_slice %get3A_1 {offsets = [0, 76], sizes = [64, 4], strides = [1, 1]} : vector<64x128xf32> to vector<64x4xf32>
    %slice3A_21 = vector.extract_strided_slice %get3A_1 {offsets = [0, 80], sizes = [64, 4], strides = [1, 1]} : vector<64x128xf32> to vector<64x4xf32>
    %slice3A_22 = vector.extract_strided_slice %get3A_1 {offsets = [0, 84], sizes = [64, 4], strides = [1, 1]} : vector<64x128xf32> to vector<64x4xf32>
    %slice3A_23 = vector.extract_strided_slice %get3A_1 {offsets = [0, 88], sizes = [64, 4], strides = [1, 1]} : vector<64x128xf32> to vector<64x4xf32>
    %slice3A_24 = vector.extract_strided_slice %get3A_1 {offsets = [0, 92], sizes = [64, 4], strides = [1, 1]} : vector<64x128xf32> to vector<64x4xf32>
    %slice3A_25 = vector.extract_strided_slice %get3A_1 {offsets = [0, 96], sizes = [64, 4], strides = [1, 1]} : vector<64x128xf32> to vector<64x4xf32>
    %slice3A_26 = vector.extract_strided_slice %get3A_1 {offsets = [0, 100], sizes = [64, 4], strides = [1, 1]} : vector<64x128xf32> to vector<64x4xf32>
    %slice3A_27 = vector.extract_strided_slice %get3A_1 {offsets = [0, 104], sizes = [64, 4], strides = [1, 1]} : vector<64x128xf32> to vector<64x4xf32>
    %slice3A_28 = vector.extract_strided_slice %get3A_1 {offsets = [0, 108], sizes = [64, 4], strides = [1, 1]} : vector<64x128xf32> to vector<64x4xf32>
    %slice3A_29 = vector.extract_strided_slice %get3A_1 {offsets = [0, 112], sizes = [64, 4], strides = [1, 1]} : vector<64x128xf32> to vector<64x4xf32>
    %slice3A_30 = vector.extract_strided_slice %get3A_1 {offsets = [0, 116], sizes = [64, 4], strides = [1, 1]} : vector<64x128xf32> to vector<64x4xf32>
    %slice3A_31 = vector.extract_strided_slice %get3A_1 {offsets = [0, 120], sizes = [64, 4], strides = [1, 1]} : vector<64x128xf32> to vector<64x4xf32>
    %slice3A_32 = vector.extract_strided_slice %get3A_1 {offsets = [0, 124], sizes = [64, 4], strides = [1, 1]} : vector<64x128xf32> to vector<64x4xf32>
    %concatenate3A = tpu.concatenate %slice3A, %slice3A_2, %slice3A_3, %slice3A_4, %slice3A_5, %slice3A_6, %slice3A_7, %slice3A_8, %slice3A_9, %slice3A_10, %slice3A_11, %slice3A_12, %slice3A_13, %slice3A_14, %slice3A_15, %slice3A_16, %slice3A_17, %slice3A_18, %slice3A_19, %slice3A_20, %slice3A_21, %slice3A_22, %slice3A_23, %slice3A_24, %slice3A_25, %slice3A_26, %slice3A_27, %slice3A_28, %slice3A_29, %slice3A_30, %slice3A_31, %slice3A_32 in 0 : vector<64x4xf32>, vector<64x4xf32>, vector<64x4xf32>, vector<64x4xf32>, vector<64x4xf32>, vector<64x4xf32>, vector<64x4xf32>, vector<64x4xf32>, vector<64x4xf32>, vector<64x4xf32>, vector<64x4xf32>, vector<64x4xf32>, vector<64x4xf32>, vector<64x4xf32>, vector<64x4xf32>, vector<64x4xf32>, vector<64x4xf32>, vector<64x4xf32>, vector<64x4xf32>, vector<64x4xf32>, vector<64x4xf32>, vector<64x4xf32>, vector<64x4xf32>, vector<64x4xf32>, vector<64x4xf32>, vector<64x4xf32>, vector<64x4xf32>, vector<64x4xf32>, vector<64x4xf32>, vector<64x4xf32>, vector<64x4xf32>, vector<64x4xf32> -> vector<2048x4xf32>
    %get3A_33 = arith.constant 0 : index
    %get3A_34 = arith.constant 0 : index
    %get3A_35 = vector.load %arg2[%get3A_33, %get3A_34] : memref<256x128xf32, #tpu.memory_space<vmem>>, vector<256x128xf32>
    %slice3A_36 = vector.extract_strided_slice %get3A_35 {offsets = [0, 0], sizes = [256, 16], strides = [1, 1]} : vector<256x128xf32> to vector<256x16xf32>
    %slice3A_37 = vector.extract_strided_slice %get3A_35 {offsets = [0, 16], sizes = [256, 16], strides = [1, 1]} : vector<256x128xf32> to vector<256x16xf32>
    %slice3A_38 = vector.extract_strided_slice %get3A_35 {offsets = [0, 32], sizes = [256, 16], strides = [1, 1]} : vector<256x128xf32> to vector<256x16xf32>
    %slice3A_39 = vector.extract_strided_slice %get3A_35 {offsets = [0, 48], sizes = [256, 16], strides = [1, 1]} : vector<256x128xf32> to vector<256x16xf32>
    %slice3A_40 = vector.extract_strided_slice %get3A_35 {offsets = [0, 64], sizes = [256, 16], strides = [1, 1]} : vector<256x128xf32> to vector<256x16xf32>
    %slice3A_41 = vector.extract_strided_slice %get3A_35 {offsets = [0, 80], sizes = [256, 16], strides = [1, 1]} : vector<256x128xf32> to vector<256x16xf32>
    %slice3A_42 = vector.extract_strided_slice %get3A_35 {offsets = [0, 96], sizes = [256, 16], strides = [1, 1]} : vector<256x128xf32> to vector<256x16xf32>
    %slice3A_43 = vector.extract_strided_slice %get3A_35 {offsets = [0, 112], sizes = [256, 16], strides = [1, 1]} : vector<256x128xf32> to vector<256x16xf32>
    %concatenate3A_44 = tpu.concatenate %slice3A_36, %slice3A_37, %slice3A_38, %slice3A_39, %slice3A_40, %slice3A_41, %slice3A_42, %slice3A_43 in 0 : vector<256x16xf32>, vector<256x16xf32>, vector<256x16xf32>, vector<256x16xf32>, vector<256x16xf32>, vector<256x16xf32>, vector<256x16xf32>, vector<256x16xf32> -> vector<2048x16xf32>
    %get3A_45 = arith.constant 0 : index
    %get3A_46 = arith.constant 0 : index
    %get3A_47 = vector.load %arg3[%get3A_45, %get3A_46] : memref<4x128xf32, #tpu.memory_space<vmem>>, vector<4x128xf32>
    %dot_general3A = arith.constant dense<0.000000e+00> : vector<2048x128xf32>
    %dot_general3A_48 = tpu.matmul %concatenate3A, %get3A_47, %dot_general3A {dimension_numbers = #tpu.dot_dimension_numbers<[1], [0], [0], [1], [0, 0, 1, 1], [], []>, transpose_lhs_hint = false} : vector<2048x4xf32>, vector<4x128xf32>, vector<2048x128xf32> -> vector<2048x128xf32>
    %get3A_49 = arith.constant 0 : index
    %get3A_50 = arith.constant 0 : index
    %get3A_51 = vector.load %arg4[%get3A_49, %get3A_50] : memref<1x128xf32, #tpu.memory_space<vmem>>, vector<1x128xf32>
    %add3A = vector.broadcast %get3A_51 : vector<1x128xf32> to vector<2048x128xf32>
    %add3A_52 = arith.addf %dot_general3A_48, %add3A : vector<2048x128xf32>
    %max3A = arith.constant 0.000000e+00 : f32
    %max3A_53 = vector.broadcast %max3A : f32 to vector<2048x128xf32>
    %max3A_54 = arith.maximumf %add3A_52, %max3A_53 : vector<2048x128xf32>
    %get3A_55 = arith.constant 0 : index
    %get3A_56 = arith.constant 0 : index
    %get3A_57 = vector.load %arg5[%get3A_55, %get3A_56] : memref<128x128xf32, #tpu.memory_space<vmem>>, vector<128x128xf32>
    %dot_general3A_58 = arith.constant dense<0.000000e+00> : vector<2048x128xf32>
    %dot_general3A_59 = tpu.matmul %max3A_54, %get3A_57, %dot_general3A_58 {dimension_numbers = #tpu.dot_dimension_numbers<[1], [0], [0], [1], [0, 0, 1, 1], [], []>, transpose_lhs_hint = false} : vector<2048x128xf32>, vector<128x128xf32>, vector<2048x128xf32> -> vector<2048x128xf32>
    %get3A_60 = arith.constant 0 : index
    %get3A_61 = arith.constant 0 : index
    %get3A_62 = vector.load %arg6[%get3A_60, %get3A_61] : memref<1x128xf32, #tpu.memory_space<vmem>>, vector<1x128xf32>
    %add3A_63 = vector.broadcast %get3A_62 : vector<1x128xf32> to vector<2048x128xf32>
    %add3A_64 = arith.addf %dot_general3A_59, %add3A_63 : vector<2048x128xf32>
    %max3A_65 = arith.constant 0.000000e+00 : f32
    %max3A_66 = vector.broadcast %max3A_65 : f32 to vector<2048x128xf32>
    %max3A_67 = arith.maximumf %add3A_64, %max3A_66 : vector<2048x128xf32>
    %get3A_68 = arith.constant 0 : index
    %get3A_69 = arith.constant 0 : index
    %get3A_70 = vector.load %arg7[%get3A_68, %get3A_69] : memref<128x256xf32, #tpu.memory_space<vmem>>, vector<128x256xf32>
    %dot_general3A_71 = arith.constant dense<0.000000e+00> : vector<2048x256xf32>
    %dot_general3A_72 = tpu.matmul %max3A_67, %get3A_70, %dot_general3A_71 {dimension_numbers = #tpu.dot_dimension_numbers<[1], [0], [0], [1], [0, 0, 1, 1], [], []>, transpose_lhs_hint = false} : vector<2048x128xf32>, vector<128x256xf32>, vector<2048x256xf32> -> vector<2048x256xf32>
    %get3A_73 = arith.constant 0 : index
    %get3A_74 = arith.constant 0 : index
    %get3A_75 = vector.load %arg8[%get3A_73, %get3A_74] : memref<1x256xf32, #tpu.memory_space<vmem>>, vector<1x256xf32>
    %add3A_76 = vector.broadcast %get3A_75 : vector<1x256xf32> to vector<2048x256xf32>
    %add3A_77 = arith.addf %dot_general3A_72, %add3A_76 : vector<2048x256xf32>
    %concatenate3A_78 = tpu.concatenate %concatenate3A_44, %concatenate3A_44, %concatenate3A_44, %concatenate3A_44, %concatenate3A_44, %concatenate3A_44, %concatenate3A_44, %concatenate3A_44, %concatenate3A_44, %concatenate3A_44, %concatenate3A_44, %concatenate3A_44, %concatenate3A_44, %concatenate3A_44, %concatenate3A_44, %concatenate3A_44 in 1 : vector<2048x16xf32>, vector<2048x16xf32>, vector<2048x16xf32>, vector<2048x16xf32>, vector<2048x16xf32>, vector<2048x16xf32>, vector<2048x16xf32>, vector<2048x16xf32>, vector<2048x16xf32>, vector<2048x16xf32>, vector<2048x16xf32>, vector<2048x16xf32>, vector<2048x16xf32>, vector<2048x16xf32>, vector<2048x16xf32>, vector<2048x16xf32> -> vector<2048x256xf32>
    %iota3A = tpu.iota {dimensions = array<i32: 0>} : vector<256x16xi32>
    %jit3A = arith.constant 16 : i32
    %div3A = vector.broadcast %jit3A : i32 to vector<256x16xi32>
    %div3A_79 = arith.divsi %iota3A, %div3A : vector<256x16xi32>
    %sign3A = arith.constant 0 : i32
    %sign3A_80 = vector.broadcast %sign3A : i32 to vector<256x16xi32>
    %sign3A_81 = arith.cmpi sgt, %iota3A, %sign3A_80 : vector<256x16xi32>
    %sign3A_82 = arith.extui %sign3A_81 : vector<256x16xi1> to vector<256x16xi32>
    %sign3A_83 = arith.constant 0 : i32
    %sign3A_84 = vector.broadcast %sign3A_83 : i32 to vector<256x16xi32>
    %sign3A_85 = arith.cmpi slt, %iota3A, %sign3A_84 : vector<256x16xi32>
    %sign3A_86 = arith.extui %sign3A_85 : vector<256x16xi1> to vector<256x16xi32>
    %sign3A_87 = arith.subi %sign3A_82, %sign3A_86 : vector<256x16xi32>
    %sign3A_88 = arith.constant 0 : i32
    %sign3A_89 = arith.cmpi sgt, %jit3A, %sign3A_88 : i32
    %sign3A_90 = arith.extui %sign3A_89 : i1 to i32
    %sign3A_91 = arith.constant 0 : i32
    %sign3A_92 = arith.cmpi slt, %jit3A, %sign3A_91 : i32
    %sign3A_93 = arith.extui %sign3A_92 : i1 to i32
    %sign3A_94 = arith.subi %sign3A_90, %sign3A_93 : i32
    %ne3A = vector.broadcast %sign3A_94 : i32 to vector<256x16xi32>
    %ne3A_95 = arith.cmpi ne, %sign3A_87, %ne3A : vector<256x16xi32>
    %rem3A = vector.broadcast %jit3A : i32 to vector<256x16xi32>
    %rem3A_96 = arith.remsi %iota3A, %rem3A : vector<256x16xi32>
    %ne3A_97 = arith.constant 0 : i32
    %ne3A_98 = vector.broadcast %ne3A_97 : i32 to vector<256x16xi32>
    %ne3A_99 = arith.cmpi ne, %rem3A_96, %ne3A_98 : vector<256x16xi32>
    %and3A = arith.andi %ne3A_95, %ne3A_99 : vector<256x16xi1>
    %sub3A = arith.constant 1 : i32
    %sub3A_100 = vector.broadcast %sub3A : i32 to vector<256x16xi32>
    %sub3A_101 = arith.subi %div3A_79, %sub3A_100 : vector<256x16xi32>
    %select_n3A = arith.select %and3A, %sub3A_101, %div3A_79 : vector<256x16xi1>, vector<256x16xi32>
    %iota3A_102 = tpu.iota {dimensions = array<i32: 1>} : vector<256x16xi32>
    %eq3A = arith.cmpi eq, %select_n3A, %iota3A_102 : vector<256x16xi32>
    %convert_element_type3A = arith.extui %eq3A : vector<256x16xi1> to vector<256x16xi32>
    %convert_element_type3A_103 = arith.sitofp %convert_element_type3A : vector<256x16xi32> to vector<256x16xf32>
    %mul3A = arith.mulf %add3A_77, %concatenate3A_78 : vector<2048x256xf32>
    %dot_general3A_104 = arith.constant dense<0.000000e+00> : vector<2048x16xf32>
    %dot_general3A_105 = tpu.matmul %mul3A, %convert_element_type3A_103, %dot_general3A_104 {dimension_numbers = #tpu.dot_dimension_numbers<[1], [0], [0], [1], [0, 0, 1, 1], [], []>, transpose_lhs_hint = false} : vector<2048x256xf32>, vector<256x16xf32>, vector<2048x16xf32> -> vector<2048x16xf32>
    %broadcast_in_dim3A = arith.constant 1.000000e+00 : f32
    %broadcast_in_dim3A_106 = vector.broadcast %broadcast_in_dim3A : f32 to vector<2048x1xf32>
    %slice3A_107 = vector.extract_strided_slice %dot_general3A_105 {offsets = [0, 0], sizes = [512, 16], strides = [1, 1]} : vector<2048x16xf32> to vector<512x16xf32>
    %swap3A = arith.constant 0 : index
    %swap3A_108 = arith.constant 0 : index
    %swap3A_109 = vector.load %arg9[%swap3A, %swap3A_108] : memref<512x128xf32, #tpu.memory_space<vmem>>, vector<512x16xf32>
    tpu.vector_store %arg9[%swap3A, %swap3A_108], %slice3A_107 {strides = array<i32>} : memref<512x128xf32, #tpu.memory_space<vmem>>, vector<512x16xf32>,
    %slice3A_110 = vector.extract_strided_slice %broadcast_in_dim3A_106 {offsets = [0, 0], sizes = [512, 1], strides = [1, 1]} : vector<2048x1xf32> to vector<512x1xf32>
    %swap3A_111 = arith.constant 0 : index
    %swap3A_112 = arith.constant 16 : index
    %swap3A_113 = vector.load %arg9[%swap3A_111, %swap3A_112] : memref<512x128xf32, #tpu.memory_space<vmem>>, vector<512x1xf32>
    tpu.vector_store %arg9[%swap3A_111, %swap3A_112], %slice3A_110 {strides = array<i32>} : memref<512x128xf32, #tpu.memory_space<vmem>>, vector<512x1xf32>,
    %broadcast_in_dim3A_114 = arith.constant 0.000000e+00 : f32
    %broadcast_in_dim3A_115 = vector.broadcast %broadcast_in_dim3A_114 : f32 to vector<512x15xf32>
    %swap3A_116 = arith.constant 0 : index
    %swap3A_117 = arith.constant 17 : index
    %swap3A_118 = vector.load %arg9[%swap3A_116, %swap3A_117] : memref<512x128xf32, #tpu.memory_space<vmem>>, vector<512x15xf32>
    tpu.vector_store %arg9[%swap3A_116, %swap3A_117], %broadcast_in_dim3A_115 {strides = array<i32>} : memref<512x128xf32, #tpu.memory_space<vmem>>, vector<512x15xf32>,
    %slice3A_119 = vector.extract_strided_slice %dot_general3A_105 {offsets = [512, 0], sizes = [512, 16], strides = [1, 1]} : vector<2048x16xf32> to vector<512x16xf32>
    %swap3A_120 = arith.constant 0 : index
    %swap3A_121 = arith.constant 32 : index
    %swap3A_122 = vector.load %arg9[%swap3A_120, %swap3A_121] : memref<512x128xf32, #tpu.memory_space<vmem>>, vector<512x16xf32>
    tpu.vector_store %arg9[%swap3A_120, %swap3A_121], %slice3A_119 {strides = array<i32>} : memref<512x128xf32, #tpu.memory_space<vmem>>, vector<512x16xf32>,
    %slice3A_123 = vector.extract_strided_slice %broadcast_in_dim3A_106 {offsets = [512, 0], sizes = [512, 1], strides = [1, 1]} : vector<2048x1xf32> to vector<512x1xf32>
    %swap3A_124 = arith.constant 0 : index
    %swap3A_125 = arith.constant 48 : index
    %swap3A_126 = vector.load %arg9[%swap3A_124, %swap3A_125] : memref<512x128xf32, #tpu.memory_space<vmem>>, vector<512x1xf32>
    tpu.vector_store %arg9[%swap3A_124, %swap3A_125], %slice3A_123 {strides = array<i32>} : memref<512x128xf32, #tpu.memory_space<vmem>>, vector<512x1xf32>,
    %broadcast_in_dim3A_127 = arith.constant 0.000000e+00 : f32
    %broadcast_in_dim3A_128 = vector.broadcast %broadcast_in_dim3A_127 : f32 to vector<512x15xf32>
    %swap3A_129 = arith.constant 0 : index
    %swap3A_130 = arith.constant 49 : index
    %swap3A_131 = vector.load %arg9[%swap3A_129, %swap3A_130] : memref<512x128xf32, #tpu.memory_space<vmem>>, vector<512x15xf32>
    tpu.vector_store %arg9[%swap3A_129, %swap3A_130], %broadcast_in_dim3A_128 {strides = array<i32>} : memref<512x128xf32, #tpu.memory_space<vmem>>, vector<512x15xf32>,
    %slice3A_132 = vector.extract_strided_slice %dot_general3A_105 {offsets = [1024, 0], sizes = [512, 16], strides = [1, 1]} : vector<2048x16xf32> to vector<512x16xf32>
    %swap3A_133 = arith.constant 0 : index
    %swap3A_134 = arith.constant 64 : index
    %swap3A_135 = vector.load %arg9[%swap3A_133, %swap3A_134] : memref<512x128xf32, #tpu.memory_space<vmem>>, vector<512x16xf32>
    tpu.vector_store %arg9[%swap3A_133, %swap3A_134], %slice3A_132 {strides = array<i32>} : memref<512x128xf32, #tpu.memory_space<vmem>>, vector<512x16xf32>,
    %slice3A_136 = vector.extract_strided_slice %broadcast_in_dim3A_106 {offsets = [1024, 0], sizes = [512, 1], strides = [1, 1]} : vector<2048x1xf32> to vector<512x1xf32>
    %swap3A_137 = arith.constant 0 : index
    %swap3A_138 = arith.constant 80 : index
    %swap3A_139 = vector.load %arg9[%swap3A_137, %swap3A_138] : memref<512x128xf32, #tpu.memory_space<vmem>>, vector<512x1xf32>
    tpu.vector_store %arg9[%swap3A_137, %swap3A_138], %slice3A_136 {strides = array<i32>} : memref<512x128xf32, #tpu.memory_space<vmem>>, vector<512x1xf32>,
    %broadcast_in_dim3A_140 = arith.constant 0.000000e+00 : f32
    %broadcast_in_dim3A_141 = vector.broadcast %broadcast_in_dim3A_140 : f32 to vector<512x15xf32>
    %swap3A_142 = arith.constant 0 : index
    %swap3A_143 = arith.constant 81 : index
    %swap3A_144 = vector.load %arg9[%swap3A_142, %swap3A_143] : memref<512x128xf32, #tpu.memory_space<vmem>>, vector<512x15xf32>
    tpu.vector_store %arg9[%swap3A_142, %swap3A_143], %broadcast_in_dim3A_141 {strides = array<i32>} : memref<512x128xf32, #tpu.memory_space<vmem>>, vector<512x15xf32>,
    %slice3A_145 = vector.extract_strided_slice %dot_general3A_105 {offsets = [1536, 0], sizes = [512, 16], strides = [1, 1]} : vector<2048x16xf32> to vector<512x16xf32>
    %swap3A_146 = arith.constant 0 : index
    %swap3A_147 = arith.constant 96 : index
    %swap3A_148 = vector.load %arg9[%swap3A_146, %swap3A_147] : memref<512x128xf32, #tpu.memory_space<vmem>>, vector<512x16xf32>
    tpu.vector_store %arg9[%swap3A_146, %swap3A_147], %slice3A_145 {strides = array<i32>} : memref<512x128xf32, #tpu.memory_space<vmem>>, vector<512x16xf32>,
    %slice3A_149 = vector.extract_strided_slice %broadcast_in_dim3A_106 {offsets = [1536, 0], sizes = [512, 1], strides = [1, 1]} : vector<2048x1xf32> to vector<512x1xf32>
    %swap3A_150 = arith.constant 0 : index
    %swap3A_151 = arith.constant 112 : index
    %swap3A_152 = vector.load %arg9[%swap3A_150, %swap3A_151] : memref<512x128xf32, #tpu.memory_space<vmem>>, vector<512x1xf32>
    tpu.vector_store %arg9[%swap3A_150, %swap3A_151], %slice3A_149 {strides = array<i32>} : memref<512x128xf32, #tpu.memory_space<vmem>>, vector<512x1xf32>,
    %broadcast_in_dim3A_153 = arith.constant 0.000000e+00 : f32
    %broadcast_in_dim3A_154 = vector.broadcast %broadcast_in_dim3A_153 : f32 to vector<512x15xf32>
    %swap3A_155 = arith.constant 0 : index
    %swap3A_156 = arith.constant 113 : index
    %swap3A_157 = vector.load %arg9[%swap3A_155, %swap3A_156] : memref<512x128xf32, #tpu.memory_space<vmem>>, vector<512x15xf32>
    tpu.vector_store %arg9[%swap3A_155, %swap3A_156], %broadcast_in_dim3A_154 {strides = array<i32>} : memref<512x128xf32, #tpu.memory_space<vmem>>, vector<512x15xf32>,
    return
  }
  func.func @transform_0(%arg0: i32) -> (i32, i32) {
    %c0_i32 = arith.constant 0 : i32
    %c0_i32_0 = arith.constant 0 : i32
    return %arg0, %c0_i32 : i32, i32
  }
  func.func @transform_1(%arg0: i32) -> (i32, i32) {
    %c0_i32 = arith.constant 0 : i32
    %c0_i32_0 = arith.constant 0 : i32
    return %arg0, %c0_i32 : i32, i32
  }
  func.func @transform_2(%arg0: i32) -> (i32, i32) {
    %c0_i32 = arith.constant 0 : i32
    %c0_i32_0 = arith.constant 0 : i32
    %c0_i32_1 = arith.constant 0 : i32
    return %c0_i32, %c0_i32_0 : i32, i32
  }
  func.func @transform_3(%arg0: i32) -> (i32, i32) {
    %c0_i32 = arith.constant 0 : i32
    %c0_i32_0 = arith.constant 0 : i32
    %c0_i32_1 = arith.constant 0 : i32
    return %c0_i32, %c0_i32_0 : i32, i32
  }
  func.func @transform_4(%arg0: i32) -> (i32, i32) {
    %c0_i32 = arith.constant 0 : i32
    %c0_i32_0 = arith.constant 0 : i32
    %c0_i32_1 = arith.constant 0 : i32
    return %c0_i32, %c0_i32_0 : i32, i32
  }
  func.func @transform_5(%arg0: i32) -> (i32, i32) {
    %c0_i32 = arith.constant 0 : i32
    %c0_i32_0 = arith.constant 0 : i32
    %c0_i32_1 = arith.constant 0 : i32
    return %c0_i32, %c0_i32_0 : i32, i32
  }
  func.func @transform_6(%arg0: i32) -> (i32, i32) {
    %c0_i32 = arith.constant 0 : i32
    %c0_i32_0 = arith.constant 0 : i32
    %c0_i32_1 = arith.constant 0 : i32
    return %c0_i32, %c0_i32_0 : i32, i32
  }
  func.func @transform_7(%arg0: i32) -> (i32, i32) {
    %c0_i32 = arith.constant 0 : i32
    %c0_i32_0 = arith.constant 0 : i32
    %c0_i32_1 = arith.constant 0 : i32
    return %c0_i32, %c0_i32_0 : i32, i32
  }
  func.func @transform_8(%arg0: i32) -> (i32, i32) {
    %c0_i32 = arith.constant 0 : i32
    %c0_i32_0 = arith.constant 0 : i32
    return %arg0, %c0_i32 : i32, i32
  }
}

module attributes {stable_mosaic.version = 14 : i64} {
  func.func @_combine_body(%arg0: i32, %arg1: memref<2000x16xf32, #tpu.memory_space<vmem>>, %arg2: memref<2x2000x32xf32, #tpu.memory_space<vmem>>, %arg3: memref<2x2000x32xf32, #tpu.memory_space<vmem>>, %arg4: memref<16x16xf32, #tpu.memory_space<vmem>>, %arg5: memref<1x16xf32, #tpu.memory_space<vmem>>, %arg6: memref<16x16xf32, #tpu.memory_space<vmem>>, %arg7: memref<1x16xf32, #tpu.memory_space<vmem>>, %arg8: memref<1x16xf32, #tpu.memory_space<vmem>>, %arg9: memref<16x4xf32, #tpu.memory_space<vmem>>, %arg10: memref<1x4xf32, #tpu.memory_space<vmem>>, %arg11: memref<2000x4xf32, #tpu.memory_space<vmem>>) attributes {dimension_semantics = [#tpu.dimension_semantics<arbitrary>], iteration_bounds = array<i64: 5>, scalar_prefetch = 0 : i64, scratch_operands = 0 : i64, tpu.core_type = #tpu.core_type<tc>, window_params = [{transform_indices = @transform_0, window_bounds = array<i64: 2000, 16>}, {transform_indices = @transform_1, window_bounds = array<i64: 2, 2000, 32>}, {transform_indices = @transform_2, window_bounds = array<i64: 2, 2000, 32>}, {pipeline_mode = #tpu.pipeline_mode<synchronous>, transform_indices = @transform_3, window_bounds = array<i64: 16, 16>}, {pipeline_mode = #tpu.pipeline_mode<synchronous>, transform_indices = @transform_4, window_bounds = array<i64: 1, 16>}, {pipeline_mode = #tpu.pipeline_mode<synchronous>, transform_indices = @transform_5, window_bounds = array<i64: 16, 16>}, {pipeline_mode = #tpu.pipeline_mode<synchronous>, transform_indices = @transform_6, window_bounds = array<i64: 1, 16>}, {pipeline_mode = #tpu.pipeline_mode<synchronous>, transform_indices = @transform_7, window_bounds = array<i64: 1, 16>}, {pipeline_mode = #tpu.pipeline_mode<synchronous>, transform_indices = @transform_8, window_bounds = array<i64: 16, 4>}, {pipeline_mode = #tpu.pipeline_mode<synchronous>, transform_indices = @transform_9, window_bounds = array<i64: 1, 4>}, {transform_indices = @transform_10, window_bounds = array<i64: 2000, 4>}]} {
    %get3A = arith.constant 0 : index
    %get3A_0 = arith.constant 0 : index
    %get3A_1 = arith.constant 0 : index
    %get3A_2 = vector.load %arg2[%get3A, %get3A_0, %get3A_1] : memref<2x2000x32xf32, #tpu.memory_space<vmem>>, vector<1x2000x32xf32>
    %get3A_3 = vector.shape_cast %get3A_2 : vector<1x2000x32xf32> to vector<2000x32xf32>
    %get3A_4 = arith.constant 1 : index
    %get3A_5 = arith.constant 0 : index
    %get3A_6 = arith.constant 0 : index
    %get3A_7 = vector.load %arg2[%get3A_4, %get3A_5, %get3A_6] : memref<2x2000x32xf32, #tpu.memory_space<vmem>>, vector<1x2000x32xf32>
    %get3A_8 = vector.shape_cast %get3A_7 : vector<1x2000x32xf32> to vector<2000x32xf32>
    %add3A = arith.addf %get3A_3, %get3A_8 : vector<2000x32xf32>
    %get3A_9 = arith.constant 0 : index
    %get3A_10 = arith.constant 0 : index
    %get3A_11 = arith.constant 0 : index
    %get3A_12 = vector.load %arg3[%get3A_9, %get3A_10, %get3A_11] : memref<2x2000x32xf32, #tpu.memory_space<vmem>>, vector<1x2000x32xf32>
    %get3A_13 = vector.shape_cast %get3A_12 : vector<1x2000x32xf32> to vector<2000x32xf32>
    %get3A_14 = arith.constant 1 : index
    %get3A_15 = arith.constant 0 : index
    %get3A_16 = arith.constant 0 : index
    %get3A_17 = vector.load %arg3[%get3A_14, %get3A_15, %get3A_16] : memref<2x2000x32xf32, #tpu.memory_space<vmem>>, vector<1x2000x32xf32>
    %get3A_18 = vector.shape_cast %get3A_17 : vector<1x2000x32xf32> to vector<2000x32xf32>
    %add3A_19 = arith.addf %get3A_13, %get3A_18 : vector<2000x32xf32>
    %slice3A = vector.extract_strided_slice %add3A {offsets = [0, 0], sizes = [2000, 16], strides = [1, 1]} : vector<2000x32xf32> to vector<2000x16xf32>
    %slice3A_20 = vector.extract_strided_slice %add3A {offsets = [0, 16], sizes = [2000, 1], strides = [1, 1]} : vector<2000x32xf32> to vector<2000x1xf32>
    %max3A = arith.constant 1.000000e+00 : f32
    %max3A_21 = vector.broadcast %max3A : f32 to vector<2000x1xf32>
    %max3A_22 = arith.maximumf %slice3A_20, %max3A_21 : vector<2000x1xf32>
    %slice3A_23 = vector.extract_strided_slice %add3A_19 {offsets = [0, 0], sizes = [2000, 16], strides = [1, 1]} : vector<2000x32xf32> to vector<2000x16xf32>
    %slice3A_24 = vector.extract_strided_slice %add3A_19 {offsets = [0, 16], sizes = [2000, 1], strides = [1, 1]} : vector<2000x32xf32> to vector<2000x1xf32>
    %max3A_25 = arith.constant 1.000000e-30 : f32
    %max3A_26 = vector.broadcast %max3A_25 : f32 to vector<2000x1xf32>
    %max3A_27 = arith.maximumf %slice3A_24, %max3A_26 : vector<2000x1xf32>
    %div3A = vector.broadcast %max3A_27 : vector<2000x1xf32> to vector<2000x16xf32>
    %div3A_28 = arith.divf %slice3A_23, %div3A : vector<2000x16xf32>
    %get3A_29 = arith.constant 0 : index
    %get3A_30 = arith.constant 0 : index
    %get3A_31 = vector.load %arg6[%get3A_29, %get3A_30] : memref<16x16xf32, #tpu.memory_space<vmem>>, vector<16x16xf32>
    %dot_general3A = arith.constant dense<0.000000e+00> : vector<2000x16xf32>
    %dot_general3A_32 = tpu.matmul %div3A_28, %get3A_31, %dot_general3A {dimension_numbers = #tpu.dot_dimension_numbers<[1], [0], [0], [1], [0, 0, 1, 1], [], []>, transpose_lhs_hint = false} : vector<2000x16xf32>, vector<16x16xf32>, vector<2000x16xf32> -> vector<2000x16xf32>
    %get3A_33 = arith.constant 0 : index
    %get3A_34 = arith.constant 0 : index
    %get3A_35 = vector.load %arg1[%get3A_33, %get3A_34] : memref<2000x16xf32, #tpu.memory_space<vmem>>, vector<2000x16xf32>
    %get3A_36 = arith.constant 0 : index
    %get3A_37 = arith.constant 0 : index
    %get3A_38 = vector.load %arg4[%get3A_36, %get3A_37] : memref<16x16xf32, #tpu.memory_space<vmem>>, vector<16x16xf32>
    %dot_general3A_39 = arith.constant dense<0.000000e+00> : vector<2000x16xf32>
    %dot_general3A_40 = tpu.matmul %get3A_35, %get3A_38, %dot_general3A_39 {dimension_numbers = #tpu.dot_dimension_numbers<[1], [0], [0], [1], [0, 0, 1, 1], [], []>, transpose_lhs_hint = false} : vector<2000x16xf32>, vector<16x16xf32>, vector<2000x16xf32> -> vector<2000x16xf32>
    %get3A_41 = arith.constant 0 : index
    %get3A_42 = arith.constant 0 : index
    %get3A_43 = vector.load %arg5[%get3A_41, %get3A_42] : memref<1x16xf32, #tpu.memory_space<vmem>>, vector<1x16xf32>
    %add3A_44 = vector.broadcast %get3A_43 : vector<1x16xf32> to vector<2000x16xf32>
    %add3A_45 = arith.addf %dot_general3A_40, %add3A_44 : vector<2000x16xf32>
    %div3A_46 = vector.broadcast %max3A_22 : vector<2000x1xf32> to vector<2000x16xf32>
    %div3A_47 = arith.divf %slice3A, %div3A_46 : vector<2000x16xf32>
    %add3A_48 = arith.addf %add3A_45, %div3A_47 : vector<2000x16xf32>
    %add3A_49 = arith.addf %add3A_48, %dot_general3A_32 : vector<2000x16xf32>
    %max3A_50 = arith.constant 0.000000e+00 : f32
    %max3A_51 = vector.broadcast %max3A_50 : f32 to vector<2000x16xf32>
    %max3A_52 = arith.maximumf %add3A_49, %max3A_51 : vector<2000x16xf32>
    %get3A_53 = arith.constant 0 : index
    %get3A_54 = arith.constant 0 : index
    %get3A_55 = vector.load %arg7[%get3A_53, %get3A_54] : memref<1x16xf32, #tpu.memory_space<vmem>>, vector<1x16xf32>
    %add3A_56 = arith.constant 1.000000e+00 : f32
    %add3A_57 = vector.broadcast %add3A_56 : f32 to vector<1x16xf32>
    %add3A_58 = arith.addf %add3A_57, %get3A_55 : vector<1x16xf32>
    %mul3A = vector.broadcast %add3A_58 : vector<1x16xf32> to vector<2000x16xf32>
    %mul3A_59 = arith.mulf %max3A_52, %mul3A : vector<2000x16xf32>
    %get3A_60 = arith.constant 0 : index
    %get3A_61 = arith.constant 0 : index
    %get3A_62 = vector.load %arg8[%get3A_60, %get3A_61] : memref<1x16xf32, #tpu.memory_space<vmem>>, vector<1x16xf32>
    %add3A_63 = vector.broadcast %get3A_62 : vector<1x16xf32> to vector<2000x16xf32>
    %add3A_64 = arith.addf %mul3A_59, %add3A_63 : vector<2000x16xf32>
    %logistic3A = arith.negf %add3A_64 : vector<2000x16xf32>
    %logistic3A_65 = math.exp %logistic3A : vector<2000x16xf32>
    %logistic3A_66 = arith.constant 1.000000e+00 : f32
    %logistic3A_67 = vector.broadcast %logistic3A_66 : f32 to vector<2000x16xf32>
    %logistic3A_68 = arith.addf %logistic3A_67, %logistic3A_65 : vector<2000x16xf32>
    %logistic3A_69 = arith.divf %logistic3A_67, %logistic3A_68 : vector<2000x16xf32>
    %mul3A_70 = arith.mulf %add3A_64, %logistic3A_69 : vector<2000x16xf32>
    %get3A_71 = arith.constant 0 : index
    %get3A_72 = arith.constant 0 : index
    %get3A_73 = vector.load %arg1[%get3A_71, %get3A_72] : memref<2000x16xf32, #tpu.memory_space<vmem>>, vector<2000x16xf32>
    %add3A_74 = arith.addf %mul3A_70, %get3A_73 : vector<2000x16xf32>
    %get3A_75 = arith.constant 0 : index
    %get3A_76 = arith.constant 0 : index
    %get3A_77 = vector.load %arg9[%get3A_75, %get3A_76] : memref<16x4xf32, #tpu.memory_space<vmem>>, vector<16x4xf32>
    %dot_general3A_78 = arith.constant dense<0.000000e+00> : vector<2000x4xf32>
    %dot_general3A_79 = tpu.matmul %add3A_74, %get3A_77, %dot_general3A_78 {dimension_numbers = #tpu.dot_dimension_numbers<[1], [0], [0], [1], [0, 0, 1, 1], [], []>, transpose_lhs_hint = false} : vector<2000x16xf32>, vector<16x4xf32>, vector<2000x4xf32> -> vector<2000x4xf32>
    %get3A_80 = arith.constant 0 : index
    %get3A_81 = arith.constant 0 : index
    %get3A_82 = vector.load %arg10[%get3A_80, %get3A_81] : memref<1x4xf32, #tpu.memory_space<vmem>>, vector<1x4xf32>
    %add3A_83 = vector.broadcast %get3A_82 : vector<1x4xf32> to vector<2000x4xf32>
    %add3A_84 = arith.addf %dot_general3A_79, %add3A_83 : vector<2000x4xf32>
    %swap3A = arith.constant 0 : index
    %swap3A_85 = arith.constant 0 : index
    %swap3A_86 = vector.load %arg11[%swap3A, %swap3A_85] : memref<2000x4xf32, #tpu.memory_space<vmem>>, vector<2000x4xf32>
    tpu.vector_store %arg11[%swap3A, %swap3A_85], %add3A_84 {strides = array<i32>} : memref<2000x4xf32, #tpu.memory_space<vmem>>, vector<2000x4xf32>,
    return
  }
  func.func @transform_0(%arg0: i32) -> (i32, i32) {
    %c0_i32 = arith.constant 0 : i32
    %c0_i32_0 = arith.constant 0 : i32
    return %arg0, %c0_i32 : i32, i32
  }
  func.func @transform_1(%arg0: i32) -> (i32, i32, i32) {
    %c0_i32 = arith.constant 0 : i32
    %c0_i32_0 = arith.constant 0 : i32
    %c0_i32_1 = arith.constant 0 : i32
    return %c0_i32, %arg0, %c0_i32_0 : i32, i32, i32
  }
  func.func @transform_2(%arg0: i32) -> (i32, i32, i32) {
    %c0_i32 = arith.constant 0 : i32
    %c0_i32_0 = arith.constant 0 : i32
    %c0_i32_1 = arith.constant 0 : i32
    return %c0_i32, %arg0, %c0_i32_0 : i32, i32, i32
  }
  func.func @transform_3(%arg0: i32) -> (i32, i32) {
    %c0_i32 = arith.constant 0 : i32
    %c0_i32_0 = arith.constant 0 : i32
    %c0_i32_1 = arith.constant 0 : i32
    return %c0_i32, %c0_i32_0 : i32, i32
  }
  func.func @transform_4(%arg0: i32) -> (i32, i32) {
    %c0_i32 = arith.constant 0 : i32
    %c0_i32_0 = arith.constant 0 : i32
    %c0_i32_1 = arith.constant 0 : i32
    return %c0_i32, %c0_i32_0 : i32, i32
  }
  func.func @transform_5(%arg0: i32) -> (i32, i32) {
    %c0_i32 = arith.constant 0 : i32
    %c0_i32_0 = arith.constant 0 : i32
    %c0_i32_1 = arith.constant 0 : i32
    return %c0_i32, %c0_i32_0 : i32, i32
  }
  func.func @transform_6(%arg0: i32) -> (i32, i32) {
    %c0_i32 = arith.constant 0 : i32
    %c0_i32_0 = arith.constant 0 : i32
    %c0_i32_1 = arith.constant 0 : i32
    return %c0_i32, %c0_i32_0 : i32, i32
  }
  func.func @transform_7(%arg0: i32) -> (i32, i32) {
    %c0_i32 = arith.constant 0 : i32
    %c0_i32_0 = arith.constant 0 : i32
    %c0_i32_1 = arith.constant 0 : i32
    return %c0_i32, %c0_i32_0 : i32, i32
  }
  func.func @transform_8(%arg0: i32) -> (i32, i32) {
    %c0_i32 = arith.constant 0 : i32
    %c0_i32_0 = arith.constant 0 : i32
    %c0_i32_1 = arith.constant 0 : i32
    return %c0_i32, %c0_i32_0 : i32, i32
  }
  func.func @transform_9(%arg0: i32) -> (i32, i32) {
    %c0_i32 = arith.constant 0 : i32
    %c0_i32_0 = arith.constant 0 : i32
    %c0_i32_1 = arith.constant 0 : i32
    return %c0_i32, %c0_i32_0 : i32, i32
  }
  func.func @transform_10(%arg0: i32) -> (i32, i32) {
    %c0_i32 = arith.constant 0 : i32
    %c0_i32_0 = arith.constant 0 : i32
    return %arg0, %c0_i32 : i32, i32
  }
}

</mosaic_0001>

<sc_bundles>
// kernel: kernel.12.cloned.1.call-start
scs
__scs_entry_jumppad:
0x0: {  	(pc) =	sbr.rel $0x88, $3  }
0x1: {  	(tag) =	ssettag $0x0;
	lr =	simm.s32 $0x1  }
0x2: {  	[smem:$0x3F7F] =	sst lr;
	_ =	strace $0xD0000000  }
0x3: {  	_ = 	snop  }
0x4: {  	_ = 	snop  }
0x5: {  	_ = 	snop  }
0x6: {  	_ = 	snop  }
0x7: {  	_ = 	snop  }
__scs_overlays_trampoline_lowered:
0x8: {  	[smem:$0x3F8E] =	sst s0  }
0x9: {  	[smem:$0x3F8F] =	sst s1  }
0xa: {  	[smem:$0x3F90] =	sst s2  }
0xb: {  	[smem:$0x3F91] =	sst s3  }
0xc: {  	[smem:$0x3F92] =	sst s4  }
0xd: {  	[smem:$0x3F93] =	sst s5  }
0xe: {  	[smem:$0x3F94] =	sst s6  }
0xf: {  	[smem:$0x3F95] =	sst s7  }
0x10: {  	[smem:$0x3F96] =	sst s8  }
0x11: {  	[smem:$0x3F97] =	sst s9;
	s0 =	simm.s32 @!p0 $0x0  }
0x12: {  	s1 =	sld [smem:$0x3F7D];
	s0 =	simm.s32 @p0 $0x1  }
0x13: {  	[smem:$0x3F98] =	sst s0;
	s0 =	simm.s32 @!p1 $0x0  }
0x14: {  	s2 =	sld [smem:$0x3F7C];
	s0 =	simm.s32 @p1 $0x1  }
0x15: {  	[smem:$0x3F99] =	sst s0;
	s0 =	simm.s32 @!p2 $0x0  }
0x16: {  	s3 =	sld [smem:$0x3FDB];
	s0 =	simm.s32 @p2 $0x1  }
0x17: {  	s4 =	simm.s32 $0x1BF5;
	[smem:$0x3F9B] =	sst s0  }
0x18: {  	s0 =	sld [smem:$0x3F7E];
	_ =	swait.ge [sflag:s4], $0x0  }
0x19: {  	s7 =	sld [smem:$0x3F7F]  }
0x1a: {  	s8 =	sadd.s32 $0xFFFFE003, lr  }
0x1b: {  	s9 =	sadd.s32 $0xFFFFFEF7, lr;
	s5 =	simm.s32 $0xFFFFFFFF;
	p2 =	slt.u32 s8, $0xFFFFF086  }
0x1c: {  	p1 =	slt.u32 s9, $0xF7A;
	s5 =	simm.s32 @!p2 $0x0  }
0x1d: {  	s5 =	simm.s32 @p1 $0x1;
	p0 =	seq.s32 s7, s2  }
0x1e: {  	s7 =	smul.u32 @!p0 $0xF7A, s2;
	p2 =	seq.s32 @!p0 s5, $0x0  }
0x1f: {  	s9 =	smul.u32 $0xF7A, s1;
	s8 =	simm.s32 @!p0 $0x1BF5;
	p2 =	por !p2, p0  }
0x20: {  	[sflag:s8] =	ssyncset.s32 @!p0 $0xFFFFF086;
	s6 =	sadd.s32 @!p0 s3, s7;
	s7 =	simm.s32 @!p0 $0x108  }
0x21: {  	s3 =	sadd.s32 s3, s9;
	s6 =	sadd.s32 @!p0 $0x88, s6;
	s7 =	simm.s32 @p2 $0x1082  }
0x22: {  	[simem:s7], [sflag:s8] =	dma.local @!p0 [hbm:s6], $0xF7A  }
0x23: {  	s9 =	sor.u32 $0xD0000000, s2;
	s6 =	simm.s32 $0x108;
	_ =	swait.ge @!p0 [sflag:s8], $0x0  }
0x24: {  	s3 =	sadd.s32 $0x88, s3;
	s6 =	simm.s32 @!p1 $0x1082;
	[sflag:s4] =	ssyncset.s32 $0xFFFFF086  }
0x25: {  	[simem:s6], [sflag:s4] =	dma.local [hbm:s3], $0xF7A  }
0x26: {  	[smem:$0x3F7F] =	sst s1;
	(tag) =	ssettag s2;
	_ =	strace s9  }
0x27: {  	s1 =	sld [smem:$0x3F8F]  }
0x28: {  	s2 =	sld [smem:$0x3F90]  }
0x29: {  	s4 =	sld [smem:$0x3F92]  }
0x2a: {  	p0 =	seq.s32 s5, $0x0;
	s5 =	sld [smem:$0x3F93]  }
0x2b: {  	s6 =	sld [smem:$0x3F94]  }
0x2c: {  	s7 =	sld [smem:$0x3F95]  }
0x2d: {  	s3 =	simm.s32 $0x108;
	s8 =	sld [smem:$0x3F96]  }
0x2e: {  	s3 =	simm.s32 @!p0 $0x1082;
	s9 =	sld [smem:$0x3F97]  }
0x2f: {  	lr =	sadd.s32 s0, s3;
	s0 =	sld [smem:$0x3F8E]  }
0x30: {  	s3 =	sld [smem:$0x3F91]  }
0x31: {  	[smem:$0x3F9A] =	sst s10  }
0x32: {  	s10 =	sld [smem:$0x3F98];
	_ =	sdelay $0x3  }
0x33: {  	p0 =	seq.s32 s10, $0x1;
	s10 =	sld [smem:$0x3F9A];
	_ =	sdelay $0x3  }
0x34: {  	[smem:$0x3F9A] =	sst s10  }
0x35: {  	s10 =	sld [smem:$0x3F99];
	_ =	sdelay $0x3  }
0x36: {  	p1 =	seq.s32 s10, $0x1;
	s10 =	sld [smem:$0x3F9A];
	_ =	sdelay $0x3  }
0x37: {  	[smem:$0x3F9A] =	sst s10  }
0x38: {  	s10 =	sld [smem:$0x3F9B]  }
0x39: {  	_ = 	snop;
	(pc) =	sbr.ind lr, $3  }
0x3a: {  	_ = 	snop  }
0x3b: {  	_ = 	snop  }
0x3c: {  	p2 =	seq.s32 s10, $0x1;
	s10 =	sld [smem:$0x3F9A]  }
0x3d: {  	_ =	shalt  }
0x3e: {  	_ =	shalt  }
0x3f: {  	_ =	shalt  }
0x40: {  	_ =	shalt  }
0x41: {  	_ =	shalt  }
0x42: {  	_ =	shalt  }
0x43: {  	_ =	shalt  }
0x44: {  	_ =	shalt  }
0x45: {  	_ =	shalt  }
0x46: {  	_ =	shalt  }
0x47: {  	_ =	shalt  }
0x48: {  	_ =	shalt  }
0x49: {  	_ =	shalt  }
0x4a: {  	_ =	shalt  }
0x4b: {  	_ =	shalt  }
0x4c: {  	_ =	shalt  }
0x4d: {  	_ =	shalt  }
0x4e: {  	_ =	shalt  }
0x4f: {  	_ =	shalt  }
0x50: {  	_ =	shalt  }
0x51: {  	_ =	shalt  }
0x52: {  	_ =	shalt  }
0x53: {  	_ =	shalt  }
0x54: {  	_ =	shalt  }
0x55: {  	_ =	shalt  }
0x56: {  	_ =	shalt  }
0x57: {  	_ =	shalt  }
0x58: {  	_ =	shalt  }
0x59: {  	_ =	shalt  }
0x5a: {  	_ =	shalt  }
0x5b: {  	_ =	shalt  }
0x5c: {  	_ =	shalt  }
0x5d: {  	_ =	shalt  }
0x5e: {  	_ =	shalt  }
0x5f: {  	_ =	shalt  }
0x60: {  	_ =	shalt  }
0x61: {  	_ =	shalt  }
0x62: {  	_ =	shalt  }
0x63: {  	_ =	shalt  }
0x64: {  	_ =	shalt  }
0x65: {  	_ =	shalt  }
0x66: {  	_ =	shalt  }
0x67: {  	_ =	shalt  }
0x68: {  	_ =	shalt  }
0x69: {  	_ =	shalt  }
0x6a: {  	_ =	shalt  }
0x6b: {  	_ =	shalt  }
0x6c: {  	_ =	shalt  }
0x6d: {  	_ =	shalt  }
0x6e: {  	_ =	shalt  }
0x6f: {  	_ =	shalt  }
0x70: {  	_ =	shalt  }
0x71: {  	_ =	shalt  }
0x72: {  	_ =	shalt  }
0x73: {  	_ =	shalt  }
0x74: {  	_ =	shalt  }
0x75: {  	_ =	shalt  }
0x76: {  	_ =	shalt  }
0x77: {  	_ =	shalt  }
0x78: {  	_ =	shalt  }
0x79: {  	_ =	shalt  }
0x7a: {  	_ =	shalt  }
0x7b: {  	_ =	shalt  }
0x7c: {  	_ =	shalt  }
0x7d: {  	_ =	shalt  }
0x7e: {  	_ =	shalt  }
0x7f: {  	_ =	shalt  }
0x80: {  	_ =	shalt  }
0x81: {  	_ =	shalt  }
0x82: {  	_ =	shalt  }
0x83: {  	_ =	shalt  }
0x84: {  	_ =	shalt  }
0x85: {  	_ =	shalt  }
0x86: {  	_ =	shalt  }
0x87: {  	_ =	shalt  }
.Lfunc_end0:
.L_simem_size_0:
called_computation.1_lowered:
.L_overlay_start_0:
0x88: {  	s2 =	sld [smem:$0x3FD9]  }
0x89: {  	s3 =	sld [smem:$0x3FFE];
	_ =	sdelay $0x1  }
0x8a: {  	s1 =	srdreg.scid  }
0x8b: {  	s0 =	sand.u32 $0x1, s1  }
0x8c: {  	s16 =	sshll.u32 s0, $0xA;
	s2 =	sadd.s32 s3, s2  }
0x8d: {  	s2 =	sadd.s32 s2, s16  }
0x8e: {  	[smem:$0x3FA6] =	sst s2  }
0x8f: {  	_ = 	snop  }
0x90: {  	(tm) =	ssettm $0x1  }
0x91: {  	s17 =	sld [smem:$0x3FFB];
	_ =	sdelay $0x3  }
0x92: {  	_ =	strace s17  }
0x93: {  	s2 =	sld [smem:$0x3FFC];
	_ =	sdelay $0x3  }
0x94: {  	_ =	strace s2  }
0x95: {  	s2 =	sld [smem:$0x3FFD];
	_ =	sdelay $0x3  }
0x96: {  	_ =	strace s2  }
0x97: {  	_ =	strace $0x8FFFFFFF  }
0x98: {  	s18 =	sld [smem:$0x3FDB];
	_ =	sdelay $0x1  }
0x99: {  	s19 =	simm.s32 $_scs_section_size  }
0x9a: {  	s4 =	simm.s32 $_size__tile_overlayer_lowered;
	s5 =	simm.s32 $_tile_overlayer_lowered  }
0x9b: {  	s22 =	simm.s32 $0x1BFF;
	s21 =	sshll.u32 s5, $0x1;
	s2 =	sadd.s32 s19, s18  }
0x9c: {  	s6 =	simm.s32 $0x0;
	s20 =	sshll.u32 s4, $0x1;
	s4 =	sadd.s32 s21, s2  }
0x9d: {  	[timem:s6], [sflag:s22] =	dma.local [hbm:s4], s20  }
0x9e: {  	_ =	swait.ge [sflag:s22], s20  }
0x9f: {  	s3 =	ssub.s32 $0x0, s20;
	[sflag:s22] =	ssyncset.done $0x0  }
0xa0: {  	[sflag:s22] =	ssyncadd.s32 s3;
	_ =	sdelay $0x1  }
0xa1: {  	s23 =	simm.s32 $0x1B8B  }
0xa2: {  	_ =	swait.ge [sflag:s23], $0x1  }
0xa3: {  	[sflag:s23] =	ssyncset.done $0x0  }
0xa4: {  	s25 =	simm.s32 $0x1B8E;
	s24 =	sld [smem:$0x3FFE];
	[sflag:s23] =	ssyncadd.s32 $0xFFFFFFFF  }
0xa5: {  	s26 =	simm.s32 $execute0_lowered;
	[smem:$0x3FD2] =	sst s25  }
0xa6: {  	s4 =	sshll.u32 s26, $0x1;
	_ =	strace $0x80000049;
	[dreg:$0x1] =	wrdreg $0xFFFFFFFF  }
0xa7: {  	s28 =	simm.s32 $_size_execute0_lowered;
	s2 =	sadd.s32 s2, s4;
	[dreg:$0x0] =	wrdreg $0x0  }
0xa8: {  	s4 =	sshll.u32 s28, $0x1;
	[dreg:$0x2] =	wrdreg s2  }
0xa9: {  	[dreg:$0x3] =	wrdreg s4  }
0xaa: {  	[dreg:$0x4] =	wrdreg $0xC0  }
0xab: {  	_ =	task [dreg:s6], $0x5FFFF  }
0xac: {  	[dreg:$0x1] =	wrdreg $0xFFFFFFFF  }
0xad: {  	[dreg:$0x0] =	wrdreg $0x60  }
0xae: {  	[dreg:$0x2] =	wrdreg s24  }
0xaf: {  	[dreg:$0x3] =	wrdreg $0xAD000  }
0xb0: {  	[dreg:$0x4] =	wrdreg $0xFC000  }
0xb1: {  	[dreg:$0x5] =	wrdreg $0x9  }
0xb2: {  	_ =	task.clear_ibuf [dreg:s6], $0x6FFFF;
	_ =	strace $0x90000049  }
0xb3: {  	s29 =	simm.s32 $0x9;
	_ =	strace $0x8000004B  }
0xb4: {  	_ =	swait.ge [sflag:s29], $0x1  }
0xb5: {  	[sflag:s29] =	ssyncadd.s32 $0xFFFFFFFF  }
0xb6: {  	_ =	strace $0x9000004B  }
0xb7: {  	_ =	sfence  }
0xb8: {  	s30 =	sld [smem:$0x0];
	_ =	sdelay $0x2  }
0xb9: {  	s31 =	sshll.u32 s1, $0xD;
	s1 =	sshrl.u32 s1, $0x2  }
0xba: {  	s3 =	sand.u32 $0x4000, s31;
	s1 =	sadd.s32 s1, s30  }
0xbb: {  	s0 =	sor.u32 s3, s0;
	s1 =	sshll.u32 s1, $0x11  }
0xbc: {  	s0 =	sor.u32 s1, s0  }
0xbd: {  	s0 =	sadd.s32 $0x8F2B, s0  }
0xbe: {  	[sflag:s0] =	ssyncadd.remote.s32 $0x1  }
0xbf: {  	_ =	sfence.sel $0xFFFF  }
0xc0: {  	[dreg:$0x0] =	wrdreg $0xFFFFFFFF;
	(pc) =	sbr.abs _section_cstart, $3  }
0xc1: {  	[dreg:$0x1] =	wrdreg $0xFFFFFFFF  }
0xc2: {  	_ =	task.clear_ibuf [dreg:s6], $0x2FFFF;
	_ =	strace $0x9FFFFFFF  }
0xc3: {  	(tm) =	ssettm $0x7FFFFFFF  }
tec
execute0_lowered:
.L_overlay_start_1:
0x0: {  	(tag) =	ssettag $0x1  }
0x1: {  	s14 =	stileid.u32  }
0x2: {  	s7 =	smul.u32 $0x4F00, s14  }
0x3: {  	s16 =	smul.u32 $0x28000, s14  }
0x4: {  	s0 =	srdreg.scid;
	s18 =	smul.u32 $0x1400, s14  }
0x5: {  	s1 =	rddreg [dreg:$0x0];
	s25 =	smul.u32 $0xA00, s14  }
0x6: {  	s2 =	rddreg [dreg:$0x1];
	s0 =	sand.u32 $0x1, s0;
	s26 =	smul.u32 $0x14000, s14  }
0x7: {  	s3 =	rddreg [dreg:$0x2];
	s28 =	simm.s32 $0x1;
	s9 =	smul.u32 $0x4F000, s0  }
0x8: {  	s29 =	simm.s32 $0x80;
	s30 =	simm.s32 $0x2;
	s13 =	smul.u32 $0x280000, s0  }
0x9: {  	s31 =	simm.s32 $0x3;
	s8 =	sadd.s32 $0xC0000, s1;
	s17 =	smul.u32 $0x14000, s0  }
0xa: {  	s10 =	sadd.s32 $0x4800, s1;
	s4 =	sshll.u32 s0, $0x4;
	s21 =	smul.u32 $0x140000, s0  }
0xb: {  	s11 =	ssub.s32 $0x2, s0;
	s0 =	smul.u32 $0xA000, s0;
	s5 =	sor.u32 s14, s4  }
0xc: {  	s4 =	simm.s32 $0x0;
	s12 =	sshrl.u32 s11, $0x1;
	s20 =	sadd.s32 s7, s2  }
0xd: {  	s22 =	sadd.s32 s7, s3;
	s6 =	smul.u32 $0x1400, s5;
	[smem:$0x7FF] =	sst s4  }
0xe: {  	s5 =	smul.u32 $0xA00, s5;
	s9 =	sadd.s32 s7, s9;
	s15 =	ssub.s32 s11, s12  }
0xf: {  	s24 =	sadd.s32 s16, s13;
	s0 =	sadd.s32 s25, s0;
	s11 =	simm.s32 $0x9  }
0x10: {  	s25 =	simm.s32 $0x3E00;
	_ =	strace $0x8000004A;
	s9 =	sshrl.u32 s9, $0x3  }
0x11: {  	s23 =	smax.u32 s15, $0x1;
	[dreg:$0x6] =	wrdreg s20;
	s6 =	sshrl.u32 s6, $0x3  }
0x12: {  	[dreg:$0x7] =	wrdreg s22;
	s5 =	sshrl.u32 s5, $0x3;
	s6 =	sadd.s32 s6, s1  }
0x13: {  	[dreg:$0xa] =	wrdreg s23;
	s5 =	sadd.s32 s5, s1;
	s6 =	sadd.s32 $0xBB000, s6  }
0x14: {  	s1 =	sadd.s32 s9, s1;
	s5 =	sadd.s32 $0xB8800, s5;
	[dreg:$0x4] =	wrdreg s6  }
0x15: {  	s0 =	sshll.u32 s0, $0x2;
	s19 =	sadd.s32 $0x68400, s1;
	[dreg:$0x5] =	wrdreg s5  }
0x16: {  	s0 =	sadd.s32 s0, s10;
	s1 =	sadd.s32 $0x54800, s1;
	[dreg:$0x8] =	wrdreg s19  }
0x17: {  	s23 =	simm.s32 $0x1E00;
	[dreg:$0x9] =	wrdreg s1;
	s5 =	sadd.s32 s18, s17  }
0x18: {  	s6 =	sshrl.u32 s24, $0x3;
	s1 =	sadd.s32 s26, s21;
	s17 =	sadd.s32 $0x600, s0  }
0x19: {  	s18 =	sadd.s32 $0x400, s0;
	s19 =	sadd.s32 $0x200, s0;
	s24 =	simm.s32 $0x2E00  }
0x1a: {  	s26 =	simm.s32 $0x4E00;
	s21 =	simm.s32 $0x5;
	s0 =	simm.s32 $0x6  }
0x1b: {  	s5 =	sshll.u32 s5, $0x2;
	s12 =	sadd.s32 s6, s8;
	s1 =	sshrl.u32 s1, $0x3  }
0x1c: {  	s6 =	simm.s32 $0x8;
	s5 =	sadd.s32 s5, s8;
	s16 =	sadd.s32 s1, s10  }
0x1d: {  	s1 =	simm.s32 $0x4;
	s8 =	simm.s32 $0x0;
	s13 =	sadd.s32 $0x600, s5  }
0x1e: {  	v0 =	vimm.f32 $0.0e+00;
	s14 =	sadd.s32 $0x400, s5;
	s15 =	sadd.s32 $0x200, s5;
	s5 =	simm.s32 $0x7  }
.LBB2_1:
0x1f: {  	[dreg:$0xb] =	wrdreg s8  }
0x20: {  	s7 =	rddreg [dreg:$0x4]  }
0x21: {  	[tilespmem:s4], [sflag:$0x9] =	stream.linear.gather [hbm4b:s7+s4], $0x1400, $0x38;
	[tilespmem:$0x14B00] =	vst v63  }
0x22: {  	_ =	swait.ge [sflag:s11], $0x1400  }
0x23: {  	[sflag:s11] =	ssyncset.done $0x0  }
0x24: {  	s10 =	simm.s32 $0x1400;
	s9 =	rddreg [dreg:$0x5];
	[sflag:s11] =	ssyncadd.s32 $0xFFFFEC00  }
0x25: {  	[tilespmem:s10], [sflag:$0x9] =	stream.linear.gather [hbm4b:s9+s4], $0xA00, $0x38;
	[tilespmem:$0x14B00] =	vst v63  }
0x26: {  	_ =	swait.ge [sflag:s11], $0xA00  }
0x27: {  	[sflag:s11] =	ssyncset.done $0x0  }
0x28: {  	s8 =	simm.s32 $0x0;
	s7 =	simm.s32 $0x80;
	[sflag:s11] =	ssyncadd.s32 $0xFFFFF600  }
.LBB2_2:
0x29: {  	p0 =	sne.s32 s7, $0x13B80;
	[tilespmem:s8+$0x5E00] =	vst v0;
	s10 =	smov.u32 s7;
	s7 =	sadd.s32 $0x80, s7  }
.Ltmp0:
0x2a: {  	[tilespmem:s8+$0x5E10] =	vst v0;
	(pc) =	sbr.rel @p0 .LBB2_2-.Ltmp0, $2  }
0x2b: {  	_ =	sdelay $0x2  }
0x2c: {  	s8 =	sshra.s32 s10, $0x2  }
0x2d: {  	[tilespmem:s8+$0x5E00] =	vst v0  }
0x2e: {  	[tilespmem:s8+$0x5E10] =	vst v0;
	s7 =	simm.s32 $0x5E00  }
0x2f: {  	[spmem:s20] =	stream.linear.scatter [tilespmem:s7], [sflag:$0x9], $0x4F00, $0x38;
	[tilespmem:$0x14B00] =	vst v63  }
0x30: {  	_ =	swait.ge [sflag:s11], $0x4F00  }
0x31: {  	[sflag:s11] =	ssyncset.done $0x0  }
0x32: {  	[sflag:s11] =	ssyncadd.s32 $0xFFFFB100  }
0x33: {  	[spmem:s22] =	stream.linear.scatter [tilespmem:s7], [sflag:$0x9], $0x4F00, $0x38;
	[tilespmem:$0x14B00] =	vst v63  }
0x34: {  	_ =	swait.ge [sflag:s11], $0x4F00  }
0x35: {  	[sflag:s11] =	ssyncset.done $0x0  }
0x36: {  	[sflag:s11] =	ssyncadd.s32 $0xFFFFB100  }
0x37: {  	s10 =	sadd.s32 $0x0, s12;
	s11 =	simm.s32 $0x0;
	[bflag:$0x0] =	sbarrier.arrive $0xFFFF  }
0x38: {  	[tilespmem:s23], [sflag:$0x1] =	stream.linear.gather [hbm4b:s10+s11], $0x1000, $0x38;
	[tilespmem:$0x14B00] =	vst v63  }
0x39: {  	s20 =	sadd.s32 $0x0, s15  }
0x3a: {  	[tilespmem:s24], [sflag:$0x2] =	stream.linear.gather [hbm4b:s20+s11], $0x1000, $0x38;
	[tilespmem:$0x14B00] =	vst v63  }
0x3b: {  	s22 =	sadd.s32 $0x0, s14  }
0x3c: {  	[tilespmem:s25], [sflag:$0x3] =	stream.linear.gather [hbm4b:s22+s11], $0x1000, $0x38;
	[tilespmem:$0x14B00] =	vst v63  }
0x3d: {  	s8 =	sadd.s32 $0x0, s13  }
0x3e: {  	[tilespmem:s26], [sflag:$0x4] =	stream.linear.gather [hbm4b:s8+s11], $0x1000, $0x38;
	[tilespmem:$0x14B00] =	vst v63  }
0x3f: {  	_ =	swait.ge [sflag:s28], $0x1000  }
0x40: {  	[sflag:s28] =	ssyncset.done $0x0  }
0x41: {  	s9 =	simm.s32 $0x0;
	[sflag:s28] =	ssyncadd.s32 $0xFFFFF000  }
0x42: {  	[spmem:s2] =	stream.indirect.scatter.add.f32 [tilespmem:s23], [sflag:$0x5], $0x20, s9, s29, $0xb8;
	[tilespmem:$0x14B00] =	vst v63  }
0x43: {  	_ =	swait.ge [sflag:s30], $0x1000  }
0x44: {  	[sflag:s30] =	ssyncset.done $0x0  }
0x45: {  	s10 =	simm.s32 $0x80;
	[sflag:s30] =	ssyncadd.s32 $0xFFFFF000  }
0x46: {  	[spmem:s2] =	stream.indirect.scatter.add.f32 [tilespmem:s24], [sflag:$0x6], $0x20, s10, s29, $0xb8;
	[tilespmem:$0x14B00] =	vst v63  }
0x47: {  	_ =	swait.ge [sflag:s31], $0x1000  }
0x48: {  	[sflag:s31] =	ssyncset.done $0x0  }
0x49: {  	s20 =	simm.s32 $0x100;
	[sflag:s31] =	ssyncadd.s32 $0xFFFFF000  }
0x4a: {  	[spmem:s2] =	stream.indirect.scatter.add.f32 [tilespmem:s25], [sflag:$0x7], $0x20, s20, s29, $0xb8;
	[tilespmem:$0x14B00] =	vst v63  }
0x4b: {  	_ =	swait.ge [sflag:s1], $0x1000  }
0x4c: {  	[sflag:s1] =	ssyncset.done $0x0  }
0x4d: {  	s22 =	simm.s32 $0x180;
	[sflag:s1] =	ssyncadd.s32 $0xFFFFF000  }
0x4e: {  	[spmem:s2] =	stream.indirect.scatter.add.f32 [tilespmem:s26], [sflag:$0x8], $0x20, s22, s29, $0xb8;
	[tilespmem:$0x14B00] =	vst v63  }
0x4f: {  	_ =	swait.ge [sflag:s21], $0x1000  }
0x50: {  	[sflag:s21] =	ssyncset.done $0x0  }
0x51: {  	[sflag:s21] =	ssyncadd.s32 $0xFFFFF000  }
0x52: {  	_ =	swait.ge [sflag:s0], $0x1000  }
0x53: {  	[sflag:s0] =	ssyncset.done $0x0  }
0x54: {  	[sflag:s0] =	ssyncadd.s32 $0xFFFFF000  }
0x55: {  	_ =	swait.ge [sflag:s5], $0x1000  }
0x56: {  	[sflag:s5] =	ssyncset.done $0x0  }
0x57: {  	[sflag:s5] =	ssyncadd.s32 $0xFFFFF000  }
0x58: {  	s7 =	simm.s32 $0x1000;
	_ =	swait.ge [sflag:s6], $0x1000  }
0x59: {  	s10 =	simm.s32 $0x800;
	s22 =	simm.s32 $0x800;
	[sflag:s6] =	ssyncset.done $0x0  }
.LBB2_4:
0x5a: {  	s9 =	sadd.s32 s22, s12  }
0x5b: {  	[sflag:s6] =	ssyncadd.s32 $0xFFFFF000;
	s20 =	smov.u32 s7;
	s8 =	sadd.s32 $0x800, s7  }
0x5c: {  	[tilespmem:s23], [sflag:$0x1] =	stream.linear.gather [hbm4b:s9+s11], $0x1000, $0x38;
	[tilespmem:$0x14B00] =	vst v63  }
0x5d: {  	p0 =	sne.s32 s7, $0x4800;
	s7 =	sadd.s32 s22, s15  }
0x5e: {  	[tilespmem:s24], [sflag:$0x2] =	stream.linear.gather [hbm4b:s7+s11], $0x1000, $0x38;
	[tilespmem:$0x14B00] =	vst v63  }
0x5f: {  	s7 =	sadd.s32 s22, s14  }
0x60: {  	[tilespmem:s25], [sflag:$0x3] =	stream.linear.gather [hbm4b:s7+s11], $0x1000, $0x38;
	[tilespmem:$0x14B00] =	vst v63  }
0x61: {  	s7 =	sadd.s32 s22, s13  }
0x62: {  	[tilespmem:s26], [sflag:$0x4] =	stream.linear.gather [hbm4b:s7+s11], $0x1000, $0x38;
	[tilespmem:$0x14B00] =	vst v63  }
0x63: {  	_ =	swait.ge [sflag:s28], $0x1000  }
0x64: {  	[sflag:s28] =	ssyncset.done $0x0  }
0x65: {  	s7 =	sshra.s32 s22, $0x2;
	s22 =	smov.u32 s20;
	[sflag:s28] =	ssyncadd.s32 $0xFFFFF000  }
0x66: {  	[spmem:s2] =	stream.indirect.scatter.add.f32 [tilespmem:s23], [sflag:$0x5], $0x20, s7, s29, $0xb8;
	[tilespmem:$0x14B00] =	vst v63  }
0x67: {  	_ =	swait.ge [sflag:s30], $0x1000  }
0x68: {  	[sflag:s30] =	ssyncset.done $0x0  }
0x69: {  	s9 =	sadd.s32 $0x80, s7;
	[sflag:s30] =	ssyncadd.s32 $0xFFFFF000  }
0x6a: {  	[spmem:s2] =	stream.indirect.scatter.add.f32 [tilespmem:s24], [sflag:$0x6], $0x20, s9, s29, $0xb8;
	[tilespmem:$0x14B00] =	vst v63  }
0x6b: {  	_ =	swait.ge [sflag:s31], $0x1000  }
0x6c: {  	[sflag:s31] =	ssyncset.done $0x0  }
0x6d: {  	s9 =	sadd.s32 $0x100, s7;
	[sflag:s31] =	ssyncadd.s32 $0xFFFFF000  }
0x6e: {  	[spmem:s2] =	stream.indirect.scatter.add.f32 [tilespmem:s25], [sflag:$0x7], $0x20, s9, s29, $0xb8;
	[tilespmem:$0x14B00] =	vst v63  }
0x6f: {  	_ =	swait.ge [sflag:s1], $0x1000  }
0x70: {  	[sflag:s1] =	ssyncset.done $0x0  }
0x71: {  	s7 =	sadd.s32 $0x180, s7;
	[sflag:s1] =	ssyncadd.s32 $0xFFFFF000  }
0x72: {  	[spmem:s2] =	stream.indirect.scatter.add.f32 [tilespmem:s26], [sflag:$0x8], $0x20, s7, s29, $0xb8;
	[tilespmem:$0x14B00] =	vst v63  }
0x73: {  	_ =	swait.ge [sflag:s21], $0x1000  }
0x74: {  	[sflag:s21] =	ssyncset.done $0x0  }
0x75: {  	[sflag:s21] =	ssyncadd.s32 $0xFFFFF000  }
0x76: {  	_ =	swait.ge [sflag:s0], $0x1000  }
0x77: {  	[sflag:s0] =	ssyncset.done $0x0  }
0x78: {  	[sflag:s0] =	ssyncadd.s32 $0xFFFFF000  }
.Ltmp1:
0x79: {  	_ =	swait.ge [sflag:s5], $0x1000;
	(pc) =	sbr.rel @p0 .LBB2_4-.Ltmp1, $4  }
0x7a: {  	[sflag:s5] =	ssyncset.done $0x0  }
0x7b: {  	[sflag:s5] =	ssyncadd.s32 $0xFFFFF000  }
0x7c: {  	_ =	swait.ge [sflag:s6], $0x1000  }
0x7d: {  	s7 =	smov.u32 s8;
	[sflag:s6] =	ssyncset.done $0x0  }
0x7e: {  	s7 =	sadd.s32 s22, s12;
	[sflag:s6] =	ssyncadd.s32 $0xFFFFF000  }
0x7f: {  	[tilespmem:s23], [sflag:$0x1] =	stream.linear.gather [hbm4b:s7+s11], $0x1000, $0x38;
	[tilespmem:$0x14B00] =	vst v63  }
0x80: {  	s8 =	sadd.s32 s22, s15  }
0x81: {  	[tilespmem:s24], [sflag:$0x2] =	stream.linear.gather [hbm4b:s8+s11], $0x1000, $0x38;
	[tilespmem:$0x14B00] =	vst v63  }
0x82: {  	s9 =	sadd.s32 s22, s14  }
0x83: {  	[tilespmem:s25], [sflag:$0x3] =	stream.linear.gather [hbm4b:s9+s11], $0x1000, $0x38;
	[tilespmem:$0x14B00] =	vst v63  }
0x84: {  	s20 =	sadd.s32 s22, s13  }
0x85: {  	[tilespmem:s26], [sflag:$0x4] =	stream.linear.gather [hbm4b:s20+s11], $0x1000, $0x38;
	[tilespmem:$0x14B00] =	vst v63  }
0x86: {  	_ =	swait.ge [sflag:s28], $0x1000  }
0x87: {  	[sflag:s28] =	ssyncset.done $0x0  }
0x88: {  	s22 =	sshra.s32 s22, $0x2;
	[sflag:s28] =	ssyncadd.s32 $0xFFFFF000  }
0x89: {  	[spmem:s2] =	stream.indirect.scatter.add.f32 [tilespmem:s23], [sflag:$0x5], $0x20, s22, s29, $0xb8;
	[tilespmem:$0x14B00] =	vst v63  }
0x8a: {  	_ =	swait.ge [sflag:s30], $0x1000  }
0x8b: {  	[sflag:s30] =	ssyncset.done $0x0  }
0x8c: {  	s8 =	sadd.s32 $0x80, s22;
	[sflag:s30] =	ssyncadd.s32 $0xFFFFF000  }
0x8d: {  	[spmem:s2] =	stream.indirect.scatter.add.f32 [tilespmem:s24], [sflag:$0x6], $0x20, s8, s29, $0xb8;
	[tilespmem:$0x14B00] =	vst v63  }
0x8e: {  	_ =	swait.ge [sflag:s31], $0x1000  }
0x8f: {  	[sflag:s31] =	ssyncset.done $0x0  }
0x90: {  	s9 =	sadd.s32 $0x100, s22;
	[sflag:s31] =	ssyncadd.s32 $0xFFFFF000  }
0x91: {  	[spmem:s2] =	stream.indirect.scatter.add.f32 [tilespmem:s25], [sflag:$0x7], $0x20, s9, s29, $0xb8;
	[tilespmem:$0x14B00] =	vst v63  }
0x92: {  	_ =	swait.ge [sflag:s1], $0x1000  }
0x93: {  	[sflag:s1] =	ssyncset.done $0x0  }
0x94: {  	s7 =	sadd.s32 $0x180, s22;
	[sflag:s1] =	ssyncadd.s32 $0xFFFFF000  }
0x95: {  	[spmem:s2] =	stream.indirect.scatter.add.f32 [tilespmem:s26], [sflag:$0x8], $0x20, s7, s29, $0xb8;
	[tilespmem:$0x14B00] =	vst v63  }
0x96: {  	_ =	swait.ge [sflag:s21], $0x1000  }
0x97: {  	[sflag:s21] =	ssyncset.done $0x0  }
0x98: {  	[sflag:s21] =	ssyncadd.s32 $0xFFFFF000  }
0x99: {  	_ =	swait.ge [sflag:s0], $0x1000  }
0x9a: {  	[sflag:s0] =	ssyncset.done $0x0  }
0x9b: {  	[sflag:s0] =	ssyncadd.s32 $0xFFFFF000  }
0x9c: {  	_ =	swait.ge [sflag:s5], $0x1000  }
0x9d: {  	[sflag:s5] =	ssyncset.done $0x0  }
0x9e: {  	[sflag:s5] =	ssyncadd.s32 $0xFFFFF000  }
0x9f: {  	_ =	swait.ge [sflag:s6], $0x1000  }
0xa0: {  	[sflag:s6] =	ssyncset.done $0x0  }
0xa1: {  	s11 =	sadd.s32 $0x0, s16;
	[sflag:s6] =	ssyncadd.s32 $0xFFFFF000  }
0xa2: {  	[tilespmem:s23], [sflag:$0x1] =	stream.linear.gather [hbm4b:s11+s4], $0x1000, $0x38;
	[tilespmem:$0x14B00] =	vst v63  }
0xa3: {  	s20 =	sadd.s32 $0x0, s19  }
0xa4: {  	[tilespmem:s24], [sflag:$0x2] =	stream.linear.gather [hbm4b:s20+s4], $0x1000, $0x38;
	[tilespmem:$0x14B00] =	vst v63  }
0xa5: {  	s22 =	sadd.s32 $0x0, s18  }
0xa6: {  	[tilespmem:s25], [sflag:$0x3] =	stream.linear.gather [hbm4b:s22+s4], $0x1000, $0x38;
	[tilespmem:$0x14B00] =	vst v63  }
0xa7: {  	s8 =	sadd.s32 $0x0, s17  }
0xa8: {  	[tilespmem:s26], [sflag:$0x4] =	stream.linear.gather [hbm4b:s8+s4], $0x1000, $0x38;
	[tilespmem:$0x14B00] =	vst v63  }
0xa9: {  	_ =	swait.ge [sflag:s28], $0x1000  }
0xaa: {  	[sflag:s28] =	ssyncset.done $0x0  }
0xab: {  	s9 =	simm.s32 $0x1400;
	[sflag:s28] =	ssyncadd.s32 $0xFFFFF000  }
0xac: {  	[spmem:s3] =	stream.indirect.scatter.add.f32 [tilespmem:s23], [sflag:$0x5], $0x20, s9, s29, $0xb8;
	[tilespmem:$0x14B00] =	vst v63  }
0xad: {  	_ =	swait.ge [sflag:s30], $0x1000  }
0xae: {  	[sflag:s30] =	ssyncset.done $0x0  }
0xaf: {  	s11 =	simm.s32 $0x1480;
	[sflag:s30] =	ssyncadd.s32 $0xFFFFF000  }
0xb0: {  	[spmem:s3] =	stream.indirect.scatter.add.f32 [tilespmem:s24], [sflag:$0x6], $0x20, s11, s29, $0xb8;
	[tilespmem:$0x14B00] =	vst v63  }
0xb1: {  	_ =	swait.ge [sflag:s31], $0x1000  }
0xb2: {  	[sflag:s31] =	ssyncset.done $0x0  }
0xb3: {  	s20 =	simm.s32 $0x1500;
	[sflag:s31] =	ssyncadd.s32 $0xFFFFF000  }
0xb4: {  	[spmem:s3] =	stream.indirect.scatter.add.f32 [tilespmem:s25], [sflag:$0x7], $0x20, s20, s29, $0xb8;
	[tilespmem:$0x14B00] =	vst v63  }
0xb5: {  	_ =	swait.ge [sflag:s1], $0x1000  }
0xb6: {  	[sflag:s1] =	ssyncset.done $0x0  }
0xb7: {  	s22 =	simm.s32 $0x1580;
	[sflag:s1] =	ssyncadd.s32 $0xFFFFF000  }
0xb8: {  	[spmem:s3] =	stream.indirect.scatter.add.f32 [tilespmem:s26], [sflag:$0x8], $0x20, s22, s29, $0xb8;
	[tilespmem:$0x14B00] =	vst v63  }
0xb9: {  	_ =	swait.ge [sflag:s21], $0x1000  }
0xba: {  	[sflag:s21] =	ssyncset.done $0x0  }
0xbb: {  	[sflag:s21] =	ssyncadd.s32 $0xFFFFF000  }
0xbc: {  	_ =	swait.ge [sflag:s0], $0x1000  }
0xbd: {  	[sflag:s0] =	ssyncset.done $0x0  }
0xbe: {  	[sflag:s0] =	ssyncadd.s32 $0xFFFFF000  }
0xbf: {  	_ =	swait.ge [sflag:s5], $0x1000  }
0xc0: {  	[sflag:s5] =	ssyncset.done $0x0  }
0xc1: {  	[sflag:s5] =	ssyncadd.s32 $0xFFFFF000  }
0xc2: {  	_ =	swait.ge [sflag:s6], $0x1000  }
0xc3: {  	s7 =	simm.s32 $0x1000;
	[sflag:s6] =	ssyncset.done $0x0  }
.LBB2_6:
0xc4: {  	s8 =	sadd.s32 s10, s16  }
0xc5: {  	[sflag:s6] =	ssyncadd.s32 $0xFFFFF000;
	s9 =	smov.u32 s7;
	s11 =	sadd.s32 $0x800, s7  }
0xc6: {  	[tilespmem:s23], [sflag:$0x1] =	stream.linear.gather [hbm4b:s8+s4], $0x1000, $0x38;
	[tilespmem:$0x14B00] =	vst v63  }
0xc7: {  	p0 =	sne.s32 s7, $0x2000;
	s7 =	sadd.s32 s10, s19  }
0xc8: {  	[tilespmem:s24], [sflag:$0x2] =	stream.linear.gather [hbm4b:s7+s4], $0x1000, $0x38;
	[tilespmem:$0x14B00] =	vst v63  }
0xc9: {  	s7 =	sadd.s32 s10, s18  }
0xca: {  	[tilespmem:s25], [sflag:$0x3] =	stream.linear.gather [hbm4b:s7+s4], $0x1000, $0x38;
	[tilespmem:$0x14B00] =	vst v63  }
0xcb: {  	s7 =	sadd.s32 s10, s17  }
0xcc: {  	[tilespmem:s26], [sflag:$0x4] =	stream.linear.gather [hbm4b:s7+s4], $0x1000, $0x38;
	[tilespmem:$0x14B00] =	vst v63  }
0xcd: {  	_ =	swait.ge [sflag:s28], $0x1000  }
0xce: {  	s7 =	sshra.s32 s10, $0x2;
	s10 =	smov.u32 s9;
	[sflag:s28] =	ssyncset.done $0x0  }
0xcf: {  	s8 =	sadd.s32 $0x1400, s7;
	[sflag:s28] =	ssyncadd.s32 $0xFFFFF000  }
0xd0: {  	[spmem:s3] =	stream.indirect.scatter.add.f32 [tilespmem:s23], [sflag:$0x5], $0x20, s8, s29, $0xb8;
	[tilespmem:$0x14B00] =	vst v63  }
0xd1: {  	_ =	swait.ge [sflag:s30], $0x1000  }
0xd2: {  	[sflag:s30] =	ssyncset.done $0x0  }
0xd3: {  	s8 =	sadd.s32 $0x1480, s7;
	[sflag:s30] =	ssyncadd.s32 $0xFFFFF000  }
0xd4: {  	[spmem:s3] =	stream.indirect.scatter.add.f32 [tilespmem:s24], [sflag:$0x6], $0x20, s8, s29, $0xb8;
	[tilespmem:$0x14B00] =	vst v63  }
0xd5: {  	_ =	swait.ge [sflag:s31], $0x1000  }
0xd6: {  	[sflag:s31] =	ssyncset.done $0x0  }
0xd7: {  	s8 =	sadd.s32 $0x1500, s7;
	[sflag:s31] =	ssyncadd.s32 $0xFFFFF000  }
0xd8: {  	[spmem:s3] =	stream.indirect.scatter.add.f32 [tilespmem:s25], [sflag:$0x7], $0x20, s8, s29, $0xb8;
	[tilespmem:$0x14B00] =	vst v63  }
0xd9: {  	_ =	swait.ge [sflag:s1], $0x1000  }
0xda: {  	[sflag:s1] =	ssyncset.done $0x0  }
0xdb: {  	s7 =	sadd.s32 $0x1580, s7;
	[sflag:s1] =	ssyncadd.s32 $0xFFFFF000  }
0xdc: {  	[spmem:s3] =	stream.indirect.scatter.add.f32 [tilespmem:s26], [sflag:$0x8], $0x20, s7, s29, $0xb8;
	[tilespmem:$0x14B00] =	vst v63  }
0xdd: {  	_ =	swait.ge [sflag:s21], $0x1000  }
0xde: {  	[sflag:s21] =	ssyncset.done $0x0  }
0xdf: {  	[sflag:s21] =	ssyncadd.s32 $0xFFFFF000  }
0xe0: {  	_ =	swait.ge [sflag:s0], $0x1000  }
0xe1: {  	[sflag:s0] =	ssyncset.done $0x0  }
0xe2: {  	[sflag:s0] =	ssyncadd.s32 $0xFFFFF000  }
.Ltmp2:
0xe3: {  	_ =	swait.ge [sflag:s5], $0x1000;
	(pc) =	sbr.rel @p0 .LBB2_6-.Ltmp2, $4  }
0xe4: {  	[sflag:s5] =	ssyncset.done $0x0  }
0xe5: {  	[sflag:s5] =	ssyncadd.s32 $0xFFFFF000  }
0xe6: {  	_ =	swait.ge [sflag:s6], $0x1000  }
0xe7: {  	s7 =	smov.u32 s11;
	[sflag:s6] =	ssyncset.done $0x0  }
0xe8: {  	s7 =	sadd.s32 s10, s16;
	[sflag:s6] =	ssyncadd.s32 $0xFFFFF000  }
0xe9: {  	[tilespmem:s23], [sflag:$0x1] =	stream.linear.gather [hbm4b:s7+s4], $0x1000, $0x38;
	[tilespmem:$0x14B00] =	vst v63  }
0xea: {  	s20 =	sadd.s32 s10, s19  }
0xeb: {  	[tilespmem:s24], [sflag:$0x2] =	stream.linear.gather [hbm4b:s20+s4], $0x1000, $0x38;
	[tilespmem:$0x14B00] =	vst v63  }
0xec: {  	s22 =	sadd.s32 s10, s18  }
0xed: {  	[tilespmem:s25], [sflag:$0x3] =	stream.linear.gather [hbm4b:s22+s4], $0x1000, $0x38;
	[tilespmem:$0x14B00] =	vst v63  }
0xee: {  	s8 =	sadd.s32 s10, s17  }
0xef: {  	[tilespmem:s26], [sflag:$0x4] =	stream.linear.gather [hbm4b:s8+s4], $0x1000, $0x38;
	[tilespmem:$0x14B00] =	vst v63  }
0xf0: {  	_ =	swait.ge [sflag:s28], $0x1000  }
0xf1: {  	s9 =	sshra.s32 s10, $0x2;
	[sflag:s28] =	ssyncset.done $0x0  }
0xf2: {  	s8 =	sadd.s32 $0x1400, s9;
	[sflag:s28] =	ssyncadd.s32 $0xFFFFF000  }
0xf3: {  	[spmem:s3] =	stream.indirect.scatter.add.f32 [tilespmem:s23], [sflag:$0x5], $0x20, s8, s29, $0xb8;
	[tilespmem:$0x14B00] =	vst v63  }
0xf4: {  	_ =	swait.ge [sflag:s30], $0x1000  }
0xf5: {  	[sflag:s30] =	ssyncset.done $0x0  }
0xf6: {  	s10 =	sadd.s32 $0x1480, s9;
	[sflag:s30] =	ssyncadd.s32 $0xFFFFF000  }
0xf7: {  	[spmem:s3] =	stream.indirect.scatter.add.f32 [tilespmem:s24], [sflag:$0x6], $0x20, s10, s29, $0xb8;
	[tilespmem:$0x14B00] =	vst v63  }
0xf8: {  	_ =	swait.ge [sflag:s31], $0x1000  }
0xf9: {  	[sflag:s31] =	ssyncset.done $0x0  }
0xfa: {  	s11 =	sadd.s32 $0x1500, s9;
	[sflag:s31] =	ssyncadd.s32 $0xFFFFF000  }
0xfb: {  	[spmem:s3] =	stream.indirect.scatter.add.f32 [tilespmem:s25], [sflag:$0x7], $0x20, s11, s29, $0xb8;
	[tilespmem:$0x14B00] =	vst v63  }
0xfc: {  	_ =	swait.ge [sflag:s1], $0x1000  }
0xfd: {  	[sflag:s1] =	ssyncset.done $0x0  }
0xfe: {  	s7 =	sadd.s32 $0x1580, s9;
	[sflag:s1] =	ssyncadd.s32 $0xFFFFF000  }
0xff: {  	[spmem:s3] =	stream.indirect.scatter.add.f32 [tilespmem:s26], [sflag:$0x8], $0x20, s7, s29, $0xb8;
	[tilespmem:$0x14B00] =	vst v63  }
0x100: {  	_ =	swait.ge [sflag:s21], $0x1000  }
0x101: {  	[sflag:s21] =	ssyncset.done $0x0  }
0x102: {  	[sflag:s21] =	ssyncadd.s32 $0xFFFFF000  }
0x103: {  	_ =	swait.ge [sflag:s0], $0x1000  }
0x104: {  	[sflag:s0] =	ssyncset.done $0x0  }
0x105: {  	[sflag:s0] =	ssyncadd.s32 $0xFFFFF000  }
0x106: {  	_ =	swait.ge [sflag:s5], $0x1000  }
0x107: {  	[sflag:s5] =	ssyncset.done $0x0  }
0x108: {  	[sflag:s5] =	ssyncadd.s32 $0xFFFFF000  }
0x109: {  	_ =	swait.ge [sflag:s6], $0x1000  }
0x10a: {  	[sflag:s6] =	ssyncset.done $0x0  }
0x10b: {  	[sflag:s6] =	ssyncadd.s32 $0xFFFFF000  }
0x10c: {  	s20 =	stileid.u32;
	[bflag:$0x0] =	sbarrier.arrive $0xFFFF  }
0x10d: {  	s11 =	simm.s32 $0x9;
	s7 =	sshll.u32 s20, $0x6;
	s20 =	rddreg [dreg:$0x6]  }
0x10e: {  	s7 =	sor.u32 $0x1C09, s7;
	s9 =	rddreg [dreg:$0x8];
	s22 =	sshrl.u32 s20, $0x3  }
0x10f: {  	[hbm:s9], [sflag:s7] =	dma.local [spmem:s22], $0x9E0  }
0x110: {  	_ =	swait.ge [sflag:s11], $0x9E0  }
0x111: {  	[sflag:s11] =	ssyncset.done $0x0;
	s22 =	rddreg [dreg:$0x7]  }
0x112: {  	s10 =	rddreg [dreg:$0x9];
	[sflag:s11] =	ssyncadd.s32 $0xFFFFF620;
	s9 =	sshrl.u32 s22, $0x3  }
0x113: {  	[hbm:s10], [sflag:s7] =	dma.local [spmem:s9], $0x9E0  }
0x114: {  	_ =	swait.ge [sflag:s11], $0x9E0  }
0x115: {  	s9 =	rddreg [dreg:$0xb]  }
0x116: {  	s10 =	rddreg [dreg:$0xa];
	s8 =	sadd.s32 $0x1, s9  }
0x117: {  	p0 =	sne.s32 s8, s10  }
.Ltmp3:
0x118: {  	_ = 	snop;
	(pc) =	sbr.rel @p0 .LBB2_1-.Ltmp3, $3  }
0x119: {  	_ =	sdelay $0x1  }
0x11a: {  	[sflag:s11] =	ssyncset.done $0x0  }
0x11b: {  	[sflag:s11] =	ssyncadd.s32 $0xFFFFF620  }
0x11c: {  	_ =	sfence.sel $0x180000  }
0x11d: {  	[bflag:$0x0] =	sbarrier.arrive $0xFFFF  }
0x11e: {  	_ =	strace $0x9000004A  }
0x11f: {  	s0 =	stileid.u32;
	[bflag:$0x2] =	sbarrier.arrive $0xFFFF  }
0x120: {  	p0 =	sne.s32 s0, $0x0;
	s0 =	rddreg [dreg:$0x3]  }
0x121: {  	s0 =	sadd.s32 @!p0 $0x100000, s0  }
0x122: {  	[sflag:s0] =	ssyncadd.tile.s32 @!p0 $0x1;
	_ =	shalt  }
.Lfunc_end2:
_tile_overlayer_lowered:
.L_overlay_start_2:
0x123: {  	(tag) =	ssettag $0x2  }
0x124: {  	s0 =	rddreg [dreg:$0x0];
	s2 =	stileid.u32  }
0x125: {  	s1 =	rddreg [dreg:$0x1];
	p0 =	sne.s32 s2, $0x0  }
0x126: {  	s3 =	rddreg [dreg:$0x2];
	[bflag:$0x3] =	sbarrier.arrive $0xFFFF;
	s2 =	simm.s32 @!p0 $0x1C09  }
0x127: {  	[timem:s3], [sflag:s2] =	dma.local @!p0 [hbm:s0], s1  }
0x128: {  	s0 =	simm.s32 @!p0 $0x9  }
0x129: {  	_ =	swait.ge @!p0 [sflag:s0], s1  }
0x12a: {  	s1 =	ssub.s32 @!p0 $0x0, s1;
	[sflag:s0] =	ssyncset.done @!p0 $0x0  }
0x12b: {  	[sflag:s0] =	ssyncadd.s32 @!p0 s1  }
0x12c: {  	[bflag:$0x3] =	sbarrier.arrive $0xFFFF  }
0x12d: {  	_ =	shalt  }

// kernel: kernel.9.cloned.1.call-start
scs
__scs_entry_jumppad:
0x0: {  	(pc) =	sbr.rel $0x88, $3  }
0x1: {  	(tag) =	ssettag $0x0;
	lr =	simm.s32 $0x1  }
0x2: {  	[smem:$0x3F7F] =	sst lr;
	_ =	strace $0xD0000000  }
0x3: {  	_ = 	snop  }
0x4: {  	_ = 	snop  }
0x5: {  	_ = 	snop  }
0x6: {  	_ = 	snop  }
0x7: {  	_ = 	snop  }
__scs_overlays_trampoline_lowered:
0x8: {  	[smem:$0x3F8E] =	sst s0  }
0x9: {  	[smem:$0x3F8F] =	sst s1  }
0xa: {  	[smem:$0x3F90] =	sst s2  }
0xb: {  	[smem:$0x3F91] =	sst s3  }
0xc: {  	[smem:$0x3F92] =	sst s4  }
0xd: {  	[smem:$0x3F93] =	sst s5  }
0xe: {  	[smem:$0x3F94] =	sst s6  }
0xf: {  	[smem:$0x3F95] =	sst s7  }
0x10: {  	[smem:$0x3F96] =	sst s8  }
0x11: {  	[smem:$0x3F97] =	sst s9;
	s0 =	simm.s32 @!p0 $0x0  }
0x12: {  	s1 =	sld [smem:$0x3F7D];
	s0 =	simm.s32 @p0 $0x1  }
0x13: {  	[smem:$0x3F98] =	sst s0;
	s0 =	simm.s32 @!p1 $0x0  }
0x14: {  	s2 =	sld [smem:$0x3F7C];
	s0 =	simm.s32 @p1 $0x1  }
0x15: {  	[smem:$0x3F99] =	sst s0;
	s0 =	simm.s32 @!p2 $0x0  }
0x16: {  	s3 =	sld [smem:$0x3FDB];
	s0 =	simm.s32 @p2 $0x1  }
0x17: {  	s4 =	simm.s32 $0x1BF5;
	[smem:$0x3F9B] =	sst s0  }
0x18: {  	s0 =	sld [smem:$0x3F7E];
	_ =	swait.ge [sflag:s4], $0x0  }
0x19: {  	s7 =	sld [smem:$0x3F7F]  }
0x1a: {  	s8 =	sadd.s32 $0xFFFFE003, lr  }
0x1b: {  	s9 =	sadd.s32 $0xFFFFFEF7, lr;
	s5 =	simm.s32 $0xFFFFFFFF;
	p2 =	slt.u32 s8, $0xFFFFF086  }
0x1c: {  	p1 =	slt.u32 s9, $0xF7A;
	s5 =	simm.s32 @!p2 $0x0  }
0x1d: {  	s5 =	simm.s32 @p1 $0x1;
	p0 =	seq.s32 s7, s2  }
0x1e: {  	s7 =	smul.u32 @!p0 $0xF7A, s2;
	p2 =	seq.s32 @!p0 s5, $0x0  }
0x1f: {  	s9 =	smul.u32 $0xF7A, s1;
	s8 =	simm.s32 @!p0 $0x1BF5;
	p2 =	por !p2, p0  }
0x20: {  	[sflag:s8] =	ssyncset.s32 @!p0 $0xFFFFF086;
	s6 =	sadd.s32 @!p0 s3, s7;
	s7 =	simm.s32 @!p0 $0x108  }
0x21: {  	s3 =	sadd.s32 s3, s9;
	s6 =	sadd.s32 @!p0 $0x88, s6;
	s7 =	simm.s32 @p2 $0x1082  }
0x22: {  	[simem:s7], [sflag:s8] =	dma.local @!p0 [hbm:s6], $0xF7A  }
0x23: {  	s9 =	sor.u32 $0xD0000000, s2;
	s6 =	simm.s32 $0x108;
	_ =	swait.ge @!p0 [sflag:s8], $0x0  }
0x24: {  	s3 =	sadd.s32 $0x88, s3;
	s6 =	simm.s32 @!p1 $0x1082;
	[sflag:s4] =	ssyncset.s32 $0xFFFFF086  }
0x25: {  	[simem:s6], [sflag:s4] =	dma.local [hbm:s3], $0xF7A  }
0x26: {  	[smem:$0x3F7F] =	sst s1;
	(tag) =	ssettag s2;
	_ =	strace s9  }
0x27: {  	s1 =	sld [smem:$0x3F8F]  }
0x28: {  	s2 =	sld [smem:$0x3F90]  }
0x29: {  	s4 =	sld [smem:$0x3F92]  }
0x2a: {  	p0 =	seq.s32 s5, $0x0;
	s5 =	sld [smem:$0x3F93]  }
0x2b: {  	s6 =	sld [smem:$0x3F94]  }
0x2c: {  	s7 =	sld [smem:$0x3F95]  }
0x2d: {  	s3 =	simm.s32 $0x108;
	s8 =	sld [smem:$0x3F96]  }
0x2e: {  	s3 =	simm.s32 @!p0 $0x1082;
	s9 =	sld [smem:$0x3F97]  }
0x2f: {  	lr =	sadd.s32 s0, s3;
	s0 =	sld [smem:$0x3F8E]  }
0x30: {  	s3 =	sld [smem:$0x3F91]  }
0x31: {  	[smem:$0x3F9A] =	sst s10  }
0x32: {  	s10 =	sld [smem:$0x3F98];
	_ =	sdelay $0x3  }
0x33: {  	p0 =	seq.s32 s10, $0x1;
	s10 =	sld [smem:$0x3F9A];
	_ =	sdelay $0x3  }
0x34: {  	[smem:$0x3F9A] =	sst s10  }
0x35: {  	s10 =	sld [smem:$0x3F99];
	_ =	sdelay $0x3  }
0x36: {  	p1 =	seq.s32 s10, $0x1;
	s10 =	sld [smem:$0x3F9A];
	_ =	sdelay $0x3  }
0x37: {  	[smem:$0x3F9A] =	sst s10  }
0x38: {  	s10 =	sld [smem:$0x3F9B]  }
0x39: {  	_ = 	snop;
	(pc) =	sbr.ind lr, $3  }
0x3a: {  	_ = 	snop  }
0x3b: {  	_ = 	snop  }
0x3c: {  	p2 =	seq.s32 s10, $0x1;
	s10 =	sld [smem:$0x3F9A]  }
0x3d: {  	_ =	shalt  }
0x3e: {  	_ =	shalt  }
0x3f: {  	_ =	shalt  }
0x40: {  	_ =	shalt  }
0x41: {  	_ =	shalt  }
0x42: {  	_ =	shalt  }
0x43: {  	_ =	shalt  }
0x44: {  	_ =	shalt  }
0x45: {  	_ =	shalt  }
0x46: {  	_ =	shalt  }
0x47: {  	_ =	shalt  }
0x48: {  	_ =	shalt  }
0x49: {  	_ =	shalt  }
0x4a: {  	_ =	shalt  }
0x4b: {  	_ =	shalt  }
0x4c: {  	_ =	shalt  }
0x4d: {  	_ =	shalt  }
0x4e: {  	_ =	shalt  }
0x4f: {  	_ =	shalt  }
0x50: {  	_ =	shalt  }
0x51: {  	_ =	shalt  }
0x52: {  	_ =	shalt  }
0x53: {  	_ =	shalt  }
0x54: {  	_ =	shalt  }
0x55: {  	_ =	shalt  }
0x56: {  	_ =	shalt  }
0x57: {  	_ =	shalt  }
0x58: {  	_ =	shalt  }
0x59: {  	_ =	shalt  }
0x5a: {  	_ =	shalt  }
0x5b: {  	_ =	shalt  }
0x5c: {  	_ =	shalt  }
0x5d: {  	_ =	shalt  }
0x5e: {  	_ =	shalt  }
0x5f: {  	_ =	shalt  }
0x60: {  	_ =	shalt  }
0x61: {  	_ =	shalt  }
0x62: {  	_ =	shalt  }
0x63: {  	_ =	shalt  }
0x64: {  	_ =	shalt  }
0x65: {  	_ =	shalt  }
0x66: {  	_ =	shalt  }
0x67: {  	_ =	shalt  }
0x68: {  	_ =	shalt  }
0x69: {  	_ =	shalt  }
0x6a: {  	_ =	shalt  }
0x6b: {  	_ =	shalt  }
0x6c: {  	_ =	shalt  }
0x6d: {  	_ =	shalt  }
0x6e: {  	_ =	shalt  }
0x6f: {  	_ =	shalt  }
0x70: {  	_ =	shalt  }
0x71: {  	_ =	shalt  }
0x72: {  	_ =	shalt  }
0x73: {  	_ =	shalt  }
0x74: {  	_ =	shalt  }
0x75: {  	_ =	shalt  }
0x76: {  	_ =	shalt  }
0x77: {  	_ =	shalt  }
0x78: {  	_ =	shalt  }
0x79: {  	_ =	shalt  }
0x7a: {  	_ =	shalt  }
0x7b: {  	_ =	shalt  }
0x7c: {  	_ =	shalt  }
0x7d: {  	_ =	shalt  }
0x7e: {  	_ =	shalt  }
0x7f: {  	_ =	shalt  }
0x80: {  	_ =	shalt  }
0x81: {  	_ =	shalt  }
0x82: {  	_ =	shalt  }
0x83: {  	_ =	shalt  }
0x84: {  	_ =	shalt  }
0x85: {  	_ =	shalt  }
0x86: {  	_ =	shalt  }
0x87: {  	_ =	shalt  }
.Lfunc_end0:
.L_simem_size_0:
called_computation_lowered:
.L_overlay_start_0:
0x88: {  	s2 =	sld [smem:$0x3FD9]  }
0x89: {  	s3 =	sld [smem:$0x3FFE];
	_ =	sdelay $0x1  }
0x8a: {  	s1 =	srdreg.scid  }
0x8b: {  	s0 =	sand.u32 $0x1, s1  }
0x8c: {  	s14 =	sshll.u32 s0, $0xA;
	s2 =	sadd.s32 s3, s2  }
0x8d: {  	s2 =	sadd.s32 s2, s14  }
0x8e: {  	[smem:$0x3FA6] =	sst s2  }
0x8f: {  	_ = 	snop  }
0x90: {  	s2 =	sld [smem:$0x3FD0];
	_ =	sdelay $0x2  }
0x91: {  	s15 =	simm.s32 $0xA;
	s4 =	simm.s32 $0x10  }
0x92: {  	[smem:s4], [sflag:s15] =	dma.local [hbm:s2], $0x1  }
0x93: {  	_ =	swait.eq [sflag:s15], $0x1  }
0x94: {  	[sflag:s15] =	ssyncset.done $0x0  }
0x95: {  	[sflag:s15] =	ssyncadd.s32 $0xFFFFFFFF  }
0x96: {  	s16 =	sld [smem:$0x10];
	(tm) =	ssettm $0x1  }
0x97: {  	s17 =	sld [smem:$0x3FFB];
	_ =	sdelay $0x3  }
0x98: {  	_ =	strace s17  }
0x99: {  	s3 =	sld [smem:$0x3FFC];
	_ =	sdelay $0x3  }
0x9a: {  	_ =	strace s3  }
0x9b: {  	s3 =	sld [smem:$0x3FFD];
	_ =	sdelay $0x3  }
0x9c: {  	_ =	strace s3  }
0x9d: {  	_ =	strace $0x8FFFFFFF  }
0x9e: {  	s18 =	sld [smem:$0x3FDB];
	_ =	sdelay $0x1  }
0x9f: {  	s19 =	simm.s32 $_scs_section_size  }
0xa0: {  	s5 =	simm.s32 $_size__tile_overlayer_lowered;
	s6 =	simm.s32 $_tile_overlayer_lowered  }
0xa1: {  	s22 =	simm.s32 $0x1BFF;
	s21 =	sshll.u32 s6, $0x1;
	s3 =	sadd.s32 s19, s18  }
0xa2: {  	s7 =	simm.s32 $0x0;
	s20 =	sshll.u32 s5, $0x1;
	s5 =	sadd.s32 s21, s3  }
0xa3: {  	[timem:s7], [sflag:s22] =	dma.local [hbm:s5], s20  }
0xa4: {  	_ =	swait.ge [sflag:s22], s20  }
0xa5: {  	s4 =	ssub.s32 $0x0, s20;
	[sflag:s22] =	ssyncset.done $0x0  }
0xa6: {  	[sflag:s22] =	ssyncadd.s32 s4;
	_ =	sdelay $0x1  }
0xa7: {  	s23 =	simm.s32 $0x1B8B  }
0xa8: {  	_ =	swait.ge [sflag:s23], $0x1  }
0xa9: {  	[sflag:s23] =	ssyncset.done $0x0  }
0xaa: {  	s25 =	simm.s32 $0x1B8E;
	s24 =	sld [smem:$0x3FFE];
	[sflag:s23] =	ssyncadd.s32 $0xFFFFFFFF  }
0xab: {  	s26 =	simm.s32 $execute0_lowered;
	[smem:$0x3FD2] =	sst s25  }
0xac: {  	s5 =	sshll.u32 s26, $0x1;
	_ =	strace $0x80000046;
	[dreg:$0x1] =	wrdreg $0xFFFFFFFF  }
0xad: {  	s28 =	simm.s32 $_size_execute0_lowered;
	s3 =	sadd.s32 s3, s5;
	[dreg:$0x0] =	wrdreg $0x0  }
0xae: {  	s5 =	sshll.u32 s28, $0x1;
	[dreg:$0x2] =	wrdreg s3  }
0xaf: {  	[dreg:$0x3] =	wrdreg s5  }
0xb0: {  	[dreg:$0x4] =	wrdreg $0xC0  }
0xb1: {  	_ =	task [dreg:s7], $0x5FFFF  }
0xb2: {  	[dreg:$0x1] =	wrdreg $0xFFFFFFFF  }
0xb3: {  	[dreg:$0x0] =	wrdreg $0x60  }
0xb4: {  	[dreg:$0x2] =	wrdreg s24  }
0xb5: {  	[dreg:$0x3] =	wrdreg s16  }
0xb6: {  	[dreg:$0x4] =	wrdreg $0x9  }
0xb7: {  	_ =	task.clear_ibuf [dreg:s7], $0x5FFFF;
	_ =	strace $0x90000046  }
0xb8: {  	s29 =	simm.s32 $0x9;
	_ =	strace $0x80000048  }
0xb9: {  	_ =	swait.ge [sflag:s29], $0x1  }
0xba: {  	[sflag:s29] =	ssyncadd.s32 $0xFFFFFFFF  }
0xbb: {  	_ =	strace $0x90000048  }
0xbc: {  	_ =	sfence  }
0xbd: {  	s30 =	sld [smem:$0x0];
	_ =	sdelay $0x2  }
0xbe: {  	s31 =	sshll.u32 s1, $0xD;
	s1 =	sshrl.u32 s1, $0x2  }
0xbf: {  	s3 =	sand.u32 $0x4000, s31;
	s1 =	sadd.s32 s1, s30  }
0xc0: {  	s0 =	sor.u32 s3, s0;
	s1 =	sshll.u32 s1, $0x11  }
0xc1: {  	s0 =	sor.u32 s1, s0  }
0xc2: {  	s0 =	sadd.s32 $0x8F2B, s0  }
0xc3: {  	[sflag:s0] =	ssyncadd.remote.s32 $0x1  }
0xc4: {  	_ =	sfence.sel $0xFFFF  }
0xc5: {  	[dreg:$0x0] =	wrdreg $0xFFFFFFFF;
	(pc) =	sbr.abs _section_cstart, $3  }
0xc6: {  	[dreg:$0x1] =	wrdreg $0xFFFFFFFF  }
0xc7: {  	_ =	task.clear_ibuf [dreg:s7], $0x2FFFF;
	_ =	strace $0x9FFFFFFF  }
0xc8: {  	(tm) =	ssettm $0x7FFFFFFF  }
0xc9: {  	_ =	shalt  }
tec
execute0_lowered:
.L_overlay_start_1:
0x0: {  	(tag) =	ssettag $0x1  }
0x1: {  	s15 =	stileid.u32  }
0x2: {  	s0 =	srdreg.scid;
	s12 =	smul.u32 $0x14000, s15  }
0x3: {  	s1 =	rddreg [dreg:$0x0];
	s17 =	smul.u32 $0x1400, s15  }
0x4: {  	s2 =	rddreg [dreg:$0x1];
	s20 =	smul.u32 $0xA000, s15  }
0x5: {  	s28 =	simm.s32 $0x3000;
	s0 =	sand.u32 $0x1, s0;
	s21 =	smul.u32 $0xA00, s15  }
0x6: {  	s29 =	simm.s32 $0x3800;
	s30 =	simm.s32 $0x4000;
	s9 =	smul.u32 $0x140000, s0  }
0x7: {  	s31 =	simm.s32 $0x1;
	s23 =	simm.s32 $0x4;
	s14 =	smul.u32 $0x14000, s0  }
0x8: {  	s8 =	sadd.s32 $0x68800, s1;
	s3 =	sshll.u32 s0, $0x4;
	s19 =	smul.u32 $0xA0000, s0  }
0x9: {  	s11 =	ssub.s32 $0x2, s0;
	s0 =	smul.u32 $0xA000, s0;
	s4 =	sor.u32 s15, s3  }
0xa: {  	s10 =	sadd.s32 $0x18800, s1;
	s3 =	simm.s32 $0x0;
	s5 =	smul.u32 $0x1400, s4  }
0xb: {  	s13 =	sshrl.u32 s11, $0x1;
	[smem:$0x7FF] =	sst s3;
	s6 =	smul.u32 $0xA00, s4  }
0xc: {  	s4 =	sadd.s32 $0xE800, s1;
	s11 =	ssub.s32 s11, s13;
	s9 =	sadd.s32 s12, s9  }
0xd: {  	s0 =	sadd.s32 s21, s0;
	_ =	strace $0x80000047;
	s11 =	smax.u32 s11, $0x1  }
0xe: {  	s9 =	sshrl.u32 s9, $0x3;
	s0 =	sshll.u32 s0, $0x1;
	s7 =	sshrl.u32 s5, $0x3  }
0xf: {  	s5 =	sadd.s32 $0x9800, s1;
	s6 =	sshrl.u32 s6, $0x3;
	[dreg:$0x6] =	wrdreg s11  }
0x10: {  	s11 =	sadd.s32 s9, s8;
	s24 =	sor.u32 $0x200, s0;
	s25 =	sor.u32 $0x100, s0  }
0x11: {  	s0 =	sor.u32 $0x300, s0;
	s26 =	sadd.s32 s25, s10;
	[dreg:$0x7] =	wrdreg s11  }
0x12: {  	s7 =	sadd.s32 s7, s1;
	s16 =	sadd.s32 s24, s10;
	[dreg:$0xd] =	wrdreg s26  }
0x13: {  	s6 =	sadd.s32 s6, s1;
	s7 =	sadd.s32 $0x13800, s7;
	[dreg:$0xc] =	wrdreg s16  }
0x14: {  	s1 =	sadd.s32 $0x40800, s1;
	s18 =	sadd.s32 $0x4800, s6;
	[dreg:$0x3] =	wrdreg s7  }
0x15: {  	s6 =	sadd.s32 $0x7000, s6;
	s21 =	sadd.s32 s0, s1;
	[dreg:$0x4] =	wrdreg s18  }
0x16: {  	s26 =	simm.s32 $0x2800;
	[dreg:$0x5] =	wrdreg s6;
	s7 =	sadd.s32 s17, s14  }
0x17: {  	s6 =	sadd.s32 s20, s19;
	s17 =	sadd.s32 s0, s10;
	s19 =	sadd.s32 s24, s1  }
0x18: {  	s20 =	sadd.s32 s25, s1;
	s25 =	simm.s32 $0x80;
	s0 =	simm.s32 $0x3  }
0x19: {  	s24 =	simm.s32 $0x5;
	s7 =	sshll.u32 s7, $0x1;
	s6 =	sshrl.u32 s6, $0x3  }
0x1a: {  	s7 =	sadd.s32 s7, s8;
	s22 =	sadd.s32 s6, s10;
	s18 =	sadd.s32 s6, s1  }
0x1b: {  	s1 =	simm.s32 $0x2;
	s12 =	sadd.s32 $0x200, s7;
	[dreg:$0xb] =	wrdreg s22  }
0x1c: {  	s6 =	simm.s32 $0x6;
	s13 =	sadd.s32 $0x100, s7;
	[dreg:$0x8] =	wrdreg s12  }
0x1d: {  	s8 =	simm.s32 $0x8;
	s14 =	sadd.s32 $0x300, s7;
	[dreg:$0x9] =	wrdreg s13  }
0x1e: {  	s10 =	simm.s32 $0x0;
	s7 =	simm.s32 $0x7;
	[dreg:$0xa] =	wrdreg s14  }
.LBB2_1:
0x1f: {  	[dreg:$0xe] =	wrdreg s10  }
0x20: {  	s9 =	rddreg [dreg:$0x3];
	s10 =	simm.s32 $0x9  }
0x21: {  	[tilespmem:s3], [sflag:$0x9] =	stream.linear.gather [hbm4b:s9+s3], $0x1400, $0x38;
	[tilespmem:$0x4800] =	vst v63  }
0x22: {  	_ =	swait.ge [sflag:s10], $0x1400  }
0x23: {  	[sflag:s10] =	ssyncset.done $0x0  }
0x24: {  	s15 =	simm.s32 $0x1400;
	s22 =	rddreg [dreg:$0x4];
	[sflag:s10] =	ssyncadd.s32 $0xFFFFEC00  }
0x25: {  	[tilespmem:s15], [sflag:$0x9] =	stream.linear.gather [hbm4b:s22+s3], $0xA00, $0x38;
	[tilespmem:$0x4800] =	vst v63  }
0x26: {  	_ =	swait.ge [sflag:s10], $0xA00  }
0x27: {  	[sflag:s10] =	ssyncset.done $0x0  }
0x28: {  	s22 =	simm.s32 $0x1E00;
	s16 =	rddreg [dreg:$0x5];
	[sflag:s10] =	ssyncadd.s32 $0xFFFFF600  }
0x29: {  	[tilespmem:s22], [sflag:$0x9] =	stream.linear.gather [hbm4b:s16+s3], $0xA00, $0x38;
	[tilespmem:$0x4800] =	vst v63  }
0x2a: {  	_ =	swait.ge [sflag:s10], $0xA00  }
0x2b: {  	[sflag:s10] =	ssyncset.done $0x0  }
0x2c: {  	[sflag:s10] =	ssyncadd.s32 $0xFFFFF600  }
0x2d: {  	[tilespmem:s26], [sflag:$0x1] =	stream.indirect.gather [hbm4b:s4+s25], $0x10, s3, s25, $0xb8;
	[tilespmem:$0x4800] =	vst v63  }
0x2e: {  	s15 =	simm.s32 $0x80  }
0x2f: {  	[tilespmem:s28], [sflag:$0x2] =	stream.indirect.gather [hbm4b:s4+s25], $0x10, s15, s25, $0xb8;
	[tilespmem:$0x4800] =	vst v63  }
0x30: {  	s16 =	simm.s32 $0x100  }
0x31: {  	[tilespmem:s29], [sflag:$0x3] =	stream.indirect.gather [hbm4b:s4+s25], $0x10, s16, s25, $0xb8;
	[tilespmem:$0x4800] =	vst v63  }
0x32: {  	s22 =	simm.s32 $0x180  }
0x33: {  	[tilespmem:s30], [sflag:$0x4] =	stream.indirect.gather [hbm4b:s4+s25], $0x10, s22, s25, $0xb8;
	[tilespmem:$0x4800] =	vst v63  }
0x34: {  	_ =	swait.ge [sflag:s31], $0x800  }
0x35: {  	[sflag:s31] =	ssyncset.done $0x0  }
0x36: {  	s10 =	sadd.s32 $0x0, s11;
	[sflag:s31] =	ssyncadd.s32 $0xFFFFF800  }
0x37: {  	[hbm4b:s10+s3] =	stream.linear.scatter [tilespmem:s26], [sflag:$0x5], $0x800, $0x38;
	[tilespmem:$0x4800] =	vst v63  }
0x38: {  	_ =	swait.ge [sflag:s1], $0x800  }
0x39: {  	[sflag:s1] =	ssyncset.done $0x0  }
0x3a: {  	s15 =	sadd.s32 $0x0, s13;
	[sflag:s1] =	ssyncadd.s32 $0xFFFFF800  }
0x3b: {  	[hbm4b:s15+s3] =	stream.linear.scatter [tilespmem:s28], [sflag:$0x6], $0x800, $0x38;
	[tilespmem:$0x4800] =	vst v63  }
0x3c: {  	_ =	swait.ge [sflag:s0], $0x800  }
0x3d: {  	[sflag:s0] =	ssyncset.done $0x0  }
0x3e: {  	s16 =	sadd.s32 $0x0, s12;
	[sflag:s0] =	ssyncadd.s32 $0xFFFFF800  }
0x3f: {  	[hbm4b:s16+s3] =	stream.linear.scatter [tilespmem:s29], [sflag:$0x7], $0x800, $0x38;
	[tilespmem:$0x4800] =	vst v63  }
0x40: {  	_ =	swait.ge [sflag:s23], $0x800  }
0x41: {  	[sflag:s23] =	ssyncset.done $0x0  }
0x42: {  	s22 =	sadd.s32 $0x0, s14;
	[sflag:s23] =	ssyncadd.s32 $0xFFFFF800  }
0x43: {  	[hbm4b:s22+s3] =	stream.linear.scatter [tilespmem:s30], [sflag:$0x8], $0x800, $0x38;
	[tilespmem:$0x4800] =	vst v63  }
0x44: {  	_ =	swait.ge [sflag:s24], $0x800  }
0x45: {  	[sflag:s24] =	ssyncset.done $0x0  }
0x46: {  	[sflag:s24] =	ssyncadd.s32 $0xFFFFF800  }
0x47: {  	_ =	swait.ge [sflag:s6], $0x800  }
0x48: {  	[sflag:s6] =	ssyncset.done $0x0  }
0x49: {  	[sflag:s6] =	ssyncadd.s32 $0xFFFFF800  }
0x4a: {  	_ =	swait.ge [sflag:s7], $0x800  }
0x4b: {  	[sflag:s7] =	ssyncset.done $0x0  }
0x4c: {  	s9 =	simm.s32 $0x400;
	[sflag:s7] =	ssyncadd.s32 $0xFFFFF800  }
0x4d: {  	s10 =	simm.s32 $0x0;
	s15 =	smov.u32 s13;
	_ =	swait.ge [sflag:s8], $0x800  }
0x4e: {  	s13 =	smov.u32 s11;
	s16 =	smov.u32 s12;
	[sflag:s8] =	ssyncset.done $0x0  }
.LBB2_2:
0x4f: {  	p0 =	sne.s32 s9, $0x2400;
	[sflag:s8] =	ssyncadd.s32 $0xFFFFF800;
	s10 =	sadd.s32 $0x200, s10  }
0x50: {  	[tilespmem:s26], [sflag:$0x1] =	stream.indirect.gather [hbm4b:s4+s25], $0x10, s10, s25, $0xb8;
	[tilespmem:$0x4800] =	vst v63  }
0x51: {  	s11 =	smov.u32 s9;
	s9 =	sadd.s32 $0x400, s9;
	s22 =	sadd.s32 $0x80, s10  }
0x52: {  	[tilespmem:s28], [sflag:$0x2] =	stream.indirect.gather [hbm4b:s4+s25], $0x10, s22, s25, $0xb8;
	[tilespmem:$0x4800] =	vst v63  }
0x53: {  	s22 =	sadd.s32 $0x100, s10  }
0x54: {  	[tilespmem:s29], [sflag:$0x3] =	stream.indirect.gather [hbm4b:s4+s25], $0x10, s22, s25, $0xb8;
	[tilespmem:$0x4800] =	vst v63  }
0x55: {  	s22 =	sadd.s32 $0x180, s10  }
0x56: {  	[tilespmem:s30], [sflag:$0x4] =	stream.indirect.gather [hbm4b:s4+s25], $0x10, s22, s25, $0xb8;
	[tilespmem:$0x4800] =	vst v63  }
0x57: {  	_ =	swait.ge [sflag:s31], $0x800  }
0x58: {  	[sflag:s31] =	ssyncset.done $0x0  }
0x59: {  	s12 =	sadd.s32 s11, s13;
	s22 =	simm.s32 $0x0;
	[sflag:s31] =	ssyncadd.s32 $0xFFFFF800  }
0x5a: {  	[hbm4b:s12+s22] =	stream.linear.scatter [tilespmem:s26], [sflag:$0x5], $0x800, $0x38;
	[tilespmem:$0x4800] =	vst v63  }
0x5b: {  	_ =	swait.ge [sflag:s1], $0x800  }
0x5c: {  	[sflag:s1] =	ssyncset.done $0x0  }
0x5d: {  	s12 =	sadd.s32 s11, s15;
	[sflag:s1] =	ssyncadd.s32 $0xFFFFF800  }
0x5e: {  	[hbm4b:s12+s22] =	stream.linear.scatter [tilespmem:s28], [sflag:$0x6], $0x800, $0x38;
	[tilespmem:$0x4800] =	vst v63  }
0x5f: {  	_ =	swait.ge [sflag:s0], $0x800  }
0x60: {  	[sflag:s0] =	ssyncset.done $0x0  }
0x61: {  	s12 =	sadd.s32 s11, s16;
	[sflag:s0] =	ssyncadd.s32 $0xFFFFF800  }
0x62: {  	[hbm4b:s12+s22] =	stream.linear.scatter [tilespmem:s29], [sflag:$0x7], $0x800, $0x38;
	[tilespmem:$0x4800] =	vst v63  }
0x63: {  	_ =	swait.ge [sflag:s23], $0x800  }
0x64: {  	[sflag:s23] =	ssyncset.done $0x0  }
0x65: {  	s11 =	sadd.s32 s11, s14;
	[sflag:s23] =	ssyncadd.s32 $0xFFFFF800  }
0x66: {  	[hbm4b:s11+s22] =	stream.linear.scatter [tilespmem:s30], [sflag:$0x8], $0x800, $0x38;
	[tilespmem:$0x4800] =	vst v63  }
0x67: {  	_ =	swait.ge [sflag:s24], $0x800  }
0x68: {  	[sflag:s24] =	ssyncset.done $0x0  }
0x69: {  	[sflag:s24] =	ssyncadd.s32 $0xFFFFF800  }
0x6a: {  	_ =	swait.ge [sflag:s6], $0x800  }
0x6b: {  	[sflag:s6] =	ssyncset.done $0x0  }
0x6c: {  	[sflag:s6] =	ssyncadd.s32 $0xFFFFF800  }
.Ltmp0:
0x6d: {  	_ =	swait.ge [sflag:s7], $0x800;
	(pc) =	sbr.rel @p0 .LBB2_2-.Ltmp0, $4  }
0x6e: {  	[sflag:s7] =	ssyncset.done $0x0  }
0x6f: {  	[sflag:s7] =	ssyncadd.s32 $0xFFFFF800  }
0x70: {  	_ =	swait.ge [sflag:s8], $0x800  }
0x71: {  	[sflag:s8] =	ssyncset.done $0x0  }
0x72: {  	[sflag:s8] =	ssyncadd.s32 $0xFFFFF800;
	s9 =	simm.s32 $0x1400  }
0x73: {  	[tilespmem:s26], [sflag:$0x1] =	stream.indirect.gather [hbm4b:s5+s25], $0x10, s9, s25, $0xb8;
	[tilespmem:$0x4800] =	vst v63  }
0x74: {  	s10 =	simm.s32 $0x1480  }
0x75: {  	[tilespmem:s28], [sflag:$0x2] =	stream.indirect.gather [hbm4b:s5+s25], $0x10, s10, s25, $0xb8;
	[tilespmem:$0x4800] =	vst v63  }
0x76: {  	s14 =	simm.s32 $0x1500  }
0x77: {  	[tilespmem:s29], [sflag:$0x3] =	stream.indirect.gather [hbm4b:s5+s25], $0x10, s14, s25, $0xb8;
	[tilespmem:$0x4800] =	vst v63  }
0x78: {  	s15 =	simm.s32 $0x1580  }
0x79: {  	[tilespmem:s30], [sflag:$0x4] =	stream.indirect.gather [hbm4b:s5+s25], $0x10, s15, s25, $0xb8;
	[tilespmem:$0x4800] =	vst v63  }
0x7a: {  	_ =	swait.ge [sflag:s31], $0x800  }
0x7b: {  	[sflag:s31] =	ssyncset.done $0x0;
	s15 =	rddreg [dreg:$0xb]  }
0x7c: {  	[sflag:s31] =	ssyncadd.s32 $0xFFFFF800;
	s16 =	sadd.s32 $0x0, s15  }
0x7d: {  	[hbm4b:s16+s22] =	stream.linear.scatter [tilespmem:s26], [sflag:$0x5], $0x800, $0x38;
	[tilespmem:$0x4800] =	vst v63  }
0x7e: {  	_ =	swait.ge [sflag:s1], $0x800  }
0x7f: {  	[sflag:s1] =	ssyncset.done $0x0;
	s13 =	rddreg [dreg:$0xd]  }
0x80: {  	[sflag:s1] =	ssyncadd.s32 $0xFFFFF800;
	s11 =	sadd.s32 $0x0, s13  }
0x81: {  	[hbm4b:s11+s22] =	stream.linear.scatter [tilespmem:s28], [sflag:$0x6], $0x800, $0x38;
	[tilespmem:$0x4800] =	vst v63  }
0x82: {  	_ =	swait.ge [sflag:s0], $0x800  }
0x83: {  	[sflag:s0] =	ssyncset.done $0x0;
	s16 =	rddreg [dreg:$0xc]  }
0x84: {  	[sflag:s0] =	ssyncadd.s32 $0xFFFFF800;
	s12 =	sadd.s32 $0x0, s16  }
0x85: {  	[hbm4b:s12+s22] =	stream.linear.scatter [tilespmem:s29], [sflag:$0x7], $0x800, $0x38;
	[tilespmem:$0x4800] =	vst v63  }
0x86: {  	_ =	swait.ge [sflag:s23], $0x800  }
0x87: {  	[sflag:s23] =	ssyncset.done $0x0  }
0x88: {  	s14 =	sadd.s32 $0x0, s17;
	[sflag:s23] =	ssyncadd.s32 $0xFFFFF800  }
0x89: {  	[hbm4b:s14+s22] =	stream.linear.scatter [tilespmem:s30], [sflag:$0x8], $0x800, $0x38;
	[tilespmem:$0x4800] =	vst v63  }
0x8a: {  	_ =	swait.ge [sflag:s24], $0x800  }
0x8b: {  	[sflag:s24] =	ssyncset.done $0x0  }
0x8c: {  	[sflag:s24] =	ssyncadd.s32 $0xFFFFF800  }
0x8d: {  	_ =	swait.ge [sflag:s6], $0x800  }
0x8e: {  	[sflag:s6] =	ssyncset.done $0x0  }
0x8f: {  	[sflag:s6] =	ssyncadd.s32 $0xFFFFF800  }
0x90: {  	_ =	swait.ge [sflag:s7], $0x800  }
0x91: {  	[sflag:s7] =	ssyncset.done $0x0  }
0x92: {  	[sflag:s7] =	ssyncadd.s32 $0xFFFFF800  }
0x93: {  	_ =	swait.ge [sflag:s8], $0x800  }
0x94: {  	s10 =	simm.s32 $0x400;
	[sflag:s8] =	ssyncset.done $0x0  }
.LBB2_4:
0x95: {  	p0 =	sne.s32 s10, $0x1000;
	[sflag:s8] =	ssyncadd.s32 $0xFFFFF800;
	s9 =	sadd.s32 $0x200, s9  }
0x96: {  	[tilespmem:s26], [sflag:$0x1] =	stream.indirect.gather [hbm4b:s5+s25], $0x10, s9, s25, $0xb8;
	[tilespmem:$0x4800] =	vst v63  }
0x97: {  	s12 =	smov.u32 s10;
	s10 =	sadd.s32 $0x400, s10;
	s11 =	sadd.s32 $0x80, s9  }
0x98: {  	[tilespmem:s28], [sflag:$0x2] =	stream.indirect.gather [hbm4b:s5+s25], $0x10, s11, s25, $0xb8;
	[tilespmem:$0x4800] =	vst v63  }
0x99: {  	s11 =	sadd.s32 $0x100, s9  }
0x9a: {  	[tilespmem:s29], [sflag:$0x3] =	stream.indirect.gather [hbm4b:s5+s25], $0x10, s11, s25, $0xb8;
	[tilespmem:$0x4800] =	vst v63  }
0x9b: {  	s11 =	sadd.s32 $0x180, s9  }
0x9c: {  	[tilespmem:s30], [sflag:$0x4] =	stream.indirect.gather [hbm4b:s5+s25], $0x10, s11, s25, $0xb8;
	[tilespmem:$0x4800] =	vst v63  }
0x9d: {  	_ =	swait.ge [sflag:s31], $0x800  }
0x9e: {  	[sflag:s31] =	ssyncset.done $0x0  }
0x9f: {  	s11 =	sadd.s32 s12, s15;
	[sflag:s31] =	ssyncadd.s32 $0xFFFFF800  }
0xa0: {  	[hbm4b:s11+s22] =	stream.linear.scatter [tilespmem:s26], [sflag:$0x5], $0x800, $0x38;
	[tilespmem:$0x4800] =	vst v63  }
0xa1: {  	_ =	swait.ge [sflag:s1], $0x800  }
0xa2: {  	[sflag:s1] =	ssyncset.done $0x0  }
0xa3: {  	s11 =	sadd.s32 s12, s13;
	[sflag:s1] =	ssyncadd.s32 $0xFFFFF800  }
0xa4: {  	[hbm4b:s11+s22] =	stream.linear.scatter [tilespmem:s28], [sflag:$0x6], $0x800, $0x38;
	[tilespmem:$0x4800] =	vst v63  }
0xa5: {  	_ =	swait.ge [sflag:s0], $0x800  }
0xa6: {  	[sflag:s0] =	ssyncset.done $0x0  }
0xa7: {  	s11 =	sadd.s32 s12, s16;
	[sflag:s0] =	ssyncadd.s32 $0xFFFFF800  }
0xa8: {  	[hbm4b:s11+s22] =	stream.linear.scatter [tilespmem:s29], [sflag:$0x7], $0x800, $0x38;
	[tilespmem:$0x4800] =	vst v63  }
0xa9: {  	_ =	swait.ge [sflag:s23], $0x800  }
0xaa: {  	[sflag:s23] =	ssyncset.done $0x0  }
0xab: {  	s11 =	sadd.s32 s12, s17;
	[sflag:s23] =	ssyncadd.s32 $0xFFFFF800  }
0xac: {  	[hbm4b:s11+s22] =	stream.linear.scatter [tilespmem:s30], [sflag:$0x8], $0x800, $0x38;
	[tilespmem:$0x4800] =	vst v63  }
0xad: {  	_ =	swait.ge [sflag:s24], $0x800  }
0xae: {  	[sflag:s24] =	ssyncset.done $0x0  }
0xaf: {  	[sflag:s24] =	ssyncadd.s32 $0xFFFFF800  }
0xb0: {  	_ =	swait.ge [sflag:s6], $0x800  }
0xb1: {  	[sflag:s6] =	ssyncset.done $0x0  }
0xb2: {  	[sflag:s6] =	ssyncadd.s32 $0xFFFFF800  }
.Ltmp1:
0xb3: {  	_ =	swait.ge [sflag:s7], $0x800;
	(pc) =	sbr.rel @p0 .LBB2_4-.Ltmp1, $4  }
0xb4: {  	[sflag:s7] =	ssyncset.done $0x0  }
0xb5: {  	[sflag:s7] =	ssyncadd.s32 $0xFFFFF800  }
0xb6: {  	_ =	swait.ge [sflag:s8], $0x800  }
0xb7: {  	[sflag:s8] =	ssyncset.done $0x0  }
0xb8: {  	[sflag:s8] =	ssyncadd.s32 $0xFFFFF800;
	s22 =	simm.s32 $0x1E00  }
0xb9: {  	[tilespmem:s26], [sflag:$0x1] =	stream.indirect.gather [hbm4b:s2+s25], $0x10, s22, s25, $0xb8;
	[tilespmem:$0x4800] =	vst v63  }
0xba: {  	s9 =	simm.s32 $0x1E80  }
0xbb: {  	[tilespmem:s28], [sflag:$0x2] =	stream.indirect.gather [hbm4b:s2+s25], $0x10, s9, s25, $0xb8;
	[tilespmem:$0x4800] =	vst v63  }
0xbc: {  	s11 =	simm.s32 $0x1F00  }
0xbd: {  	[tilespmem:s29], [sflag:$0x3] =	stream.indirect.gather [hbm4b:s2+s25], $0x10, s11, s25, $0xb8;
	[tilespmem:$0x4800] =	vst v63  }
0xbe: {  	s12 =	simm.s32 $0x1F80  }
0xbf: {  	[tilespmem:s30], [sflag:$0x4] =	stream.indirect.gather [hbm4b:s2+s25], $0x10, s12, s25, $0xb8;
	[tilespmem:$0x4800] =	vst v63  }
0xc0: {  	_ =	swait.ge [sflag:s31], $0x800  }
0xc1: {  	[sflag:s31] =	ssyncset.done $0x0  }
0xc2: {  	s13 =	sadd.s32 $0x0, s18;
	[sflag:s31] =	ssyncadd.s32 $0xFFFFF800  }
0xc3: {  	[hbm4b:s13+s3] =	stream.linear.scatter [tilespmem:s26], [sflag:$0x5], $0x800, $0x38;
	[tilespmem:$0x4800] =	vst v63  }
0xc4: {  	_ =	swait.ge [sflag:s1], $0x800  }
0xc5: {  	[sflag:s1] =	ssyncset.done $0x0  }
0xc6: {  	s14 =	sadd.s32 $0x0, s20;
	[sflag:s1] =	ssyncadd.s32 $0xFFFFF800  }
0xc7: {  	[hbm4b:s14+s3] =	stream.linear.scatter [tilespmem:s28], [sflag:$0x6], $0x800, $0x38;
	[tilespmem:$0x4800] =	vst v63  }
0xc8: {  	_ =	swait.ge [sflag:s0], $0x800  }
0xc9: {  	[sflag:s0] =	ssyncset.done $0x0  }
0xca: {  	s15 =	sadd.s32 $0x0, s19;
	[sflag:s0] =	ssyncadd.s32 $0xFFFFF800  }
0xcb: {  	[hbm4b:s15+s3] =	stream.linear.scatter [tilespmem:s29], [sflag:$0x7], $0x800, $0x38;
	[tilespmem:$0x4800] =	vst v63  }
0xcc: {  	_ =	swait.ge [sflag:s23], $0x800  }
0xcd: {  	[sflag:s23] =	ssyncset.done $0x0  }
0xce: {  	s16 =	sadd.s32 $0x0, s21;
	[sflag:s23] =	ssyncadd.s32 $0xFFFFF800  }
0xcf: {  	[hbm4b:s16+s3] =	stream.linear.scatter [tilespmem:s30], [sflag:$0x8], $0x800, $0x38;
	[tilespmem:$0x4800] =	vst v63  }
0xd0: {  	_ =	swait.ge [sflag:s24], $0x800  }
0xd1: {  	[sflag:s24] =	ssyncset.done $0x0  }
0xd2: {  	[sflag:s24] =	ssyncadd.s32 $0xFFFFF800  }
0xd3: {  	_ =	swait.ge [sflag:s6], $0x800  }
0xd4: {  	[sflag:s6] =	ssyncset.done $0x0  }
0xd5: {  	[sflag:s6] =	ssyncadd.s32 $0xFFFFF800  }
0xd6: {  	_ =	swait.ge [sflag:s7], $0x800  }
0xd7: {  	[sflag:s7] =	ssyncset.done $0x0  }
0xd8: {  	[sflag:s7] =	ssyncadd.s32 $0xFFFFF800  }
0xd9: {  	_ =	swait.ge [sflag:s8], $0x800  }
0xda: {  	s13 =	rddreg [dreg:$0x9]  }
0xdb: {  	s9 =	simm.s32 $0x400;
	[sflag:s8] =	ssyncset.done $0x0;
	s14 =	rddreg [dreg:$0xa]  }
.LBB2_6:
0xdc: {  	p0 =	sne.s32 s9, $0x1000;
	[sflag:s8] =	ssyncadd.s32 $0xFFFFF800;
	s22 =	sadd.s32 $0x200, s22  }
0xdd: {  	[tilespmem:s26], [sflag:$0x1] =	stream.indirect.gather [hbm4b:s2+s25], $0x10, s22, s25, $0xb8;
	[tilespmem:$0x4800] =	vst v63  }
0xde: {  	s11 =	smov.u32 s9;
	s9 =	sadd.s32 $0x400, s9;
	s10 =	sadd.s32 $0x80, s22  }
0xdf: {  	[tilespmem:s28], [sflag:$0x2] =	stream.indirect.gather [hbm4b:s2+s25], $0x10, s10, s25, $0xb8;
	[tilespmem:$0x4800] =	vst v63  }
0xe0: {  	s10 =	sadd.s32 $0x100, s22  }
0xe1: {  	[tilespmem:s29], [sflag:$0x3] =	stream.indirect.gather [hbm4b:s2+s25], $0x10, s10, s25, $0xb8;
	[tilespmem:$0x4800] =	vst v63  }
0xe2: {  	s10 =	sadd.s32 $0x180, s22  }
0xe3: {  	[tilespmem:s30], [sflag:$0x4] =	stream.indirect.gather [hbm4b:s2+s25], $0x10, s10, s25, $0xb8;
	[tilespmem:$0x4800] =	vst v63  }
0xe4: {  	_ =	swait.ge [sflag:s31], $0x800  }
0xe5: {  	[sflag:s31] =	ssyncset.done $0x0  }
0xe6: {  	s10 =	sadd.s32 s11, s18;
	[sflag:s31] =	ssyncadd.s32 $0xFFFFF800  }
0xe7: {  	[hbm4b:s10+s3] =	stream.linear.scatter [tilespmem:s26], [sflag:$0x5], $0x800, $0x38;
	[tilespmem:$0x4800] =	vst v63  }
0xe8: {  	_ =	swait.ge [sflag:s1], $0x800  }
0xe9: {  	[sflag:s1] =	ssyncset.done $0x0  }
0xea: {  	s10 =	sadd.s32 s11, s20;
	[sflag:s1] =	ssyncadd.s32 $0xFFFFF800  }
0xeb: {  	[hbm4b:s10+s3] =	stream.linear.scatter [tilespmem:s28], [sflag:$0x6], $0x800, $0x38;
	[tilespmem:$0x4800] =	vst v63  }
0xec: {  	_ =	swait.ge [sflag:s0], $0x800  }
0xed: {  	[sflag:s0] =	ssyncset.done $0x0  }
0xee: {  	s10 =	sadd.s32 s11, s19;
	[sflag:s0] =	ssyncadd.s32 $0xFFFFF800  }
0xef: {  	[hbm4b:s10+s3] =	stream.linear.scatter [tilespmem:s29], [sflag:$0x7], $0x800, $0x38;
	[tilespmem:$0x4800] =	vst v63  }
0xf0: {  	_ =	swait.ge [sflag:s23], $0x800  }
0xf1: {  	[sflag:s23] =	ssyncset.done $0x0  }
0xf2: {  	s10 =	sadd.s32 s11, s21;
	[sflag:s23] =	ssyncadd.s32 $0xFFFFF800  }
0xf3: {  	[hbm4b:s10+s3] =	stream.linear.scatter [tilespmem:s30], [sflag:$0x8], $0x800, $0x38;
	[tilespmem:$0x4800] =	vst v63  }
0xf4: {  	_ =	swait.ge [sflag:s24], $0x800  }
0xf5: {  	[sflag:s24] =	ssyncset.done $0x0  }
0xf6: {  	[sflag:s24] =	ssyncadd.s32 $0xFFFFF800  }
0xf7: {  	_ =	swait.ge [sflag:s6], $0x800  }
0xf8: {  	[sflag:s6] =	ssyncset.done $0x0  }
0xf9: {  	[sflag:s6] =	ssyncadd.s32 $0xFFFFF800  }
.Ltmp2:
0xfa: {  	_ =	swait.ge [sflag:s7], $0x800;
	(pc) =	sbr.rel @p0 .LBB2_6-.Ltmp2, $4  }
0xfb: {  	[sflag:s7] =	ssyncset.done $0x0  }
0xfc: {  	[sflag:s7] =	ssyncadd.s32 $0xFFFFF800  }
0xfd: {  	_ =	swait.ge [sflag:s8], $0x800  }
0xfe: {  	[sflag:s8] =	ssyncset.done $0x0  }
0xff: {  	s10 =	rddreg [dreg:$0xe]  }
0x100: {  	s9 =	rddreg [dreg:$0x6];
	s10 =	sadd.s32 $0x1, s10  }
0x101: {  	p0 =	sne.s32 s10, s9  }
.Ltmp3:
0x102: {  	_ = 	snop;
	(pc) =	sbr.rel @p0 .LBB2_1-.Ltmp3, $3  }
0x103: {  	_ =	sdelay $0x1  }
0x104: {  	s11 =	rddreg [dreg:$0x7]  }
0x105: {  	[sflag:s8] =	ssyncadd.s32 $0xFFFFF800;
	s12 =	rddreg [dreg:$0x8]  }
0x106: {  	_ =	sfence.sel $0x180000  }
0x107: {  	[bflag:$0x0] =	sbarrier.arrive $0xFFFF  }
0x108: {  	_ =	strace $0x90000047  }
0x109: {  	s0 =	stileid.u32;
	[bflag:$0x2] =	sbarrier.arrive $0xFFFF  }
0x10a: {  	p0 =	sne.s32 s0, $0x0;
	s0 =	rddreg [dreg:$0x2]  }
0x10b: {  	s0 =	sadd.s32 @!p0 $0x100000, s0  }
0x10c: {  	[sflag:s0] =	ssyncadd.tile.s32 @!p0 $0x1;
	_ =	shalt  }
.Lfunc_end2:
_tile_overlayer_lowered:
.L_overlay_start_2:
0x10d: {  	(tag) =	ssettag $0x2  }
0x10e: {  	s0 =	rddreg [dreg:$0x0];
	s2 =	stileid.u32  }
0x10f: {  	s1 =	rddreg [dreg:$0x1];
	p0 =	sne.s32 s2, $0x0  }
0x110: {  	s3 =	rddreg [dreg:$0x2];
	[bflag:$0x3] =	sbarrier.arrive $0xFFFF;
	s2 =	simm.s32 @!p0 $0x1C09  }
0x111: {  	[timem:s3], [sflag:s2] =	dma.local @!p0 [hbm:s0], s1  }
0x112: {  	s0 =	simm.s32 @!p0 $0x9  }
0x113: {  	_ =	swait.ge @!p0 [sflag:s0], s1  }
0x114: {  	s1 =	ssub.s32 @!p0 $0x0, s1;
	[sflag:s0] =	ssyncset.done @!p0 $0x0  }
0x115: {  	[sflag:s0] =	ssyncadd.s32 @!p0 s1  }
0x116: {  	[bflag:$0x3] =	sbarrier.arrive $0xFFFF  }
0x117: {  	_ =	shalt  }

</sc_bundles>
